<compile_context>
chip_gen: v7x
topology: tpu7x:2x2x1
jax: 0.10.2.dev20260603
libtpu: 0.0.44.dev20260713+nightly
codegen_flags: <defaults>
</compile_context>

<pallas_src>
import jax
import jax.numpy as jnp
from jax import lax
from jax.experimental import pallas as pl
from jax.experimental.pallas import tpu as pltpu
from jax.experimental.pallas import tpu_sc as plsc

P = 524288
TP = 32768
PCH = 256
NPCH = TP // PCH
S = 1 << 19
DUMP = 512
NSLAB = 16
VOX = 1 << 24
BINROWS = 152
BINCAP = BINROWS * 128
CCH = 256
NCCH = 32768 // CCH
ZCH = 512
L = 16


def _body(i0_hbm, i1_hbm, i2_hbm, v_hbm, w_hbm, vv_hbm, wv_hbm,
          out_vv, out_wv,
          bidx, bwt, bwv, ia, ib, ic, va, wa, ia2, ib2, ic2, va2, wa2,
          sw0, sv0, v00, w00, ov0, ow0,
          sw1, sv1, v01, w01, ov1, ow1,
          zb, hist, cursor, segrow, segcnt,
          isem0, isem1, osem0, osem1,
          wslab, vslab):
    cid = lax.axis_index("c")
    sid = lax.axis_index("s")
    base = sid * TP
    iota = lax.iota(jnp.int32, L)
    ones = jnp.ones((L,), jnp.int32)

    def zinit(k, _):
        hist[pl.ds(k * L, L)] = jnp.zeros((L,), jnp.int32)
        return _
    lax.fori_loop(0, 16, zinit, None)

    def zbinit(k, _):
        zb[pl.ds(k * L, L)] = jnp.zeros((L,), jnp.float32)
        return _
    lax.fori_loop(0, ZCH // L, zbinit, None)

    def fire_a(c, ja, jb, jc, sem):
        off = base + c * PCH
        pltpu.async_copy(i0_hbm.at[pl.ds(off, PCH)], ja, sem)
        pltpu.async_copy(i1_hbm.at[pl.ds(off, PCH)], jb, sem)
        pltpu.async_copy(i2_hbm.at[pl.ds(off, PCH)], jc, sem)

    def wait_a(c, ja, jb, jc, sem):
        off = base + c * PCH
        pltpu.make_async_copy(i0_hbm.at[pl.ds(off, PCH)], ja, sem).wait()
        pltpu.make_async_copy(i1_hbm.at[pl.ds(off, PCH)], jb, sem).wait()
        pltpu.make_async_copy(i2_hbm.at[pl.ds(off, PCH)], jc, sem).wait()

    def count(ja, jb, jc):
        def cnt(k, _):
            i0 = ja[pl.ds(k * L, L)]
            i1 = jb[pl.ds(k * L, L)]
            i2 = jc[pl.ds(k * L, L)]
            valid = ((i0 >= 0) & (i0 < 256) & (i1 >= 0) & (i1 < 256)
                     & (i2 >= 0) & (i2 < 256))
            flat = i0 * 65536 + i1 * 256 + i2
            slab = lax.shift_right_logical(flat, 19)
            mine = valid & (lax.shift_right_logical(slab, 4) == cid)
            hidx = (slab & 15) * L + iota
            plsc.addupdate_scatter(hist, [hidx], ones, mask=mine)
            return _
        lax.fori_loop(0, PCH // L, cnt, None)

    fire_a(0, ia, ib, ic, isem0)
    fire_a(1, ia2, ib2, ic2, isem1)

    def countc2(t, _):
        c0 = 2 * t
        c1 = 2 * t + 1
        wait_a(c0, ia, ib, ic, isem0)
        count(ia, ib, ic)
        fire_a(c0 + 2, ia, ib, ic, isem0)
        wait_a(c1, ia2, ib2, ic2, isem1)
        count(ia2, ib2, ic2)
        fire_a(c1 + 2, ia2, ib2, ic2, isem1)
        return _
    lax.fori_loop(0, NPCH // 2 - 1, countc2, None)
    wait_a(NPCH - 2, ia, ib, ic, isem0)
    count(ia, ib, ic)
    wait_a(NPCH - 1, ia2, ib2, ic2, isem1)
    count(ia2, ib2, ic2)

    row0 = jnp.int32(0)
    for s in range(NSLAB):
        hrow = hist[pl.ds(s * L, L)]
        inc = plsc.cumsum(hrow)
        excl = inc - hrow
        n_s = jnp.sum(hrow)
        cursor[pl.ds(s * L, L)] = row0 * 128 + excl
        c_s = lax.shift_right_logical(n_s + 127, 7)
        segrow[s] = jnp.minimum(row0, BINROWS)
        segcnt[s] = jnp.minimum(c_s, jnp.maximum(BINROWS - row0, 0))
        row0 = row0 + c_s

    def pre(r, _):
        for u in range(128 // L):
            spread = (r * 128 + u * L + iota) & (DUMP - 1)
            bidx[r, pl.ds(u * L, L)] = S + spread
        return _
    lax.fori_loop(0, BINROWS, pre, None)

    def fire_c(c, ja, jb, jc, jv, jw, sem):
        off = base + c * PCH
        pltpu.async_copy(i0_hbm.at[pl.ds(off, PCH)], ja, sem)
        pltpu.async_copy(i1_hbm.at[pl.ds(off, PCH)], jb, sem)
        pltpu.async_copy(i2_hbm.at[pl.ds(off, PCH)], jc, sem)
        pltpu.async_copy(v_hbm.at[pl.ds(off, PCH)], jv, sem)
        pltpu.async_copy(w_hbm.at[pl.ds(off, PCH)], jw, sem)

    def wait_c(c, ja, jb, jc, jv, jw, sem):
        off = base + c * PCH
        pltpu.make_async_copy(i0_hbm.at[pl.ds(off, PCH)], ja, sem).wait()
        pltpu.make_async_copy(i1_hbm.at[pl.ds(off, PCH)], jb, sem).wait()
        pltpu.make_async_copy(i2_hbm.at[pl.ds(off, PCH)], jc, sem).wait()
        pltpu.make_async_copy(v_hbm.at[pl.ds(off, PCH)], jv, sem).wait()
        pltpu.make_async_copy(w_hbm.at[pl.ds(off, PCH)], jw, sem).wait()

    def place(ja, jb, jc, jv, jw):
        def put(k, _):
            i0 = ja[pl.ds(k * L, L)]
            i1 = jb[pl.ds(k * L, L)]
            i2 = jc[pl.ds(k * L, L)]
            vv = jv[pl.ds(k * L, L)]
            wv = jw[pl.ds(k * L, L)]
            valid = ((i0 >= 0) & (i0 < 256) & (i1 >= 0) & (i1 < 256)
                     & (i2 >= 0) & (i2 < 256))
            flat = i0 * 65536 + i1 * 256 + i2
            slab = lax.shift_right_logical(flat, 19)
            mine = valid & (lax.shift_right_logical(slab, 4) == cid)
            hidx = (slab & 15) * L + iota
            cur = plsc.load_gather(cursor, [hidx], mask=mine)
            mine = mine & (cur < BINCAP)
            rhi = lax.shift_right_logical(cur, 7)
            rlo = cur & 127
            plsc.store_scatter(bidx, [rhi, rlo], flat & (S - 1), mask=mine)
            plsc.store_scatter(bwt, [rhi, rlo], wv, mask=mine)
            plsc.store_scatter(bwv, [rhi, rlo], wv * vv, mask=mine)
            plsc.store_scatter(cursor, [hidx], cur + 1, mask=mine)
            return _
        lax.fori_loop(0, PCH // L, put, None)

    fire_c(0, ia, ib, ic, va, wa, isem0)
    fire_c(1, ia2, ib2, ic2, va2, wa2, isem1)

    def placec2(t, _):
        c0 = 2 * t
        c1 = 2 * t + 1
        wait_c(c0, ia, ib, ic, va, wa, isem0)
        place(ia, ib, ic, va, wa)
        fire_c(c0 + 2, ia, ib, ic, va, wa, isem0)
        wait_c(c1, ia2, ib2, ic2, va2, wa2, isem1)
        place(ia2, ib2, ic2, va2, wa2)
        fire_c(c1 + 2, ia2, ib2, ic2, va2, wa2, isem1)
        return _
    lax.fori_loop(0, NPCH // 2 - 1, placec2, None)
    wait_c(NPCH - 2, ia, ib, ic, va, wa, isem0)
    place(ia, ib, ic, va, wa)
    wait_c(NPCH - 1, ia2, ib2, ic2, va2, wa2, isem1)
    place(ia2, ib2, ic2, va2, wa2)

    def slab_pass(si, _):
        def zslab(z, _):
            zoff = sid * 32768 + z * ZCH
            pltpu.sync_copy(zb, wslab.at[pl.ds(zoff, ZCH)])
            pltpu.sync_copy(zb, vslab.at[pl.ds(zoff, ZCH)])
            return _
        lax.fori_loop(0, 32768 // ZCH, zslab, None)
        plsc.subcore_barrier()

        r0 = segrow[si]
        nc = segcnt[si]

        def srow(j, _):
            r = r0 + j
            pltpu.sync_copy(bwt.at[r], wslab.at[bidx.at[r]], add=True)
            pltpu.sync_copy(bwv.at[r], vslab.at[bidx.at[r]], add=True)
            return _
        lax.fori_loop(0, nc, srow, None)
        plsc.subcore_barrier()

        gslab = cid * NSLAB + si

        def fire_in(c, dsw, dsv, dvv, dwv, sem):
            goff = gslab * S + sid * 32768 + c * CCH
            pltpu.async_copy(vv_hbm.at[pl.ds(goff, CCH)], dvv, sem)
            pltpu.async_copy(wv_hbm.at[pl.ds(goff, CCH)], dwv, sem)

        def wait_in(c, dsw, dsv, dvv, dwv, sem):
            loff = sid * 32768 + c * CCH
            goff = gslab * S + loff
            pltpu.make_async_copy(vv_hbm.at[pl.ds(goff, CCH)], dvv, sem).wait()
            pltpu.make_async_copy(wv_hbm.at[pl.ds(goff, CCH)], dwv, sem).wait()
            pltpu.sync_copy(wslab.at[pl.ds(loff, CCH)], dsw)
            pltpu.sync_copy(vslab.at[pl.ds(loff, CCH)], dsv)

        def compute(dsw, dsv, dvv, dwv, rv, rw):
            def cvec(k, _):
                swv = dsw[pl.ds(k * L, L)]
                svv = dsv[pl.ds(k * L, L)]
                v0 = dvv[pl.ds(k * L, L)]
                w0 = dwv[pl.ds(k * L, L)]
                t = w0 + swv
                num = w0 * v0 + svv
                rv[pl.ds(k * L, L)] = jnp.where(t > 0.0, num / t, v0)
                rw[pl.ds(k * L, L)] = t
                return _
            lax.fori_loop(0, CCH // L, cvec, None)

        def fire_out(c, rv, rw, sem):
            goff = gslab * S + sid * 32768 + c * CCH
            pltpu.async_copy(rv, out_vv.at[pl.ds(goff, CCH)], sem)
            pltpu.async_copy(rw, out_wv.at[pl.ds(goff, CCH)], sem)

        def wait_out(c, rv, rw, sem):
            goff = gslab * S + sid * 32768 + c * CCH
            pltpu.make_async_copy(rv, out_vv.at[pl.ds(goff, CCH)], sem).wait()
            pltpu.make_async_copy(rw, out_wv.at[pl.ds(goff, CCH)], sem).wait()

        fire_in(0, sw0, sv0, v00, w00, isem0)
        fire_in(1, sw1, sv1, v01, w01, isem1)
        wait_in(0, sw0, sv0, v00, w00, isem0)
        compute(sw0, sv0, v00, w00, ov0, ow0)
        fire_out(0, ov0, ow0, osem0)
        fire_in(2, sw0, sv0, v00, w00, isem0)
        wait_in(1, sw1, sv1, v01, w01, isem1)
        compute(sw1, sv1, v01, w01, ov1, ow1)
        fire_out(1, ov1, ow1, osem1)
        fire_in(3, sw1, sv1, v01, w01, isem1)

        def comb2(j, _):
            c0 = 2 * j
            c1 = 2 * j + 1
            wait_in(c0, sw0, sv0, v00, w00, isem0)
            wait_out(c0 - 2, ov0, ow0, osem0)
            compute(sw0, sv0, v00, w00, ov0, ow0)
            fire_out(c0, ov0, ow0, osem0)
            fire_in(c0 + 2, sw0, sv0, v00, w00, isem0)
            wait_in(c1, sw1, sv1, v01, w01, isem1)
            wait_out(c1 - 2, ov1, ow1, osem1)
            compute(sw1, sv1, v01, w01, ov1, ow1)
            fire_out(c1, ov1, ow1, osem1)
            fire_in(c1 + 2, sw1, sv1, v01, w01, isem1)
            return _
        lax.fori_loop(1, NCCH // 2 - 1, comb2, None)

        wait_in(NCCH - 2, sw0, sv0, v00, w00, isem0)
        wait_out(NCCH - 4, ov0, ow0, osem0)
        compute(sw0, sv0, v00, w00, ov0, ow0)
        fire_out(NCCH - 2, ov0, ow0, osem0)
        wait_in(NCCH - 1, sw1, sv1, v01, w01, isem1)
        wait_out(NCCH - 3, ov1, ow1, osem1)
        compute(sw1, sv1, v01, w01, ov1, ow1)
        fire_out(NCCH - 1, ov1, ow1, osem1)
        wait_out(NCCH - 2, ov0, ow0, osem0)
        wait_out(NCCH - 1, ov1, ow1, osem1)
        plsc.subcore_barrier()
        return _
    lax.fori_loop(0, NSLAB, slab_pass, None)


@jax.jit
def _integrate_sc(i0, i1, i2, v, w, vvf, wvf):
    mesh = plsc.VectorSubcoreMesh(core_axis_name="c", subcore_axis_name="s")
    f = pl.kernel(
        _body,
        out_type=(jax.ShapeDtypeStruct((VOX,), jnp.float32),
                  jax.ShapeDtypeStruct((VOX,), jnp.float32)),
        mesh=mesh,
        compiler_params=pltpu.CompilerParams(needs_layout_passes=False),
        scratch_types=[
            pltpu.VMEM((BINROWS, 128), jnp.int32),
            pltpu.VMEM((BINROWS, 128), jnp.float32),
            pltpu.VMEM((BINROWS, 128), jnp.float32),
            pltpu.VMEM((PCH,), jnp.int32),
            pltpu.VMEM((PCH,), jnp.int32),
            pltpu.VMEM((PCH,), jnp.int32),
            pltpu.VMEM((PCH,), jnp.float32),
            pltpu.VMEM((PCH,), jnp.float32),
            pltpu.VMEM((PCH,), jnp.int32),
            pltpu.VMEM((PCH,), jnp.int32),
            pltpu.VMEM((PCH,), jnp.int32),
            pltpu.VMEM((PCH,), jnp.float32),
            pltpu.VMEM((PCH,), jnp.float32),
            pltpu.VMEM((CCH,), jnp.float32),
            pltpu.VMEM((CCH,), jnp.float32),
            pltpu.VMEM((CCH,), jnp.float32),
            pltpu.VMEM((CCH,), jnp.float32),
            pltpu.VMEM((CCH,), jnp.float32),
            pltpu.VMEM((CCH,), jnp.float32),
            pltpu.VMEM((CCH,), jnp.float32),
            pltpu.VMEM((CCH,), jnp.float32),
            pltpu.VMEM((CCH,), jnp.float32),
            pltpu.VMEM((CCH,), jnp.float32),
            pltpu.VMEM((CCH,), jnp.float32),
            pltpu.VMEM((CCH,), jnp.float32),
            pltpu.VMEM((ZCH,), jnp.float32),
            pltpu.VMEM((256,), jnp.int32),
            pltpu.VMEM((256,), jnp.int32),
            pltpu.SMEM((NSLAB,), jnp.int32),
            pltpu.SMEM((NSLAB,), jnp.int32),
            pltpu.SemaphoreType.DMA,
            pltpu.SemaphoreType.DMA,
            pltpu.SemaphoreType.DMA,
            pltpu.SemaphoreType.DMA,
            pltpu.VMEM_SHARED((S + DUMP,), jnp.float32),
            pltpu.VMEM_SHARED((S + DUMP,), jnp.float32),
        ],
    )
    return f(i0, i1, i2, v, w, vvf, wvf)


def kernel(values, weights, indices, values_volume, weights_volume):
    v = values.reshape(P)
    w = weights.reshape(P)
    idx = indices.reshape(P, 3)
    i0 = idx[:, 0]
    i1 = idx[:, 1]
    i2 = idx[:, 2]
    vvf = values_volume.reshape(VOX)
    wvf = weights_volume.reshape(VOX)
    ovv, owv = _integrate_sc(i0, i1, i2, v, w, vvf, wvf)
    return ovv.reshape(256, 256, 256), owv.reshape(256, 256, 256)

# --- scband reference (transcript-rebuilt; emitter-appended) ---
"""Pipeline reference for scband-integrator-87033217286587 (READ-ONLY COPY).

The authoritative reference and input builder live on the scoring server;
editing this copy changes nothing except your own understanding.
"""

import jax, jax.numpy as jnp
import numpy as np


def setup_inputs(seed: int = 0):
    key = jax.random.key(seed)
    k1, k2, k3, k4, k5 = jax.random.split(key, 5)
    values = jax.random.normal(k1, (2, 256, 256, 4), dtype=jnp.float32)
    weights = jax.random.uniform(k2, (2, 256, 256, 4), dtype=jnp.float32)
    indices = jax.random.randint(k3, (2, 256, 256, 4, 3), 0, 256, dtype=jnp.int32)
    values_volume = jax.random.normal(k4, (256, 256, 256), dtype=jnp.float32)
    weights_volume = jax.random.uniform(k5, (256, 256, 256), dtype=jnp.float32)
    return {"values": values, "weights": weights, "indices": indices,
            "values_volume": values_volume, "weights_volume": weights_volume}


def _integrate(values, weights, indices, values_volume, weights_volume):
    b, h, w, n = values.shape
    pts = b * h * w * n
    v = values.reshape(pts)
    wt = weights.reshape(pts)
    idx = indices.reshape(pts, 3)
    xs, ys, zs = values_volume.shape
    # get_index_mask: points whose 3D coords fall inside the volume
    valid = ((idx[:, 0] >= 0) & (idx[:, 0] < xs)
             & (idx[:, 1] >= 0) & (idx[:, 1] < ys)
             & (idx[:, 2] >= 0) & (idx[:, 2] < zs))
    validf = valid.astype(values.dtype)
    # static-shape equivalent of masked_select: clip indices, zero-out weights of invalid pts
    i0 = jnp.clip(idx[:, 0], 0, xs - 1)
    i1 = jnp.clip(idx[:, 1], 0, ys - 1)
    i2 = jnp.clip(idx[:, 2], 0, zs - 1)
    flat = ys * zs * i0 + zs * i1 + i2
    wt_m = wt * validf
    # index_add_ -> scatter-add into flattened caches
    wcache = jnp.zeros(xs * ys * zs, dtype=values.dtype).at[flat].add(wt_m)
    vcache = jnp.zeros(xs * ys * zs, dtype=values.dtype).at[flat].add(wt_m * v)
    # extract_values -> gather at the update locations
    update = vcache[flat]
    wsum = wcache[flat]
    vv_flat = values_volume.reshape(-1)
    wv_flat = weights_volume.reshape(-1)
    values_old = vv_flat[flat]
    weights_old = wv_flat[flat]
    value_update = (weights_old * values_old + update) / (weights_old + wsum)
    weight_update = weights_old + wsum
    value_update = jnp.where(valid, value_update, values_old)
    weight_update = jnp.where(valid, weight_update, weights_old)
    # scatter-overwrite back into the global volumes
    vv_new = vv_flat.at[flat].set(value_update).reshape(xs, ys, zs)
    wv_new = wv_flat.at[flat].set(weight_update).reshape(xs, ys, zs)
    return vv_new, wv_new


def reference(values, weights, indices, values_volume, weights_volume):
    return _integrate(values, weights, indices, values_volume, weights_volume)

if __name__ == "__main__":
    import jax
    _d = setup_inputs()
    print(jax.jit(kernel)(*tuple(_d.values())))

</pallas_src>

<mosaic_0001>
#map = affine_map<(d0, d1) -> (0)>
module attributes {stable_mosaic.version = 14 : i64} {
  func.func @_body(%arg0: i32, %arg1: i32, %arg2: memref<524288xi32, #tpu.memory_space<hbm>>, %arg3: memref<524288xi32, #tpu.memory_space<hbm>>, %arg4: memref<524288xi32, #tpu.memory_space<hbm>>, %arg5: memref<524288xf32, #tpu.memory_space<hbm>>, %arg6: memref<524288xf32, #tpu.memory_space<hbm>>, %arg7: memref<16777216xf32, #tpu.memory_space<hbm>>, %arg8: memref<16777216xf32, #tpu.memory_space<hbm>>, %arg9: memref<16777216xf32, #tpu.memory_space<hbm>>, %arg10: memref<16777216xf32, #tpu.memory_space<hbm>>, %arg11: memref<152x128xi32, #tpu.memory_space<vmem>>, %arg12: memref<152x128xf32, #tpu.memory_space<vmem>>, %arg13: memref<152x128xf32, #tpu.memory_space<vmem>>, %arg14: memref<256xi32, #tpu.memory_space<vmem>>, %arg15: memref<256xi32, #tpu.memory_space<vmem>>, %arg16: memref<256xi32, #tpu.memory_space<vmem>>, %arg17: memref<256xf32, #tpu.memory_space<vmem>>, %arg18: memref<256xf32, #tpu.memory_space<vmem>>, %arg19: memref<256xi32, #tpu.memory_space<vmem>>, %arg20: memref<256xi32, #tpu.memory_space<vmem>>, %arg21: memref<256xi32, #tpu.memory_space<vmem>>, %arg22: memref<256xf32, #tpu.memory_space<vmem>>, %arg23: memref<256xf32, #tpu.memory_space<vmem>>, %arg24: memref<256xf32, #tpu.memory_space<vmem>>, %arg25: memref<256xf32, #tpu.memory_space<vmem>>, %arg26: memref<256xf32, #tpu.memory_space<vmem>>, %arg27: memref<256xf32, #tpu.memory_space<vmem>>, %arg28: memref<256xf32, #tpu.memory_space<vmem>>, %arg29: memref<256xf32, #tpu.memory_space<vmem>>, %arg30: memref<256xf32, #tpu.memory_space<vmem>>, %arg31: memref<256xf32, #tpu.memory_space<vmem>>, %arg32: memref<256xf32, #tpu.memory_space<vmem>>, %arg33: memref<256xf32, #tpu.memory_space<vmem>>, %arg34: memref<256xf32, #tpu.memory_space<vmem>>, %arg35: memref<256xf32, #tpu.memory_space<vmem>>, %arg36: memref<512xf32, #tpu.memory_space<vmem>>, %arg37: memref<256xi32, #tpu.memory_space<vmem>>, %arg38: memref<256xi32, #tpu.memory_space<vmem>>, %arg39: memref<16xi32, #tpu.memory_space<smem>>, %arg40: memref<16xi32, #tpu.memory_space<smem>>, %arg41: memref<!tpu.dma_semaphore, #tpu.memory_space<semaphore_mem>>, %arg42: memref<!tpu.dma_semaphore, #tpu.memory_space<semaphore_mem>>, %arg43: memref<!tpu.dma_semaphore, #tpu.memory_space<semaphore_mem>>, %arg44: memref<!tpu.dma_semaphore, #tpu.memory_space<semaphore_mem>>, %arg45: memref<524800xf32, #tpu.memory_space<vmem_shared>>, %arg46: memref<524800xf32, #tpu.memory_space<vmem_shared>>) attributes {dimension_semantics = [#tpu.dimension_semantics<core_parallel>, #tpu.dimension_semantics<subcore_parallel>], iteration_bounds = array<i64: 2, 16>, scalar_prefetch = 0 : i64, scratch_operands = 36 : i64, tpu.core_type = #tpu.core_type<sc_vector_subcore>, window_params = [{transform_indices = #map}, {transform_indices = #map}, {transform_indices = #map}, {transform_indices = #map}, {transform_indices = #map}, {transform_indices = #map}, {transform_indices = #map}, {transform_indices = #map}, {transform_indices = #map}]} {
    %mul3A = arith.constant 32768 : i32
    %mul3A_0 = arith.muli %arg1, %mul3A : i32
    %iota3A = tpu.iota {dimensions = array<i32: 0>} : vector<16xi32>
    %broadcast_in_dim3A = arith.constant 1 : i32
    %broadcast_in_dim3A_1 = vector.broadcast %broadcast_in_dim3A : i32 to vector<16xi32>
    %scan3A = arith.constant 0 : i32
    %scan3A_2 = arith.constant 16 : i32
    %scan3A_3 = arith.addi %scan3A, %scan3A_2 : i32
    %scan3A_4 = arith.constant 1 : i32
    scf.for %scan3A_668 = %scan3A to %scan3A_3 step %scan3A_4  : i32 {
      %broadcast_in_dim3A_669 = arith.constant 0 : i32
      %broadcast_in_dim3A_670 = vector.broadcast %broadcast_in_dim3A_669 : i32 to vector<16xi32>
      %mul3A_671 = arith.constant 16 : i32
      %mul3A_672 = arith.muli %scan3A_668, %mul3A_671 : i32
      %swap3A_673 = arith.index_cast %mul3A_672 : i32 to index
      %swap3A_674 = tpu.vector_load %arg37[%swap3A_673] {strides = array<i32>} : memref<256xi32, #tpu.memory_space<vmem>>, vector<16xi32>,
      tpu.vector_store %arg37[%swap3A_673], %broadcast_in_dim3A_670 {strides = array<i32>} : memref<256xi32, #tpu.memory_space<vmem>>, vector<16xi32>,
    }
    %scan3A_5 = arith.constant 16 : i32
    %scan3A_6 = arith.constant 0 : i32
    %scan3A_7 = arith.constant 32 : i32
    %scan3A_8 = arith.addi %scan3A_6, %scan3A_7 : i32
    %scan3A_9 = arith.constant 1 : i32
    scf.for %scan3A_668 = %scan3A_6 to %scan3A_8 step %scan3A_9  : i32 {
      %broadcast_in_dim3A_669 = arith.constant 0.000000e+00 : f32
      %broadcast_in_dim3A_670 = vector.broadcast %broadcast_in_dim3A_669 : f32 to vector<16xf32>
      %mul3A_671 = arith.constant 16 : i32
      %mul3A_672 = arith.muli %scan3A_668, %mul3A_671 : i32
      %swap3A_673 = arith.index_cast %mul3A_672 : i32 to index
      %swap3A_674 = tpu.vector_load %arg36[%swap3A_673] {strides = array<i32>} : memref<512xf32, #tpu.memory_space<vmem>>, vector<16xf32>,
      tpu.vector_store %arg36[%swap3A_673], %broadcast_in_dim3A_670 {strides = array<i32>} : memref<512xf32, #tpu.memory_space<vmem>>, vector<16xf32>,
    }
    %scan3A_10 = arith.constant 32 : i32
    %add3A = arith.constant 0 : i32
    %add3A_11 = arith.addi %mul3A_0, %add3A : i32
    %dma_start3A = tpu.memref_slice %arg2[%add3A_11] : memref<524288xi32, #tpu.memory_space<hbm>> -> memref<256xi32, #tpu.memory_space<hbm>>
    %dma_start3A_12 = tpu.memref_slice %arg2[%add3A_11] : memref<524288xi32, #tpu.memory_space<hbm>> -> memref<256xi32, #tpu.memory_space<hbm>>
    tpu.enqueue_dma source(%dma_start3A_12 : memref<256xi32, #tpu.memory_space<hbm>>) target(%arg14 : memref<256xi32, #tpu.memory_space<vmem>>) target_semaphore(%arg41 : memref<!tpu.dma_semaphore, #tpu.memory_space<semaphore_mem>>)
    %dma_start3A_13 = tpu.memref_slice %arg3[%add3A_11] : memref<524288xi32, #tpu.memory_space<hbm>> -> memref<256xi32, #tpu.memory_space<hbm>>
    %dma_start3A_14 = tpu.memref_slice %arg3[%add3A_11] : memref<524288xi32, #tpu.memory_space<hbm>> -> memref<256xi32, #tpu.memory_space<hbm>>
    tpu.enqueue_dma source(%dma_start3A_14 : memref<256xi32, #tpu.memory_space<hbm>>) target(%arg15 : memref<256xi32, #tpu.memory_space<vmem>>) target_semaphore(%arg41 : memref<!tpu.dma_semaphore, #tpu.memory_space<semaphore_mem>>)
    %dma_start3A_15 = tpu.memref_slice %arg4[%add3A_11] : memref<524288xi32, #tpu.memory_space<hbm>> -> memref<256xi32, #tpu.memory_space<hbm>>
    %dma_start3A_16 = tpu.memref_slice %arg4[%add3A_11] : memref<524288xi32, #tpu.memory_space<hbm>> -> memref<256xi32, #tpu.memory_space<hbm>>
    tpu.enqueue_dma source(%dma_start3A_16 : memref<256xi32, #tpu.memory_space<hbm>>) target(%arg16 : memref<256xi32, #tpu.memory_space<vmem>>) target_semaphore(%arg41 : memref<!tpu.dma_semaphore, #tpu.memory_space<semaphore_mem>>)
    %add3A_17 = arith.constant 256 : i32
    %add3A_18 = arith.addi %mul3A_0, %add3A_17 : i32
    %dma_start3A_19 = tpu.memref_slice %arg2[%add3A_18] : memref<524288xi32, #tpu.memory_space<hbm>> -> memref<256xi32, #tpu.memory_space<hbm>>
    %dma_start3A_20 = tpu.memref_slice %arg2[%add3A_18] : memref<524288xi32, #tpu.memory_space<hbm>> -> memref<256xi32, #tpu.memory_space<hbm>>
    tpu.enqueue_dma source(%dma_start3A_20 : memref<256xi32, #tpu.memory_space<hbm>>) target(%arg19 : memref<256xi32, #tpu.memory_space<vmem>>) target_semaphore(%arg42 : memref<!tpu.dma_semaphore, #tpu.memory_space<semaphore_mem>>)
    %dma_start3A_21 = tpu.memref_slice %arg3[%add3A_18] : memref<524288xi32, #tpu.memory_space<hbm>> -> memref<256xi32, #tpu.memory_space<hbm>>
    %dma_start3A_22 = tpu.memref_slice %arg3[%add3A_18] : memref<524288xi32, #tpu.memory_space<hbm>> -> memref<256xi32, #tpu.memory_space<hbm>>
    tpu.enqueue_dma source(%dma_start3A_22 : memref<256xi32, #tpu.memory_space<hbm>>) target(%arg20 : memref<256xi32, #tpu.memory_space<vmem>>) target_semaphore(%arg42 : memref<!tpu.dma_semaphore, #tpu.memory_space<semaphore_mem>>)
    %dma_start3A_23 = tpu.memref_slice %arg4[%add3A_18] : memref<524288xi32, #tpu.memory_space<hbm>> -> memref<256xi32, #tpu.memory_space<hbm>>
    %dma_start3A_24 = tpu.memref_slice %arg4[%add3A_18] : memref<524288xi32, #tpu.memory_space<hbm>> -> memref<256xi32, #tpu.memory_space<hbm>>
    tpu.enqueue_dma source(%dma_start3A_24 : memref<256xi32, #tpu.memory_space<hbm>>) target(%arg21 : memref<256xi32, #tpu.memory_space<vmem>>) target_semaphore(%arg42 : memref<!tpu.dma_semaphore, #tpu.memory_space<semaphore_mem>>)
    %scan3A_25 = arith.constant 0 : i32
    %scan3A_26 = arith.constant 63 : i32
    %scan3A_27 = arith.addi %scan3A_25, %scan3A_26 : i32
    %scan3A_28 = arith.constant 1 : i32
    scf.for %scan3A_668 = %scan3A_25 to %scan3A_27 step %scan3A_28  : i32 {
      %mul3A_669 = arith.constant 2 : i32
      %mul3A_670 = arith.muli %mul3A_669, %scan3A_668 : i32
      %mul3A_671 = arith.constant 2 : i32
      %mul3A_672 = arith.muli %mul3A_671, %scan3A_668 : i32
      %add3A_673 = arith.constant 1 : i32
      %add3A_674 = arith.addi %mul3A_672, %add3A_673 : i32
      %mul3A_675 = arith.constant 256 : i32
      %mul3A_676 = arith.muli %mul3A_670, %mul3A_675 : i32
      %add3A_677 = arith.addi %mul3A_0, %mul3A_676 : i32
      %dma_wait3A_678 = tpu.memref_slice %arg2[%add3A_677] : memref<524288xi32, #tpu.memory_space<hbm>> -> memref<256xi32, #tpu.memory_space<hbm>>
      %dma_wait3A_679 = tpu.memref_slice %arg2[%add3A_677] : memref<524288xi32, #tpu.memory_space<hbm>> -> memref<256xi32, #tpu.memory_space<hbm>>
      tpu.wait_dma2 semaphore(%arg41 : memref<!tpu.dma_semaphore, #tpu.memory_space<semaphore_mem>>) src(%dma_wait3A_679 : memref<256xi32, #tpu.memory_space<hbm>>) dst(%arg14 : memref<256xi32, #tpu.memory_space<vmem>>)
      %dma_wait3A_680 = tpu.memref_slice %arg3[%add3A_677] : memref<524288xi32, #tpu.memory_space<hbm>> -> memref<256xi32, #tpu.memory_space<hbm>>
      %dma_wait3A_681 = tpu.memref_slice %arg3[%add3A_677] : memref<524288xi32, #tpu.memory_space<hbm>> -> memref<256xi32, #tpu.memory_space<hbm>>
      tpu.wait_dma2 semaphore(%arg41 : memref<!tpu.dma_semaphore, #tpu.memory_space<semaphore_mem>>) src(%dma_wait3A_681 : memref<256xi32, #tpu.memory_space<hbm>>) dst(%arg15 : memref<256xi32, #tpu.memory_space<vmem>>)
      %dma_wait3A_682 = tpu.memref_slice %arg4[%add3A_677] : memref<524288xi32, #tpu.memory_space<hbm>> -> memref<256xi32, #tpu.memory_space<hbm>>
      %dma_wait3A_683 = tpu.memref_slice %arg4[%add3A_677] : memref<524288xi32, #tpu.memory_space<hbm>> -> memref<256xi32, #tpu.memory_space<hbm>>
      tpu.wait_dma2 semaphore(%arg41 : memref<!tpu.dma_semaphore, #tpu.memory_space<semaphore_mem>>) src(%dma_wait3A_683 : memref<256xi32, #tpu.memory_space<hbm>>) dst(%arg16 : memref<256xi32, #tpu.memory_space<vmem>>)
      %scan3A_684 = arith.constant 0 : i32
      %scan3A_685 = arith.constant 16 : i32
      %scan3A_686 = arith.addi %scan3A_684, %scan3A_685 : i32
      %scan3A_687 = arith.constant 1 : i32
      scf.for %scan3A_725 = %scan3A_684 to %scan3A_686 step %scan3A_687  : i32 {
        %mul3A_726 = arith.constant 16 : i32
        %mul3A_727 = arith.muli %scan3A_725, %mul3A_726 : i32
        %get3A_728 = arith.index_cast %mul3A_727 : i32 to index
        %get3A_729 = tpu.vector_load %arg14[%get3A_728] {strides = array<i32>} : memref<256xi32, #tpu.memory_space<vmem>>, vector<16xi32>,
        %mul3A_730 = arith.constant 16 : i32
        %mul3A_731 = arith.muli %scan3A_725, %mul3A_730 : i32
        %get3A_732 = arith.index_cast %mul3A_731 : i32 to index
        %get3A_733 = tpu.vector_load %arg15[%get3A_732] {strides = array<i32>} : memref<256xi32, #tpu.memory_space<vmem>>, vector<16xi32>,
        %mul3A_734 = arith.constant 16 : i32
        %mul3A_735 = arith.muli %scan3A_725, %mul3A_734 : i32
        %get3A_736 = arith.index_cast %mul3A_735 : i32 to index
        %get3A_737 = tpu.vector_load %arg16[%get3A_736] {strides = array<i32>} : memref<256xi32, #tpu.memory_space<vmem>>, vector<16xi32>,
        %ge3A = arith.constant 0 : i32
        %ge3A_738 = vector.broadcast %ge3A : i32 to vector<16xi32>
        %ge3A_739 = arith.cmpi sge, %get3A_729, %ge3A_738 : vector<16xi32>
        %lt3A = arith.constant 256 : i32
        %lt3A_740 = vector.broadcast %lt3A : i32 to vector<16xi32>
        %lt3A_741 = arith.cmpi slt, %get3A_729, %lt3A_740 : vector<16xi32>
        %and3A = arith.andi %ge3A_739, %lt3A_741 : vector<16xi1>
        %ge3A_742 = arith.constant 0 : i32
        %ge3A_743 = vector.broadcast %ge3A_742 : i32 to vector<16xi32>
        %ge3A_744 = arith.cmpi sge, %get3A_733, %ge3A_743 : vector<16xi32>
        %and3A_745 = arith.andi %and3A, %ge3A_744 : vector<16xi1>
        %lt3A_746 = arith.constant 256 : i32
        %lt3A_747 = vector.broadcast %lt3A_746 : i32 to vector<16xi32>
        %lt3A_748 = arith.cmpi slt, %get3A_733, %lt3A_747 : vector<16xi32>
        %and3A_749 = arith.andi %and3A_745, %lt3A_748 : vector<16xi1>
        %ge3A_750 = arith.constant 0 : i32
        %ge3A_751 = vector.broadcast %ge3A_750 : i32 to vector<16xi32>
        %ge3A_752 = arith.cmpi sge, %get3A_737, %ge3A_751 : vector<16xi32>
        %and3A_753 = arith.andi %and3A_749, %ge3A_752 : vector<16xi1>
        %lt3A_754 = arith.constant 256 : i32
        %lt3A_755 = vector.broadcast %lt3A_754 : i32 to vector<16xi32>
        %lt3A_756 = arith.cmpi slt, %get3A_737, %lt3A_755 : vector<16xi32>
        %and3A_757 = arith.andi %and3A_753, %lt3A_756 : vector<16xi1>
        %mul3A_758 = arith.constant 65536 : i32
        %mul3A_759 = vector.broadcast %mul3A_758 : i32 to vector<16xi32>
        %mul3A_760 = arith.muli %get3A_729, %mul3A_759 : vector<16xi32>
        %mul3A_761 = arith.constant 256 : i32
        %mul3A_762 = vector.broadcast %mul3A_761 : i32 to vector<16xi32>
        %mul3A_763 = arith.muli %get3A_733, %mul3A_762 : vector<16xi32>
        %add3A_764 = arith.addi %mul3A_760, %mul3A_763 : vector<16xi32>
        %add3A_765 = arith.addi %add3A_764, %get3A_737 : vector<16xi32>
        %shift_right_logical3A_766 = arith.constant 19 : i32
        %shift_right_logical3A_767 = vector.broadcast %shift_right_logical3A_766 : i32 to vector<16xi32>
        %shift_right_logical3A_768 = arith.shrui %add3A_765, %shift_right_logical3A_767 : vector<16xi32>
        %shift_right_logical3A_769 = arith.constant 4 : i32
        %shift_right_logical3A_770 = vector.broadcast %shift_right_logical3A_769 : i32 to vector<16xi32>
        %shift_right_logical3A_771 = arith.shrui %shift_right_logical3A_768, %shift_right_logical3A_770 : vector<16xi32>
        %eq3A = vector.broadcast %arg0 : i32 to vector<16xi32>
        %eq3A_772 = arith.cmpi eq, %shift_right_logical3A_771, %eq3A : vector<16xi32>
        %and3A_773 = arith.andi %and3A_757, %eq3A_772 : vector<16xi1>
        %and3A_774 = arith.constant 15 : i32
        %and3A_775 = vector.broadcast %and3A_774 : i32 to vector<16xi32>
        %and3A_776 = arith.andi %shift_right_logical3A_768, %and3A_775 : vector<16xi32>
        %mul3A_777 = arith.constant 16 : i32
        %mul3A_778 = vector.broadcast %mul3A_777 : i32 to vector<16xi32>
        %mul3A_779 = arith.muli %and3A_776, %mul3A_778 : vector<16xi32>
        %add3A_780 = arith.addi %mul3A_779, %iota3A : vector<16xi32>
        tpu.vector_store_idx %arg37[%add3A_780], %broadcast_in_dim3A_1 masked %and3A_773 {add = true} : memref<256xi32, #tpu.memory_space<vmem>>[vector<16xi32>], vector<16xi32>, vector<16xi1>
      }
      %scan3A_688 = arith.constant 16 : i32
      %add3A_689 = arith.constant 2 : i32
      %add3A_690 = arith.addi %mul3A_670, %add3A_689 : i32
      %mul3A_691 = arith.constant 256 : i32
      %mul3A_692 = arith.muli %add3A_690, %mul3A_691 : i32
      %add3A_693 = arith.addi %mul3A_0, %mul3A_692 : i32
      %dma_start3A_694 = tpu.memref_slice %arg2[%add3A_693] : memref<524288xi32, #tpu.memory_space<hbm>> -> memref<256xi32, #tpu.memory_space<hbm>>
      %dma_start3A_695 = tpu.memref_slice %arg2[%add3A_693] : memref<524288xi32, #tpu.memory_space<hbm>> -> memref<256xi32, #tpu.memory_space<hbm>>
      tpu.enqueue_dma source(%dma_start3A_695 : memref<256xi32, #tpu.memory_space<hbm>>) target(%arg14 : memref<256xi32, #tpu.memory_space<vmem>>) target_semaphore(%arg41 : memref<!tpu.dma_semaphore, #tpu.memory_space<semaphore_mem>>)
      %dma_start3A_696 = tpu.memref_slice %arg3[%add3A_693] : memref<524288xi32, #tpu.memory_space<hbm>> -> memref<256xi32, #tpu.memory_space<hbm>>
      %dma_start3A_697 = tpu.memref_slice %arg3[%add3A_693] : memref<524288xi32, #tpu.memory_space<hbm>> -> memref<256xi32, #tpu.memory_space<hbm>>
      tpu.enqueue_dma source(%dma_start3A_697 : memref<256xi32, #tpu.memory_space<hbm>>) target(%arg15 : memref<256xi32, #tpu.memory_space<vmem>>) target_semaphore(%arg41 : memref<!tpu.dma_semaphore, #tpu.memory_space<semaphore_mem>>)
      %dma_start3A_698 = tpu.memref_slice %arg4[%add3A_693] : memref<524288xi32, #tpu.memory_space<hbm>> -> memref<256xi32, #tpu.memory_space<hbm>>
      %dma_start3A_699 = tpu.memref_slice %arg4[%add3A_693] : memref<524288xi32, #tpu.memory_space<hbm>> -> memref<256xi32, #tpu.memory_space<hbm>>
      tpu.enqueue_dma source(%dma_start3A_699 : memref<256xi32, #tpu.memory_space<hbm>>) target(%arg16 : memref<256xi32, #tpu.memory_space<vmem>>) target_semaphore(%arg41 : memref<!tpu.dma_semaphore, #tpu.memory_space<semaphore_mem>>)
      %mul3A_700 = arith.constant 256 : i32
      %mul3A_701 = arith.muli %add3A_674, %mul3A_700 : i32
      %add3A_702 = arith.addi %mul3A_0, %mul3A_701 : i32
      %dma_wait3A_703 = tpu.memref_slice %arg2[%add3A_702] : memref<524288xi32, #tpu.memory_space<hbm>> -> memref<256xi32, #tpu.memory_space<hbm>>
      %dma_wait3A_704 = tpu.memref_slice %arg2[%add3A_702] : memref<524288xi32, #tpu.memory_space<hbm>> -> memref<256xi32, #tpu.memory_space<hbm>>
      tpu.wait_dma2 semaphore(%arg42 : memref<!tpu.dma_semaphore, #tpu.memory_space<semaphore_mem>>) src(%dma_wait3A_704 : memref<256xi32, #tpu.memory_space<hbm>>) dst(%arg19 : memref<256xi32, #tpu.memory_space<vmem>>)
      %dma_wait3A_705 = tpu.memref_slice %arg3[%add3A_702] : memref<524288xi32, #tpu.memory_space<hbm>> -> memref<256xi32, #tpu.memory_space<hbm>>
      %dma_wait3A_706 = tpu.memref_slice %arg3[%add3A_702] : memref<524288xi32, #tpu.memory_space<hbm>> -> memref<256xi32, #tpu.memory_space<hbm>>
      tpu.wait_dma2 semaphore(%arg42 : memref<!tpu.dma_semaphore, #tpu.memory_space<semaphore_mem>>) src(%dma_wait3A_706 : memref<256xi32, #tpu.memory_space<hbm>>) dst(%arg20 : memref<256xi32, #tpu.memory_space<vmem>>)
      %dma_wait3A_707 = tpu.memref_slice %arg4[%add3A_702] : memref<524288xi32, #tpu.memory_space<hbm>> -> memref<256xi32, #tpu.memory_space<hbm>>
      %dma_wait3A_708 = tpu.memref_slice %arg4[%add3A_702] : memref<524288xi32, #tpu.memory_space<hbm>> -> memref<256xi32, #tpu.memory_space<hbm>>
      tpu.wait_dma2 semaphore(%arg42 : memref<!tpu.dma_semaphore, #tpu.memory_space<semaphore_mem>>) src(%dma_wait3A_708 : memref<256xi32, #tpu.memory_space<hbm>>) dst(%arg21 : memref<256xi32, #tpu.memory_space<vmem>>)
      %scan3A_709 = arith.constant 0 : i32
      %scan3A_710 = arith.constant 16 : i32
      %scan3A_711 = arith.addi %scan3A_709, %scan3A_710 : i32
      %scan3A_712 = arith.constant 1 : i32
      scf.for %scan3A_725 = %scan3A_709 to %scan3A_711 step %scan3A_712  : i32 {
        %mul3A_726 = arith.constant 16 : i32
        %mul3A_727 = arith.muli %scan3A_725, %mul3A_726 : i32
        %get3A_728 = arith.index_cast %mul3A_727 : i32 to index
        %get3A_729 = tpu.vector_load %arg19[%get3A_728] {strides = array<i32>} : memref<256xi32, #tpu.memory_space<vmem>>, vector<16xi32>,
        %mul3A_730 = arith.constant 16 : i32
        %mul3A_731 = arith.muli %scan3A_725, %mul3A_730 : i32
        %get3A_732 = arith.index_cast %mul3A_731 : i32 to index
        %get3A_733 = tpu.vector_load %arg20[%get3A_732] {strides = array<i32>} : memref<256xi32, #tpu.memory_space<vmem>>, vector<16xi32>,
        %mul3A_734 = arith.constant 16 : i32
        %mul3A_735 = arith.muli %scan3A_725, %mul3A_734 : i32
        %get3A_736 = arith.index_cast %mul3A_735 : i32 to index
        %get3A_737 = tpu.vector_load %arg21[%get3A_736] {strides = array<i32>} : memref<256xi32, #tpu.memory_space<vmem>>, vector<16xi32>,
        %ge3A = arith.constant 0 : i32
        %ge3A_738 = vector.broadcast %ge3A : i32 to vector<16xi32>
        %ge3A_739 = arith.cmpi sge, %get3A_729, %ge3A_738 : vector<16xi32>
        %lt3A = arith.constant 256 : i32
        %lt3A_740 = vector.broadcast %lt3A : i32 to vector<16xi32>
        %lt3A_741 = arith.cmpi slt, %get3A_729, %lt3A_740 : vector<16xi32>
        %and3A = arith.andi %ge3A_739, %lt3A_741 : vector<16xi1>
        %ge3A_742 = arith.constant 0 : i32
        %ge3A_743 = vector.broadcast %ge3A_742 : i32 to vector<16xi32>
        %ge3A_744 = arith.cmpi sge, %get3A_733, %ge3A_743 : vector<16xi32>
        %and3A_745 = arith.andi %and3A, %ge3A_744 : vector<16xi1>
        %lt3A_746 = arith.constant 256 : i32
        %lt3A_747 = vector.broadcast %lt3A_746 : i32 to vector<16xi32>
        %lt3A_748 = arith.cmpi slt, %get3A_733, %lt3A_747 : vector<16xi32>
        %and3A_749 = arith.andi %and3A_745, %lt3A_748 : vector<16xi1>
        %ge3A_750 = arith.constant 0 : i32
        %ge3A_751 = vector.broadcast %ge3A_750 : i32 to vector<16xi32>
        %ge3A_752 = arith.cmpi sge, %get3A_737, %ge3A_751 : vector<16xi32>
        %and3A_753 = arith.andi %and3A_749, %ge3A_752 : vector<16xi1>
        %lt3A_754 = arith.constant 256 : i32
        %lt3A_755 = vector.broadcast %lt3A_754 : i32 to vector<16xi32>
        %lt3A_756 = arith.cmpi slt, %get3A_737, %lt3A_755 : vector<16xi32>
        %and3A_757 = arith.andi %and3A_753, %lt3A_756 : vector<16xi1>
        %mul3A_758 = arith.constant 65536 : i32
        %mul3A_759 = vector.broadcast %mul3A_758 : i32 to vector<16xi32>
        %mul3A_760 = arith.muli %get3A_729, %mul3A_759 : vector<16xi32>
        %mul3A_761 = arith.constant 256 : i32
        %mul3A_762 = vector.broadcast %mul3A_761 : i32 to vector<16xi32>
        %mul3A_763 = arith.muli %get3A_733, %mul3A_762 : vector<16xi32>
        %add3A_764 = arith.addi %mul3A_760, %mul3A_763 : vector<16xi32>
        %add3A_765 = arith.addi %add3A_764, %get3A_737 : vector<16xi32>
        %shift_right_logical3A_766 = arith.constant 19 : i32
        %shift_right_logical3A_767 = vector.broadcast %shift_right_logical3A_766 : i32 to vector<16xi32>
        %shift_right_logical3A_768 = arith.shrui %add3A_765, %shift_right_logical3A_767 : vector<16xi32>
        %shift_right_logical3A_769 = arith.constant 4 : i32
        %shift_right_logical3A_770 = vector.broadcast %shift_right_logical3A_769 : i32 to vector<16xi32>
        %shift_right_logical3A_771 = arith.shrui %shift_right_logical3A_768, %shift_right_logical3A_770 : vector<16xi32>
        %eq3A = vector.broadcast %arg0 : i32 to vector<16xi32>
        %eq3A_772 = arith.cmpi eq, %shift_right_logical3A_771, %eq3A : vector<16xi32>
        %and3A_773 = arith.andi %and3A_757, %eq3A_772 : vector<16xi1>
        %and3A_774 = arith.constant 15 : i32
        %and3A_775 = vector.broadcast %and3A_774 : i32 to vector<16xi32>
        %and3A_776 = arith.andi %shift_right_logical3A_768, %and3A_775 : vector<16xi32>
        %mul3A_777 = arith.constant 16 : i32
        %mul3A_778 = vector.broadcast %mul3A_777 : i32 to vector<16xi32>
        %mul3A_779 = arith.muli %and3A_776, %mul3A_778 : vector<16xi32>
        %add3A_780 = arith.addi %mul3A_779, %iota3A : vector<16xi32>
        tpu.vector_store_idx %arg37[%add3A_780], %broadcast_in_dim3A_1 masked %and3A_773 {add = true} : memref<256xi32, #tpu.memory_space<vmem>>[vector<16xi32>], vector<16xi32>, vector<16xi1>
      }
      %scan3A_713 = arith.constant 16 : i32
      %add3A_714 = arith.constant 2 : i32
      %add3A_715 = arith.addi %add3A_674, %add3A_714 : i32
      %mul3A_716 = arith.constant 256 : i32
      %mul3A_717 = arith.muli %add3A_715, %mul3A_716 : i32
      %add3A_718 = arith.addi %mul3A_0, %mul3A_717 : i32
      %dma_start3A_719 = tpu.memref_slice %arg2[%add3A_718] : memref<524288xi32, #tpu.memory_space<hbm>> -> memref<256xi32, #tpu.memory_space<hbm>>
      %dma_start3A_720 = tpu.memref_slice %arg2[%add3A_718] : memref<524288xi32, #tpu.memory_space<hbm>> -> memref<256xi32, #tpu.memory_space<hbm>>
      tpu.enqueue_dma source(%dma_start3A_720 : memref<256xi32, #tpu.memory_space<hbm>>) target(%arg19 : memref<256xi32, #tpu.memory_space<vmem>>) target_semaphore(%arg42 : memref<!tpu.dma_semaphore, #tpu.memory_space<semaphore_mem>>)
      %dma_start3A_721 = tpu.memref_slice %arg3[%add3A_718] : memref<524288xi32, #tpu.memory_space<hbm>> -> memref<256xi32, #tpu.memory_space<hbm>>
      %dma_start3A_722 = tpu.memref_slice %arg3[%add3A_718] : memref<524288xi32, #tpu.memory_space<hbm>> -> memref<256xi32, #tpu.memory_space<hbm>>
      tpu.enqueue_dma source(%dma_start3A_722 : memref<256xi32, #tpu.memory_space<hbm>>) target(%arg20 : memref<256xi32, #tpu.memory_space<vmem>>) target_semaphore(%arg42 : memref<!tpu.dma_semaphore, #tpu.memory_space<semaphore_mem>>)
      %dma_start3A_723 = tpu.memref_slice %arg4[%add3A_718] : memref<524288xi32, #tpu.memory_space<hbm>> -> memref<256xi32, #tpu.memory_space<hbm>>
      %dma_start3A_724 = tpu.memref_slice %arg4[%add3A_718] : memref<524288xi32, #tpu.memory_space<hbm>> -> memref<256xi32, #tpu.memory_space<hbm>>
      tpu.enqueue_dma source(%dma_start3A_724 : memref<256xi32, #tpu.memory_space<hbm>>) target(%arg21 : memref<256xi32, #tpu.memory_space<vmem>>) target_semaphore(%arg42 : memref<!tpu.dma_semaphore, #tpu.memory_space<semaphore_mem>>)
    }
    %scan3A_29 = arith.constant 63 : i32
    %add3A_30 = arith.constant 32256 : i32
    %add3A_31 = arith.addi %mul3A_0, %add3A_30 : i32
    %dma_wait3A = tpu.memref_slice %arg2[%add3A_31] : memref<524288xi32, #tpu.memory_space<hbm>> -> memref<256xi32, #tpu.memory_space<hbm>>
    %dma_wait3A_32 = tpu.memref_slice %arg2[%add3A_31] : memref<524288xi32, #tpu.memory_space<hbm>> -> memref<256xi32, #tpu.memory_space<hbm>>
    tpu.wait_dma2 semaphore(%arg41 : memref<!tpu.dma_semaphore, #tpu.memory_space<semaphore_mem>>) src(%dma_wait3A_32 : memref<256xi32, #tpu.memory_space<hbm>>) dst(%arg14 : memref<256xi32, #tpu.memory_space<vmem>>)
    %dma_wait3A_33 = tpu.memref_slice %arg3[%add3A_31] : memref<524288xi32, #tpu.memory_space<hbm>> -> memref<256xi32, #tpu.memory_space<hbm>>
    %dma_wait3A_34 = tpu.memref_slice %arg3[%add3A_31] : memref<524288xi32, #tpu.memory_space<hbm>> -> memref<256xi32, #tpu.memory_space<hbm>>
    tpu.wait_dma2 semaphore(%arg41 : memref<!tpu.dma_semaphore, #tpu.memory_space<semaphore_mem>>) src(%dma_wait3A_34 : memref<256xi32, #tpu.memory_space<hbm>>) dst(%arg15 : memref<256xi32, #tpu.memory_space<vmem>>)
    %dma_wait3A_35 = tpu.memref_slice %arg4[%add3A_31] : memref<524288xi32, #tpu.memory_space<hbm>> -> memref<256xi32, #tpu.memory_space<hbm>>
    %dma_wait3A_36 = tpu.memref_slice %arg4[%add3A_31] : memref<524288xi32, #tpu.memory_space<hbm>> -> memref<256xi32, #tpu.memory_space<hbm>>
    tpu.wait_dma2 semaphore(%arg41 : memref<!tpu.dma_semaphore, #tpu.memory_space<semaphore_mem>>) src(%dma_wait3A_36 : memref<256xi32, #tpu.memory_space<hbm>>) dst(%arg16 : memref<256xi32, #tpu.memory_space<vmem>>)
    %scan3A_37 = arith.constant 0 : i32
    %scan3A_38 = arith.constant 16 : i32
    %scan3A_39 = arith.addi %scan3A_37, %scan3A_38 : i32
    %scan3A_40 = arith.constant 1 : i32
    scf.for %scan3A_668 = %scan3A_37 to %scan3A_39 step %scan3A_40  : i32 {
      %mul3A_669 = arith.constant 16 : i32
      %mul3A_670 = arith.muli %scan3A_668, %mul3A_669 : i32
      %get3A_671 = arith.index_cast %mul3A_670 : i32 to index
      %get3A_672 = tpu.vector_load %arg14[%get3A_671] {strides = array<i32>} : memref<256xi32, #tpu.memory_space<vmem>>, vector<16xi32>,
      %mul3A_673 = arith.constant 16 : i32
      %mul3A_674 = arith.muli %scan3A_668, %mul3A_673 : i32
      %get3A_675 = arith.index_cast %mul3A_674 : i32 to index
      %get3A_676 = tpu.vector_load %arg15[%get3A_675] {strides = array<i32>} : memref<256xi32, #tpu.memory_space<vmem>>, vector<16xi32>,
      %mul3A_677 = arith.constant 16 : i32
      %mul3A_678 = arith.muli %scan3A_668, %mul3A_677 : i32
      %get3A_679 = arith.index_cast %mul3A_678 : i32 to index
      %get3A_680 = tpu.vector_load %arg16[%get3A_679] {strides = array<i32>} : memref<256xi32, #tpu.memory_space<vmem>>, vector<16xi32>,
      %ge3A = arith.constant 0 : i32
      %ge3A_681 = vector.broadcast %ge3A : i32 to vector<16xi32>
      %ge3A_682 = arith.cmpi sge, %get3A_672, %ge3A_681 : vector<16xi32>
      %lt3A = arith.constant 256 : i32
      %lt3A_683 = vector.broadcast %lt3A : i32 to vector<16xi32>
      %lt3A_684 = arith.cmpi slt, %get3A_672, %lt3A_683 : vector<16xi32>
      %and3A = arith.andi %ge3A_682, %lt3A_684 : vector<16xi1>
      %ge3A_685 = arith.constant 0 : i32
      %ge3A_686 = vector.broadcast %ge3A_685 : i32 to vector<16xi32>
      %ge3A_687 = arith.cmpi sge, %get3A_676, %ge3A_686 : vector<16xi32>
      %and3A_688 = arith.andi %and3A, %ge3A_687 : vector<16xi1>
      %lt3A_689 = arith.constant 256 : i32
      %lt3A_690 = vector.broadcast %lt3A_689 : i32 to vector<16xi32>
      %lt3A_691 = arith.cmpi slt, %get3A_676, %lt3A_690 : vector<16xi32>
      %and3A_692 = arith.andi %and3A_688, %lt3A_691 : vector<16xi1>
      %ge3A_693 = arith.constant 0 : i32
      %ge3A_694 = vector.broadcast %ge3A_693 : i32 to vector<16xi32>
      %ge3A_695 = arith.cmpi sge, %get3A_680, %ge3A_694 : vector<16xi32>
      %and3A_696 = arith.andi %and3A_692, %ge3A_695 : vector<16xi1>
      %lt3A_697 = arith.constant 256 : i32
      %lt3A_698 = vector.broadcast %lt3A_697 : i32 to vector<16xi32>
      %lt3A_699 = arith.cmpi slt, %get3A_680, %lt3A_698 : vector<16xi32>
      %and3A_700 = arith.andi %and3A_696, %lt3A_699 : vector<16xi1>
      %mul3A_701 = arith.constant 65536 : i32
      %mul3A_702 = vector.broadcast %mul3A_701 : i32 to vector<16xi32>
      %mul3A_703 = arith.muli %get3A_672, %mul3A_702 : vector<16xi32>
      %mul3A_704 = arith.constant 256 : i32
      %mul3A_705 = vector.broadcast %mul3A_704 : i32 to vector<16xi32>
      %mul3A_706 = arith.muli %get3A_676, %mul3A_705 : vector<16xi32>
      %add3A_707 = arith.addi %mul3A_703, %mul3A_706 : vector<16xi32>
      %add3A_708 = arith.addi %add3A_707, %get3A_680 : vector<16xi32>
      %shift_right_logical3A_709 = arith.constant 19 : i32
      %shift_right_logical3A_710 = vector.broadcast %shift_right_logical3A_709 : i32 to vector<16xi32>
      %shift_right_logical3A_711 = arith.shrui %add3A_708, %shift_right_logical3A_710 : vector<16xi32>
      %shift_right_logical3A_712 = arith.constant 4 : i32
      %shift_right_logical3A_713 = vector.broadcast %shift_right_logical3A_712 : i32 to vector<16xi32>
      %shift_right_logical3A_714 = arith.shrui %shift_right_logical3A_711, %shift_right_logical3A_713 : vector<16xi32>
      %eq3A = vector.broadcast %arg0 : i32 to vector<16xi32>
      %eq3A_715 = arith.cmpi eq, %shift_right_logical3A_714, %eq3A : vector<16xi32>
      %and3A_716 = arith.andi %and3A_700, %eq3A_715 : vector<16xi1>
      %and3A_717 = arith.constant 15 : i32
      %and3A_718 = vector.broadcast %and3A_717 : i32 to vector<16xi32>
      %and3A_719 = arith.andi %shift_right_logical3A_711, %and3A_718 : vector<16xi32>
      %mul3A_720 = arith.constant 16 : i32
      %mul3A_721 = vector.broadcast %mul3A_720 : i32 to vector<16xi32>
      %mul3A_722 = arith.muli %and3A_719, %mul3A_721 : vector<16xi32>
      %add3A_723 = arith.addi %mul3A_722, %iota3A : vector<16xi32>
      tpu.vector_store_idx %arg37[%add3A_723], %broadcast_in_dim3A_1 masked %and3A_716 {add = true} : memref<256xi32, #tpu.memory_space<vmem>>[vector<16xi32>], vector<16xi32>, vector<16xi1>
    }
    %scan3A_41 = arith.constant 16 : i32
    %add3A_42 = arith.constant 32512 : i32
    %add3A_43 = arith.addi %mul3A_0, %add3A_42 : i32
    %dma_wait3A_44 = tpu.memref_slice %arg2[%add3A_43] : memref<524288xi32, #tpu.memory_space<hbm>> -> memref<256xi32, #tpu.memory_space<hbm>>
    %dma_wait3A_45 = tpu.memref_slice %arg2[%add3A_43] : memref<524288xi32, #tpu.memory_space<hbm>> -> memref<256xi32, #tpu.memory_space<hbm>>
    tpu.wait_dma2 semaphore(%arg42 : memref<!tpu.dma_semaphore, #tpu.memory_space<semaphore_mem>>) src(%dma_wait3A_45 : memref<256xi32, #tpu.memory_space<hbm>>) dst(%arg19 : memref<256xi32, #tpu.memory_space<vmem>>)
    %dma_wait3A_46 = tpu.memref_slice %arg3[%add3A_43] : memref<524288xi32, #tpu.memory_space<hbm>> -> memref<256xi32, #tpu.memory_space<hbm>>
    %dma_wait3A_47 = tpu.memref_slice %arg3[%add3A_43] : memref<524288xi32, #tpu.memory_space<hbm>> -> memref<256xi32, #tpu.memory_space<hbm>>
    tpu.wait_dma2 semaphore(%arg42 : memref<!tpu.dma_semaphore, #tpu.memory_space<semaphore_mem>>) src(%dma_wait3A_47 : memref<256xi32, #tpu.memory_space<hbm>>) dst(%arg20 : memref<256xi32, #tpu.memory_space<vmem>>)
    %dma_wait3A_48 = tpu.memref_slice %arg4[%add3A_43] : memref<524288xi32, #tpu.memory_space<hbm>> -> memref<256xi32, #tpu.memory_space<hbm>>
    %dma_wait3A_49 = tpu.memref_slice %arg4[%add3A_43] : memref<524288xi32, #tpu.memory_space<hbm>> -> memref<256xi32, #tpu.memory_space<hbm>>
    tpu.wait_dma2 semaphore(%arg42 : memref<!tpu.dma_semaphore, #tpu.memory_space<semaphore_mem>>) src(%dma_wait3A_49 : memref<256xi32, #tpu.memory_space<hbm>>) dst(%arg21 : memref<256xi32, #tpu.memory_space<vmem>>)
    %scan3A_50 = arith.constant 0 : i32
    %scan3A_51 = arith.constant 16 : i32
    %scan3A_52 = arith.addi %scan3A_50, %scan3A_51 : i32
    %scan3A_53 = arith.constant 1 : i32
    scf.for %scan3A_668 = %scan3A_50 to %scan3A_52 step %scan3A_53  : i32 {
      %mul3A_669 = arith.constant 16 : i32
      %mul3A_670 = arith.muli %scan3A_668, %mul3A_669 : i32
      %get3A_671 = arith.index_cast %mul3A_670 : i32 to index
      %get3A_672 = tpu.vector_load %arg19[%get3A_671] {strides = array<i32>} : memref<256xi32, #tpu.memory_space<vmem>>, vector<16xi32>,
      %mul3A_673 = arith.constant 16 : i32
      %mul3A_674 = arith.muli %scan3A_668, %mul3A_673 : i32
      %get3A_675 = arith.index_cast %mul3A_674 : i32 to index
      %get3A_676 = tpu.vector_load %arg20[%get3A_675] {strides = array<i32>} : memref<256xi32, #tpu.memory_space<vmem>>, vector<16xi32>,
      %mul3A_677 = arith.constant 16 : i32
      %mul3A_678 = arith.muli %scan3A_668, %mul3A_677 : i32
      %get3A_679 = arith.index_cast %mul3A_678 : i32 to index
      %get3A_680 = tpu.vector_load %arg21[%get3A_679] {strides = array<i32>} : memref<256xi32, #tpu.memory_space<vmem>>, vector<16xi32>,
      %ge3A = arith.constant 0 : i32
      %ge3A_681 = vector.broadcast %ge3A : i32 to vector<16xi32>
      %ge3A_682 = arith.cmpi sge, %get3A_672, %ge3A_681 : vector<16xi32>
      %lt3A = arith.constant 256 : i32
      %lt3A_683 = vector.broadcast %lt3A : i32 to vector<16xi32>
      %lt3A_684 = arith.cmpi slt, %get3A_672, %lt3A_683 : vector<16xi32>
      %and3A = arith.andi %ge3A_682, %lt3A_684 : vector<16xi1>
      %ge3A_685 = arith.constant 0 : i32
      %ge3A_686 = vector.broadcast %ge3A_685 : i32 to vector<16xi32>
      %ge3A_687 = arith.cmpi sge, %get3A_676, %ge3A_686 : vector<16xi32>
      %and3A_688 = arith.andi %and3A, %ge3A_687 : vector<16xi1>
      %lt3A_689 = arith.constant 256 : i32
      %lt3A_690 = vector.broadcast %lt3A_689 : i32 to vector<16xi32>
      %lt3A_691 = arith.cmpi slt, %get3A_676, %lt3A_690 : vector<16xi32>
      %and3A_692 = arith.andi %and3A_688, %lt3A_691 : vector<16xi1>
      %ge3A_693 = arith.constant 0 : i32
      %ge3A_694 = vector.broadcast %ge3A_693 : i32 to vector<16xi32>
      %ge3A_695 = arith.cmpi sge, %get3A_680, %ge3A_694 : vector<16xi32>
      %and3A_696 = arith.andi %and3A_692, %ge3A_695 : vector<16xi1>
      %lt3A_697 = arith.constant 256 : i32
      %lt3A_698 = vector.broadcast %lt3A_697 : i32 to vector<16xi32>
      %lt3A_699 = arith.cmpi slt, %get3A_680, %lt3A_698 : vector<16xi32>
      %and3A_700 = arith.andi %and3A_696, %lt3A_699 : vector<16xi1>
      %mul3A_701 = arith.constant 65536 : i32
      %mul3A_702 = vector.broadcast %mul3A_701 : i32 to vector<16xi32>
      %mul3A_703 = arith.muli %get3A_672, %mul3A_702 : vector<16xi32>
      %mul3A_704 = arith.constant 256 : i32
      %mul3A_705 = vector.broadcast %mul3A_704 : i32 to vector<16xi32>
      %mul3A_706 = arith.muli %get3A_676, %mul3A_705 : vector<16xi32>
      %add3A_707 = arith.addi %mul3A_703, %mul3A_706 : vector<16xi32>
      %add3A_708 = arith.addi %add3A_707, %get3A_680 : vector<16xi32>
      %shift_right_logical3A_709 = arith.constant 19 : i32
      %shift_right_logical3A_710 = vector.broadcast %shift_right_logical3A_709 : i32 to vector<16xi32>
      %shift_right_logical3A_711 = arith.shrui %add3A_708, %shift_right_logical3A_710 : vector<16xi32>
      %shift_right_logical3A_712 = arith.constant 4 : i32
      %shift_right_logical3A_713 = vector.broadcast %shift_right_logical3A_712 : i32 to vector<16xi32>
      %shift_right_logical3A_714 = arith.shrui %shift_right_logical3A_711, %shift_right_logical3A_713 : vector<16xi32>
      %eq3A = vector.broadcast %arg0 : i32 to vector<16xi32>
      %eq3A_715 = arith.cmpi eq, %shift_right_logical3A_714, %eq3A : vector<16xi32>
      %and3A_716 = arith.andi %and3A_700, %eq3A_715 : vector<16xi1>
      %and3A_717 = arith.constant 15 : i32
      %and3A_718 = vector.broadcast %and3A_717 : i32 to vector<16xi32>
      %and3A_719 = arith.andi %shift_right_logical3A_711, %and3A_718 : vector<16xi32>
      %mul3A_720 = arith.constant 16 : i32
      %mul3A_721 = vector.broadcast %mul3A_720 : i32 to vector<16xi32>
      %mul3A_722 = arith.muli %and3A_719, %mul3A_721 : vector<16xi32>
      %add3A_723 = arith.addi %mul3A_722, %iota3A : vector<16xi32>
      tpu.vector_store_idx %arg37[%add3A_723], %broadcast_in_dim3A_1 masked %and3A_716 {add = true} : memref<256xi32, #tpu.memory_space<vmem>>[vector<16xi32>], vector<16xi32>, vector<16xi1>
    }
    %scan3A_54 = arith.constant 16 : i32
    %get3A = arith.constant 0 : index
    %get3A_55 = tpu.vector_load %arg37[%get3A] {strides = array<i32>} : memref<256xi32, #tpu.memory_space<vmem>>, vector<16xi32>,
    %broadcast_in_dim3A_56 = arith.constant true
    %broadcast_in_dim3A_57 = vector.broadcast %broadcast_in_dim3A_56 : i1 to vector<16xi1>
    %masked_cumsum3A = tpu.scan <sum>, %get3A_55 masked %broadcast_in_dim3A_57 : vector<16xi32>, vector<16xi1> -> vector<16xi32>
    %sub3A = arith.subi %masked_cumsum3A, %get3A_55 : vector<16xi32>
    %reduce_sum3A = arith.constant true
    %reduce_sum3A_58 = vector.broadcast %reduce_sum3A : i1 to vector<16xi1>
    %reduce_sum3A_59 = tpu.scan <sum>, %get3A_55 masked %reduce_sum3A_58 : vector<16xi32>, vector<16xi1> -> vector<16xi32>
    %reduce_sum3A_60 = vector.extract %reduce_sum3A_59[15] : i32 from vector<16xi32>
    %mul3A_61 = arith.constant 0 : i32
    %mul3A_62 = arith.constant 128 : i32
    %mul3A_63 = arith.muli %mul3A_61, %mul3A_62 : i32
    %add3A_64 = vector.broadcast %mul3A_63 : i32 to vector<16xi32>
    %add3A_65 = arith.addi %add3A_64, %sub3A : vector<16xi32>
    %swap3A = arith.constant 0 : index
    %swap3A_66 = tpu.vector_load %arg38[%swap3A] {strides = array<i32>} : memref<256xi32, #tpu.memory_space<vmem>>, vector<16xi32>,
    tpu.vector_store %arg38[%swap3A], %add3A_65 {strides = array<i32>} : memref<256xi32, #tpu.memory_space<vmem>>, vector<16xi32>,
    %add3A_67 = arith.constant 127 : i32
    %add3A_68 = arith.addi %reduce_sum3A_60, %add3A_67 : i32
    %shift_right_logical3A = arith.constant 7 : i32
    %shift_right_logical3A_69 = arith.shrui %add3A_68, %shift_right_logical3A : i32
    %min3A = arith.constant 0 : i32
    %min3A_70 = arith.constant 152 : i32
    %min3A_71 = arith.minsi %min3A, %min3A_70 : i32
    %swap3A_72 = arith.constant 0 : i32
    %swap3A_73 = arith.index_cast %swap3A_72 : i32 to index
    %swap3A_74 = memref.load %arg39[%swap3A_73] : memref<16xi32, #tpu.memory_space<smem>>
    memref.store %min3A_71, %arg39[%swap3A_73] : memref<16xi32, #tpu.memory_space<smem>>
    %sub3A_75 = arith.constant 152 : i32
    %sub3A_76 = arith.constant 0 : i32
    %sub3A_77 = arith.subi %sub3A_75, %sub3A_76 : i32
    %max3A = arith.constant 0 : i32
    %max3A_78 = arith.maxsi %sub3A_77, %max3A : i32
    %min3A_79 = arith.minsi %shift_right_logical3A_69, %max3A_78 : i32
    %swap3A_80 = arith.constant 0 : i32
    %swap3A_81 = arith.index_cast %swap3A_80 : i32 to index
    %swap3A_82 = memref.load %arg40[%swap3A_81] : memref<16xi32, #tpu.memory_space<smem>>
    memref.store %min3A_79, %arg40[%swap3A_81] : memref<16xi32, #tpu.memory_space<smem>>
    %add3A_83 = arith.constant 0 : i32
    %add3A_84 = arith.addi %add3A_83, %shift_right_logical3A_69 : i32
    %get3A_85 = arith.constant 16 : index
    %get3A_86 = tpu.vector_load %arg37[%get3A_85] {strides = array<i32>} : memref<256xi32, #tpu.memory_space<vmem>>, vector<16xi32>,
    %broadcast_in_dim3A_87 = arith.constant true
    %broadcast_in_dim3A_88 = vector.broadcast %broadcast_in_dim3A_87 : i1 to vector<16xi1>
    %masked_cumsum3A_89 = tpu.scan <sum>, %get3A_86 masked %broadcast_in_dim3A_88 : vector<16xi32>, vector<16xi1> -> vector<16xi32>
    %sub3A_90 = arith.subi %masked_cumsum3A_89, %get3A_86 : vector<16xi32>
    %reduce_sum3A_91 = arith.constant true
    %reduce_sum3A_92 = vector.broadcast %reduce_sum3A_91 : i1 to vector<16xi1>
    %reduce_sum3A_93 = tpu.scan <sum>, %get3A_86 masked %reduce_sum3A_92 : vector<16xi32>, vector<16xi1> -> vector<16xi32>
    %reduce_sum3A_94 = vector.extract %reduce_sum3A_93[15] : i32 from vector<16xi32>
    %mul3A_95 = arith.constant 128 : i32
    %mul3A_96 = arith.muli %add3A_84, %mul3A_95 : i32
    %add3A_97 = vector.broadcast %mul3A_96 : i32 to vector<16xi32>
    %add3A_98 = arith.addi %add3A_97, %sub3A_90 : vector<16xi32>
    %swap3A_99 = arith.constant 16 : index
    %swap3A_100 = tpu.vector_load %arg38[%swap3A_99] {strides = array<i32>} : memref<256xi32, #tpu.memory_space<vmem>>, vector<16xi32>,
    tpu.vector_store %arg38[%swap3A_99], %add3A_98 {strides = array<i32>} : memref<256xi32, #tpu.memory_space<vmem>>, vector<16xi32>,
    %add3A_101 = arith.constant 127 : i32
    %add3A_102 = arith.addi %reduce_sum3A_94, %add3A_101 : i32
    %shift_right_logical3A_103 = arith.constant 7 : i32
    %shift_right_logical3A_104 = arith.shrui %add3A_102, %shift_right_logical3A_103 : i32
    %min3A_105 = arith.constant 152 : i32
    %min3A_106 = arith.minsi %add3A_84, %min3A_105 : i32
    %swap3A_107 = arith.constant 1 : i32
    %swap3A_108 = arith.index_cast %swap3A_107 : i32 to index
    %swap3A_109 = memref.load %arg39[%swap3A_108] : memref<16xi32, #tpu.memory_space<smem>>
    memref.store %min3A_106, %arg39[%swap3A_108] : memref<16xi32, #tpu.memory_space<smem>>
    %sub3A_110 = arith.constant 152 : i32
    %sub3A_111 = arith.subi %sub3A_110, %add3A_84 : i32
    %max3A_112 = arith.constant 0 : i32
    %max3A_113 = arith.maxsi %sub3A_111, %max3A_112 : i32
    %min3A_114 = arith.minsi %shift_right_logical3A_104, %max3A_113 : i32
    %swap3A_115 = arith.constant 1 : i32
    %swap3A_116 = arith.index_cast %swap3A_115 : i32 to index
    %swap3A_117 = memref.load %arg40[%swap3A_116] : memref<16xi32, #tpu.memory_space<smem>>
    memref.store %min3A_114, %arg40[%swap3A_116] : memref<16xi32, #tpu.memory_space<smem>>
    %add3A_118 = arith.addi %add3A_84, %shift_right_logical3A_104 : i32
    %get3A_119 = arith.constant 32 : index
    %get3A_120 = tpu.vector_load %arg37[%get3A_119] {strides = array<i32>} : memref<256xi32, #tpu.memory_space<vmem>>, vector<16xi32>,
    %broadcast_in_dim3A_121 = arith.constant true
    %broadcast_in_dim3A_122 = vector.broadcast %broadcast_in_dim3A_121 : i1 to vector<16xi1>
    %masked_cumsum3A_123 = tpu.scan <sum>, %get3A_120 masked %broadcast_in_dim3A_122 : vector<16xi32>, vector<16xi1> -> vector<16xi32>
    %sub3A_124 = arith.subi %masked_cumsum3A_123, %get3A_120 : vector<16xi32>
    %reduce_sum3A_125 = arith.constant true
    %reduce_sum3A_126 = vector.broadcast %reduce_sum3A_125 : i1 to vector<16xi1>
    %reduce_sum3A_127 = tpu.scan <sum>, %get3A_120 masked %reduce_sum3A_126 : vector<16xi32>, vector<16xi1> -> vector<16xi32>
    %reduce_sum3A_128 = vector.extract %reduce_sum3A_127[15] : i32 from vector<16xi32>
    %mul3A_129 = arith.constant 128 : i32
    %mul3A_130 = arith.muli %add3A_118, %mul3A_129 : i32
    %add3A_131 = vector.broadcast %mul3A_130 : i32 to vector<16xi32>
    %add3A_132 = arith.addi %add3A_131, %sub3A_124 : vector<16xi32>
    %swap3A_133 = arith.constant 32 : index
    %swap3A_134 = tpu.vector_load %arg38[%swap3A_133] {strides = array<i32>} : memref<256xi32, #tpu.memory_space<vmem>>, vector<16xi32>,
    tpu.vector_store %arg38[%swap3A_133], %add3A_132 {strides = array<i32>} : memref<256xi32, #tpu.memory_space<vmem>>, vector<16xi32>,
    %add3A_135 = arith.constant 127 : i32
    %add3A_136 = arith.addi %reduce_sum3A_128, %add3A_135 : i32
    %shift_right_logical3A_137 = arith.constant 7 : i32
    %shift_right_logical3A_138 = arith.shrui %add3A_136, %shift_right_logical3A_137 : i32
    %min3A_139 = arith.constant 152 : i32
    %min3A_140 = arith.minsi %add3A_118, %min3A_139 : i32
    %swap3A_141 = arith.constant 2 : i32
    %swap3A_142 = arith.index_cast %swap3A_141 : i32 to index
    %swap3A_143 = memref.load %arg39[%swap3A_142] : memref<16xi32, #tpu.memory_space<smem>>
    memref.store %min3A_140, %arg39[%swap3A_142] : memref<16xi32, #tpu.memory_space<smem>>
    %sub3A_144 = arith.constant 152 : i32
    %sub3A_145 = arith.subi %sub3A_144, %add3A_118 : i32
    %max3A_146 = arith.constant 0 : i32
    %max3A_147 = arith.maxsi %sub3A_145, %max3A_146 : i32
    %min3A_148 = arith.minsi %shift_right_logical3A_138, %max3A_147 : i32
    %swap3A_149 = arith.constant 2 : i32
    %swap3A_150 = arith.index_cast %swap3A_149 : i32 to index
    %swap3A_151 = memref.load %arg40[%swap3A_150] : memref<16xi32, #tpu.memory_space<smem>>
    memref.store %min3A_148, %arg40[%swap3A_150] : memref<16xi32, #tpu.memory_space<smem>>
    %add3A_152 = arith.addi %add3A_118, %shift_right_logical3A_138 : i32
    %get3A_153 = arith.constant 48 : index
    %get3A_154 = tpu.vector_load %arg37[%get3A_153] {strides = array<i32>} : memref<256xi32, #tpu.memory_space<vmem>>, vector<16xi32>,
    %broadcast_in_dim3A_155 = arith.constant true
    %broadcast_in_dim3A_156 = vector.broadcast %broadcast_in_dim3A_155 : i1 to vector<16xi1>
    %masked_cumsum3A_157 = tpu.scan <sum>, %get3A_154 masked %broadcast_in_dim3A_156 : vector<16xi32>, vector<16xi1> -> vector<16xi32>
    %sub3A_158 = arith.subi %masked_cumsum3A_157, %get3A_154 : vector<16xi32>
    %reduce_sum3A_159 = arith.constant true
    %reduce_sum3A_160 = vector.broadcast %reduce_sum3A_159 : i1 to vector<16xi1>
    %reduce_sum3A_161 = tpu.scan <sum>, %get3A_154 masked %reduce_sum3A_160 : vector<16xi32>, vector<16xi1> -> vector<16xi32>
    %reduce_sum3A_162 = vector.extract %reduce_sum3A_161[15] : i32 from vector<16xi32>
    %mul3A_163 = arith.constant 128 : i32
    %mul3A_164 = arith.muli %add3A_152, %mul3A_163 : i32
    %add3A_165 = vector.broadcast %mul3A_164 : i32 to vector<16xi32>
    %add3A_166 = arith.addi %add3A_165, %sub3A_158 : vector<16xi32>
    %swap3A_167 = arith.constant 48 : index
    %swap3A_168 = tpu.vector_load %arg38[%swap3A_167] {strides = array<i32>} : memref<256xi32, #tpu.memory_space<vmem>>, vector<16xi32>,
    tpu.vector_store %arg38[%swap3A_167], %add3A_166 {strides = array<i32>} : memref<256xi32, #tpu.memory_space<vmem>>, vector<16xi32>,
    %add3A_169 = arith.constant 127 : i32
    %add3A_170 = arith.addi %reduce_sum3A_162, %add3A_169 : i32
    %shift_right_logical3A_171 = arith.constant 7 : i32
    %shift_right_logical3A_172 = arith.shrui %add3A_170, %shift_right_logical3A_171 : i32
    %min3A_173 = arith.constant 152 : i32
    %min3A_174 = arith.minsi %add3A_152, %min3A_173 : i32
    %swap3A_175 = arith.constant 3 : i32
    %swap3A_176 = arith.index_cast %swap3A_175 : i32 to index
    %swap3A_177 = memref.load %arg39[%swap3A_176] : memref<16xi32, #tpu.memory_space<smem>>
    memref.store %min3A_174, %arg39[%swap3A_176] : memref<16xi32, #tpu.memory_space<smem>>
    %sub3A_178 = arith.constant 152 : i32
    %sub3A_179 = arith.subi %sub3A_178, %add3A_152 : i32
    %max3A_180 = arith.constant 0 : i32
    %max3A_181 = arith.maxsi %sub3A_179, %max3A_180 : i32
    %min3A_182 = arith.minsi %shift_right_logical3A_172, %max3A_181 : i32
    %swap3A_183 = arith.constant 3 : i32
    %swap3A_184 = arith.index_cast %swap3A_183 : i32 to index
    %swap3A_185 = memref.load %arg40[%swap3A_184] : memref<16xi32, #tpu.memory_space<smem>>
    memref.store %min3A_182, %arg40[%swap3A_184] : memref<16xi32, #tpu.memory_space<smem>>
    %add3A_186 = arith.addi %add3A_152, %shift_right_logical3A_172 : i32
    %get3A_187 = arith.constant 64 : index
    %get3A_188 = tpu.vector_load %arg37[%get3A_187] {strides = array<i32>} : memref<256xi32, #tpu.memory_space<vmem>>, vector<16xi32>,
    %broadcast_in_dim3A_189 = arith.constant true
    %broadcast_in_dim3A_190 = vector.broadcast %broadcast_in_dim3A_189 : i1 to vector<16xi1>
    %masked_cumsum3A_191 = tpu.scan <sum>, %get3A_188 masked %broadcast_in_dim3A_190 : vector<16xi32>, vector<16xi1> -> vector<16xi32>
    %sub3A_192 = arith.subi %masked_cumsum3A_191, %get3A_188 : vector<16xi32>
    %reduce_sum3A_193 = arith.constant true
    %reduce_sum3A_194 = vector.broadcast %reduce_sum3A_193 : i1 to vector<16xi1>
    %reduce_sum3A_195 = tpu.scan <sum>, %get3A_188 masked %reduce_sum3A_194 : vector<16xi32>, vector<16xi1> -> vector<16xi32>
    %reduce_sum3A_196 = vector.extract %reduce_sum3A_195[15] : i32 from vector<16xi32>
    %mul3A_197 = arith.constant 128 : i32
    %mul3A_198 = arith.muli %add3A_186, %mul3A_197 : i32
    %add3A_199 = vector.broadcast %mul3A_198 : i32 to vector<16xi32>
    %add3A_200 = arith.addi %add3A_199, %sub3A_192 : vector<16xi32>
    %swap3A_201 = arith.constant 64 : index
    %swap3A_202 = tpu.vector_load %arg38[%swap3A_201] {strides = array<i32>} : memref<256xi32, #tpu.memory_space<vmem>>, vector<16xi32>,
    tpu.vector_store %arg38[%swap3A_201], %add3A_200 {strides = array<i32>} : memref<256xi32, #tpu.memory_space<vmem>>, vector<16xi32>,
    %add3A_203 = arith.constant 127 : i32
    %add3A_204 = arith.addi %reduce_sum3A_196, %add3A_203 : i32
    %shift_right_logical3A_205 = arith.constant 7 : i32
    %shift_right_logical3A_206 = arith.shrui %add3A_204, %shift_right_logical3A_205 : i32
    %min3A_207 = arith.constant 152 : i32
    %min3A_208 = arith.minsi %add3A_186, %min3A_207 : i32
    %swap3A_209 = arith.constant 4 : i32
    %swap3A_210 = arith.index_cast %swap3A_209 : i32 to index
    %swap3A_211 = memref.load %arg39[%swap3A_210] : memref<16xi32, #tpu.memory_space<smem>>
    memref.store %min3A_208, %arg39[%swap3A_210] : memref<16xi32, #tpu.memory_space<smem>>
    %sub3A_212 = arith.constant 152 : i32
    %sub3A_213 = arith.subi %sub3A_212, %add3A_186 : i32
    %max3A_214 = arith.constant 0 : i32
    %max3A_215 = arith.maxsi %sub3A_213, %max3A_214 : i32
    %min3A_216 = arith.minsi %shift_right_logical3A_206, %max3A_215 : i32
    %swap3A_217 = arith.constant 4 : i32
    %swap3A_218 = arith.index_cast %swap3A_217 : i32 to index
    %swap3A_219 = memref.load %arg40[%swap3A_218] : memref<16xi32, #tpu.memory_space<smem>>
    memref.store %min3A_216, %arg40[%swap3A_218] : memref<16xi32, #tpu.memory_space<smem>>
    %add3A_220 = arith.addi %add3A_186, %shift_right_logical3A_206 : i32
    %get3A_221 = arith.constant 80 : index
    %get3A_222 = tpu.vector_load %arg37[%get3A_221] {strides = array<i32>} : memref<256xi32, #tpu.memory_space<vmem>>, vector<16xi32>,
    %broadcast_in_dim3A_223 = arith.constant true
    %broadcast_in_dim3A_224 = vector.broadcast %broadcast_in_dim3A_223 : i1 to vector<16xi1>
    %masked_cumsum3A_225 = tpu.scan <sum>, %get3A_222 masked %broadcast_in_dim3A_224 : vector<16xi32>, vector<16xi1> -> vector<16xi32>
    %sub3A_226 = arith.subi %masked_cumsum3A_225, %get3A_222 : vector<16xi32>
    %reduce_sum3A_227 = arith.constant true
    %reduce_sum3A_228 = vector.broadcast %reduce_sum3A_227 : i1 to vector<16xi1>
    %reduce_sum3A_229 = tpu.scan <sum>, %get3A_222 masked %reduce_sum3A_228 : vector<16xi32>, vector<16xi1> -> vector<16xi32>
    %reduce_sum3A_230 = vector.extract %reduce_sum3A_229[15] : i32 from vector<16xi32>
    %mul3A_231 = arith.constant 128 : i32
    %mul3A_232 = arith.muli %add3A_220, %mul3A_231 : i32
    %add3A_233 = vector.broadcast %mul3A_232 : i32 to vector<16xi32>
    %add3A_234 = arith.addi %add3A_233, %sub3A_226 : vector<16xi32>
    %swap3A_235 = arith.constant 80 : index
    %swap3A_236 = tpu.vector_load %arg38[%swap3A_235] {strides = array<i32>} : memref<256xi32, #tpu.memory_space<vmem>>, vector<16xi32>,
    tpu.vector_store %arg38[%swap3A_235], %add3A_234 {strides = array<i32>} : memref<256xi32, #tpu.memory_space<vmem>>, vector<16xi32>,
    %add3A_237 = arith.constant 127 : i32
    %add3A_238 = arith.addi %reduce_sum3A_230, %add3A_237 : i32
    %shift_right_logical3A_239 = arith.constant 7 : i32
    %shift_right_logical3A_240 = arith.shrui %add3A_238, %shift_right_logical3A_239 : i32
    %min3A_241 = arith.constant 152 : i32
    %min3A_242 = arith.minsi %add3A_220, %min3A_241 : i32
    %swap3A_243 = arith.constant 5 : i32
    %swap3A_244 = arith.index_cast %swap3A_243 : i32 to index
    %swap3A_245 = memref.load %arg39[%swap3A_244] : memref<16xi32, #tpu.memory_space<smem>>
    memref.store %min3A_242, %arg39[%swap3A_244] : memref<16xi32, #tpu.memory_space<smem>>
    %sub3A_246 = arith.constant 152 : i32
    %sub3A_247 = arith.subi %sub3A_246, %add3A_220 : i32
    %max3A_248 = arith.constant 0 : i32
    %max3A_249 = arith.maxsi %sub3A_247, %max3A_248 : i32
    %min3A_250 = arith.minsi %shift_right_logical3A_240, %max3A_249 : i32
    %swap3A_251 = arith.constant 5 : i32
    %swap3A_252 = arith.index_cast %swap3A_251 : i32 to index
    %swap3A_253 = memref.load %arg40[%swap3A_252] : memref<16xi32, #tpu.memory_space<smem>>
    memref.store %min3A_250, %arg40[%swap3A_252] : memref<16xi32, #tpu.memory_space<smem>>
    %add3A_254 = arith.addi %add3A_220, %shift_right_logical3A_240 : i32
    %get3A_255 = arith.constant 96 : index
    %get3A_256 = tpu.vector_load %arg37[%get3A_255] {strides = array<i32>} : memref<256xi32, #tpu.memory_space<vmem>>, vector<16xi32>,
    %broadcast_in_dim3A_257 = arith.constant true
    %broadcast_in_dim3A_258 = vector.broadcast %broadcast_in_dim3A_257 : i1 to vector<16xi1>
    %masked_cumsum3A_259 = tpu.scan <sum>, %get3A_256 masked %broadcast_in_dim3A_258 : vector<16xi32>, vector<16xi1> -> vector<16xi32>
    %sub3A_260 = arith.subi %masked_cumsum3A_259, %get3A_256 : vector<16xi32>
    %reduce_sum3A_261 = arith.constant true
    %reduce_sum3A_262 = vector.broadcast %reduce_sum3A_261 : i1 to vector<16xi1>
    %reduce_sum3A_263 = tpu.scan <sum>, %get3A_256 masked %reduce_sum3A_262 : vector<16xi32>, vector<16xi1> -> vector<16xi32>
    %reduce_sum3A_264 = vector.extract %reduce_sum3A_263[15] : i32 from vector<16xi32>
    %mul3A_265 = arith.constant 128 : i32
    %mul3A_266 = arith.muli %add3A_254, %mul3A_265 : i32
    %add3A_267 = vector.broadcast %mul3A_266 : i32 to vector<16xi32>
    %add3A_268 = arith.addi %add3A_267, %sub3A_260 : vector<16xi32>
    %swap3A_269 = arith.constant 96 : index
    %swap3A_270 = tpu.vector_load %arg38[%swap3A_269] {strides = array<i32>} : memref<256xi32, #tpu.memory_space<vmem>>, vector<16xi32>,
    tpu.vector_store %arg38[%swap3A_269], %add3A_268 {strides = array<i32>} : memref<256xi32, #tpu.memory_space<vmem>>, vector<16xi32>,
    %add3A_271 = arith.constant 127 : i32
    %add3A_272 = arith.addi %reduce_sum3A_264, %add3A_271 : i32
    %shift_right_logical3A_273 = arith.constant 7 : i32
    %shift_right_logical3A_274 = arith.shrui %add3A_272, %shift_right_logical3A_273 : i32
    %min3A_275 = arith.constant 152 : i32
    %min3A_276 = arith.minsi %add3A_254, %min3A_275 : i32
    %swap3A_277 = arith.constant 6 : i32
    %swap3A_278 = arith.index_cast %swap3A_277 : i32 to index
    %swap3A_279 = memref.load %arg39[%swap3A_278] : memref<16xi32, #tpu.memory_space<smem>>
    memref.store %min3A_276, %arg39[%swap3A_278] : memref<16xi32, #tpu.memory_space<smem>>
    %sub3A_280 = arith.constant 152 : i32
    %sub3A_281 = arith.subi %sub3A_280, %add3A_254 : i32
    %max3A_282 = arith.constant 0 : i32
    %max3A_283 = arith.maxsi %sub3A_281, %max3A_282 : i32
    %min3A_284 = arith.minsi %shift_right_logical3A_274, %max3A_283 : i32
    %swap3A_285 = arith.constant 6 : i32
    %swap3A_286 = arith.index_cast %swap3A_285 : i32 to index
    %swap3A_287 = memref.load %arg40[%swap3A_286] : memref<16xi32, #tpu.memory_space<smem>>
    memref.store %min3A_284, %arg40[%swap3A_286] : memref<16xi32, #tpu.memory_space<smem>>
    %add3A_288 = arith.addi %add3A_254, %shift_right_logical3A_274 : i32
    %get3A_289 = arith.constant 112 : index
    %get3A_290 = tpu.vector_load %arg37[%get3A_289] {strides = array<i32>} : memref<256xi32, #tpu.memory_space<vmem>>, vector<16xi32>,
    %broadcast_in_dim3A_291 = arith.constant true
    %broadcast_in_dim3A_292 = vector.broadcast %broadcast_in_dim3A_291 : i1 to vector<16xi1>
    %masked_cumsum3A_293 = tpu.scan <sum>, %get3A_290 masked %broadcast_in_dim3A_292 : vector<16xi32>, vector<16xi1> -> vector<16xi32>
    %sub3A_294 = arith.subi %masked_cumsum3A_293, %get3A_290 : vector<16xi32>
    %reduce_sum3A_295 = arith.constant true
    %reduce_sum3A_296 = vector.broadcast %reduce_sum3A_295 : i1 to vector<16xi1>
    %reduce_sum3A_297 = tpu.scan <sum>, %get3A_290 masked %reduce_sum3A_296 : vector<16xi32>, vector<16xi1> -> vector<16xi32>
    %reduce_sum3A_298 = vector.extract %reduce_sum3A_297[15] : i32 from vector<16xi32>
    %mul3A_299 = arith.constant 128 : i32
    %mul3A_300 = arith.muli %add3A_288, %mul3A_299 : i32
    %add3A_301 = vector.broadcast %mul3A_300 : i32 to vector<16xi32>
    %add3A_302 = arith.addi %add3A_301, %sub3A_294 : vector<16xi32>
    %swap3A_303 = arith.constant 112 : index
    %swap3A_304 = tpu.vector_load %arg38[%swap3A_303] {strides = array<i32>} : memref<256xi32, #tpu.memory_space<vmem>>, vector<16xi32>,
    tpu.vector_store %arg38[%swap3A_303], %add3A_302 {strides = array<i32>} : memref<256xi32, #tpu.memory_space<vmem>>, vector<16xi32>,
    %add3A_305 = arith.constant 127 : i32
    %add3A_306 = arith.addi %reduce_sum3A_298, %add3A_305 : i32
    %shift_right_logical3A_307 = arith.constant 7 : i32
    %shift_right_logical3A_308 = arith.shrui %add3A_306, %shift_right_logical3A_307 : i32
    %min3A_309 = arith.constant 152 : i32
    %min3A_310 = arith.minsi %add3A_288, %min3A_309 : i32
    %swap3A_311 = arith.constant 7 : i32
    %swap3A_312 = arith.index_cast %swap3A_311 : i32 to index
    %swap3A_313 = memref.load %arg39[%swap3A_312] : memref<16xi32, #tpu.memory_space<smem>>
    memref.store %min3A_310, %arg39[%swap3A_312] : memref<16xi32, #tpu.memory_space<smem>>
    %sub3A_314 = arith.constant 152 : i32
    %sub3A_315 = arith.subi %sub3A_314, %add3A_288 : i32
    %max3A_316 = arith.constant 0 : i32
    %max3A_317 = arith.maxsi %sub3A_315, %max3A_316 : i32
    %min3A_318 = arith.minsi %shift_right_logical3A_308, %max3A_317 : i32
    %swap3A_319 = arith.constant 7 : i32
    %swap3A_320 = arith.index_cast %swap3A_319 : i32 to index
    %swap3A_321 = memref.load %arg40[%swap3A_320] : memref<16xi32, #tpu.memory_space<smem>>
    memref.store %min3A_318, %arg40[%swap3A_320] : memref<16xi32, #tpu.memory_space<smem>>
    %add3A_322 = arith.addi %add3A_288, %shift_right_logical3A_308 : i32
    %get3A_323 = arith.constant 128 : index
    %get3A_324 = tpu.vector_load %arg37[%get3A_323] {strides = array<i32>} : memref<256xi32, #tpu.memory_space<vmem>>, vector<16xi32>,
    %broadcast_in_dim3A_325 = arith.constant true
    %broadcast_in_dim3A_326 = vector.broadcast %broadcast_in_dim3A_325 : i1 to vector<16xi1>
    %masked_cumsum3A_327 = tpu.scan <sum>, %get3A_324 masked %broadcast_in_dim3A_326 : vector<16xi32>, vector<16xi1> -> vector<16xi32>
    %sub3A_328 = arith.subi %masked_cumsum3A_327, %get3A_324 : vector<16xi32>
    %reduce_sum3A_329 = arith.constant true
    %reduce_sum3A_330 = vector.broadcast %reduce_sum3A_329 : i1 to vector<16xi1>
    %reduce_sum3A_331 = tpu.scan <sum>, %get3A_324 masked %reduce_sum3A_330 : vector<16xi32>, vector<16xi1> -> vector<16xi32>
    %reduce_sum3A_332 = vector.extract %reduce_sum3A_331[15] : i32 from vector<16xi32>
    %mul3A_333 = arith.constant 128 : i32
    %mul3A_334 = arith.muli %add3A_322, %mul3A_333 : i32
    %add3A_335 = vector.broadcast %mul3A_334 : i32 to vector<16xi32>
    %add3A_336 = arith.addi %add3A_335, %sub3A_328 : vector<16xi32>
    %swap3A_337 = arith.constant 128 : index
    %swap3A_338 = tpu.vector_load %arg38[%swap3A_337] {strides = array<i32>} : memref<256xi32, #tpu.memory_space<vmem>>, vector<16xi32>,
    tpu.vector_store %arg38[%swap3A_337], %add3A_336 {strides = array<i32>} : memref<256xi32, #tpu.memory_space<vmem>>, vector<16xi32>,
    %add3A_339 = arith.constant 127 : i32
    %add3A_340 = arith.addi %reduce_sum3A_332, %add3A_339 : i32
    %shift_right_logical3A_341 = arith.constant 7 : i32
    %shift_right_logical3A_342 = arith.shrui %add3A_340, %shift_right_logical3A_341 : i32
    %min3A_343 = arith.constant 152 : i32
    %min3A_344 = arith.minsi %add3A_322, %min3A_343 : i32
    %swap3A_345 = arith.constant 8 : i32
    %swap3A_346 = arith.index_cast %swap3A_345 : i32 to index
    %swap3A_347 = memref.load %arg39[%swap3A_346] : memref<16xi32, #tpu.memory_space<smem>>
    memref.store %min3A_344, %arg39[%swap3A_346] : memref<16xi32, #tpu.memory_space<smem>>
    %sub3A_348 = arith.constant 152 : i32
    %sub3A_349 = arith.subi %sub3A_348, %add3A_322 : i32
    %max3A_350 = arith.constant 0 : i32
    %max3A_351 = arith.maxsi %sub3A_349, %max3A_350 : i32
    %min3A_352 = arith.minsi %shift_right_logical3A_342, %max3A_351 : i32
    %swap3A_353 = arith.constant 8 : i32
    %swap3A_354 = arith.index_cast %swap3A_353 : i32 to index
    %swap3A_355 = memref.load %arg40[%swap3A_354] : memref<16xi32, #tpu.memory_space<smem>>
    memref.store %min3A_352, %arg40[%swap3A_354] : memref<16xi32, #tpu.memory_space<smem>>
    %add3A_356 = arith.addi %add3A_322, %shift_right_logical3A_342 : i32
    %get3A_357 = arith.constant 144 : index
    %get3A_358 = tpu.vector_load %arg37[%get3A_357] {strides = array<i32>} : memref<256xi32, #tpu.memory_space<vmem>>, vector<16xi32>,
    %broadcast_in_dim3A_359 = arith.constant true
    %broadcast_in_dim3A_360 = vector.broadcast %broadcast_in_dim3A_359 : i1 to vector<16xi1>
    %masked_cumsum3A_361 = tpu.scan <sum>, %get3A_358 masked %broadcast_in_dim3A_360 : vector<16xi32>, vector<16xi1> -> vector<16xi32>
    %sub3A_362 = arith.subi %masked_cumsum3A_361, %get3A_358 : vector<16xi32>
    %reduce_sum3A_363 = arith.constant true
    %reduce_sum3A_364 = vector.broadcast %reduce_sum3A_363 : i1 to vector<16xi1>
    %reduce_sum3A_365 = tpu.scan <sum>, %get3A_358 masked %reduce_sum3A_364 : vector<16xi32>, vector<16xi1> -> vector<16xi32>
    %reduce_sum3A_366 = vector.extract %reduce_sum3A_365[15] : i32 from vector<16xi32>
    %mul3A_367 = arith.constant 128 : i32
    %mul3A_368 = arith.muli %add3A_356, %mul3A_367 : i32
    %add3A_369 = vector.broadcast %mul3A_368 : i32 to vector<16xi32>
    %add3A_370 = arith.addi %add3A_369, %sub3A_362 : vector<16xi32>
    %swap3A_371 = arith.constant 144 : index
    %swap3A_372 = tpu.vector_load %arg38[%swap3A_371] {strides = array<i32>} : memref<256xi32, #tpu.memory_space<vmem>>, vector<16xi32>,
    tpu.vector_store %arg38[%swap3A_371], %add3A_370 {strides = array<i32>} : memref<256xi32, #tpu.memory_space<vmem>>, vector<16xi32>,
    %add3A_373 = arith.constant 127 : i32
    %add3A_374 = arith.addi %reduce_sum3A_366, %add3A_373 : i32
    %shift_right_logical3A_375 = arith.constant 7 : i32
    %shift_right_logical3A_376 = arith.shrui %add3A_374, %shift_right_logical3A_375 : i32
    %min3A_377 = arith.constant 152 : i32
    %min3A_378 = arith.minsi %add3A_356, %min3A_377 : i32
    %swap3A_379 = arith.constant 9 : i32
    %swap3A_380 = arith.index_cast %swap3A_379 : i32 to index
    %swap3A_381 = memref.load %arg39[%swap3A_380] : memref<16xi32, #tpu.memory_space<smem>>
    memref.store %min3A_378, %arg39[%swap3A_380] : memref<16xi32, #tpu.memory_space<smem>>
    %sub3A_382 = arith.constant 152 : i32
    %sub3A_383 = arith.subi %sub3A_382, %add3A_356 : i32
    %max3A_384 = arith.constant 0 : i32
    %max3A_385 = arith.maxsi %sub3A_383, %max3A_384 : i32
    %min3A_386 = arith.minsi %shift_right_logical3A_376, %max3A_385 : i32
    %swap3A_387 = arith.constant 9 : i32
    %swap3A_388 = arith.index_cast %swap3A_387 : i32 to index
    %swap3A_389 = memref.load %arg40[%swap3A_388] : memref<16xi32, #tpu.memory_space<smem>>
    memref.store %min3A_386, %arg40[%swap3A_388] : memref<16xi32, #tpu.memory_space<smem>>
    %add3A_390 = arith.addi %add3A_356, %shift_right_logical3A_376 : i32
    %get3A_391 = arith.constant 160 : index
    %get3A_392 = tpu.vector_load %arg37[%get3A_391] {strides = array<i32>} : memref<256xi32, #tpu.memory_space<vmem>>, vector<16xi32>,
    %broadcast_in_dim3A_393 = arith.constant true
    %broadcast_in_dim3A_394 = vector.broadcast %broadcast_in_dim3A_393 : i1 to vector<16xi1>
    %masked_cumsum3A_395 = tpu.scan <sum>, %get3A_392 masked %broadcast_in_dim3A_394 : vector<16xi32>, vector<16xi1> -> vector<16xi32>
    %sub3A_396 = arith.subi %masked_cumsum3A_395, %get3A_392 : vector<16xi32>
    %reduce_sum3A_397 = arith.constant true
    %reduce_sum3A_398 = vector.broadcast %reduce_sum3A_397 : i1 to vector<16xi1>
    %reduce_sum3A_399 = tpu.scan <sum>, %get3A_392 masked %reduce_sum3A_398 : vector<16xi32>, vector<16xi1> -> vector<16xi32>
    %reduce_sum3A_400 = vector.extract %reduce_sum3A_399[15] : i32 from vector<16xi32>
    %mul3A_401 = arith.constant 128 : i32
    %mul3A_402 = arith.muli %add3A_390, %mul3A_401 : i32
    %add3A_403 = vector.broadcast %mul3A_402 : i32 to vector<16xi32>
    %add3A_404 = arith.addi %add3A_403, %sub3A_396 : vector<16xi32>
    %swap3A_405 = arith.constant 160 : index
    %swap3A_406 = tpu.vector_load %arg38[%swap3A_405] {strides = array<i32>} : memref<256xi32, #tpu.memory_space<vmem>>, vector<16xi32>,
    tpu.vector_store %arg38[%swap3A_405], %add3A_404 {strides = array<i32>} : memref<256xi32, #tpu.memory_space<vmem>>, vector<16xi32>,
    %add3A_407 = arith.constant 127 : i32
    %add3A_408 = arith.addi %reduce_sum3A_400, %add3A_407 : i32
    %shift_right_logical3A_409 = arith.constant 7 : i32
    %shift_right_logical3A_410 = arith.shrui %add3A_408, %shift_right_logical3A_409 : i32
    %min3A_411 = arith.constant 152 : i32
    %min3A_412 = arith.minsi %add3A_390, %min3A_411 : i32
    %swap3A_413 = arith.constant 10 : i32
    %swap3A_414 = arith.index_cast %swap3A_413 : i32 to index
    %swap3A_415 = memref.load %arg39[%swap3A_414] : memref<16xi32, #tpu.memory_space<smem>>
    memref.store %min3A_412, %arg39[%swap3A_414] : memref<16xi32, #tpu.memory_space<smem>>
    %sub3A_416 = arith.constant 152 : i32
    %sub3A_417 = arith.subi %sub3A_416, %add3A_390 : i32
    %max3A_418 = arith.constant 0 : i32
    %max3A_419 = arith.maxsi %sub3A_417, %max3A_418 : i32
    %min3A_420 = arith.minsi %shift_right_logical3A_410, %max3A_419 : i32
    %swap3A_421 = arith.constant 10 : i32
    %swap3A_422 = arith.index_cast %swap3A_421 : i32 to index
    %swap3A_423 = memref.load %arg40[%swap3A_422] : memref<16xi32, #tpu.memory_space<smem>>
    memref.store %min3A_420, %arg40[%swap3A_422] : memref<16xi32, #tpu.memory_space<smem>>
    %add3A_424 = arith.addi %add3A_390, %shift_right_logical3A_410 : i32
    %get3A_425 = arith.constant 176 : index
    %get3A_426 = tpu.vector_load %arg37[%get3A_425] {strides = array<i32>} : memref<256xi32, #tpu.memory_space<vmem>>, vector<16xi32>,
    %broadcast_in_dim3A_427 = arith.constant true
    %broadcast_in_dim3A_428 = vector.broadcast %broadcast_in_dim3A_427 : i1 to vector<16xi1>
    %masked_cumsum3A_429 = tpu.scan <sum>, %get3A_426 masked %broadcast_in_dim3A_428 : vector<16xi32>, vector<16xi1> -> vector<16xi32>
    %sub3A_430 = arith.subi %masked_cumsum3A_429, %get3A_426 : vector<16xi32>
    %reduce_sum3A_431 = arith.constant true
    %reduce_sum3A_432 = vector.broadcast %reduce_sum3A_431 : i1 to vector<16xi1>
    %reduce_sum3A_433 = tpu.scan <sum>, %get3A_426 masked %reduce_sum3A_432 : vector<16xi32>, vector<16xi1> -> vector<16xi32>
    %reduce_sum3A_434 = vector.extract %reduce_sum3A_433[15] : i32 from vector<16xi32>
    %mul3A_435 = arith.constant 128 : i32
    %mul3A_436 = arith.muli %add3A_424, %mul3A_435 : i32
    %add3A_437 = vector.broadcast %mul3A_436 : i32 to vector<16xi32>
    %add3A_438 = arith.addi %add3A_437, %sub3A_430 : vector<16xi32>
    %swap3A_439 = arith.constant 176 : index
    %swap3A_440 = tpu.vector_load %arg38[%swap3A_439] {strides = array<i32>} : memref<256xi32, #tpu.memory_space<vmem>>, vector<16xi32>,
    tpu.vector_store %arg38[%swap3A_439], %add3A_438 {strides = array<i32>} : memref<256xi32, #tpu.memory_space<vmem>>, vector<16xi32>,
    %add3A_441 = arith.constant 127 : i32
    %add3A_442 = arith.addi %reduce_sum3A_434, %add3A_441 : i32
    %shift_right_logical3A_443 = arith.constant 7 : i32
    %shift_right_logical3A_444 = arith.shrui %add3A_442, %shift_right_logical3A_443 : i32
    %min3A_445 = arith.constant 152 : i32
    %min3A_446 = arith.minsi %add3A_424, %min3A_445 : i32
    %swap3A_447 = arith.constant 11 : i32
    %swap3A_448 = arith.index_cast %swap3A_447 : i32 to index
    %swap3A_449 = memref.load %arg39[%swap3A_448] : memref<16xi32, #tpu.memory_space<smem>>
    memref.store %min3A_446, %arg39[%swap3A_448] : memref<16xi32, #tpu.memory_space<smem>>
    %sub3A_450 = arith.constant 152 : i32
    %sub3A_451 = arith.subi %sub3A_450, %add3A_424 : i32
    %max3A_452 = arith.constant 0 : i32
    %max3A_453 = arith.maxsi %sub3A_451, %max3A_452 : i32
    %min3A_454 = arith.minsi %shift_right_logical3A_444, %max3A_453 : i32
    %swap3A_455 = arith.constant 11 : i32
    %swap3A_456 = arith.index_cast %swap3A_455 : i32 to index
    %swap3A_457 = memref.load %arg40[%swap3A_456] : memref<16xi32, #tpu.memory_space<smem>>
    memref.store %min3A_454, %arg40[%swap3A_456] : memref<16xi32, #tpu.memory_space<smem>>
    %add3A_458 = arith.addi %add3A_424, %shift_right_logical3A_444 : i32
    %get3A_459 = arith.constant 192 : index
    %get3A_460 = tpu.vector_load %arg37[%get3A_459] {strides = array<i32>} : memref<256xi32, #tpu.memory_space<vmem>>, vector<16xi32>,
    %broadcast_in_dim3A_461 = arith.constant true
    %broadcast_in_dim3A_462 = vector.broadcast %broadcast_in_dim3A_461 : i1 to vector<16xi1>
    %masked_cumsum3A_463 = tpu.scan <sum>, %get3A_460 masked %broadcast_in_dim3A_462 : vector<16xi32>, vector<16xi1> -> vector<16xi32>
    %sub3A_464 = arith.subi %masked_cumsum3A_463, %get3A_460 : vector<16xi32>
    %reduce_sum3A_465 = arith.constant true
    %reduce_sum3A_466 = vector.broadcast %reduce_sum3A_465 : i1 to vector<16xi1>
    %reduce_sum3A_467 = tpu.scan <sum>, %get3A_460 masked %reduce_sum3A_466 : vector<16xi32>, vector<16xi1> -> vector<16xi32>
    %reduce_sum3A_468 = vector.extract %reduce_sum3A_467[15] : i32 from vector<16xi32>
    %mul3A_469 = arith.constant 128 : i32
    %mul3A_470 = arith.muli %add3A_458, %mul3A_469 : i32
    %add3A_471 = vector.broadcast %mul3A_470 : i32 to vector<16xi32>
    %add3A_472 = arith.addi %add3A_471, %sub3A_464 : vector<16xi32>
    %swap3A_473 = arith.constant 192 : index
    %swap3A_474 = tpu.vector_load %arg38[%swap3A_473] {strides = array<i32>} : memref<256xi32, #tpu.memory_space<vmem>>, vector<16xi32>,
    tpu.vector_store %arg38[%swap3A_473], %add3A_472 {strides = array<i32>} : memref<256xi32, #tpu.memory_space<vmem>>, vector<16xi32>,
    %add3A_475 = arith.constant 127 : i32
    %add3A_476 = arith.addi %reduce_sum3A_468, %add3A_475 : i32
    %shift_right_logical3A_477 = arith.constant 7 : i32
    %shift_right_logical3A_478 = arith.shrui %add3A_476, %shift_right_logical3A_477 : i32
    %min3A_479 = arith.constant 152 : i32
    %min3A_480 = arith.minsi %add3A_458, %min3A_479 : i32
    %swap3A_481 = arith.constant 12 : i32
    %swap3A_482 = arith.index_cast %swap3A_481 : i32 to index
    %swap3A_483 = memref.load %arg39[%swap3A_482] : memref<16xi32, #tpu.memory_space<smem>>
    memref.store %min3A_480, %arg39[%swap3A_482] : memref<16xi32, #tpu.memory_space<smem>>
    %sub3A_484 = arith.constant 152 : i32
    %sub3A_485 = arith.subi %sub3A_484, %add3A_458 : i32
    %max3A_486 = arith.constant 0 : i32
    %max3A_487 = arith.maxsi %sub3A_485, %max3A_486 : i32
    %min3A_488 = arith.minsi %shift_right_logical3A_478, %max3A_487 : i32
    %swap3A_489 = arith.constant 12 : i32
    %swap3A_490 = arith.index_cast %swap3A_489 : i32 to index
    %swap3A_491 = memref.load %arg40[%swap3A_490] : memref<16xi32, #tpu.memory_space<smem>>
    memref.store %min3A_488, %arg40[%swap3A_490] : memref<16xi32, #tpu.memory_space<smem>>
    %add3A_492 = arith.addi %add3A_458, %shift_right_logical3A_478 : i32
    %get3A_493 = arith.constant 208 : index
    %get3A_494 = tpu.vector_load %arg37[%get3A_493] {strides = array<i32>} : memref<256xi32, #tpu.memory_space<vmem>>, vector<16xi32>,
    %broadcast_in_dim3A_495 = arith.constant true
    %broadcast_in_dim3A_496 = vector.broadcast %broadcast_in_dim3A_495 : i1 to vector<16xi1>
    %masked_cumsum3A_497 = tpu.scan <sum>, %get3A_494 masked %broadcast_in_dim3A_496 : vector<16xi32>, vector<16xi1> -> vector<16xi32>
    %sub3A_498 = arith.subi %masked_cumsum3A_497, %get3A_494 : vector<16xi32>
    %reduce_sum3A_499 = arith.constant true
    %reduce_sum3A_500 = vector.broadcast %reduce_sum3A_499 : i1 to vector<16xi1>
    %reduce_sum3A_501 = tpu.scan <sum>, %get3A_494 masked %reduce_sum3A_500 : vector<16xi32>, vector<16xi1> -> vector<16xi32>
    %reduce_sum3A_502 = vector.extract %reduce_sum3A_501[15] : i32 from vector<16xi32>
    %mul3A_503 = arith.constant 128 : i32
    %mul3A_504 = arith.muli %add3A_492, %mul3A_503 : i32
    %add3A_505 = vector.broadcast %mul3A_504 : i32 to vector<16xi32>
    %add3A_506 = arith.addi %add3A_505, %sub3A_498 : vector<16xi32>
    %swap3A_507 = arith.constant 208 : index
    %swap3A_508 = tpu.vector_load %arg38[%swap3A_507] {strides = array<i32>} : memref<256xi32, #tpu.memory_space<vmem>>, vector<16xi32>,
    tpu.vector_store %arg38[%swap3A_507], %add3A_506 {strides = array<i32>} : memref<256xi32, #tpu.memory_space<vmem>>, vector<16xi32>,
    %add3A_509 = arith.constant 127 : i32
    %add3A_510 = arith.addi %reduce_sum3A_502, %add3A_509 : i32
    %shift_right_logical3A_511 = arith.constant 7 : i32
    %shift_right_logical3A_512 = arith.shrui %add3A_510, %shift_right_logical3A_511 : i32
    %min3A_513 = arith.constant 152 : i32
    %min3A_514 = arith.minsi %add3A_492, %min3A_513 : i32
    %swap3A_515 = arith.constant 13 : i32
    %swap3A_516 = arith.index_cast %swap3A_515 : i32 to index
    %swap3A_517 = memref.load %arg39[%swap3A_516] : memref<16xi32, #tpu.memory_space<smem>>
    memref.store %min3A_514, %arg39[%swap3A_516] : memref<16xi32, #tpu.memory_space<smem>>
    %sub3A_518 = arith.constant 152 : i32
    %sub3A_519 = arith.subi %sub3A_518, %add3A_492 : i32
    %max3A_520 = arith.constant 0 : i32
    %max3A_521 = arith.maxsi %sub3A_519, %max3A_520 : i32
    %min3A_522 = arith.minsi %shift_right_logical3A_512, %max3A_521 : i32
    %swap3A_523 = arith.constant 13 : i32
    %swap3A_524 = arith.index_cast %swap3A_523 : i32 to index
    %swap3A_525 = memref.load %arg40[%swap3A_524] : memref<16xi32, #tpu.memory_space<smem>>
    memref.store %min3A_522, %arg40[%swap3A_524] : memref<16xi32, #tpu.memory_space<smem>>
    %add3A_526 = arith.addi %add3A_492, %shift_right_logical3A_512 : i32
    %get3A_527 = arith.constant 224 : index
    %get3A_528 = tpu.vector_load %arg37[%get3A_527] {strides = array<i32>} : memref<256xi32, #tpu.memory_space<vmem>>, vector<16xi32>,
    %broadcast_in_dim3A_529 = arith.constant true
    %broadcast_in_dim3A_530 = vector.broadcast %broadcast_in_dim3A_529 : i1 to vector<16xi1>
    %masked_cumsum3A_531 = tpu.scan <sum>, %get3A_528 masked %broadcast_in_dim3A_530 : vector<16xi32>, vector<16xi1> -> vector<16xi32>
    %sub3A_532 = arith.subi %masked_cumsum3A_531, %get3A_528 : vector<16xi32>
    %reduce_sum3A_533 = arith.constant true
    %reduce_sum3A_534 = vector.broadcast %reduce_sum3A_533 : i1 to vector<16xi1>
    %reduce_sum3A_535 = tpu.scan <sum>, %get3A_528 masked %reduce_sum3A_534 : vector<16xi32>, vector<16xi1> -> vector<16xi32>
    %reduce_sum3A_536 = vector.extract %reduce_sum3A_535[15] : i32 from vector<16xi32>
    %mul3A_537 = arith.constant 128 : i32
    %mul3A_538 = arith.muli %add3A_526, %mul3A_537 : i32
    %add3A_539 = vector.broadcast %mul3A_538 : i32 to vector<16xi32>
    %add3A_540 = arith.addi %add3A_539, %sub3A_532 : vector<16xi32>
    %swap3A_541 = arith.constant 224 : index
    %swap3A_542 = tpu.vector_load %arg38[%swap3A_541] {strides = array<i32>} : memref<256xi32, #tpu.memory_space<vmem>>, vector<16xi32>,
    tpu.vector_store %arg38[%swap3A_541], %add3A_540 {strides = array<i32>} : memref<256xi32, #tpu.memory_space<vmem>>, vector<16xi32>,
    %add3A_543 = arith.constant 127 : i32
    %add3A_544 = arith.addi %reduce_sum3A_536, %add3A_543 : i32
    %shift_right_logical3A_545 = arith.constant 7 : i32
    %shift_right_logical3A_546 = arith.shrui %add3A_544, %shift_right_logical3A_545 : i32
    %min3A_547 = arith.constant 152 : i32
    %min3A_548 = arith.minsi %add3A_526, %min3A_547 : i32
    %swap3A_549 = arith.constant 14 : i32
    %swap3A_550 = arith.index_cast %swap3A_549 : i32 to index
    %swap3A_551 = memref.load %arg39[%swap3A_550] : memref<16xi32, #tpu.memory_space<smem>>
    memref.store %min3A_548, %arg39[%swap3A_550] : memref<16xi32, #tpu.memory_space<smem>>
    %sub3A_552 = arith.constant 152 : i32
    %sub3A_553 = arith.subi %sub3A_552, %add3A_526 : i32
    %max3A_554 = arith.constant 0 : i32
    %max3A_555 = arith.maxsi %sub3A_553, %max3A_554 : i32
    %min3A_556 = arith.minsi %shift_right_logical3A_546, %max3A_555 : i32
    %swap3A_557 = arith.constant 14 : i32
    %swap3A_558 = arith.index_cast %swap3A_557 : i32 to index
    %swap3A_559 = memref.load %arg40[%swap3A_558] : memref<16xi32, #tpu.memory_space<smem>>
    memref.store %min3A_556, %arg40[%swap3A_558] : memref<16xi32, #tpu.memory_space<smem>>
    %add3A_560 = arith.addi %add3A_526, %shift_right_logical3A_546 : i32
    %get3A_561 = arith.constant 240 : index
    %get3A_562 = tpu.vector_load %arg37[%get3A_561] {strides = array<i32>} : memref<256xi32, #tpu.memory_space<vmem>>, vector<16xi32>,
    %broadcast_in_dim3A_563 = arith.constant true
    %broadcast_in_dim3A_564 = vector.broadcast %broadcast_in_dim3A_563 : i1 to vector<16xi1>
    %masked_cumsum3A_565 = tpu.scan <sum>, %get3A_562 masked %broadcast_in_dim3A_564 : vector<16xi32>, vector<16xi1> -> vector<16xi32>
    %sub3A_566 = arith.subi %masked_cumsum3A_565, %get3A_562 : vector<16xi32>
    %reduce_sum3A_567 = arith.constant true
    %reduce_sum3A_568 = vector.broadcast %reduce_sum3A_567 : i1 to vector<16xi1>
    %reduce_sum3A_569 = tpu.scan <sum>, %get3A_562 masked %reduce_sum3A_568 : vector<16xi32>, vector<16xi1> -> vector<16xi32>
    %reduce_sum3A_570 = vector.extract %reduce_sum3A_569[15] : i32 from vector<16xi32>
    %mul3A_571 = arith.constant 128 : i32
    %mul3A_572 = arith.muli %add3A_560, %mul3A_571 : i32
    %add3A_573 = vector.broadcast %mul3A_572 : i32 to vector<16xi32>
    %add3A_574 = arith.addi %add3A_573, %sub3A_566 : vector<16xi32>
    %swap3A_575 = arith.constant 240 : index
    %swap3A_576 = tpu.vector_load %arg38[%swap3A_575] {strides = array<i32>} : memref<256xi32, #tpu.memory_space<vmem>>, vector<16xi32>,
    tpu.vector_store %arg38[%swap3A_575], %add3A_574 {strides = array<i32>} : memref<256xi32, #tpu.memory_space<vmem>>, vector<16xi32>,
    %add3A_577 = arith.constant 127 : i32
    %add3A_578 = arith.addi %reduce_sum3A_570, %add3A_577 : i32
    %shift_right_logical3A_579 = arith.constant 7 : i32
    %shift_right_logical3A_580 = arith.shrui %add3A_578, %shift_right_logical3A_579 : i32
    %min3A_581 = arith.constant 152 : i32
    %min3A_582 = arith.minsi %add3A_560, %min3A_581 : i32
    %swap3A_583 = arith.constant 15 : i32
    %swap3A_584 = arith.index_cast %swap3A_583 : i32 to index
    %swap3A_585 = memref.load %arg39[%swap3A_584] : memref<16xi32, #tpu.memory_space<smem>>
    memref.store %min3A_582, %arg39[%swap3A_584] : memref<16xi32, #tpu.memory_space<smem>>
    %sub3A_586 = arith.constant 152 : i32
    %sub3A_587 = arith.subi %sub3A_586, %add3A_560 : i32
    %max3A_588 = arith.constant 0 : i32
    %max3A_589 = arith.maxsi %sub3A_587, %max3A_588 : i32
    %min3A_590 = arith.minsi %shift_right_logical3A_580, %max3A_589 : i32
    %swap3A_591 = arith.constant 15 : i32
    %swap3A_592 = arith.index_cast %swap3A_591 : i32 to index
    %swap3A_593 = memref.load %arg40[%swap3A_592] : memref<16xi32, #tpu.memory_space<smem>>
    memref.store %min3A_590, %arg40[%swap3A_592] : memref<16xi32, #tpu.memory_space<smem>>
    %add3A_594 = arith.addi %add3A_560, %shift_right_logical3A_580 : i32
    %scan3A_595 = arith.constant 0 : i32
    %scan3A_596 = arith.constant 152 : i32
    %scan3A_597 = arith.addi %scan3A_595, %scan3A_596 : i32
    %scan3A_598 = arith.constant 1 : i32
    scf.for %scan3A_668 = %scan3A_595 to %scan3A_597 step %scan3A_598  : i32 {
      %mul3A_669 = arith.constant 128 : i32
      %mul3A_670 = arith.muli %scan3A_668, %mul3A_669 : i32
      %add3A_671 = arith.constant 0 : i32
      %add3A_672 = arith.addi %mul3A_670, %add3A_671 : i32
      %add3A_673 = vector.broadcast %add3A_672 : i32 to vector<16xi32>
      %add3A_674 = arith.addi %add3A_673, %iota3A : vector<16xi32>
      %and3A = arith.constant 511 : i32
      %and3A_675 = vector.broadcast %and3A : i32 to vector<16xi32>
      %and3A_676 = arith.andi %add3A_674, %and3A_675 : vector<16xi32>
      %add3A_677 = arith.constant 524288 : i32
      %add3A_678 = vector.broadcast %add3A_677 : i32 to vector<16xi32>
      %add3A_679 = arith.addi %add3A_678, %and3A_676 : vector<16xi32>
      %swap3A_680 = arith.index_cast %scan3A_668 : i32 to index
      %swap3A_681 = arith.constant 0 : index
      %swap3A_682 = tpu.vector_load %arg11[%swap3A_680, %swap3A_681] {strides = array<i32>} : memref<152x128xi32, #tpu.memory_space<vmem>>, vector<16xi32>,
      tpu.vector_store %arg11[%swap3A_680, %swap3A_681], %add3A_679 {strides = array<i32>} : memref<152x128xi32, #tpu.memory_space<vmem>>, vector<16xi32>,
      %mul3A_683 = arith.constant 128 : i32
      %mul3A_684 = arith.muli %scan3A_668, %mul3A_683 : i32
      %add3A_685 = arith.constant 16 : i32
      %add3A_686 = arith.addi %mul3A_684, %add3A_685 : i32
      %add3A_687 = vector.broadcast %add3A_686 : i32 to vector<16xi32>
      %add3A_688 = arith.addi %add3A_687, %iota3A : vector<16xi32>
      %and3A_689 = arith.constant 511 : i32
      %and3A_690 = vector.broadcast %and3A_689 : i32 to vector<16xi32>
      %and3A_691 = arith.andi %add3A_688, %and3A_690 : vector<16xi32>
      %add3A_692 = arith.constant 524288 : i32
      %add3A_693 = vector.broadcast %add3A_692 : i32 to vector<16xi32>
      %add3A_694 = arith.addi %add3A_693, %and3A_691 : vector<16xi32>
      %swap3A_695 = arith.index_cast %scan3A_668 : i32 to index
      %swap3A_696 = arith.constant 16 : index
      %swap3A_697 = tpu.vector_load %arg11[%swap3A_695, %swap3A_696] {strides = array<i32>} : memref<152x128xi32, #tpu.memory_space<vmem>>, vector<16xi32>,
      tpu.vector_store %arg11[%swap3A_695, %swap3A_696], %add3A_694 {strides = array<i32>} : memref<152x128xi32, #tpu.memory_space<vmem>>, vector<16xi32>,
      %mul3A_698 = arith.constant 128 : i32
      %mul3A_699 = arith.muli %scan3A_668, %mul3A_698 : i32
      %add3A_700 = arith.constant 32 : i32
      %add3A_701 = arith.addi %mul3A_699, %add3A_700 : i32
      %add3A_702 = vector.broadcast %add3A_701 : i32 to vector<16xi32>
      %add3A_703 = arith.addi %add3A_702, %iota3A : vector<16xi32>
      %and3A_704 = arith.constant 511 : i32
      %and3A_705 = vector.broadcast %and3A_704 : i32 to vector<16xi32>
      %and3A_706 = arith.andi %add3A_703, %and3A_705 : vector<16xi32>
      %add3A_707 = arith.constant 524288 : i32
      %add3A_708 = vector.broadcast %add3A_707 : i32 to vector<16xi32>
      %add3A_709 = arith.addi %add3A_708, %and3A_706 : vector<16xi32>
      %swap3A_710 = arith.index_cast %scan3A_668 : i32 to index
      %swap3A_711 = arith.constant 32 : index
      %swap3A_712 = tpu.vector_load %arg11[%swap3A_710, %swap3A_711] {strides = array<i32>} : memref<152x128xi32, #tpu.memory_space<vmem>>, vector<16xi32>,
      tpu.vector_store %arg11[%swap3A_710, %swap3A_711], %add3A_709 {strides = array<i32>} : memref<152x128xi32, #tpu.memory_space<vmem>>, vector<16xi32>,
      %mul3A_713 = arith.constant 128 : i32
      %mul3A_714 = arith.muli %scan3A_668, %mul3A_713 : i32
      %add3A_715 = arith.constant 48 : i32
      %add3A_716 = arith.addi %mul3A_714, %add3A_715 : i32
      %add3A_717 = vector.broadcast %add3A_716 : i32 to vector<16xi32>
      %add3A_718 = arith.addi %add3A_717, %iota3A : vector<16xi32>
      %and3A_719 = arith.constant 511 : i32
      %and3A_720 = vector.broadcast %and3A_719 : i32 to vector<16xi32>
      %and3A_721 = arith.andi %add3A_718, %and3A_720 : vector<16xi32>
      %add3A_722 = arith.constant 524288 : i32
      %add3A_723 = vector.broadcast %add3A_722 : i32 to vector<16xi32>
      %add3A_724 = arith.addi %add3A_723, %and3A_721 : vector<16xi32>
      %swap3A_725 = arith.index_cast %scan3A_668 : i32 to index
      %swap3A_726 = arith.constant 48 : index
      %swap3A_727 = tpu.vector_load %arg11[%swap3A_725, %swap3A_726] {strides = array<i32>} : memref<152x128xi32, #tpu.memory_space<vmem>>, vector<16xi32>,
      tpu.vector_store %arg11[%swap3A_725, %swap3A_726], %add3A_724 {strides = array<i32>} : memref<152x128xi32, #tpu.memory_space<vmem>>, vector<16xi32>,
      %mul3A_728 = arith.constant 128 : i32
      %mul3A_729 = arith.muli %scan3A_668, %mul3A_728 : i32
      %add3A_730 = arith.constant 64 : i32
      %add3A_731 = arith.addi %mul3A_729, %add3A_730 : i32
      %add3A_732 = vector.broadcast %add3A_731 : i32 to vector<16xi32>
      %add3A_733 = arith.addi %add3A_732, %iota3A : vector<16xi32>
      %and3A_734 = arith.constant 511 : i32
      %and3A_735 = vector.broadcast %and3A_734 : i32 to vector<16xi32>
      %and3A_736 = arith.andi %add3A_733, %and3A_735 : vector<16xi32>
      %add3A_737 = arith.constant 524288 : i32
      %add3A_738 = vector.broadcast %add3A_737 : i32 to vector<16xi32>
      %add3A_739 = arith.addi %add3A_738, %and3A_736 : vector<16xi32>
      %swap3A_740 = arith.index_cast %scan3A_668 : i32 to index
      %swap3A_741 = arith.constant 64 : index
      %swap3A_742 = tpu.vector_load %arg11[%swap3A_740, %swap3A_741] {strides = array<i32>} : memref<152x128xi32, #tpu.memory_space<vmem>>, vector<16xi32>,
      tpu.vector_store %arg11[%swap3A_740, %swap3A_741], %add3A_739 {strides = array<i32>} : memref<152x128xi32, #tpu.memory_space<vmem>>, vector<16xi32>,
      %mul3A_743 = arith.constant 128 : i32
      %mul3A_744 = arith.muli %scan3A_668, %mul3A_743 : i32
      %add3A_745 = arith.constant 80 : i32
      %add3A_746 = arith.addi %mul3A_744, %add3A_745 : i32
      %add3A_747 = vector.broadcast %add3A_746 : i32 to vector<16xi32>
      %add3A_748 = arith.addi %add3A_747, %iota3A : vector<16xi32>
      %and3A_749 = arith.constant 511 : i32
      %and3A_750 = vector.broadcast %and3A_749 : i32 to vector<16xi32>
      %and3A_751 = arith.andi %add3A_748, %and3A_750 : vector<16xi32>
      %add3A_752 = arith.constant 524288 : i32
      %add3A_753 = vector.broadcast %add3A_752 : i32 to vector<16xi32>
      %add3A_754 = arith.addi %add3A_753, %and3A_751 : vector<16xi32>
      %swap3A_755 = arith.index_cast %scan3A_668 : i32 to index
      %swap3A_756 = arith.constant 80 : index
      %swap3A_757 = tpu.vector_load %arg11[%swap3A_755, %swap3A_756] {strides = array<i32>} : memref<152x128xi32, #tpu.memory_space<vmem>>, vector<16xi32>,
      tpu.vector_store %arg11[%swap3A_755, %swap3A_756], %add3A_754 {strides = array<i32>} : memref<152x128xi32, #tpu.memory_space<vmem>>, vector<16xi32>,
      %mul3A_758 = arith.constant 128 : i32
      %mul3A_759 = arith.muli %scan3A_668, %mul3A_758 : i32
      %add3A_760 = arith.constant 96 : i32
      %add3A_761 = arith.addi %mul3A_759, %add3A_760 : i32
      %add3A_762 = vector.broadcast %add3A_761 : i32 to vector<16xi32>
      %add3A_763 = arith.addi %add3A_762, %iota3A : vector<16xi32>
      %and3A_764 = arith.constant 511 : i32
      %and3A_765 = vector.broadcast %and3A_764 : i32 to vector<16xi32>
      %and3A_766 = arith.andi %add3A_763, %and3A_765 : vector<16xi32>
      %add3A_767 = arith.constant 524288 : i32
      %add3A_768 = vector.broadcast %add3A_767 : i32 to vector<16xi32>
      %add3A_769 = arith.addi %add3A_768, %and3A_766 : vector<16xi32>
      %swap3A_770 = arith.index_cast %scan3A_668 : i32 to index
      %swap3A_771 = arith.constant 96 : index
      %swap3A_772 = tpu.vector_load %arg11[%swap3A_770, %swap3A_771] {strides = array<i32>} : memref<152x128xi32, #tpu.memory_space<vmem>>, vector<16xi32>,
      tpu.vector_store %arg11[%swap3A_770, %swap3A_771], %add3A_769 {strides = array<i32>} : memref<152x128xi32, #tpu.memory_space<vmem>>, vector<16xi32>,
      %mul3A_773 = arith.constant 128 : i32
      %mul3A_774 = arith.muli %scan3A_668, %mul3A_773 : i32
      %add3A_775 = arith.constant 112 : i32
      %add3A_776 = arith.addi %mul3A_774, %add3A_775 : i32
      %add3A_777 = vector.broadcast %add3A_776 : i32 to vector<16xi32>
      %add3A_778 = arith.addi %add3A_777, %iota3A : vector<16xi32>
      %and3A_779 = arith.constant 511 : i32
      %and3A_780 = vector.broadcast %and3A_779 : i32 to vector<16xi32>
      %and3A_781 = arith.andi %add3A_778, %and3A_780 : vector<16xi32>
      %add3A_782 = arith.constant 524288 : i32
      %add3A_783 = vector.broadcast %add3A_782 : i32 to vector<16xi32>
      %add3A_784 = arith.addi %add3A_783, %and3A_781 : vector<16xi32>
      %swap3A_785 = arith.index_cast %scan3A_668 : i32 to index
      %swap3A_786 = arith.constant 112 : index
      %swap3A_787 = tpu.vector_load %arg11[%swap3A_785, %swap3A_786] {strides = array<i32>} : memref<152x128xi32, #tpu.memory_space<vmem>>, vector<16xi32>,
      tpu.vector_store %arg11[%swap3A_785, %swap3A_786], %add3A_784 {strides = array<i32>} : memref<152x128xi32, #tpu.memory_space<vmem>>, vector<16xi32>,
    }
    %scan3A_599 = arith.constant 152 : i32
    %add3A_600 = arith.constant 0 : i32
    %add3A_601 = arith.addi %mul3A_0, %add3A_600 : i32
    %dma_start3A_602 = tpu.memref_slice %arg2[%add3A_601] : memref<524288xi32, #tpu.memory_space<hbm>> -> memref<256xi32, #tpu.memory_space<hbm>>
    %dma_start3A_603 = tpu.memref_slice %arg2[%add3A_601] : memref<524288xi32, #tpu.memory_space<hbm>> -> memref<256xi32, #tpu.memory_space<hbm>>
    tpu.enqueue_dma source(%dma_start3A_603 : memref<256xi32, #tpu.memory_space<hbm>>) target(%arg14 : memref<256xi32, #tpu.memory_space<vmem>>) target_semaphore(%arg41 : memref<!tpu.dma_semaphore, #tpu.memory_space<semaphore_mem>>)
    %dma_start3A_604 = tpu.memref_slice %arg3[%add3A_601] : memref<524288xi32, #tpu.memory_space<hbm>> -> memref<256xi32, #tpu.memory_space<hbm>>
    %dma_start3A_605 = tpu.memref_slice %arg3[%add3A_601] : memref<524288xi32, #tpu.memory_space<hbm>> -> memref<256xi32, #tpu.memory_space<hbm>>
    tpu.enqueue_dma source(%dma_start3A_605 : memref<256xi32, #tpu.memory_space<hbm>>) target(%arg15 : memref<256xi32, #tpu.memory_space<vmem>>) target_semaphore(%arg41 : memref<!tpu.dma_semaphore, #tpu.memory_space<semaphore_mem>>)
    %dma_start3A_606 = tpu.memref_slice %arg4[%add3A_601] : memref<524288xi32, #tpu.memory_space<hbm>> -> memref<256xi32, #tpu.memory_space<hbm>>
    %dma_start3A_607 = tpu.memref_slice %arg4[%add3A_601] : memref<524288xi32, #tpu.memory_space<hbm>> -> memref<256xi32, #tpu.memory_space<hbm>>
    tpu.enqueue_dma source(%dma_start3A_607 : memref<256xi32, #tpu.memory_space<hbm>>) target(%arg16 : memref<256xi32, #tpu.memory_space<vmem>>) target_semaphore(%arg41 : memref<!tpu.dma_semaphore, #tpu.memory_space<semaphore_mem>>)
    %dma_start3A_608 = tpu.memref_slice %arg5[%add3A_601] : memref<524288xf32, #tpu.memory_space<hbm>> -> memref<256xf32, #tpu.memory_space<hbm>>
    %dma_start3A_609 = tpu.memref_slice %arg5[%add3A_601] : memref<524288xf32, #tpu.memory_space<hbm>> -> memref<256xf32, #tpu.memory_space<hbm>>
    tpu.enqueue_dma source(%dma_start3A_609 : memref<256xf32, #tpu.memory_space<hbm>>) target(%arg17 : memref<256xf32, #tpu.memory_space<vmem>>) target_semaphore(%arg41 : memref<!tpu.dma_semaphore, #tpu.memory_space<semaphore_mem>>)
    %dma_start3A_610 = tpu.memref_slice %arg6[%add3A_601] : memref<524288xf32, #tpu.memory_space<hbm>> -> memref<256xf32, #tpu.memory_space<hbm>>
    %dma_start3A_611 = tpu.memref_slice %arg6[%add3A_601] : memref<524288xf32, #tpu.memory_space<hbm>> -> memref<256xf32, #tpu.memory_space<hbm>>
    tpu.enqueue_dma source(%dma_start3A_611 : memref<256xf32, #tpu.memory_space<hbm>>) target(%arg18 : memref<256xf32, #tpu.memory_space<vmem>>) target_semaphore(%arg41 : memref<!tpu.dma_semaphore, #tpu.memory_space<semaphore_mem>>)
    %add3A_612 = arith.constant 256 : i32
    %add3A_613 = arith.addi %mul3A_0, %add3A_612 : i32
    %dma_start3A_614 = tpu.memref_slice %arg2[%add3A_613] : memref<524288xi32, #tpu.memory_space<hbm>> -> memref<256xi32, #tpu.memory_space<hbm>>
    %dma_start3A_615 = tpu.memref_slice %arg2[%add3A_613] : memref<524288xi32, #tpu.memory_space<hbm>> -> memref<256xi32, #tpu.memory_space<hbm>>
    tpu.enqueue_dma source(%dma_start3A_615 : memref<256xi32, #tpu.memory_space<hbm>>) target(%arg19 : memref<256xi32, #tpu.memory_space<vmem>>) target_semaphore(%arg42 : memref<!tpu.dma_semaphore, #tpu.memory_space<semaphore_mem>>)
    %dma_start3A_616 = tpu.memref_slice %arg3[%add3A_613] : memref<524288xi32, #tpu.memory_space<hbm>> -> memref<256xi32, #tpu.memory_space<hbm>>
    %dma_start3A_617 = tpu.memref_slice %arg3[%add3A_613] : memref<524288xi32, #tpu.memory_space<hbm>> -> memref<256xi32, #tpu.memory_space<hbm>>
    tpu.enqueue_dma source(%dma_start3A_617 : memref<256xi32, #tpu.memory_space<hbm>>) target(%arg20 : memref<256xi32, #tpu.memory_space<vmem>>) target_semaphore(%arg42 : memref<!tpu.dma_semaphore, #tpu.memory_space<semaphore_mem>>)
    %dma_start3A_618 = tpu.memref_slice %arg4[%add3A_613] : memref<524288xi32, #tpu.memory_space<hbm>> -> memref<256xi32, #tpu.memory_space<hbm>>
    %dma_start3A_619 = tpu.memref_slice %arg4[%add3A_613] : memref<524288xi32, #tpu.memory_space<hbm>> -> memref<256xi32, #tpu.memory_space<hbm>>
    tpu.enqueue_dma source(%dma_start3A_619 : memref<256xi32, #tpu.memory_space<hbm>>) target(%arg21 : memref<256xi32, #tpu.memory_space<vmem>>) target_semaphore(%arg42 : memref<!tpu.dma_semaphore, #tpu.memory_space<semaphore_mem>>)
    %dma_start3A_620 = tpu.memref_slice %arg5[%add3A_613] : memref<524288xf32, #tpu.memory_space<hbm>> -> memref<256xf32, #tpu.memory_space<hbm>>
    %dma_start3A_621 = tpu.memref_slice %arg5[%add3A_613] : memref<524288xf32, #tpu.memory_space<hbm>> -> memref<256xf32, #tpu.memory_space<hbm>>
    tpu.enqueue_dma source(%dma_start3A_621 : memref<256xf32, #tpu.memory_space<hbm>>) target(%arg22 : memref<256xf32, #tpu.memory_space<vmem>>) target_semaphore(%arg42 : memref<!tpu.dma_semaphore, #tpu.memory_space<semaphore_mem>>)
    %dma_start3A_622 = tpu.memref_slice %arg6[%add3A_613] : memref<524288xf32, #tpu.memory_space<hbm>> -> memref<256xf32, #tpu.memory_space<hbm>>
    %dma_start3A_623 = tpu.memref_slice %arg6[%add3A_613] : memref<524288xf32, #tpu.memory_space<hbm>> -> memref<256xf32, #tpu.memory_space<hbm>>
    tpu.enqueue_dma source(%dma_start3A_623 : memref<256xf32, #tpu.memory_space<hbm>>) target(%arg23 : memref<256xf32, #tpu.memory_space<vmem>>) target_semaphore(%arg42 : memref<!tpu.dma_semaphore, #tpu.memory_space<semaphore_mem>>)
    %scan3A_624 = arith.constant 0 : i32
    %scan3A_625 = arith.constant 63 : i32
    %scan3A_626 = arith.addi %scan3A_624, %scan3A_625 : i32
    %scan3A_627 = arith.constant 1 : i32
    scf.for %scan3A_668 = %scan3A_624 to %scan3A_626 step %scan3A_627  : i32 {
      %mul3A_669 = arith.constant 2 : i32
      %mul3A_670 = arith.muli %mul3A_669, %scan3A_668 : i32
      %mul3A_671 = arith.constant 2 : i32
      %mul3A_672 = arith.muli %mul3A_671, %scan3A_668 : i32
      %add3A_673 = arith.constant 1 : i32
      %add3A_674 = arith.addi %mul3A_672, %add3A_673 : i32
      %mul3A_675 = arith.constant 256 : i32
      %mul3A_676 = arith.muli %mul3A_670, %mul3A_675 : i32
      %add3A_677 = arith.addi %mul3A_0, %mul3A_676 : i32
      %dma_wait3A_678 = tpu.memref_slice %arg2[%add3A_677] : memref<524288xi32, #tpu.memory_space<hbm>> -> memref<256xi32, #tpu.memory_space<hbm>>
      %dma_wait3A_679 = tpu.memref_slice %arg2[%add3A_677] : memref<524288xi32, #tpu.memory_space<hbm>> -> memref<256xi32, #tpu.memory_space<hbm>>
      tpu.wait_dma2 semaphore(%arg41 : memref<!tpu.dma_semaphore, #tpu.memory_space<semaphore_mem>>) src(%dma_wait3A_679 : memref<256xi32, #tpu.memory_space<hbm>>) dst(%arg14 : memref<256xi32, #tpu.memory_space<vmem>>)
      %dma_wait3A_680 = tpu.memref_slice %arg3[%add3A_677] : memref<524288xi32, #tpu.memory_space<hbm>> -> memref<256xi32, #tpu.memory_space<hbm>>
      %dma_wait3A_681 = tpu.memref_slice %arg3[%add3A_677] : memref<524288xi32, #tpu.memory_space<hbm>> -> memref<256xi32, #tpu.memory_space<hbm>>
      tpu.wait_dma2 semaphore(%arg41 : memref<!tpu.dma_semaphore, #tpu.memory_space<semaphore_mem>>) src(%dma_wait3A_681 : memref<256xi32, #tpu.memory_space<hbm>>) dst(%arg15 : memref<256xi32, #tpu.memory_space<vmem>>)
      %dma_wait3A_682 = tpu.memref_slice %arg4[%add3A_677] : memref<524288xi32, #tpu.memory_space<hbm>> -> memref<256xi32, #tpu.memory_space<hbm>>
      %dma_wait3A_683 = tpu.memref_slice %arg4[%add3A_677] : memref<524288xi32, #tpu.memory_space<hbm>> -> memref<256xi32, #tpu.memory_space<hbm>>
      tpu.wait_dma2 semaphore(%arg41 : memref<!tpu.dma_semaphore, #tpu.memory_space<semaphore_mem>>) src(%dma_wait3A_683 : memref<256xi32, #tpu.memory_space<hbm>>) dst(%arg16 : memref<256xi32, #tpu.memory_space<vmem>>)
      %dma_wait3A_684 = tpu.memref_slice %arg5[%add3A_677] : memref<524288xf32, #tpu.memory_space<hbm>> -> memref<256xf32, #tpu.memory_space<hbm>>
      %dma_wait3A_685 = tpu.memref_slice %arg5[%add3A_677] : memref<524288xf32, #tpu.memory_space<hbm>> -> memref<256xf32, #tpu.memory_space<hbm>>
      tpu.wait_dma2 semaphore(%arg41 : memref<!tpu.dma_semaphore, #tpu.memory_space<semaphore_mem>>) src(%dma_wait3A_685 : memref<256xf32, #tpu.memory_space<hbm>>) dst(%arg17 : memref<256xf32, #tpu.memory_space<vmem>>)
      %dma_wait3A_686 = tpu.memref_slice %arg6[%add3A_677] : memref<524288xf32, #tpu.memory_space<hbm>> -> memref<256xf32, #tpu.memory_space<hbm>>
      %dma_wait3A_687 = tpu.memref_slice %arg6[%add3A_677] : memref<524288xf32, #tpu.memory_space<hbm>> -> memref<256xf32, #tpu.memory_space<hbm>>
      tpu.wait_dma2 semaphore(%arg41 : memref<!tpu.dma_semaphore, #tpu.memory_space<semaphore_mem>>) src(%dma_wait3A_687 : memref<256xf32, #tpu.memory_space<hbm>>) dst(%arg18 : memref<256xf32, #tpu.memory_space<vmem>>)
      %scan3A_688 = arith.constant 0 : i32
      %scan3A_689 = arith.constant 16 : i32
      %scan3A_690 = arith.addi %scan3A_688, %scan3A_689 : i32
      %scan3A_691 = arith.constant 1 : i32
      scf.for %scan3A_741 = %scan3A_688 to %scan3A_690 step %scan3A_691  : i32 {
        %mul3A_742 = arith.constant 16 : i32
        %mul3A_743 = arith.muli %scan3A_741, %mul3A_742 : i32
        %get3A_744 = arith.index_cast %mul3A_743 : i32 to index
        %get3A_745 = tpu.vector_load %arg14[%get3A_744] {strides = array<i32>} : memref<256xi32, #tpu.memory_space<vmem>>, vector<16xi32>,
        %mul3A_746 = arith.constant 16 : i32
        %mul3A_747 = arith.muli %scan3A_741, %mul3A_746 : i32
        %get3A_748 = arith.index_cast %mul3A_747 : i32 to index
        %get3A_749 = tpu.vector_load %arg15[%get3A_748] {strides = array<i32>} : memref<256xi32, #tpu.memory_space<vmem>>, vector<16xi32>,
        %mul3A_750 = arith.constant 16 : i32
        %mul3A_751 = arith.muli %scan3A_741, %mul3A_750 : i32
        %get3A_752 = arith.index_cast %mul3A_751 : i32 to index
        %get3A_753 = tpu.vector_load %arg16[%get3A_752] {strides = array<i32>} : memref<256xi32, #tpu.memory_space<vmem>>, vector<16xi32>,
        %mul3A_754 = arith.constant 16 : i32
        %mul3A_755 = arith.muli %scan3A_741, %mul3A_754 : i32
        %get3A_756 = arith.index_cast %mul3A_755 : i32 to index
        %get3A_757 = tpu.vector_load %arg17[%get3A_756] {strides = array<i32>} : memref<256xf32, #tpu.memory_space<vmem>>, vector<16xf32>,
        %mul3A_758 = arith.constant 16 : i32
        %mul3A_759 = arith.muli %scan3A_741, %mul3A_758 : i32
        %get3A_760 = arith.index_cast %mul3A_759 : i32 to index
        %get3A_761 = tpu.vector_load %arg18[%get3A_760] {strides = array<i32>} : memref<256xf32, #tpu.memory_space<vmem>>, vector<16xf32>,
        %ge3A = arith.constant 0 : i32
        %ge3A_762 = vector.broadcast %ge3A : i32 to vector<16xi32>
        %ge3A_763 = arith.cmpi sge, %get3A_745, %ge3A_762 : vector<16xi32>
        %lt3A = arith.constant 256 : i32
        %lt3A_764 = vector.broadcast %lt3A : i32 to vector<16xi32>
        %lt3A_765 = arith.cmpi slt, %get3A_745, %lt3A_764 : vector<16xi32>
        %and3A = arith.andi %ge3A_763, %lt3A_765 : vector<16xi1>
        %ge3A_766 = arith.constant 0 : i32
        %ge3A_767 = vector.broadcast %ge3A_766 : i32 to vector<16xi32>
        %ge3A_768 = arith.cmpi sge, %get3A_749, %ge3A_767 : vector<16xi32>
        %and3A_769 = arith.andi %and3A, %ge3A_768 : vector<16xi1>
        %lt3A_770 = arith.constant 256 : i32
        %lt3A_771 = vector.broadcast %lt3A_770 : i32 to vector<16xi32>
        %lt3A_772 = arith.cmpi slt, %get3A_749, %lt3A_771 : vector<16xi32>
        %and3A_773 = arith.andi %and3A_769, %lt3A_772 : vector<16xi1>
        %ge3A_774 = arith.constant 0 : i32
        %ge3A_775 = vector.broadcast %ge3A_774 : i32 to vector<16xi32>
        %ge3A_776 = arith.cmpi sge, %get3A_753, %ge3A_775 : vector<16xi32>
        %and3A_777 = arith.andi %and3A_773, %ge3A_776 : vector<16xi1>
        %lt3A_778 = arith.constant 256 : i32
        %lt3A_779 = vector.broadcast %lt3A_778 : i32 to vector<16xi32>
        %lt3A_780 = arith.cmpi slt, %get3A_753, %lt3A_779 : vector<16xi32>
        %and3A_781 = arith.andi %and3A_777, %lt3A_780 : vector<16xi1>
        %mul3A_782 = arith.constant 65536 : i32
        %mul3A_783 = vector.broadcast %mul3A_782 : i32 to vector<16xi32>
        %mul3A_784 = arith.muli %get3A_745, %mul3A_783 : vector<16xi32>
        %mul3A_785 = arith.constant 256 : i32
        %mul3A_786 = vector.broadcast %mul3A_785 : i32 to vector<16xi32>
        %mul3A_787 = arith.muli %get3A_749, %mul3A_786 : vector<16xi32>
        %add3A_788 = arith.addi %mul3A_784, %mul3A_787 : vector<16xi32>
        %add3A_789 = arith.addi %add3A_788, %get3A_753 : vector<16xi32>
        %shift_right_logical3A_790 = arith.constant 19 : i32
        %shift_right_logical3A_791 = vector.broadcast %shift_right_logical3A_790 : i32 to vector<16xi32>
        %shift_right_logical3A_792 = arith.shrui %add3A_789, %shift_right_logical3A_791 : vector<16xi32>
        %shift_right_logical3A_793 = arith.constant 4 : i32
        %shift_right_logical3A_794 = vector.broadcast %shift_right_logical3A_793 : i32 to vector<16xi32>
        %shift_right_logical3A_795 = arith.shrui %shift_right_logical3A_792, %shift_right_logical3A_794 : vector<16xi32>
        %eq3A = vector.broadcast %arg0 : i32 to vector<16xi32>
        %eq3A_796 = arith.cmpi eq, %shift_right_logical3A_795, %eq3A : vector<16xi32>
        %and3A_797 = arith.andi %and3A_781, %eq3A_796 : vector<16xi1>
        %and3A_798 = arith.constant 15 : i32
        %and3A_799 = vector.broadcast %and3A_798 : i32 to vector<16xi32>
        %and3A_800 = arith.andi %shift_right_logical3A_792, %and3A_799 : vector<16xi32>
        %mul3A_801 = arith.constant 16 : i32
        %mul3A_802 = vector.broadcast %mul3A_801 : i32 to vector<16xi32>
        %mul3A_803 = arith.muli %and3A_800, %mul3A_802 : vector<16xi32>
        %add3A_804 = arith.addi %mul3A_803, %iota3A : vector<16xi32>
        %gather3A = tpu.vector_load_idx %arg38[%add3A_804] masked %and3A_797 : memref<256xi32, #tpu.memory_space<vmem>>[vector<16xi32>], vector<16xi32>, vector<16xi1>
        %lt3A_805 = arith.constant 19456 : i32
        %lt3A_806 = vector.broadcast %lt3A_805 : i32 to vector<16xi32>
        %lt3A_807 = arith.cmpi slt, %gather3A, %lt3A_806 : vector<16xi32>
        %and3A_808 = arith.andi %and3A_797, %lt3A_807 : vector<16xi1>
        %shift_right_logical3A_809 = arith.constant 7 : i32
        %shift_right_logical3A_810 = vector.broadcast %shift_right_logical3A_809 : i32 to vector<16xi32>
        %shift_right_logical3A_811 = arith.shrui %gather3A, %shift_right_logical3A_810 : vector<16xi32>
        %and3A_812 = arith.constant 127 : i32
        %and3A_813 = vector.broadcast %and3A_812 : i32 to vector<16xi32>
        %and3A_814 = arith.andi %gather3A, %and3A_813 : vector<16xi32>
        %and3A_815 = arith.constant 524287 : i32
        %and3A_816 = vector.broadcast %and3A_815 : i32 to vector<16xi32>
        %and3A_817 = arith.andi %add3A_789, %and3A_816 : vector<16xi32>
        tpu.vector_store_idx %arg11[%shift_right_logical3A_811, %and3A_814], %and3A_817 masked %and3A_808 : memref<152x128xi32, #tpu.memory_space<vmem>>[vector<16xi32>, vector<16xi32>], vector<16xi32>, vector<16xi1>
        tpu.vector_store_idx %arg12[%shift_right_logical3A_811, %and3A_814], %get3A_761 masked %and3A_808 : memref<152x128xf32, #tpu.memory_space<vmem>>[vector<16xi32>, vector<16xi32>], vector<16xf32>, vector<16xi1>
        %mul3A_818 = arith.mulf %get3A_761, %get3A_757 : vector<16xf32>
        tpu.vector_store_idx %arg13[%shift_right_logical3A_811, %and3A_814], %mul3A_818 masked %and3A_808 : memref<152x128xf32, #tpu.memory_space<vmem>>[vector<16xi32>, vector<16xi32>], vector<16xf32>, vector<16xi1>
        %add3A_819 = arith.constant 1 : i32
        %add3A_820 = vector.broadcast %add3A_819 : i32 to vector<16xi32>
        %add3A_821 = arith.addi %gather3A, %add3A_820 : vector<16xi32>
        tpu.vector_store_idx %arg38[%add3A_804], %add3A_821 masked %and3A_808 : memref<256xi32, #tpu.memory_space<vmem>>[vector<16xi32>], vector<16xi32>, vector<16xi1>
      }
      %scan3A_692 = arith.constant 16 : i32
      %add3A_693 = arith.constant 2 : i32
      %add3A_694 = arith.addi %mul3A_670, %add3A_693 : i32
      %mul3A_695 = arith.constant 256 : i32
      %mul3A_696 = arith.muli %add3A_694, %mul3A_695 : i32
      %add3A_697 = arith.addi %mul3A_0, %mul3A_696 : i32
      %dma_start3A_698 = tpu.memref_slice %arg2[%add3A_697] : memref<524288xi32, #tpu.memory_space<hbm>> -> memref<256xi32, #tpu.memory_space<hbm>>
      %dma_start3A_699 = tpu.memref_slice %arg2[%add3A_697] : memref<524288xi32, #tpu.memory_space<hbm>> -> memref<256xi32, #tpu.memory_space<hbm>>
      tpu.enqueue_dma source(%dma_start3A_699 : memref<256xi32, #tpu.memory_space<hbm>>) target(%arg14 : memref<256xi32, #tpu.memory_space<vmem>>) target_semaphore(%arg41 : memref<!tpu.dma_semaphore, #tpu.memory_space<semaphore_mem>>)
      %dma_start3A_700 = tpu.memref_slice %arg3[%add3A_697] : memref<524288xi32, #tpu.memory_space<hbm>> -> memref<256xi32, #tpu.memory_space<hbm>>
      %dma_start3A_701 = tpu.memref_slice %arg3[%add3A_697] : memref<524288xi32, #tpu.memory_space<hbm>> -> memref<256xi32, #tpu.memory_space<hbm>>
      tpu.enqueue_dma source(%dma_start3A_701 : memref<256xi32, #tpu.memory_space<hbm>>) target(%arg15 : memref<256xi32, #tpu.memory_space<vmem>>) target_semaphore(%arg41 : memref<!tpu.dma_semaphore, #tpu.memory_space<semaphore_mem>>)
      %dma_start3A_702 = tpu.memref_slice %arg4[%add3A_697] : memref<524288xi32, #tpu.memory_space<hbm>> -> memref<256xi32, #tpu.memory_space<hbm>>
      %dma_start3A_703 = tpu.memref_slice %arg4[%add3A_697] : memref<524288xi32, #tpu.memory_space<hbm>> -> memref<256xi32, #tpu.memory_space<hbm>>
      tpu.enqueue_dma source(%dma_start3A_703 : memref<256xi32, #tpu.memory_space<hbm>>) target(%arg16 : memref<256xi32, #tpu.memory_space<vmem>>) target_semaphore(%arg41 : memref<!tpu.dma_semaphore, #tpu.memory_space<semaphore_mem>>)
      %dma_start3A_704 = tpu.memref_slice %arg5[%add3A_697] : memref<524288xf32, #tpu.memory_space<hbm>> -> memref<256xf32, #tpu.memory_space<hbm>>
      %dma_start3A_705 = tpu.memref_slice %arg5[%add3A_697] : memref<524288xf32, #tpu.memory_space<hbm>> -> memref<256xf32, #tpu.memory_space<hbm>>
      tpu.enqueue_dma source(%dma_start3A_705 : memref<256xf32, #tpu.memory_space<hbm>>) target(%arg17 : memref<256xf32, #tpu.memory_space<vmem>>) target_semaphore(%arg41 : memref<!tpu.dma_semaphore, #tpu.memory_space<semaphore_mem>>)
      %dma_start3A_706 = tpu.memref_slice %arg6[%add3A_697] : memref<524288xf32, #tpu.memory_space<hbm>> -> memref<256xf32, #tpu.memory_space<hbm>>
      %dma_start3A_707 = tpu.memref_slice %arg6[%add3A_697] : memref<524288xf32, #tpu.memory_space<hbm>> -> memref<256xf32, #tpu.memory_space<hbm>>
      tpu.enqueue_dma source(%dma_start3A_707 : memref<256xf32, #tpu.memory_space<hbm>>) target(%arg18 : memref<256xf32, #tpu.memory_space<vmem>>) target_semaphore(%arg41 : memref<!tpu.dma_semaphore, #tpu.memory_space<semaphore_mem>>)
      %mul3A_708 = arith.constant 256 : i32
      %mul3A_709 = arith.muli %add3A_674, %mul3A_708 : i32
      %add3A_710 = arith.addi %mul3A_0, %mul3A_709 : i32
      %dma_wait3A_711 = tpu.memref_slice %arg2[%add3A_710] : memref<524288xi32, #tpu.memory_space<hbm>> -> memref<256xi32, #tpu.memory_space<hbm>>
      %dma_wait3A_712 = tpu.memref_slice %arg2[%add3A_710] : memref<524288xi32, #tpu.memory_space<hbm>> -> memref<256xi32, #tpu.memory_space<hbm>>
      tpu.wait_dma2 semaphore(%arg42 : memref<!tpu.dma_semaphore, #tpu.memory_space<semaphore_mem>>) src(%dma_wait3A_712 : memref<256xi32, #tpu.memory_space<hbm>>) dst(%arg19 : memref<256xi32, #tpu.memory_space<vmem>>)
      %dma_wait3A_713 = tpu.memref_slice %arg3[%add3A_710] : memref<524288xi32, #tpu.memory_space<hbm>> -> memref<256xi32, #tpu.memory_space<hbm>>
      %dma_wait3A_714 = tpu.memref_slice %arg3[%add3A_710] : memref<524288xi32, #tpu.memory_space<hbm>> -> memref<256xi32, #tpu.memory_space<hbm>>
      tpu.wait_dma2 semaphore(%arg42 : memref<!tpu.dma_semaphore, #tpu.memory_space<semaphore_mem>>) src(%dma_wait3A_714 : memref<256xi32, #tpu.memory_space<hbm>>) dst(%arg20 : memref<256xi32, #tpu.memory_space<vmem>>)
      %dma_wait3A_715 = tpu.memref_slice %arg4[%add3A_710] : memref<524288xi32, #tpu.memory_space<hbm>> -> memref<256xi32, #tpu.memory_space<hbm>>
      %dma_wait3A_716 = tpu.memref_slice %arg4[%add3A_710] : memref<524288xi32, #tpu.memory_space<hbm>> -> memref<256xi32, #tpu.memory_space<hbm>>
      tpu.wait_dma2 semaphore(%arg42 : memref<!tpu.dma_semaphore, #tpu.memory_space<semaphore_mem>>) src(%dma_wait3A_716 : memref<256xi32, #tpu.memory_space<hbm>>) dst(%arg21 : memref<256xi32, #tpu.memory_space<vmem>>)
      %dma_wait3A_717 = tpu.memref_slice %arg5[%add3A_710] : memref<524288xf32, #tpu.memory_space<hbm>> -> memref<256xf32, #tpu.memory_space<hbm>>
      %dma_wait3A_718 = tpu.memref_slice %arg5[%add3A_710] : memref<524288xf32, #tpu.memory_space<hbm>> -> memref<256xf32, #tpu.memory_space<hbm>>
      tpu.wait_dma2 semaphore(%arg42 : memref<!tpu.dma_semaphore, #tpu.memory_space<semaphore_mem>>) src(%dma_wait3A_718 : memref<256xf32, #tpu.memory_space<hbm>>) dst(%arg22 : memref<256xf32, #tpu.memory_space<vmem>>)
      %dma_wait3A_719 = tpu.memref_slice %arg6[%add3A_710] : memref<524288xf32, #tpu.memory_space<hbm>> -> memref<256xf32, #tpu.memory_space<hbm>>
      %dma_wait3A_720 = tpu.memref_slice %arg6[%add3A_710] : memref<524288xf32, #tpu.memory_space<hbm>> -> memref<256xf32, #tpu.memory_space<hbm>>
      tpu.wait_dma2 semaphore(%arg42 : memref<!tpu.dma_semaphore, #tpu.memory_space<semaphore_mem>>) src(%dma_wait3A_720 : memref<256xf32, #tpu.memory_space<hbm>>) dst(%arg23 : memref<256xf32, #tpu.memory_space<vmem>>)
      %scan3A_721 = arith.constant 0 : i32
      %scan3A_722 = arith.constant 16 : i32
      %scan3A_723 = arith.addi %scan3A_721, %scan3A_722 : i32
      %scan3A_724 = arith.constant 1 : i32
      scf.for %scan3A_741 = %scan3A_721 to %scan3A_723 step %scan3A_724  : i32 {
        %mul3A_742 = arith.constant 16 : i32
        %mul3A_743 = arith.muli %scan3A_741, %mul3A_742 : i32
        %get3A_744 = arith.index_cast %mul3A_743 : i32 to index
        %get3A_745 = tpu.vector_load %arg19[%get3A_744] {strides = array<i32>} : memref<256xi32, #tpu.memory_space<vmem>>, vector<16xi32>,
        %mul3A_746 = arith.constant 16 : i32
        %mul3A_747 = arith.muli %scan3A_741, %mul3A_746 : i32
        %get3A_748 = arith.index_cast %mul3A_747 : i32 to index
        %get3A_749 = tpu.vector_load %arg20[%get3A_748] {strides = array<i32>} : memref<256xi32, #tpu.memory_space<vmem>>, vector<16xi32>,
        %mul3A_750 = arith.constant 16 : i32
        %mul3A_751 = arith.muli %scan3A_741, %mul3A_750 : i32
        %get3A_752 = arith.index_cast %mul3A_751 : i32 to index
        %get3A_753 = tpu.vector_load %arg21[%get3A_752] {strides = array<i32>} : memref<256xi32, #tpu.memory_space<vmem>>, vector<16xi32>,
        %mul3A_754 = arith.constant 16 : i32
        %mul3A_755 = arith.muli %scan3A_741, %mul3A_754 : i32
        %get3A_756 = arith.index_cast %mul3A_755 : i32 to index
        %get3A_757 = tpu.vector_load %arg22[%get3A_756] {strides = array<i32>} : memref<256xf32, #tpu.memory_space<vmem>>, vector<16xf32>,
        %mul3A_758 = arith.constant 16 : i32
        %mul3A_759 = arith.muli %scan3A_741, %mul3A_758 : i32
        %get3A_760 = arith.index_cast %mul3A_759 : i32 to index
        %get3A_761 = tpu.vector_load %arg23[%get3A_760] {strides = array<i32>} : memref<256xf32, #tpu.memory_space<vmem>>, vector<16xf32>,
        %ge3A = arith.constant 0 : i32
        %ge3A_762 = vector.broadcast %ge3A : i32 to vector<16xi32>
        %ge3A_763 = arith.cmpi sge, %get3A_745, %ge3A_762 : vector<16xi32>
        %lt3A = arith.constant 256 : i32
        %lt3A_764 = vector.broadcast %lt3A : i32 to vector<16xi32>
        %lt3A_765 = arith.cmpi slt, %get3A_745, %lt3A_764 : vector<16xi32>
        %and3A = arith.andi %ge3A_763, %lt3A_765 : vector<16xi1>
        %ge3A_766 = arith.constant 0 : i32
        %ge3A_767 = vector.broadcast %ge3A_766 : i32 to vector<16xi32>
        %ge3A_768 = arith.cmpi sge, %get3A_749, %ge3A_767 : vector<16xi32>
        %and3A_769 = arith.andi %and3A, %ge3A_768 : vector<16xi1>
        %lt3A_770 = arith.constant 256 : i32
        %lt3A_771 = vector.broadcast %lt3A_770 : i32 to vector<16xi32>
        %lt3A_772 = arith.cmpi slt, %get3A_749, %lt3A_771 : vector<16xi32>
        %and3A_773 = arith.andi %and3A_769, %lt3A_772 : vector<16xi1>
        %ge3A_774 = arith.constant 0 : i32
        %ge3A_775 = vector.broadcast %ge3A_774 : i32 to vector<16xi32>
        %ge3A_776 = arith.cmpi sge, %get3A_753, %ge3A_775 : vector<16xi32>
        %and3A_777 = arith.andi %and3A_773, %ge3A_776 : vector<16xi1>
        %lt3A_778 = arith.constant 256 : i32
        %lt3A_779 = vector.broadcast %lt3A_778 : i32 to vector<16xi32>
        %lt3A_780 = arith.cmpi slt, %get3A_753, %lt3A_779 : vector<16xi32>
        %and3A_781 = arith.andi %and3A_777, %lt3A_780 : vector<16xi1>
        %mul3A_782 = arith.constant 65536 : i32
        %mul3A_783 = vector.broadcast %mul3A_782 : i32 to vector<16xi32>
        %mul3A_784 = arith.muli %get3A_745, %mul3A_783 : vector<16xi32>
        %mul3A_785 = arith.constant 256 : i32
        %mul3A_786 = vector.broadcast %mul3A_785 : i32 to vector<16xi32>
        %mul3A_787 = arith.muli %get3A_749, %mul3A_786 : vector<16xi32>
        %add3A_788 = arith.addi %mul3A_784, %mul3A_787 : vector<16xi32>
        %add3A_789 = arith.addi %add3A_788, %get3A_753 : vector<16xi32>
        %shift_right_logical3A_790 = arith.constant 19 : i32
        %shift_right_logical3A_791 = vector.broadcast %shift_right_logical3A_790 : i32 to vector<16xi32>
        %shift_right_logical3A_792 = arith.shrui %add3A_789, %shift_right_logical3A_791 : vector<16xi32>
        %shift_right_logical3A_793 = arith.constant 4 : i32
        %shift_right_logical3A_794 = vector.broadcast %shift_right_logical3A_793 : i32 to vector<16xi32>
        %shift_right_logical3A_795 = arith.shrui %shift_right_logical3A_792, %shift_right_logical3A_794 : vector<16xi32>
        %eq3A = vector.broadcast %arg0 : i32 to vector<16xi32>
        %eq3A_796 = arith.cmpi eq, %shift_right_logical3A_795, %eq3A : vector<16xi32>
        %and3A_797 = arith.andi %and3A_781, %eq3A_796 : vector<16xi1>
        %and3A_798 = arith.constant 15 : i32
        %and3A_799 = vector.broadcast %and3A_798 : i32 to vector<16xi32>
        %and3A_800 = arith.andi %shift_right_logical3A_792, %and3A_799 : vector<16xi32>
        %mul3A_801 = arith.constant 16 : i32
        %mul3A_802 = vector.broadcast %mul3A_801 : i32 to vector<16xi32>
        %mul3A_803 = arith.muli %and3A_800, %mul3A_802 : vector<16xi32>
        %add3A_804 = arith.addi %mul3A_803, %iota3A : vector<16xi32>
        %gather3A = tpu.vector_load_idx %arg38[%add3A_804] masked %and3A_797 : memref<256xi32, #tpu.memory_space<vmem>>[vector<16xi32>], vector<16xi32>, vector<16xi1>
        %lt3A_805 = arith.constant 19456 : i32
        %lt3A_806 = vector.broadcast %lt3A_805 : i32 to vector<16xi32>
        %lt3A_807 = arith.cmpi slt, %gather3A, %lt3A_806 : vector<16xi32>
        %and3A_808 = arith.andi %and3A_797, %lt3A_807 : vector<16xi1>
        %shift_right_logical3A_809 = arith.constant 7 : i32
        %shift_right_logical3A_810 = vector.broadcast %shift_right_logical3A_809 : i32 to vector<16xi32>
        %shift_right_logical3A_811 = arith.shrui %gather3A, %shift_right_logical3A_810 : vector<16xi32>
        %and3A_812 = arith.constant 127 : i32
        %and3A_813 = vector.broadcast %and3A_812 : i32 to vector<16xi32>
        %and3A_814 = arith.andi %gather3A, %and3A_813 : vector<16xi32>
        %and3A_815 = arith.constant 524287 : i32
        %and3A_816 = vector.broadcast %and3A_815 : i32 to vector<16xi32>
        %and3A_817 = arith.andi %add3A_789, %and3A_816 : vector<16xi32>
        tpu.vector_store_idx %arg11[%shift_right_logical3A_811, %and3A_814], %and3A_817 masked %and3A_808 : memref<152x128xi32, #tpu.memory_space<vmem>>[vector<16xi32>, vector<16xi32>], vector<16xi32>, vector<16xi1>
        tpu.vector_store_idx %arg12[%shift_right_logical3A_811, %and3A_814], %get3A_761 masked %and3A_808 : memref<152x128xf32, #tpu.memory_space<vmem>>[vector<16xi32>, vector<16xi32>], vector<16xf32>, vector<16xi1>
        %mul3A_818 = arith.mulf %get3A_761, %get3A_757 : vector<16xf32>
        tpu.vector_store_idx %arg13[%shift_right_logical3A_811, %and3A_814], %mul3A_818 masked %and3A_808 : memref<152x128xf32, #tpu.memory_space<vmem>>[vector<16xi32>, vector<16xi32>], vector<16xf32>, vector<16xi1>
        %add3A_819 = arith.constant 1 : i32
        %add3A_820 = vector.broadcast %add3A_819 : i32 to vector<16xi32>
        %add3A_821 = arith.addi %gather3A, %add3A_820 : vector<16xi32>
        tpu.vector_store_idx %arg38[%add3A_804], %add3A_821 masked %and3A_808 : memref<256xi32, #tpu.memory_space<vmem>>[vector<16xi32>], vector<16xi32>, vector<16xi1>
      }
      %scan3A_725 = arith.constant 16 : i32
      %add3A_726 = arith.constant 2 : i32
      %add3A_727 = arith.addi %add3A_674, %add3A_726 : i32
      %mul3A_728 = arith.constant 256 : i32
      %mul3A_729 = arith.muli %add3A_727, %mul3A_728 : i32
      %add3A_730 = arith.addi %mul3A_0, %mul3A_729 : i32
      %dma_start3A_731 = tpu.memref_slice %arg2[%add3A_730] : memref<524288xi32, #tpu.memory_space<hbm>> -> memref<256xi32, #tpu.memory_space<hbm>>
      %dma_start3A_732 = tpu.memref_slice %arg2[%add3A_730] : memref<524288xi32, #tpu.memory_space<hbm>> -> memref<256xi32, #tpu.memory_space<hbm>>
      tpu.enqueue_dma source(%dma_start3A_732 : memref<256xi32, #tpu.memory_space<hbm>>) target(%arg19 : memref<256xi32, #tpu.memory_space<vmem>>) target_semaphore(%arg42 : memref<!tpu.dma_semaphore, #tpu.memory_space<semaphore_mem>>)
      %dma_start3A_733 = tpu.memref_slice %arg3[%add3A_730] : memref<524288xi32, #tpu.memory_space<hbm>> -> memref<256xi32, #tpu.memory_space<hbm>>
      %dma_start3A_734 = tpu.memref_slice %arg3[%add3A_730] : memref<524288xi32, #tpu.memory_space<hbm>> -> memref<256xi32, #tpu.memory_space<hbm>>
      tpu.enqueue_dma source(%dma_start3A_734 : memref<256xi32, #tpu.memory_space<hbm>>) target(%arg20 : memref<256xi32, #tpu.memory_space<vmem>>) target_semaphore(%arg42 : memref<!tpu.dma_semaphore, #tpu.memory_space<semaphore_mem>>)
      %dma_start3A_735 = tpu.memref_slice %arg4[%add3A_730] : memref<524288xi32, #tpu.memory_space<hbm>> -> memref<256xi32, #tpu.memory_space<hbm>>
      %dma_start3A_736 = tpu.memref_slice %arg4[%add3A_730] : memref<524288xi32, #tpu.memory_space<hbm>> -> memref<256xi32, #tpu.memory_space<hbm>>
      tpu.enqueue_dma source(%dma_start3A_736 : memref<256xi32, #tpu.memory_space<hbm>>) target(%arg21 : memref<256xi32, #tpu.memory_space<vmem>>) target_semaphore(%arg42 : memref<!tpu.dma_semaphore, #tpu.memory_space<semaphore_mem>>)
      %dma_start3A_737 = tpu.memref_slice %arg5[%add3A_730] : memref<524288xf32, #tpu.memory_space<hbm>> -> memref<256xf32, #tpu.memory_space<hbm>>
      %dma_start3A_738 = tpu.memref_slice %arg5[%add3A_730] : memref<524288xf32, #tpu.memory_space<hbm>> -> memref<256xf32, #tpu.memory_space<hbm>>
      tpu.enqueue_dma source(%dma_start3A_738 : memref<256xf32, #tpu.memory_space<hbm>>) target(%arg22 : memref<256xf32, #tpu.memory_space<vmem>>) target_semaphore(%arg42 : memref<!tpu.dma_semaphore, #tpu.memory_space<semaphore_mem>>)
      %dma_start3A_739 = tpu.memref_slice %arg6[%add3A_730] : memref<524288xf32, #tpu.memory_space<hbm>> -> memref<256xf32, #tpu.memory_space<hbm>>
      %dma_start3A_740 = tpu.memref_slice %arg6[%add3A_730] : memref<524288xf32, #tpu.memory_space<hbm>> -> memref<256xf32, #tpu.memory_space<hbm>>
      tpu.enqueue_dma source(%dma_start3A_740 : memref<256xf32, #tpu.memory_space<hbm>>) target(%arg23 : memref<256xf32, #tpu.memory_space<vmem>>) target_semaphore(%arg42 : memref<!tpu.dma_semaphore, #tpu.memory_space<semaphore_mem>>)
    }
    %scan3A_628 = arith.constant 63 : i32
    %add3A_629 = arith.constant 32256 : i32
    %add3A_630 = arith.addi %mul3A_0, %add3A_629 : i32
    %dma_wait3A_631 = tpu.memref_slice %arg2[%add3A_630] : memref<524288xi32, #tpu.memory_space<hbm>> -> memref<256xi32, #tpu.memory_space<hbm>>
    %dma_wait3A_632 = tpu.memref_slice %arg2[%add3A_630] : memref<524288xi32, #tpu.memory_space<hbm>> -> memref<256xi32, #tpu.memory_space<hbm>>
    tpu.wait_dma2 semaphore(%arg41 : memref<!tpu.dma_semaphore, #tpu.memory_space<semaphore_mem>>) src(%dma_wait3A_632 : memref<256xi32, #tpu.memory_space<hbm>>) dst(%arg14 : memref<256xi32, #tpu.memory_space<vmem>>)
    %dma_wait3A_633 = tpu.memref_slice %arg3[%add3A_630] : memref<524288xi32, #tpu.memory_space<hbm>> -> memref<256xi32, #tpu.memory_space<hbm>>
    %dma_wait3A_634 = tpu.memref_slice %arg3[%add3A_630] : memref<524288xi32, #tpu.memory_space<hbm>> -> memref<256xi32, #tpu.memory_space<hbm>>
    tpu.wait_dma2 semaphore(%arg41 : memref<!tpu.dma_semaphore, #tpu.memory_space<semaphore_mem>>) src(%dma_wait3A_634 : memref<256xi32, #tpu.memory_space<hbm>>) dst(%arg15 : memref<256xi32, #tpu.memory_space<vmem>>)
    %dma_wait3A_635 = tpu.memref_slice %arg4[%add3A_630] : memref<524288xi32, #tpu.memory_space<hbm>> -> memref<256xi32, #tpu.memory_space<hbm>>
    %dma_wait3A_636 = tpu.memref_slice %arg4[%add3A_630] : memref<524288xi32, #tpu.memory_space<hbm>> -> memref<256xi32, #tpu.memory_space<hbm>>
    tpu.wait_dma2 semaphore(%arg41 : memref<!tpu.dma_semaphore, #tpu.memory_space<semaphore_mem>>) src(%dma_wait3A_636 : memref<256xi32, #tpu.memory_space<hbm>>) dst(%arg16 : memref<256xi32, #tpu.memory_space<vmem>>)
    %dma_wait3A_637 = tpu.memref_slice %arg5[%add3A_630] : memref<524288xf32, #tpu.memory_space<hbm>> -> memref<256xf32, #tpu.memory_space<hbm>>
    %dma_wait3A_638 = tpu.memref_slice %arg5[%add3A_630] : memref<524288xf32, #tpu.memory_space<hbm>> -> memref<256xf32, #tpu.memory_space<hbm>>
    tpu.wait_dma2 semaphore(%arg41 : memref<!tpu.dma_semaphore, #tpu.memory_space<semaphore_mem>>) src(%dma_wait3A_638 : memref<256xf32, #tpu.memory_space<hbm>>) dst(%arg17 : memref<256xf32, #tpu.memory_space<vmem>>)
    %dma_wait3A_639 = tpu.memref_slice %arg6[%add3A_630] : memref<524288xf32, #tpu.memory_space<hbm>> -> memref<256xf32, #tpu.memory_space<hbm>>
    %dma_wait3A_640 = tpu.memref_slice %arg6[%add3A_630] : memref<524288xf32, #tpu.memory_space<hbm>> -> memref<256xf32, #tpu.memory_space<hbm>>
    tpu.wait_dma2 semaphore(%arg41 : memref<!tpu.dma_semaphore, #tpu.memory_space<semaphore_mem>>) src(%dma_wait3A_640 : memref<256xf32, #tpu.memory_space<hbm>>) dst(%arg18 : memref<256xf32, #tpu.memory_space<vmem>>)
    %scan3A_641 = arith.constant 0 : i32
    %scan3A_642 = arith.constant 16 : i32
    %scan3A_643 = arith.addi %scan3A_641, %scan3A_642 : i32
    %scan3A_644 = arith.constant 1 : i32
    scf.for %scan3A_668 = %scan3A_641 to %scan3A_643 step %scan3A_644  : i32 {
      %mul3A_669 = arith.constant 16 : i32
      %mul3A_670 = arith.muli %scan3A_668, %mul3A_669 : i32
      %get3A_671 = arith.index_cast %mul3A_670 : i32 to index
      %get3A_672 = tpu.vector_load %arg14[%get3A_671] {strides = array<i32>} : memref<256xi32, #tpu.memory_space<vmem>>, vector<16xi32>,
      %mul3A_673 = arith.constant 16 : i32
      %mul3A_674 = arith.muli %scan3A_668, %mul3A_673 : i32
      %get3A_675 = arith.index_cast %mul3A_674 : i32 to index
      %get3A_676 = tpu.vector_load %arg15[%get3A_675] {strides = array<i32>} : memref<256xi32, #tpu.memory_space<vmem>>, vector<16xi32>,
      %mul3A_677 = arith.constant 16 : i32
      %mul3A_678 = arith.muli %scan3A_668, %mul3A_677 : i32
      %get3A_679 = arith.index_cast %mul3A_678 : i32 to index
      %get3A_680 = tpu.vector_load %arg16[%get3A_679] {strides = array<i32>} : memref<256xi32, #tpu.memory_space<vmem>>, vector<16xi32>,
      %mul3A_681 = arith.constant 16 : i32
      %mul3A_682 = arith.muli %scan3A_668, %mul3A_681 : i32
      %get3A_683 = arith.index_cast %mul3A_682 : i32 to index
      %get3A_684 = tpu.vector_load %arg17[%get3A_683] {strides = array<i32>} : memref<256xf32, #tpu.memory_space<vmem>>, vector<16xf32>,
      %mul3A_685 = arith.constant 16 : i32
      %mul3A_686 = arith.muli %scan3A_668, %mul3A_685 : i32
      %get3A_687 = arith.index_cast %mul3A_686 : i32 to index
      %get3A_688 = tpu.vector_load %arg18[%get3A_687] {strides = array<i32>} : memref<256xf32, #tpu.memory_space<vmem>>, vector<16xf32>,
      %ge3A = arith.constant 0 : i32
      %ge3A_689 = vector.broadcast %ge3A : i32 to vector<16xi32>
      %ge3A_690 = arith.cmpi sge, %get3A_672, %ge3A_689 : vector<16xi32>
      %lt3A = arith.constant 256 : i32
      %lt3A_691 = vector.broadcast %lt3A : i32 to vector<16xi32>
      %lt3A_692 = arith.cmpi slt, %get3A_672, %lt3A_691 : vector<16xi32>
      %and3A = arith.andi %ge3A_690, %lt3A_692 : vector<16xi1>
      %ge3A_693 = arith.constant 0 : i32
      %ge3A_694 = vector.broadcast %ge3A_693 : i32 to vector<16xi32>
      %ge3A_695 = arith.cmpi sge, %get3A_676, %ge3A_694 : vector<16xi32>
      %and3A_696 = arith.andi %and3A, %ge3A_695 : vector<16xi1>
      %lt3A_697 = arith.constant 256 : i32
      %lt3A_698 = vector.broadcast %lt3A_697 : i32 to vector<16xi32>
      %lt3A_699 = arith.cmpi slt, %get3A_676, %lt3A_698 : vector<16xi32>
      %and3A_700 = arith.andi %and3A_696, %lt3A_699 : vector<16xi1>
      %ge3A_701 = arith.constant 0 : i32
      %ge3A_702 = vector.broadcast %ge3A_701 : i32 to vector<16xi32>
      %ge3A_703 = arith.cmpi sge, %get3A_680, %ge3A_702 : vector<16xi32>
      %and3A_704 = arith.andi %and3A_700, %ge3A_703 : vector<16xi1>
      %lt3A_705 = arith.constant 256 : i32
      %lt3A_706 = vector.broadcast %lt3A_705 : i32 to vector<16xi32>
      %lt3A_707 = arith.cmpi slt, %get3A_680, %lt3A_706 : vector<16xi32>
      %and3A_708 = arith.andi %and3A_704, %lt3A_707 : vector<16xi1>
      %mul3A_709 = arith.constant 65536 : i32
      %mul3A_710 = vector.broadcast %mul3A_709 : i32 to vector<16xi32>
      %mul3A_711 = arith.muli %get3A_672, %mul3A_710 : vector<16xi32>
      %mul3A_712 = arith.constant 256 : i32
      %mul3A_713 = vector.broadcast %mul3A_712 : i32 to vector<16xi32>
      %mul3A_714 = arith.muli %get3A_676, %mul3A_713 : vector<16xi32>
      %add3A_715 = arith.addi %mul3A_711, %mul3A_714 : vector<16xi32>
      %add3A_716 = arith.addi %add3A_715, %get3A_680 : vector<16xi32>
      %shift_right_logical3A_717 = arith.constant 19 : i32
      %shift_right_logical3A_718 = vector.broadcast %shift_right_logical3A_717 : i32 to vector<16xi32>
      %shift_right_logical3A_719 = arith.shrui %add3A_716, %shift_right_logical3A_718 : vector<16xi32>
      %shift_right_logical3A_720 = arith.constant 4 : i32
      %shift_right_logical3A_721 = vector.broadcast %shift_right_logical3A_720 : i32 to vector<16xi32>
      %shift_right_logical3A_722 = arith.shrui %shift_right_logical3A_719, %shift_right_logical3A_721 : vector<16xi32>
      %eq3A = vector.broadcast %arg0 : i32 to vector<16xi32>
      %eq3A_723 = arith.cmpi eq, %shift_right_logical3A_722, %eq3A : vector<16xi32>
      %and3A_724 = arith.andi %and3A_708, %eq3A_723 : vector<16xi1>
      %and3A_725 = arith.constant 15 : i32
      %and3A_726 = vector.broadcast %and3A_725 : i32 to vector<16xi32>
      %and3A_727 = arith.andi %shift_right_logical3A_719, %and3A_726 : vector<16xi32>
      %mul3A_728 = arith.constant 16 : i32
      %mul3A_729 = vector.broadcast %mul3A_728 : i32 to vector<16xi32>
      %mul3A_730 = arith.muli %and3A_727, %mul3A_729 : vector<16xi32>
      %add3A_731 = arith.addi %mul3A_730, %iota3A : vector<16xi32>
      %gather3A = tpu.vector_load_idx %arg38[%add3A_731] masked %and3A_724 : memref<256xi32, #tpu.memory_space<vmem>>[vector<16xi32>], vector<16xi32>, vector<16xi1>
      %lt3A_732 = arith.constant 19456 : i32
      %lt3A_733 = vector.broadcast %lt3A_732 : i32 to vector<16xi32>
      %lt3A_734 = arith.cmpi slt, %gather3A, %lt3A_733 : vector<16xi32>
      %and3A_735 = arith.andi %and3A_724, %lt3A_734 : vector<16xi1>
      %shift_right_logical3A_736 = arith.constant 7 : i32
      %shift_right_logical3A_737 = vector.broadcast %shift_right_logical3A_736 : i32 to vector<16xi32>
      %shift_right_logical3A_738 = arith.shrui %gather3A, %shift_right_logical3A_737 : vector<16xi32>
      %and3A_739 = arith.constant 127 : i32
      %and3A_740 = vector.broadcast %and3A_739 : i32 to vector<16xi32>
      %and3A_741 = arith.andi %gather3A, %and3A_740 : vector<16xi32>
      %and3A_742 = arith.constant 524287 : i32
      %and3A_743 = vector.broadcast %and3A_742 : i32 to vector<16xi32>
      %and3A_744 = arith.andi %add3A_716, %and3A_743 : vector<16xi32>
      tpu.vector_store_idx %arg11[%shift_right_logical3A_738, %and3A_741], %and3A_744 masked %and3A_735 : memref<152x128xi32, #tpu.memory_space<vmem>>[vector<16xi32>, vector<16xi32>], vector<16xi32>, vector<16xi1>
      tpu.vector_store_idx %arg12[%shift_right_logical3A_738, %and3A_741], %get3A_688 masked %and3A_735 : memref<152x128xf32, #tpu.memory_space<vmem>>[vector<16xi32>, vector<16xi32>], vector<16xf32>, vector<16xi1>
      %mul3A_745 = arith.mulf %get3A_688, %get3A_684 : vector<16xf32>
      tpu.vector_store_idx %arg13[%shift_right_logical3A_738, %and3A_741], %mul3A_745 masked %and3A_735 : memref<152x128xf32, #tpu.memory_space<vmem>>[vector<16xi32>, vector<16xi32>], vector<16xf32>, vector<16xi1>
      %add3A_746 = arith.constant 1 : i32
      %add3A_747 = vector.broadcast %add3A_746 : i32 to vector<16xi32>
      %add3A_748 = arith.addi %gather3A, %add3A_747 : vector<16xi32>
      tpu.vector_store_idx %arg38[%add3A_731], %add3A_748 masked %and3A_735 : memref<256xi32, #tpu.memory_space<vmem>>[vector<16xi32>], vector<16xi32>, vector<16xi1>
    }
    %scan3A_645 = arith.constant 16 : i32
    %add3A_646 = arith.constant 32512 : i32
    %add3A_647 = arith.addi %mul3A_0, %add3A_646 : i32
    %dma_wait3A_648 = tpu.memref_slice %arg2[%add3A_647] : memref<524288xi32, #tpu.memory_space<hbm>> -> memref<256xi32, #tpu.memory_space<hbm>>
    %dma_wait3A_649 = tpu.memref_slice %arg2[%add3A_647] : memref<524288xi32, #tpu.memory_space<hbm>> -> memref<256xi32, #tpu.memory_space<hbm>>
    tpu.wait_dma2 semaphore(%arg42 : memref<!tpu.dma_semaphore, #tpu.memory_space<semaphore_mem>>) src(%dma_wait3A_649 : memref<256xi32, #tpu.memory_space<hbm>>) dst(%arg19 : memref<256xi32, #tpu.memory_space<vmem>>)
    %dma_wait3A_650 = tpu.memref_slice %arg3[%add3A_647] : memref<524288xi32, #tpu.memory_space<hbm>> -> memref<256xi32, #tpu.memory_space<hbm>>
    %dma_wait3A_651 = tpu.memref_slice %arg3[%add3A_647] : memref<524288xi32, #tpu.memory_space<hbm>> -> memref<256xi32, #tpu.memory_space<hbm>>
    tpu.wait_dma2 semaphore(%arg42 : memref<!tpu.dma_semaphore, #tpu.memory_space<semaphore_mem>>) src(%dma_wait3A_651 : memref<256xi32, #tpu.memory_space<hbm>>) dst(%arg20 : memref<256xi32, #tpu.memory_space<vmem>>)
    %dma_wait3A_652 = tpu.memref_slice %arg4[%add3A_647] : memref<524288xi32, #tpu.memory_space<hbm>> -> memref<256xi32, #tpu.memory_space<hbm>>
    %dma_wait3A_653 = tpu.memref_slice %arg4[%add3A_647] : memref<524288xi32, #tpu.memory_space<hbm>> -> memref<256xi32, #tpu.memory_space<hbm>>
    tpu.wait_dma2 semaphore(%arg42 : memref<!tpu.dma_semaphore, #tpu.memory_space<semaphore_mem>>) src(%dma_wait3A_653 : memref<256xi32, #tpu.memory_space<hbm>>) dst(%arg21 : memref<256xi32, #tpu.memory_space<vmem>>)
    %dma_wait3A_654 = tpu.memref_slice %arg5[%add3A_647] : memref<524288xf32, #tpu.memory_space<hbm>> -> memref<256xf32, #tpu.memory_space<hbm>>
    %dma_wait3A_655 = tpu.memref_slice %arg5[%add3A_647] : memref<524288xf32, #tpu.memory_space<hbm>> -> memref<256xf32, #tpu.memory_space<hbm>>
    tpu.wait_dma2 semaphore(%arg42 : memref<!tpu.dma_semaphore, #tpu.memory_space<semaphore_mem>>) src(%dma_wait3A_655 : memref<256xf32, #tpu.memory_space<hbm>>) dst(%arg22 : memref<256xf32, #tpu.memory_space<vmem>>)
    %dma_wait3A_656 = tpu.memref_slice %arg6[%add3A_647] : memref<524288xf32, #tpu.memory_space<hbm>> -> memref<256xf32, #tpu.memory_space<hbm>>
    %dma_wait3A_657 = tpu.memref_slice %arg6[%add3A_647] : memref<524288xf32, #tpu.memory_space<hbm>> -> memref<256xf32, #tpu.memory_space<hbm>>
    tpu.wait_dma2 semaphore(%arg42 : memref<!tpu.dma_semaphore, #tpu.memory_space<semaphore_mem>>) src(%dma_wait3A_657 : memref<256xf32, #tpu.memory_space<hbm>>) dst(%arg23 : memref<256xf32, #tpu.memory_space<vmem>>)
    %scan3A_658 = arith.constant 0 : i32
    %scan3A_659 = arith.constant 16 : i32
    %scan3A_660 = arith.addi %scan3A_658, %scan3A_659 : i32
    %scan3A_661 = arith.constant 1 : i32
    scf.for %scan3A_668 = %scan3A_658 to %scan3A_660 step %scan3A_661  : i32 {
      %mul3A_669 = arith.constant 16 : i32
      %mul3A_670 = arith.muli %scan3A_668, %mul3A_669 : i32
      %get3A_671 = arith.index_cast %mul3A_670 : i32 to index
      %get3A_672 = tpu.vector_load %arg19[%get3A_671] {strides = array<i32>} : memref<256xi32, #tpu.memory_space<vmem>>, vector<16xi32>,
      %mul3A_673 = arith.constant 16 : i32
      %mul3A_674 = arith.muli %scan3A_668, %mul3A_673 : i32
      %get3A_675 = arith.index_cast %mul3A_674 : i32 to index
      %get3A_676 = tpu.vector_load %arg20[%get3A_675] {strides = array<i32>} : memref<256xi32, #tpu.memory_space<vmem>>, vector<16xi32>,
      %mul3A_677 = arith.constant 16 : i32
      %mul3A_678 = arith.muli %scan3A_668, %mul3A_677 : i32
      %get3A_679 = arith.index_cast %mul3A_678 : i32 to index
      %get3A_680 = tpu.vector_load %arg21[%get3A_679] {strides = array<i32>} : memref<256xi32, #tpu.memory_space<vmem>>, vector<16xi32>,
      %mul3A_681 = arith.constant 16 : i32
      %mul3A_682 = arith.muli %scan3A_668, %mul3A_681 : i32
      %get3A_683 = arith.index_cast %mul3A_682 : i32 to index
      %get3A_684 = tpu.vector_load %arg22[%get3A_683] {strides = array<i32>} : memref<256xf32, #tpu.memory_space<vmem>>, vector<16xf32>,
      %mul3A_685 = arith.constant 16 : i32
      %mul3A_686 = arith.muli %scan3A_668, %mul3A_685 : i32
      %get3A_687 = arith.index_cast %mul3A_686 : i32 to index
      %get3A_688 = tpu.vector_load %arg23[%get3A_687] {strides = array<i32>} : memref<256xf32, #tpu.memory_space<vmem>>, vector<16xf32>,
      %ge3A = arith.constant 0 : i32
      %ge3A_689 = vector.broadcast %ge3A : i32 to vector<16xi32>
      %ge3A_690 = arith.cmpi sge, %get3A_672, %ge3A_689 : vector<16xi32>
      %lt3A = arith.constant 256 : i32
      %lt3A_691 = vector.broadcast %lt3A : i32 to vector<16xi32>
      %lt3A_692 = arith.cmpi slt, %get3A_672, %lt3A_691 : vector<16xi32>
      %and3A = arith.andi %ge3A_690, %lt3A_692 : vector<16xi1>
      %ge3A_693 = arith.constant 0 : i32
      %ge3A_694 = vector.broadcast %ge3A_693 : i32 to vector<16xi32>
      %ge3A_695 = arith.cmpi sge, %get3A_676, %ge3A_694 : vector<16xi32>
      %and3A_696 = arith.andi %and3A, %ge3A_695 : vector<16xi1>
      %lt3A_697 = arith.constant 256 : i32
      %lt3A_698 = vector.broadcast %lt3A_697 : i32 to vector<16xi32>
      %lt3A_699 = arith.cmpi slt, %get3A_676, %lt3A_698 : vector<16xi32>
      %and3A_700 = arith.andi %and3A_696, %lt3A_699 : vector<16xi1>
      %ge3A_701 = arith.constant 0 : i32
      %ge3A_702 = vector.broadcast %ge3A_701 : i32 to vector<16xi32>
      %ge3A_703 = arith.cmpi sge, %get3A_680, %ge3A_702 : vector<16xi32>
      %and3A_704 = arith.andi %and3A_700, %ge3A_703 : vector<16xi1>
      %lt3A_705 = arith.constant 256 : i32
      %lt3A_706 = vector.broadcast %lt3A_705 : i32 to vector<16xi32>
      %lt3A_707 = arith.cmpi slt, %get3A_680, %lt3A_706 : vector<16xi32>
      %and3A_708 = arith.andi %and3A_704, %lt3A_707 : vector<16xi1>
      %mul3A_709 = arith.constant 65536 : i32
      %mul3A_710 = vector.broadcast %mul3A_709 : i32 to vector<16xi32>
      %mul3A_711 = arith.muli %get3A_672, %mul3A_710 : vector<16xi32>
      %mul3A_712 = arith.constant 256 : i32
      %mul3A_713 = vector.broadcast %mul3A_712 : i32 to vector<16xi32>
      %mul3A_714 = arith.muli %get3A_676, %mul3A_713 : vector<16xi32>
      %add3A_715 = arith.addi %mul3A_711, %mul3A_714 : vector<16xi32>
      %add3A_716 = arith.addi %add3A_715, %get3A_680 : vector<16xi32>
      %shift_right_logical3A_717 = arith.constant 19 : i32
      %shift_right_logical3A_718 = vector.broadcast %shift_right_logical3A_717 : i32 to vector<16xi32>
      %shift_right_logical3A_719 = arith.shrui %add3A_716, %shift_right_logical3A_718 : vector<16xi32>
      %shift_right_logical3A_720 = arith.constant 4 : i32
      %shift_right_logical3A_721 = vector.broadcast %shift_right_logical3A_720 : i32 to vector<16xi32>
      %shift_right_logical3A_722 = arith.shrui %shift_right_logical3A_719, %shift_right_logical3A_721 : vector<16xi32>
      %eq3A = vector.broadcast %arg0 : i32 to vector<16xi32>
      %eq3A_723 = arith.cmpi eq, %shift_right_logical3A_722, %eq3A : vector<16xi32>
      %and3A_724 = arith.andi %and3A_708, %eq3A_723 : vector<16xi1>
      %and3A_725 = arith.constant 15 : i32
      %and3A_726 = vector.broadcast %and3A_725 : i32 to vector<16xi32>
      %and3A_727 = arith.andi %shift_right_logical3A_719, %and3A_726 : vector<16xi32>
      %mul3A_728 = arith.constant 16 : i32
      %mul3A_729 = vector.broadcast %mul3A_728 : i32 to vector<16xi32>
      %mul3A_730 = arith.muli %and3A_727, %mul3A_729 : vector<16xi32>
      %add3A_731 = arith.addi %mul3A_730, %iota3A : vector<16xi32>
      %gather3A = tpu.vector_load_idx %arg38[%add3A_731] masked %and3A_724 : memref<256xi32, #tpu.memory_space<vmem>>[vector<16xi32>], vector<16xi32>, vector<16xi1>
      %lt3A_732 = arith.constant 19456 : i32
      %lt3A_733 = vector.broadcast %lt3A_732 : i32 to vector<16xi32>
      %lt3A_734 = arith.cmpi slt, %gather3A, %lt3A_733 : vector<16xi32>
      %and3A_735 = arith.andi %and3A_724, %lt3A_734 : vector<16xi1>
      %shift_right_logical3A_736 = arith.constant 7 : i32
      %shift_right_logical3A_737 = vector.broadcast %shift_right_logical3A_736 : i32 to vector<16xi32>
      %shift_right_logical3A_738 = arith.shrui %gather3A, %shift_right_logical3A_737 : vector<16xi32>
      %and3A_739 = arith.constant 127 : i32
      %and3A_740 = vector.broadcast %and3A_739 : i32 to vector<16xi32>
      %and3A_741 = arith.andi %gather3A, %and3A_740 : vector<16xi32>
      %and3A_742 = arith.constant 524287 : i32
      %and3A_743 = vector.broadcast %and3A_742 : i32 to vector<16xi32>
      %and3A_744 = arith.andi %add3A_716, %and3A_743 : vector<16xi32>
      tpu.vector_store_idx %arg11[%shift_right_logical3A_738, %and3A_741], %and3A_744 masked %and3A_735 : memref<152x128xi32, #tpu.memory_space<vmem>>[vector<16xi32>, vector<16xi32>], vector<16xi32>, vector<16xi1>
      tpu.vector_store_idx %arg12[%shift_right_logical3A_738, %and3A_741], %get3A_688 masked %and3A_735 : memref<152x128xf32, #tpu.memory_space<vmem>>[vector<16xi32>, vector<16xi32>], vector<16xf32>, vector<16xi1>
      %mul3A_745 = arith.mulf %get3A_688, %get3A_684 : vector<16xf32>
      tpu.vector_store_idx %arg13[%shift_right_logical3A_738, %and3A_741], %mul3A_745 masked %and3A_735 : memref<152x128xf32, #tpu.memory_space<vmem>>[vector<16xi32>, vector<16xi32>], vector<16xf32>, vector<16xi1>
      %add3A_746 = arith.constant 1 : i32
      %add3A_747 = vector.broadcast %add3A_746 : i32 to vector<16xi32>
      %add3A_748 = arith.addi %gather3A, %add3A_747 : vector<16xi32>
      tpu.vector_store_idx %arg38[%add3A_731], %add3A_748 masked %and3A_735 : memref<256xi32, #tpu.memory_space<vmem>>[vector<16xi32>], vector<16xi32>, vector<16xi1>
    }
    %scan3A_662 = arith.constant 16 : i32
    %scan3A_663 = arith.constant 0 : i32
    %scan3A_664 = arith.constant 16 : i32
    %scan3A_665 = arith.addi %scan3A_663, %scan3A_664 : i32
    %scan3A_666 = arith.constant 1 : i32
    scf.for %scan3A_668 = %scan3A_663 to %scan3A_665 step %scan3A_666  : i32 {
      %scan3A_669 = arith.constant 0 : i32
      %scan3A_670 = arith.constant 64 : i32
      %scan3A_671 = arith.addi %scan3A_669, %scan3A_670 : i32
      %scan3A_672 = arith.constant 1 : i32
      scf.for %scan3A_892 = %scan3A_669 to %scan3A_671 step %scan3A_672  : i32 {
        %mul3A_893 = arith.constant 32768 : i32
        %mul3A_894 = arith.muli %arg1, %mul3A_893 : i32
        %mul3A_895 = arith.constant 512 : i32
        %mul3A_896 = arith.muli %scan3A_892, %mul3A_895 : i32
        %add3A_897 = arith.addi %mul3A_894, %mul3A_896 : i32
        "tpu.region"() ({
          %run_scoped3A = tpu.sem_alloc : memref<!tpu.dma_semaphore, #tpu.memory_space<semaphore_mem>>
          %dma_start3A_898 = tpu.memref_slice %arg45[%add3A_897] : memref<524800xf32, #tpu.memory_space<vmem_shared>> -> memref<512xf32, #tpu.memory_space<vmem_shared>>
          %dma_start3A_899 = tpu.memref_slice %arg45[%add3A_897] : memref<524800xf32, #tpu.memory_space<vmem_shared>> -> memref<512xf32, #tpu.memory_space<vmem_shared>>
          tpu.enqueue_dma source(%arg36 : memref<512xf32, #tpu.memory_space<vmem>>) target(%dma_start3A_899 : memref<512xf32, #tpu.memory_space<vmem_shared>>) target_semaphore(%run_scoped3A : memref<!tpu.dma_semaphore, #tpu.memory_space<semaphore_mem>>)
          %dma_wait3A_900 = tpu.memref_slice %arg45[%add3A_897] : memref<524800xf32, #tpu.memory_space<vmem_shared>> -> memref<512xf32, #tpu.memory_space<vmem_shared>>
          %dma_wait3A_901 = tpu.memref_slice %arg45[%add3A_897] : memref<524800xf32, #tpu.memory_space<vmem_shared>> -> memref<512xf32, #tpu.memory_space<vmem_shared>>
          tpu.wait_dma2 semaphore(%run_scoped3A : memref<!tpu.dma_semaphore, #tpu.memory_space<semaphore_mem>>) src(%arg36 : memref<512xf32, #tpu.memory_space<vmem>>) dst(%dma_wait3A_901 : memref<512xf32, #tpu.memory_space<vmem_shared>>)
          tpu.yield
        }) : () -> ()
        "tpu.region"() ({
          %run_scoped3A = tpu.sem_alloc : memref<!tpu.dma_semaphore, #tpu.memory_space<semaphore_mem>>
          %dma_start3A_898 = tpu.memref_slice %arg46[%add3A_897] : memref<524800xf32, #tpu.memory_space<vmem_shared>> -> memref<512xf32, #tpu.memory_space<vmem_shared>>
          %dma_start3A_899 = tpu.memref_slice %arg46[%add3A_897] : memref<524800xf32, #tpu.memory_space<vmem_shared>> -> memref<512xf32, #tpu.memory_space<vmem_shared>>
          tpu.enqueue_dma source(%arg36 : memref<512xf32, #tpu.memory_space<vmem>>) target(%dma_start3A_899 : memref<512xf32, #tpu.memory_space<vmem_shared>>) target_semaphore(%run_scoped3A : memref<!tpu.dma_semaphore, #tpu.memory_space<semaphore_mem>>)
          %dma_wait3A_900 = tpu.memref_slice %arg46[%add3A_897] : memref<524800xf32, #tpu.memory_space<vmem_shared>> -> memref<512xf32, #tpu.memory_space<vmem_shared>>
          %dma_wait3A_901 = tpu.memref_slice %arg46[%add3A_897] : memref<524800xf32, #tpu.memory_space<vmem_shared>> -> memref<512xf32, #tpu.memory_space<vmem_shared>>
          tpu.wait_dma2 semaphore(%run_scoped3A : memref<!tpu.dma_semaphore, #tpu.memory_space<semaphore_mem>>) src(%arg36 : memref<512xf32, #tpu.memory_space<vmem>>) dst(%dma_wait3A_901 : memref<512xf32, #tpu.memory_space<vmem_shared>>)
          tpu.yield
        }) : () -> ()
      }
      %scan3A_673 = arith.constant 64 : i32
      %barrier3A = arith.constant 0 : index
      tpu.barrier barrier_id(%barrier3A)
      %get3A_674 = arith.index_cast %scan3A_668 : i32 to index
      %get3A_675 = memref.load %arg39[%get3A_674] : memref<16xi32, #tpu.memory_space<smem>>
      %get3A_676 = arith.index_cast %scan3A_668 : i32 to index
      %get3A_677 = memref.load %arg40[%get3A_676] : memref<16xi32, #tpu.memory_space<smem>>
      %while3A = arith.constant 0 : i32
      %while3A_678 = arith.subi %get3A_677, %while3A : i32
      %while3A_679 = arith.addi %while3A, %while3A_678 : i32
      %while3A_680 = arith.constant 1 : i32
      %while3A_681 = arith.divsi %while3A_678, %while3A_680 : i32
      %while3A_682 = arith.muli %while3A_681, %while3A_680 : i32
      %while3A_683 = arith.addi %while3A, %while3A_682 : i32
      %while3A_684 = arith.constant 1 : i32
      scf.for %while3A_892 = %while3A to %while3A_683 step %while3A_684  : i32 {
        %add3A_893 = arith.addi %get3A_675, %while3A_892 : i32
        "tpu.region"() ({
          %run_scoped3A = tpu.sem_alloc : memref<!tpu.dma_semaphore, #tpu.memory_space<semaphore_mem>>
          %dma_start3A_894 = arith.constant 0 : i32
          %dma_start3A_895 = tpu.memref_slice %arg12[%add3A_893, %dma_start3A_894] : memref<152x128xf32, #tpu.memory_space<vmem>> -> memref<1x128xf32, #tpu.memory_space<vmem>>
          %dma_start3A_896 = tpu.memref_squeeze %dma_start3A_895 : memref<1x128xf32, #tpu.memory_space<vmem>> -> memref<128xf32, #tpu.memory_space<vmem>>
          %dma_start3A_897 = arith.constant 0 : i32
          %dma_start3A_898 = tpu.memref_slice %arg11[%add3A_893, %dma_start3A_897] : memref<152x128xi32, #tpu.memory_space<vmem>> -> memref<1x128xi32, #tpu.memory_space<vmem>>
          %dma_start3A_899 = tpu.memref_squeeze %dma_start3A_898 : memref<1x128xi32, #tpu.memory_space<vmem>> -> memref<128xi32, #tpu.memory_space<vmem>>
          %dma_start3A_900 = arith.constant 0 : i32
          %dma_start3A_901 = tpu.memref_slice %arg45[%dma_start3A_900] : memref<524800xf32, #tpu.memory_space<vmem_shared>> -> memref<524800xf32, #tpu.memory_space<vmem_shared>>
          tpu.enqueue_indirect_dma source(%dma_start3A_896 : memref<128xf32, #tpu.memory_space<vmem>>) target(%dma_start3A_901 : memref<524800xf32, #tpu.memory_space<vmem_shared>>) offsets(%dma_start3A_899 : memref<128xi32, #tpu.memory_space<vmem>>) semaphore(%run_scoped3A : memref<!tpu.dma_semaphore, #tpu.memory_space<semaphore_mem>>) {add = true}
          %dma_wait3A_902 = arith.constant 0 : i32
          %dma_wait3A_903 = tpu.memref_slice %arg12[%add3A_893, %dma_wait3A_902] : memref<152x128xf32, #tpu.memory_space<vmem>> -> memref<1x128xf32, #tpu.memory_space<vmem>>
          %dma_wait3A_904 = tpu.memref_squeeze %dma_wait3A_903 : memref<1x128xf32, #tpu.memory_space<vmem>> -> memref<128xf32, #tpu.memory_space<vmem>>
          %dma_wait3A_905 = arith.constant 0 : i32
          %dma_wait3A_906 = tpu.memref_slice %arg11[%add3A_893, %dma_wait3A_905] : memref<152x128xi32, #tpu.memory_space<vmem>> -> memref<1x128xi32, #tpu.memory_space<vmem>>
          %dma_wait3A_907 = tpu.memref_squeeze %dma_wait3A_906 : memref<1x128xi32, #tpu.memory_space<vmem>> -> memref<128xi32, #tpu.memory_space<vmem>>
          %dma_wait3A_908 = arith.constant 0 : i32
          %dma_wait3A_909 = tpu.memref_slice %arg45[%dma_wait3A_908] : memref<524800xf32, #tpu.memory_space<vmem_shared>> -> memref<524800xf32, #tpu.memory_space<vmem_shared>>
          tpu.wait_indirect_dma semaphore(%run_scoped3A : memref<!tpu.dma_semaphore, #tpu.memory_space<semaphore_mem>>) src(%dma_wait3A_904 : memref<128xf32, #tpu.memory_space<vmem>>) dst(%dma_wait3A_909 : memref<524800xf32, #tpu.memory_space<vmem_shared>>)
          tpu.yield
        }) : () -> ()
        "tpu.region"() ({
          %run_scoped3A = tpu.sem_alloc : memref<!tpu.dma_semaphore, #tpu.memory_space<semaphore_mem>>
          %dma_start3A_894 = arith.constant 0 : i32
          %dma_start3A_895 = tpu.memref_slice %arg13[%add3A_893, %dma_start3A_894] : memref<152x128xf32, #tpu.memory_space<vmem>> -> memref<1x128xf32, #tpu.memory_space<vmem>>
          %dma_start3A_896 = tpu.memref_squeeze %dma_start3A_895 : memref<1x128xf32, #tpu.memory_space<vmem>> -> memref<128xf32, #tpu.memory_space<vmem>>
          %dma_start3A_897 = arith.constant 0 : i32
          %dma_start3A_898 = tpu.memref_slice %arg11[%add3A_893, %dma_start3A_897] : memref<152x128xi32, #tpu.memory_space<vmem>> -> memref<1x128xi32, #tpu.memory_space<vmem>>
          %dma_start3A_899 = tpu.memref_squeeze %dma_start3A_898 : memref<1x128xi32, #tpu.memory_space<vmem>> -> memref<128xi32, #tpu.memory_space<vmem>>
          %dma_start3A_900 = arith.constant 0 : i32
          %dma_start3A_901 = tpu.memref_slice %arg46[%dma_start3A_900] : memref<524800xf32, #tpu.memory_space<vmem_shared>> -> memref<524800xf32, #tpu.memory_space<vmem_shared>>
          tpu.enqueue_indirect_dma source(%dma_start3A_896 : memref<128xf32, #tpu.memory_space<vmem>>) target(%dma_start3A_901 : memref<524800xf32, #tpu.memory_space<vmem_shared>>) offsets(%dma_start3A_899 : memref<128xi32, #tpu.memory_space<vmem>>) semaphore(%run_scoped3A : memref<!tpu.dma_semaphore, #tpu.memory_space<semaphore_mem>>) {add = true}
          %dma_wait3A_902 = arith.constant 0 : i32
          %dma_wait3A_903 = tpu.memref_slice %arg13[%add3A_893, %dma_wait3A_902] : memref<152x128xf32, #tpu.memory_space<vmem>> -> memref<1x128xf32, #tpu.memory_space<vmem>>
          %dma_wait3A_904 = tpu.memref_squeeze %dma_wait3A_903 : memref<1x128xf32, #tpu.memory_space<vmem>> -> memref<128xf32, #tpu.memory_space<vmem>>
          %dma_wait3A_905 = arith.constant 0 : i32
          %dma_wait3A_906 = tpu.memref_slice %arg11[%add3A_893, %dma_wait3A_905] : memref<152x128xi32, #tpu.memory_space<vmem>> -> memref<1x128xi32, #tpu.memory_space<vmem>>
          %dma_wait3A_907 = tpu.memref_squeeze %dma_wait3A_906 : memref<1x128xi32, #tpu.memory_space<vmem>> -> memref<128xi32, #tpu.memory_space<vmem>>
          %dma_wait3A_908 = arith.constant 0 : i32
          %dma_wait3A_909 = tpu.memref_slice %arg46[%dma_wait3A_908] : memref<524800xf32, #tpu.memory_space<vmem_shared>> -> memref<524800xf32, #tpu.memory_space<vmem_shared>>
          tpu.wait_indirect_dma semaphore(%run_scoped3A : memref<!tpu.dma_semaphore, #tpu.memory_space<semaphore_mem>>) src(%dma_wait3A_904 : memref<128xf32, #tpu.memory_space<vmem>>) dst(%dma_wait3A_909 : memref<524800xf32, #tpu.memory_space<vmem_shared>>)
          tpu.yield
        }) : () -> ()
      }
      %while3A_685 = arith.constant 1 : i32
      scf.for %while3A_892 = %while3A_683 to %while3A_679 step %while3A_685  : i32 {
        %add3A_893 = arith.addi %get3A_675, %while3A_892 : i32
        "tpu.region"() ({
          %run_scoped3A = tpu.sem_alloc : memref<!tpu.dma_semaphore, #tpu.memory_space<semaphore_mem>>
          %dma_start3A_894 = arith.constant 0 : i32
          %dma_start3A_895 = tpu.memref_slice %arg12[%add3A_893, %dma_start3A_894] : memref<152x128xf32, #tpu.memory_space<vmem>> -> memref<1x128xf32, #tpu.memory_space<vmem>>
          %dma_start3A_896 = tpu.memref_squeeze %dma_start3A_895 : memref<1x128xf32, #tpu.memory_space<vmem>> -> memref<128xf32, #tpu.memory_space<vmem>>
          %dma_start3A_897 = arith.constant 0 : i32
          %dma_start3A_898 = tpu.memref_slice %arg11[%add3A_893, %dma_start3A_897] : memref<152x128xi32, #tpu.memory_space<vmem>> -> memref<1x128xi32, #tpu.memory_space<vmem>>
          %dma_start3A_899 = tpu.memref_squeeze %dma_start3A_898 : memref<1x128xi32, #tpu.memory_space<vmem>> -> memref<128xi32, #tpu.memory_space<vmem>>
          %dma_start3A_900 = arith.constant 0 : i32
          %dma_start3A_901 = tpu.memref_slice %arg45[%dma_start3A_900] : memref<524800xf32, #tpu.memory_space<vmem_shared>> -> memref<524800xf32, #tpu.memory_space<vmem_shared>>
          tpu.enqueue_indirect_dma source(%dma_start3A_896 : memref<128xf32, #tpu.memory_space<vmem>>) target(%dma_start3A_901 : memref<524800xf32, #tpu.memory_space<vmem_shared>>) offsets(%dma_start3A_899 : memref<128xi32, #tpu.memory_space<vmem>>) semaphore(%run_scoped3A : memref<!tpu.dma_semaphore, #tpu.memory_space<semaphore_mem>>) {add = true}
          %dma_wait3A_902 = arith.constant 0 : i32
          %dma_wait3A_903 = tpu.memref_slice %arg12[%add3A_893, %dma_wait3A_902] : memref<152x128xf32, #tpu.memory_space<vmem>> -> memref<1x128xf32, #tpu.memory_space<vmem>>
          %dma_wait3A_904 = tpu.memref_squeeze %dma_wait3A_903 : memref<1x128xf32, #tpu.memory_space<vmem>> -> memref<128xf32, #tpu.memory_space<vmem>>
          %dma_wait3A_905 = arith.constant 0 : i32
          %dma_wait3A_906 = tpu.memref_slice %arg11[%add3A_893, %dma_wait3A_905] : memref<152x128xi32, #tpu.memory_space<vmem>> -> memref<1x128xi32, #tpu.memory_space<vmem>>
          %dma_wait3A_907 = tpu.memref_squeeze %dma_wait3A_906 : memref<1x128xi32, #tpu.memory_space<vmem>> -> memref<128xi32, #tpu.memory_space<vmem>>
          %dma_wait3A_908 = arith.constant 0 : i32
          %dma_wait3A_909 = tpu.memref_slice %arg45[%dma_wait3A_908] : memref<524800xf32, #tpu.memory_space<vmem_shared>> -> memref<524800xf32, #tpu.memory_space<vmem_shared>>
          tpu.wait_indirect_dma semaphore(%run_scoped3A : memref<!tpu.dma_semaphore, #tpu.memory_space<semaphore_mem>>) src(%dma_wait3A_904 : memref<128xf32, #tpu.memory_space<vmem>>) dst(%dma_wait3A_909 : memref<524800xf32, #tpu.memory_space<vmem_shared>>)
          tpu.yield
        }) : () -> ()
        "tpu.region"() ({
          %run_scoped3A = tpu.sem_alloc : memref<!tpu.dma_semaphore, #tpu.memory_space<semaphore_mem>>
          %dma_start3A_894 = arith.constant 0 : i32
          %dma_start3A_895 = tpu.memref_slice %arg13[%add3A_893, %dma_start3A_894] : memref<152x128xf32, #tpu.memory_space<vmem>> -> memref<1x128xf32, #tpu.memory_space<vmem>>
          %dma_start3A_896 = tpu.memref_squeeze %dma_start3A_895 : memref<1x128xf32, #tpu.memory_space<vmem>> -> memref<128xf32, #tpu.memory_space<vmem>>
          %dma_start3A_897 = arith.constant 0 : i32
          %dma_start3A_898 = tpu.memref_slice %arg11[%add3A_893, %dma_start3A_897] : memref<152x128xi32, #tpu.memory_space<vmem>> -> memref<1x128xi32, #tpu.memory_space<vmem>>
          %dma_start3A_899 = tpu.memref_squeeze %dma_start3A_898 : memref<1x128xi32, #tpu.memory_space<vmem>> -> memref<128xi32, #tpu.memory_space<vmem>>
          %dma_start3A_900 = arith.constant 0 : i32
          %dma_start3A_901 = tpu.memref_slice %arg46[%dma_start3A_900] : memref<524800xf32, #tpu.memory_space<vmem_shared>> -> memref<524800xf32, #tpu.memory_space<vmem_shared>>
          tpu.enqueue_indirect_dma source(%dma_start3A_896 : memref<128xf32, #tpu.memory_space<vmem>>) target(%dma_start3A_901 : memref<524800xf32, #tpu.memory_space<vmem_shared>>) offsets(%dma_start3A_899 : memref<128xi32, #tpu.memory_space<vmem>>) semaphore(%run_scoped3A : memref<!tpu.dma_semaphore, #tpu.memory_space<semaphore_mem>>) {add = true}
          %dma_wait3A_902 = arith.constant 0 : i32
          %dma_wait3A_903 = tpu.memref_slice %arg13[%add3A_893, %dma_wait3A_902] : memref<152x128xf32, #tpu.memory_space<vmem>> -> memref<1x128xf32, #tpu.memory_space<vmem>>
          %dma_wait3A_904 = tpu.memref_squeeze %dma_wait3A_903 : memref<1x128xf32, #tpu.memory_space<vmem>> -> memref<128xf32, #tpu.memory_space<vmem>>
          %dma_wait3A_905 = arith.constant 0 : i32
          %dma_wait3A_906 = tpu.memref_slice %arg11[%add3A_893, %dma_wait3A_905] : memref<152x128xi32, #tpu.memory_space<vmem>> -> memref<1x128xi32, #tpu.memory_space<vmem>>
          %dma_wait3A_907 = tpu.memref_squeeze %dma_wait3A_906 : memref<1x128xi32, #tpu.memory_space<vmem>> -> memref<128xi32, #tpu.memory_space<vmem>>
          %dma_wait3A_908 = arith.constant 0 : i32
          %dma_wait3A_909 = tpu.memref_slice %arg46[%dma_wait3A_908] : memref<524800xf32, #tpu.memory_space<vmem_shared>> -> memref<524800xf32, #tpu.memory_space<vmem_shared>>
          tpu.wait_indirect_dma semaphore(%run_scoped3A : memref<!tpu.dma_semaphore, #tpu.memory_space<semaphore_mem>>) src(%dma_wait3A_904 : memref<128xf32, #tpu.memory_space<vmem>>) dst(%dma_wait3A_909 : memref<524800xf32, #tpu.memory_space<vmem_shared>>)
          tpu.yield
        }) : () -> ()
      }
      %barrier3A_686 = arith.constant 0 : index
      tpu.barrier barrier_id(%barrier3A_686)
      %mul3A_687 = arith.constant 16 : i32
      %mul3A_688 = arith.muli %arg0, %mul3A_687 : i32
      %add3A_689 = arith.addi %mul3A_688, %scan3A_668 : i32
      %mul3A_690 = arith.constant 524288 : i32
      %mul3A_691 = arith.muli %add3A_689, %mul3A_690 : i32
      %mul3A_692 = arith.constant 32768 : i32
      %mul3A_693 = arith.muli %arg1, %mul3A_692 : i32
      %add3A_694 = arith.addi %mul3A_691, %mul3A_693 : i32
      %add3A_695 = arith.constant 0 : i32
      %add3A_696 = arith.addi %add3A_694, %add3A_695 : i32
      %dma_start3A_697 = tpu.memref_slice %arg7[%add3A_696] : memref<16777216xf32, #tpu.memory_space<hbm>> -> memref<256xf32, #tpu.memory_space<hbm>>
      %dma_start3A_698 = tpu.memref_slice %arg7[%add3A_696] : memref<16777216xf32, #tpu.memory_space<hbm>> -> memref<256xf32, #tpu.memory_space<hbm>>
      tpu.enqueue_dma source(%dma_start3A_698 : memref<256xf32, #tpu.memory_space<hbm>>) target(%arg26 : memref<256xf32, #tpu.memory_space<vmem>>) target_semaphore(%arg41 : memref<!tpu.dma_semaphore, #tpu.memory_space<semaphore_mem>>)
      %dma_start3A_699 = tpu.memref_slice %arg8[%add3A_696] : memref<16777216xf32, #tpu.memory_space<hbm>> -> memref<256xf32, #tpu.memory_space<hbm>>
      %dma_start3A_700 = tpu.memref_slice %arg8[%add3A_696] : memref<16777216xf32, #tpu.memory_space<hbm>> -> memref<256xf32, #tpu.memory_space<hbm>>
      tpu.enqueue_dma source(%dma_start3A_700 : memref<256xf32, #tpu.memory_space<hbm>>) target(%arg27 : memref<256xf32, #tpu.memory_space<vmem>>) target_semaphore(%arg41 : memref<!tpu.dma_semaphore, #tpu.memory_space<semaphore_mem>>)
      %mul3A_701 = arith.constant 524288 : i32
      %mul3A_702 = arith.muli %add3A_689, %mul3A_701 : i32
      %mul3A_703 = arith.constant 32768 : i32
      %mul3A_704 = arith.muli %arg1, %mul3A_703 : i32
      %add3A_705 = arith.addi %mul3A_702, %mul3A_704 : i32
      %add3A_706 = arith.constant 256 : i32
      %add3A_707 = arith.addi %add3A_705, %add3A_706 : i32
      %dma_start3A_708 = tpu.memref_slice %arg7[%add3A_707] : memref<16777216xf32, #tpu.memory_space<hbm>> -> memref<256xf32, #tpu.memory_space<hbm>>
      %dma_start3A_709 = tpu.memref_slice %arg7[%add3A_707] : memref<16777216xf32, #tpu.memory_space<hbm>> -> memref<256xf32, #tpu.memory_space<hbm>>
      tpu.enqueue_dma source(%dma_start3A_709 : memref<256xf32, #tpu.memory_space<hbm>>) target(%arg32 : memref<256xf32, #tpu.memory_space<vmem>>) target_semaphore(%arg42 : memref<!tpu.dma_semaphore, #tpu.memory_space<semaphore_mem>>)
      %dma_start3A_710 = tpu.memref_slice %arg8[%add3A_707] : memref<16777216xf32, #tpu.memory_space<hbm>> -> memref<256xf32, #tpu.memory_space<hbm>>
      %dma_start3A_711 = tpu.memref_slice %arg8[%add3A_707] : memref<16777216xf32, #tpu.memory_space<hbm>> -> memref<256xf32, #tpu.memory_space<hbm>>
      tpu.enqueue_dma source(%dma_start3A_711 : memref<256xf32, #tpu.memory_space<hbm>>) target(%arg33 : memref<256xf32, #tpu.memory_space<vmem>>) target_semaphore(%arg42 : memref<!tpu.dma_semaphore, #tpu.memory_space<semaphore_mem>>)
      %mul3A_712 = arith.constant 32768 : i32
      %mul3A_713 = arith.muli %arg1, %mul3A_712 : i32
      %add3A_714 = arith.constant 0 : i32
      %add3A_715 = arith.addi %mul3A_713, %add3A_714 : i32
      %mul3A_716 = arith.constant 524288 : i32
      %mul3A_717 = arith.muli %add3A_689, %mul3A_716 : i32
      %add3A_718 = arith.addi %mul3A_717, %add3A_715 : i32
      %dma_wait3A_719 = tpu.memref_slice %arg7[%add3A_718] : memref<16777216xf32, #tpu.memory_space<hbm>> -> memref<256xf32, #tpu.memory_space<hbm>>
      %dma_wait3A_720 = tpu.memref_slice %arg7[%add3A_718] : memref<16777216xf32, #tpu.memory_space<hbm>> -> memref<256xf32, #tpu.memory_space<hbm>>
      tpu.wait_dma2 semaphore(%arg41 : memref<!tpu.dma_semaphore, #tpu.memory_space<semaphore_mem>>) src(%dma_wait3A_720 : memref<256xf32, #tpu.memory_space<hbm>>) dst(%arg26 : memref<256xf32, #tpu.memory_space<vmem>>)
      %dma_wait3A_721 = tpu.memref_slice %arg8[%add3A_718] : memref<16777216xf32, #tpu.memory_space<hbm>> -> memref<256xf32, #tpu.memory_space<hbm>>
      %dma_wait3A_722 = tpu.memref_slice %arg8[%add3A_718] : memref<16777216xf32, #tpu.memory_space<hbm>> -> memref<256xf32, #tpu.memory_space<hbm>>
      tpu.wait_dma2 semaphore(%arg41 : memref<!tpu.dma_semaphore, #tpu.memory_space<semaphore_mem>>) src(%dma_wait3A_722 : memref<256xf32, #tpu.memory_space<hbm>>) dst(%arg27 : memref<256xf32, #tpu.memory_space<vmem>>)
      "tpu.region"() ({
        %run_scoped3A = tpu.sem_alloc : memref<!tpu.dma_semaphore, #tpu.memory_space<semaphore_mem>>
        %dma_start3A_892 = tpu.memref_slice %arg45[%add3A_715] : memref<524800xf32, #tpu.memory_space<vmem_shared>> -> memref<256xf32, #tpu.memory_space<vmem_shared>>
        %dma_start3A_893 = tpu.memref_slice %arg45[%add3A_715] : memref<524800xf32, #tpu.memory_space<vmem_shared>> -> memref<256xf32, #tpu.memory_space<vmem_shared>>
        tpu.enqueue_dma source(%dma_start3A_893 : memref<256xf32, #tpu.memory_space<vmem_shared>>) target(%arg24 : memref<256xf32, #tpu.memory_space<vmem>>) target_semaphore(%run_scoped3A : memref<!tpu.dma_semaphore, #tpu.memory_space<semaphore_mem>>)
        %dma_wait3A_894 = tpu.memref_slice %arg45[%add3A_715] : memref<524800xf32, #tpu.memory_space<vmem_shared>> -> memref<256xf32, #tpu.memory_space<vmem_shared>>
        %dma_wait3A_895 = tpu.memref_slice %arg45[%add3A_715] : memref<524800xf32, #tpu.memory_space<vmem_shared>> -> memref<256xf32, #tpu.memory_space<vmem_shared>>
        tpu.wait_dma2 semaphore(%run_scoped3A : memref<!tpu.dma_semaphore, #tpu.memory_space<semaphore_mem>>) src(%dma_wait3A_895 : memref<256xf32, #tpu.memory_space<vmem_shared>>) dst(%arg24 : memref<256xf32, #tpu.memory_space<vmem>>)
        tpu.yield
      }) : () -> ()
      "tpu.region"() ({
        %run_scoped3A = tpu.sem_alloc : memref<!tpu.dma_semaphore, #tpu.memory_space<semaphore_mem>>
        %dma_start3A_892 = tpu.memref_slice %arg46[%add3A_715] : memref<524800xf32, #tpu.memory_space<vmem_shared>> -> memref<256xf32, #tpu.memory_space<vmem_shared>>
        %dma_start3A_893 = tpu.memref_slice %arg46[%add3A_715] : memref<524800xf32, #tpu.memory_space<vmem_shared>> -> memref<256xf32, #tpu.memory_space<vmem_shared>>
        tpu.enqueue_dma source(%dma_start3A_893 : memref<256xf32, #tpu.memory_space<vmem_shared>>) target(%arg25 : memref<256xf32, #tpu.memory_space<vmem>>) target_semaphore(%run_scoped3A : memref<!tpu.dma_semaphore, #tpu.memory_space<semaphore_mem>>)
        %dma_wait3A_894 = tpu.memref_slice %arg46[%add3A_715] : memref<524800xf32, #tpu.memory_space<vmem_shared>> -> memref<256xf32, #tpu.memory_space<vmem_shared>>
        %dma_wait3A_895 = tpu.memref_slice %arg46[%add3A_715] : memref<524800xf32, #tpu.memory_space<vmem_shared>> -> memref<256xf32, #tpu.memory_space<vmem_shared>>
        tpu.wait_dma2 semaphore(%run_scoped3A : memref<!tpu.dma_semaphore, #tpu.memory_space<semaphore_mem>>) src(%dma_wait3A_895 : memref<256xf32, #tpu.memory_space<vmem_shared>>) dst(%arg25 : memref<256xf32, #tpu.memory_space<vmem>>)
        tpu.yield
      }) : () -> ()
      %scan3A_723 = arith.constant 0 : i32
      %scan3A_724 = arith.constant 16 : i32
      %scan3A_725 = arith.addi %scan3A_723, %scan3A_724 : i32
      %scan3A_726 = arith.constant 1 : i32
      scf.for %scan3A_892 = %scan3A_723 to %scan3A_725 step %scan3A_726  : i32 {
        %mul3A_893 = arith.constant 16 : i32
        %mul3A_894 = arith.muli %scan3A_892, %mul3A_893 : i32
        %get3A_895 = arith.index_cast %mul3A_894 : i32 to index
        %get3A_896 = tpu.vector_load %arg24[%get3A_895] {strides = array<i32>} : memref<256xf32, #tpu.memory_space<vmem>>, vector<16xf32>,
        %mul3A_897 = arith.constant 16 : i32
        %mul3A_898 = arith.muli %scan3A_892, %mul3A_897 : i32
        %get3A_899 = arith.index_cast %mul3A_898 : i32 to index
        %get3A_900 = tpu.vector_load %arg25[%get3A_899] {strides = array<i32>} : memref<256xf32, #tpu.memory_space<vmem>>, vector<16xf32>,
        %mul3A_901 = arith.constant 16 : i32
        %mul3A_902 = arith.muli %scan3A_892, %mul3A_901 : i32
        %get3A_903 = arith.index_cast %mul3A_902 : i32 to index
        %get3A_904 = tpu.vector_load %arg26[%get3A_903] {strides = array<i32>} : memref<256xf32, #tpu.memory_space<vmem>>, vector<16xf32>,
        %mul3A_905 = arith.constant 16 : i32
        %mul3A_906 = arith.muli %scan3A_892, %mul3A_905 : i32
        %get3A_907 = arith.index_cast %mul3A_906 : i32 to index
        %get3A_908 = tpu.vector_load %arg27[%get3A_907] {strides = array<i32>} : memref<256xf32, #tpu.memory_space<vmem>>, vector<16xf32>,
        %add3A_909 = arith.addf %get3A_908, %get3A_896 : vector<16xf32>
        %mul3A_910 = arith.mulf %get3A_908, %get3A_904 : vector<16xf32>
        %add3A_911 = arith.addf %mul3A_910, %get3A_900 : vector<16xf32>
        %gt3A = arith.constant 0.000000e+00 : f32
        %gt3A_912 = vector.broadcast %gt3A : f32 to vector<16xf32>
        %gt3A_913 = arith.cmpf ogt, %add3A_909, %gt3A_912 : vector<16xf32>
        %div3A = arith.divf %add3A_911, %add3A_909 : vector<16xf32>
        %select_n3A = arith.select %gt3A_913, %div3A, %get3A_904 : vector<16xi1>, vector<16xf32>
        %mul3A_914 = arith.constant 16 : i32
        %mul3A_915 = arith.muli %scan3A_892, %mul3A_914 : i32
        %swap3A_916 = arith.index_cast %mul3A_915 : i32 to index
        %swap3A_917 = tpu.vector_load %arg28[%swap3A_916] {strides = array<i32>} : memref<256xf32, #tpu.memory_space<vmem>>, vector<16xf32>,
        tpu.vector_store %arg28[%swap3A_916], %select_n3A {strides = array<i32>} : memref<256xf32, #tpu.memory_space<vmem>>, vector<16xf32>,
        %mul3A_918 = arith.constant 16 : i32
        %mul3A_919 = arith.muli %scan3A_892, %mul3A_918 : i32
        %swap3A_920 = arith.index_cast %mul3A_919 : i32 to index
        %swap3A_921 = tpu.vector_load %arg29[%swap3A_920] {strides = array<i32>} : memref<256xf32, #tpu.memory_space<vmem>>, vector<16xf32>,
        tpu.vector_store %arg29[%swap3A_920], %add3A_909 {strides = array<i32>} : memref<256xf32, #tpu.memory_space<vmem>>, vector<16xf32>,
      }
      %scan3A_727 = arith.constant 16 : i32
      %mul3A_728 = arith.constant 524288 : i32
      %mul3A_729 = arith.muli %add3A_689, %mul3A_728 : i32
      %mul3A_730 = arith.constant 32768 : i32
      %mul3A_731 = arith.muli %arg1, %mul3A_730 : i32
      %add3A_732 = arith.addi %mul3A_729, %mul3A_731 : i32
      %add3A_733 = arith.constant 0 : i32
      %add3A_734 = arith.addi %add3A_732, %add3A_733 : i32
      %dma_start3A_735 = tpu.memref_slice %arg9[%add3A_734] : memref<16777216xf32, #tpu.memory_space<hbm>> -> memref<256xf32, #tpu.memory_space<hbm>>
      %dma_start3A_736 = tpu.memref_slice %arg9[%add3A_734] : memref<16777216xf32, #tpu.memory_space<hbm>> -> memref<256xf32, #tpu.memory_space<hbm>>
      tpu.enqueue_dma source(%arg28 : memref<256xf32, #tpu.memory_space<vmem>>) target(%dma_start3A_736 : memref<256xf32, #tpu.memory_space<hbm>>) target_semaphore(%arg43 : memref<!tpu.dma_semaphore, #tpu.memory_space<semaphore_mem>>)
      %dma_start3A_737 = tpu.memref_slice %arg10[%add3A_734] : memref<16777216xf32, #tpu.memory_space<hbm>> -> memref<256xf32, #tpu.memory_space<hbm>>
      %dma_start3A_738 = tpu.memref_slice %arg10[%add3A_734] : memref<16777216xf32, #tpu.memory_space<hbm>> -> memref<256xf32, #tpu.memory_space<hbm>>
      tpu.enqueue_dma source(%arg29 : memref<256xf32, #tpu.memory_space<vmem>>) target(%dma_start3A_738 : memref<256xf32, #tpu.memory_space<hbm>>) target_semaphore(%arg43 : memref<!tpu.dma_semaphore, #tpu.memory_space<semaphore_mem>>)
      %mul3A_739 = arith.constant 524288 : i32
      %mul3A_740 = arith.muli %add3A_689, %mul3A_739 : i32
      %mul3A_741 = arith.constant 32768 : i32
      %mul3A_742 = arith.muli %arg1, %mul3A_741 : i32
      %add3A_743 = arith.addi %mul3A_740, %mul3A_742 : i32
      %add3A_744 = arith.constant 512 : i32
      %add3A_745 = arith.addi %add3A_743, %add3A_744 : i32
      %dma_start3A_746 = tpu.memref_slice %arg7[%add3A_745] : memref<16777216xf32, #tpu.memory_space<hbm>> -> memref<256xf32, #tpu.memory_space<hbm>>
      %dma_start3A_747 = tpu.memref_slice %arg7[%add3A_745] : memref<16777216xf32, #tpu.memory_space<hbm>> -> memref<256xf32, #tpu.memory_space<hbm>>
      tpu.enqueue_dma source(%dma_start3A_747 : memref<256xf32, #tpu.memory_space<hbm>>) target(%arg26 : memref<256xf32, #tpu.memory_space<vmem>>) target_semaphore(%arg41 : memref<!tpu.dma_semaphore, #tpu.memory_space<semaphore_mem>>)
      %dma_start3A_748 = tpu.memref_slice %arg8[%add3A_745] : memref<16777216xf32, #tpu.memory_space<hbm>> -> memref<256xf32, #tpu.memory_space<hbm>>
      %dma_start3A_749 = tpu.memref_slice %arg8[%add3A_745] : memref<16777216xf32, #tpu.memory_space<hbm>> -> memref<256xf32, #tpu.memory_space<hbm>>
      tpu.enqueue_dma source(%dma_start3A_749 : memref<256xf32, #tpu.memory_space<hbm>>) target(%arg27 : memref<256xf32, #tpu.memory_space<vmem>>) target_semaphore(%arg41 : memref<!tpu.dma_semaphore, #tpu.memory_space<semaphore_mem>>)
      %mul3A_750 = arith.constant 32768 : i32
      %mul3A_751 = arith.muli %arg1, %mul3A_750 : i32
      %add3A_752 = arith.constant 256 : i32
      %add3A_753 = arith.addi %mul3A_751, %add3A_752 : i32
      %mul3A_754 = arith.constant 524288 : i32
      %mul3A_755 = arith.muli %add3A_689, %mul3A_754 : i32
      %add3A_756 = arith.addi %mul3A_755, %add3A_753 : i32
      %dma_wait3A_757 = tpu.memref_slice %arg7[%add3A_756] : memref<16777216xf32, #tpu.memory_space<hbm>> -> memref<256xf32, #tpu.memory_space<hbm>>
      %dma_wait3A_758 = tpu.memref_slice %arg7[%add3A_756] : memref<16777216xf32, #tpu.memory_space<hbm>> -> memref<256xf32, #tpu.memory_space<hbm>>
      tpu.wait_dma2 semaphore(%arg42 : memref<!tpu.dma_semaphore, #tpu.memory_space<semaphore_mem>>) src(%dma_wait3A_758 : memref<256xf32, #tpu.memory_space<hbm>>) dst(%arg32 : memref<256xf32, #tpu.memory_space<vmem>>)
      %dma_wait3A_759 = tpu.memref_slice %arg8[%add3A_756] : memref<16777216xf32, #tpu.memory_space<hbm>> -> memref<256xf32, #tpu.memory_space<hbm>>
      %dma_wait3A_760 = tpu.memref_slice %arg8[%add3A_756] : memref<16777216xf32, #tpu.memory_space<hbm>> -> memref<256xf32, #tpu.memory_space<hbm>>
      tpu.wait_dma2 semaphore(%arg42 : memref<!tpu.dma_semaphore, #tpu.memory_space<semaphore_mem>>) src(%dma_wait3A_760 : memref<256xf32, #tpu.memory_space<hbm>>) dst(%arg33 : memref<256xf32, #tpu.memory_space<vmem>>)
      "tpu.region"() ({
        %run_scoped3A = tpu.sem_alloc : memref<!tpu.dma_semaphore, #tpu.memory_space<semaphore_mem>>
        %dma_start3A_892 = tpu.memref_slice %arg45[%add3A_753] : memref<524800xf32, #tpu.memory_space<vmem_shared>> -> memref<256xf32, #tpu.memory_space<vmem_shared>>
        %dma_start3A_893 = tpu.memref_slice %arg45[%add3A_753] : memref<524800xf32, #tpu.memory_space<vmem_shared>> -> memref<256xf32, #tpu.memory_space<vmem_shared>>
        tpu.enqueue_dma source(%dma_start3A_893 : memref<256xf32, #tpu.memory_space<vmem_shared>>) target(%arg30 : memref<256xf32, #tpu.memory_space<vmem>>) target_semaphore(%run_scoped3A : memref<!tpu.dma_semaphore, #tpu.memory_space<semaphore_mem>>)
        %dma_wait3A_894 = tpu.memref_slice %arg45[%add3A_753] : memref<524800xf32, #tpu.memory_space<vmem_shared>> -> memref<256xf32, #tpu.memory_space<vmem_shared>>
        %dma_wait3A_895 = tpu.memref_slice %arg45[%add3A_753] : memref<524800xf32, #tpu.memory_space<vmem_shared>> -> memref<256xf32, #tpu.memory_space<vmem_shared>>
        tpu.wait_dma2 semaphore(%run_scoped3A : memref<!tpu.dma_semaphore, #tpu.memory_space<semaphore_mem>>) src(%dma_wait3A_895 : memref<256xf32, #tpu.memory_space<vmem_shared>>) dst(%arg30 : memref<256xf32, #tpu.memory_space<vmem>>)
        tpu.yield
      }) : () -> ()
      "tpu.region"() ({
        %run_scoped3A = tpu.sem_alloc : memref<!tpu.dma_semaphore, #tpu.memory_space<semaphore_mem>>
        %dma_start3A_892 = tpu.memref_slice %arg46[%add3A_753] : memref<524800xf32, #tpu.memory_space<vmem_shared>> -> memref<256xf32, #tpu.memory_space<vmem_shared>>
        %dma_start3A_893 = tpu.memref_slice %arg46[%add3A_753] : memref<524800xf32, #tpu.memory_space<vmem_shared>> -> memref<256xf32, #tpu.memory_space<vmem_shared>>
        tpu.enqueue_dma source(%dma_start3A_893 : memref<256xf32, #tpu.memory_space<vmem_shared>>) target(%arg31 : memref<256xf32, #tpu.memory_space<vmem>>) target_semaphore(%run_scoped3A : memref<!tpu.dma_semaphore, #tpu.memory_space<semaphore_mem>>)
        %dma_wait3A_894 = tpu.memref_slice %arg46[%add3A_753] : memref<524800xf32, #tpu.memory_space<vmem_shared>> -> memref<256xf32, #tpu.memory_space<vmem_shared>>
        %dma_wait3A_895 = tpu.memref_slice %arg46[%add3A_753] : memref<524800xf32, #tpu.memory_space<vmem_shared>> -> memref<256xf32, #tpu.memory_space<vmem_shared>>
        tpu.wait_dma2 semaphore(%run_scoped3A : memref<!tpu.dma_semaphore, #tpu.memory_space<semaphore_mem>>) src(%dma_wait3A_895 : memref<256xf32, #tpu.memory_space<vmem_shared>>) dst(%arg31 : memref<256xf32, #tpu.memory_space<vmem>>)
        tpu.yield
      }) : () -> ()
      %scan3A_761 = arith.constant 0 : i32
      %scan3A_762 = arith.constant 16 : i32
      %scan3A_763 = arith.addi %scan3A_761, %scan3A_762 : i32
      %scan3A_764 = arith.constant 1 : i32
      scf.for %scan3A_892 = %scan3A_761 to %scan3A_763 step %scan3A_764  : i32 {
        %mul3A_893 = arith.constant 16 : i32
        %mul3A_894 = arith.muli %scan3A_892, %mul3A_893 : i32
        %get3A_895 = arith.index_cast %mul3A_894 : i32 to index
        %get3A_896 = tpu.vector_load %arg30[%get3A_895] {strides = array<i32>} : memref<256xf32, #tpu.memory_space<vmem>>, vector<16xf32>,
        %mul3A_897 = arith.constant 16 : i32
        %mul3A_898 = arith.muli %scan3A_892, %mul3A_897 : i32
        %get3A_899 = arith.index_cast %mul3A_898 : i32 to index
        %get3A_900 = tpu.vector_load %arg31[%get3A_899] {strides = array<i32>} : memref<256xf32, #tpu.memory_space<vmem>>, vector<16xf32>,
        %mul3A_901 = arith.constant 16 : i32
        %mul3A_902 = arith.muli %scan3A_892, %mul3A_901 : i32
        %get3A_903 = arith.index_cast %mul3A_902 : i32 to index
        %get3A_904 = tpu.vector_load %arg32[%get3A_903] {strides = array<i32>} : memref<256xf32, #tpu.memory_space<vmem>>, vector<16xf32>,
        %mul3A_905 = arith.constant 16 : i32
        %mul3A_906 = arith.muli %scan3A_892, %mul3A_905 : i32
        %get3A_907 = arith.index_cast %mul3A_906 : i32 to index
        %get3A_908 = tpu.vector_load %arg33[%get3A_907] {strides = array<i32>} : memref<256xf32, #tpu.memory_space<vmem>>, vector<16xf32>,
        %add3A_909 = arith.addf %get3A_908, %get3A_896 : vector<16xf32>
        %mul3A_910 = arith.mulf %get3A_908, %get3A_904 : vector<16xf32>
        %add3A_911 = arith.addf %mul3A_910, %get3A_900 : vector<16xf32>
        %gt3A = arith.constant 0.000000e+00 : f32
        %gt3A_912 = vector.broadcast %gt3A : f32 to vector<16xf32>
        %gt3A_913 = arith.cmpf ogt, %add3A_909, %gt3A_912 : vector<16xf32>
        %div3A = arith.divf %add3A_911, %add3A_909 : vector<16xf32>
        %select_n3A = arith.select %gt3A_913, %div3A, %get3A_904 : vector<16xi1>, vector<16xf32>
        %mul3A_914 = arith.constant 16 : i32
        %mul3A_915 = arith.muli %scan3A_892, %mul3A_914 : i32
        %swap3A_916 = arith.index_cast %mul3A_915 : i32 to index
        %swap3A_917 = tpu.vector_load %arg34[%swap3A_916] {strides = array<i32>} : memref<256xf32, #tpu.memory_space<vmem>>, vector<16xf32>,
        tpu.vector_store %arg34[%swap3A_916], %select_n3A {strides = array<i32>} : memref<256xf32, #tpu.memory_space<vmem>>, vector<16xf32>,
        %mul3A_918 = arith.constant 16 : i32
        %mul3A_919 = arith.muli %scan3A_892, %mul3A_918 : i32
        %swap3A_920 = arith.index_cast %mul3A_919 : i32 to index
        %swap3A_921 = tpu.vector_load %arg35[%swap3A_920] {strides = array<i32>} : memref<256xf32, #tpu.memory_space<vmem>>, vector<16xf32>,
        tpu.vector_store %arg35[%swap3A_920], %add3A_909 {strides = array<i32>} : memref<256xf32, #tpu.memory_space<vmem>>, vector<16xf32>,
      }
      %scan3A_765 = arith.constant 16 : i32
      %mul3A_766 = arith.constant 524288 : i32
      %mul3A_767 = arith.muli %add3A_689, %mul3A_766 : i32
      %mul3A_768 = arith.constant 32768 : i32
      %mul3A_769 = arith.muli %arg1, %mul3A_768 : i32
      %add3A_770 = arith.addi %mul3A_767, %mul3A_769 : i32
      %add3A_771 = arith.constant 256 : i32
      %add3A_772 = arith.addi %add3A_770, %add3A_771 : i32
      %dma_start3A_773 = tpu.memref_slice %arg9[%add3A_772] : memref<16777216xf32, #tpu.memory_space<hbm>> -> memref<256xf32, #tpu.memory_space<hbm>>
      %dma_start3A_774 = tpu.memref_slice %arg9[%add3A_772] : memref<16777216xf32, #tpu.memory_space<hbm>> -> memref<256xf32, #tpu.memory_space<hbm>>
      tpu.enqueue_dma source(%arg34 : memref<256xf32, #tpu.memory_space<vmem>>) target(%dma_start3A_774 : memref<256xf32, #tpu.memory_space<hbm>>) target_semaphore(%arg44 : memref<!tpu.dma_semaphore, #tpu.memory_space<semaphore_mem>>)
      %dma_start3A_775 = tpu.memref_slice %arg10[%add3A_772] : memref<16777216xf32, #tpu.memory_space<hbm>> -> memref<256xf32, #tpu.memory_space<hbm>>
      %dma_start3A_776 = tpu.memref_slice %arg10[%add3A_772] : memref<16777216xf32, #tpu.memory_space<hbm>> -> memref<256xf32, #tpu.memory_space<hbm>>
      tpu.enqueue_dma source(%arg35 : memref<256xf32, #tpu.memory_space<vmem>>) target(%dma_start3A_776 : memref<256xf32, #tpu.memory_space<hbm>>) target_semaphore(%arg44 : memref<!tpu.dma_semaphore, #tpu.memory_space<semaphore_mem>>)
      %mul3A_777 = arith.constant 524288 : i32
      %mul3A_778 = arith.muli %add3A_689, %mul3A_777 : i32
      %mul3A_779 = arith.constant 32768 : i32
      %mul3A_780 = arith.muli %arg1, %mul3A_779 : i32
      %add3A_781 = arith.addi %mul3A_778, %mul3A_780 : i32
      %add3A_782 = arith.constant 768 : i32
      %add3A_783 = arith.addi %add3A_781, %add3A_782 : i32
      %dma_start3A_784 = tpu.memref_slice %arg7[%add3A_783] : memref<16777216xf32, #tpu.memory_space<hbm>> -> memref<256xf32, #tpu.memory_space<hbm>>
      %dma_start3A_785 = tpu.memref_slice %arg7[%add3A_783] : memref<16777216xf32, #tpu.memory_space<hbm>> -> memref<256xf32, #tpu.memory_space<hbm>>
      tpu.enqueue_dma source(%dma_start3A_785 : memref<256xf32, #tpu.memory_space<hbm>>) target(%arg32 : memref<256xf32, #tpu.memory_space<vmem>>) target_semaphore(%arg42 : memref<!tpu.dma_semaphore, #tpu.memory_space<semaphore_mem>>)
      %dma_start3A_786 = tpu.memref_slice %arg8[%add3A_783] : memref<16777216xf32, #tpu.memory_space<hbm>> -> memref<256xf32, #tpu.memory_space<hbm>>
      %dma_start3A_787 = tpu.memref_slice %arg8[%add3A_783] : memref<16777216xf32, #tpu.memory_space<hbm>> -> memref<256xf32, #tpu.memory_space<hbm>>
      tpu.enqueue_dma source(%dma_start3A_787 : memref<256xf32, #tpu.memory_space<hbm>>) target(%arg33 : memref<256xf32, #tpu.memory_space<vmem>>) target_semaphore(%arg42 : memref<!tpu.dma_semaphore, #tpu.memory_space<semaphore_mem>>)
      %scan3A_788 = arith.constant 1 : i32
      %scan3A_789 = arith.constant 62 : i32
      %scan3A_790 = arith.addi %scan3A_788, %scan3A_789 : i32
      %scan3A_791 = arith.constant 1 : i32
      scf.for %scan3A_892 = %scan3A_788 to %scan3A_790 step %scan3A_791  : i32 {
        %mul3A_893 = arith.constant 2 : i32
        %mul3A_894 = arith.muli %mul3A_893, %scan3A_892 : i32
        %mul3A_895 = arith.constant 2 : i32
        %mul3A_896 = arith.muli %mul3A_895, %scan3A_892 : i32
        %add3A_897 = arith.constant 1 : i32
        %add3A_898 = arith.addi %mul3A_896, %add3A_897 : i32
        %mul3A_899 = arith.constant 32768 : i32
        %mul3A_900 = arith.muli %arg1, %mul3A_899 : i32
        %mul3A_901 = arith.constant 256 : i32
        %mul3A_902 = arith.muli %mul3A_894, %mul3A_901 : i32
        %add3A_903 = arith.addi %mul3A_900, %mul3A_902 : i32
        %mul3A_904 = arith.constant 524288 : i32
        %mul3A_905 = arith.muli %add3A_689, %mul3A_904 : i32
        %add3A_906 = arith.addi %mul3A_905, %add3A_903 : i32
        %dma_wait3A_907 = tpu.memref_slice %arg7[%add3A_906] : memref<16777216xf32, #tpu.memory_space<hbm>> -> memref<256xf32, #tpu.memory_space<hbm>>
        %dma_wait3A_908 = tpu.memref_slice %arg7[%add3A_906] : memref<16777216xf32, #tpu.memory_space<hbm>> -> memref<256xf32, #tpu.memory_space<hbm>>
        tpu.wait_dma2 semaphore(%arg41 : memref<!tpu.dma_semaphore, #tpu.memory_space<semaphore_mem>>) src(%dma_wait3A_908 : memref<256xf32, #tpu.memory_space<hbm>>) dst(%arg26 : memref<256xf32, #tpu.memory_space<vmem>>)
        %dma_wait3A_909 = tpu.memref_slice %arg8[%add3A_906] : memref<16777216xf32, #tpu.memory_space<hbm>> -> memref<256xf32, #tpu.memory_space<hbm>>
        %dma_wait3A_910 = tpu.memref_slice %arg8[%add3A_906] : memref<16777216xf32, #tpu.memory_space<hbm>> -> memref<256xf32, #tpu.memory_space<hbm>>
        tpu.wait_dma2 semaphore(%arg41 : memref<!tpu.dma_semaphore, #tpu.memory_space<semaphore_mem>>) src(%dma_wait3A_910 : memref<256xf32, #tpu.memory_space<hbm>>) dst(%arg27 : memref<256xf32, #tpu.memory_space<vmem>>)
        "tpu.region"() ({
          %run_scoped3A = tpu.sem_alloc : memref<!tpu.dma_semaphore, #tpu.memory_space<semaphore_mem>>
          %dma_start3A_1013 = tpu.memref_slice %arg45[%add3A_903] : memref<524800xf32, #tpu.memory_space<vmem_shared>> -> memref<256xf32, #tpu.memory_space<vmem_shared>>
          %dma_start3A_1014 = tpu.memref_slice %arg45[%add3A_903] : memref<524800xf32, #tpu.memory_space<vmem_shared>> -> memref<256xf32, #tpu.memory_space<vmem_shared>>
          tpu.enqueue_dma source(%dma_start3A_1014 : memref<256xf32, #tpu.memory_space<vmem_shared>>) target(%arg24 : memref<256xf32, #tpu.memory_space<vmem>>) target_semaphore(%run_scoped3A : memref<!tpu.dma_semaphore, #tpu.memory_space<semaphore_mem>>)
          %dma_wait3A_1015 = tpu.memref_slice %arg45[%add3A_903] : memref<524800xf32, #tpu.memory_space<vmem_shared>> -> memref<256xf32, #tpu.memory_space<vmem_shared>>
          %dma_wait3A_1016 = tpu.memref_slice %arg45[%add3A_903] : memref<524800xf32, #tpu.memory_space<vmem_shared>> -> memref<256xf32, #tpu.memory_space<vmem_shared>>
          tpu.wait_dma2 semaphore(%run_scoped3A : memref<!tpu.dma_semaphore, #tpu.memory_space<semaphore_mem>>) src(%dma_wait3A_1016 : memref<256xf32, #tpu.memory_space<vmem_shared>>) dst(%arg24 : memref<256xf32, #tpu.memory_space<vmem>>)
          tpu.yield
        }) : () -> ()
        "tpu.region"() ({
          %run_scoped3A = tpu.sem_alloc : memref<!tpu.dma_semaphore, #tpu.memory_space<semaphore_mem>>
          %dma_start3A_1013 = tpu.memref_slice %arg46[%add3A_903] : memref<524800xf32, #tpu.memory_space<vmem_shared>> -> memref<256xf32, #tpu.memory_space<vmem_shared>>
          %dma_start3A_1014 = tpu.memref_slice %arg46[%add3A_903] : memref<524800xf32, #tpu.memory_space<vmem_shared>> -> memref<256xf32, #tpu.memory_space<vmem_shared>>
          tpu.enqueue_dma source(%dma_start3A_1014 : memref<256xf32, #tpu.memory_space<vmem_shared>>) target(%arg25 : memref<256xf32, #tpu.memory_space<vmem>>) target_semaphore(%run_scoped3A : memref<!tpu.dma_semaphore, #tpu.memory_space<semaphore_mem>>)
          %dma_wait3A_1015 = tpu.memref_slice %arg46[%add3A_903] : memref<524800xf32, #tpu.memory_space<vmem_shared>> -> memref<256xf32, #tpu.memory_space<vmem_shared>>
          %dma_wait3A_1016 = tpu.memref_slice %arg46[%add3A_903] : memref<524800xf32, #tpu.memory_space<vmem_shared>> -> memref<256xf32, #tpu.memory_space<vmem_shared>>
          tpu.wait_dma2 semaphore(%run_scoped3A : memref<!tpu.dma_semaphore, #tpu.memory_space<semaphore_mem>>) src(%dma_wait3A_1016 : memref<256xf32, #tpu.memory_space<vmem_shared>>) dst(%arg25 : memref<256xf32, #tpu.memory_space<vmem>>)
          tpu.yield
        }) : () -> ()
        %sub3A_911 = arith.constant 2 : i32
        %sub3A_912 = arith.subi %mul3A_894, %sub3A_911 : i32
        %mul3A_913 = arith.constant 524288 : i32
        %mul3A_914 = arith.muli %add3A_689, %mul3A_913 : i32
        %mul3A_915 = arith.constant 32768 : i32
        %mul3A_916 = arith.muli %arg1, %mul3A_915 : i32
        %add3A_917 = arith.addi %mul3A_914, %mul3A_916 : i32
        %mul3A_918 = arith.constant 256 : i32
        %mul3A_919 = arith.muli %sub3A_912, %mul3A_918 : i32
        %add3A_920 = arith.addi %add3A_917, %mul3A_919 : i32
        %dma_wait3A_921 = tpu.memref_slice %arg9[%add3A_920] : memref<16777216xf32, #tpu.memory_space<hbm>> -> memref<256xf32, #tpu.memory_space<hbm>>
        %dma_wait3A_922 = tpu.memref_slice %arg9[%add3A_920] : memref<16777216xf32, #tpu.memory_space<hbm>> -> memref<256xf32, #tpu.memory_space<hbm>>
        tpu.wait_dma2 semaphore(%arg43 : memref<!tpu.dma_semaphore, #tpu.memory_space<semaphore_mem>>) src(%arg28 : memref<256xf32, #tpu.memory_space<vmem>>) dst(%dma_wait3A_922 : memref<256xf32, #tpu.memory_space<hbm>>)
        %dma_wait3A_923 = tpu.memref_slice %arg10[%add3A_920] : memref<16777216xf32, #tpu.memory_space<hbm>> -> memref<256xf32, #tpu.memory_space<hbm>>
        %dma_wait3A_924 = tpu.memref_slice %arg10[%add3A_920] : memref<16777216xf32, #tpu.memory_space<hbm>> -> memref<256xf32, #tpu.memory_space<hbm>>
        tpu.wait_dma2 semaphore(%arg43 : memref<!tpu.dma_semaphore, #tpu.memory_space<semaphore_mem>>) src(%arg29 : memref<256xf32, #tpu.memory_space<vmem>>) dst(%dma_wait3A_924 : memref<256xf32, #tpu.memory_space<hbm>>)
        %scan3A_925 = arith.constant 0 : i32
        %scan3A_926 = arith.constant 16 : i32
        %scan3A_927 = arith.addi %scan3A_925, %scan3A_926 : i32
        %scan3A_928 = arith.constant 1 : i32
        scf.for %scan3A_1013 = %scan3A_925 to %scan3A_927 step %scan3A_928  : i32 {
          %mul3A_1014 = arith.constant 16 : i32
          %mul3A_1015 = arith.muli %scan3A_1013, %mul3A_1014 : i32
          %get3A_1016 = arith.index_cast %mul3A_1015 : i32 to index
          %get3A_1017 = tpu.vector_load %arg24[%get3A_1016] {strides = array<i32>} : memref<256xf32, #tpu.memory_space<vmem>>, vector<16xf32>,
          %mul3A_1018 = arith.constant 16 : i32
          %mul3A_1019 = arith.muli %scan3A_1013, %mul3A_1018 : i32
          %get3A_1020 = arith.index_cast %mul3A_1019 : i32 to index
          %get3A_1021 = tpu.vector_load %arg25[%get3A_1020] {strides = array<i32>} : memref<256xf32, #tpu.memory_space<vmem>>, vector<16xf32>,
          %mul3A_1022 = arith.constant 16 : i32
          %mul3A_1023 = arith.muli %scan3A_1013, %mul3A_1022 : i32
          %get3A_1024 = arith.index_cast %mul3A_1023 : i32 to index
          %get3A_1025 = tpu.vector_load %arg26[%get3A_1024] {strides = array<i32>} : memref<256xf32, #tpu.memory_space<vmem>>, vector<16xf32>,
          %mul3A_1026 = arith.constant 16 : i32
          %mul3A_1027 = arith.muli %scan3A_1013, %mul3A_1026 : i32
          %get3A_1028 = arith.index_cast %mul3A_1027 : i32 to index
          %get3A_1029 = tpu.vector_load %arg27[%get3A_1028] {strides = array<i32>} : memref<256xf32, #tpu.memory_space<vmem>>, vector<16xf32>,
          %add3A_1030 = arith.addf %get3A_1029, %get3A_1017 : vector<16xf32>
          %mul3A_1031 = arith.mulf %get3A_1029, %get3A_1025 : vector<16xf32>
          %add3A_1032 = arith.addf %mul3A_1031, %get3A_1021 : vector<16xf32>
          %gt3A = arith.constant 0.000000e+00 : f32
          %gt3A_1033 = vector.broadcast %gt3A : f32 to vector<16xf32>
          %gt3A_1034 = arith.cmpf ogt, %add3A_1030, %gt3A_1033 : vector<16xf32>
          %div3A = arith.divf %add3A_1032, %add3A_1030 : vector<16xf32>
          %select_n3A = arith.select %gt3A_1034, %div3A, %get3A_1025 : vector<16xi1>, vector<16xf32>
          %mul3A_1035 = arith.constant 16 : i32
          %mul3A_1036 = arith.muli %scan3A_1013, %mul3A_1035 : i32
          %swap3A_1037 = arith.index_cast %mul3A_1036 : i32 to index
          %swap3A_1038 = tpu.vector_load %arg28[%swap3A_1037] {strides = array<i32>} : memref<256xf32, #tpu.memory_space<vmem>>, vector<16xf32>,
          tpu.vector_store %arg28[%swap3A_1037], %select_n3A {strides = array<i32>} : memref<256xf32, #tpu.memory_space<vmem>>, vector<16xf32>,
          %mul3A_1039 = arith.constant 16 : i32
          %mul3A_1040 = arith.muli %scan3A_1013, %mul3A_1039 : i32
          %swap3A_1041 = arith.index_cast %mul3A_1040 : i32 to index
          %swap3A_1042 = tpu.vector_load %arg29[%swap3A_1041] {strides = array<i32>} : memref<256xf32, #tpu.memory_space<vmem>>, vector<16xf32>,
          tpu.vector_store %arg29[%swap3A_1041], %add3A_1030 {strides = array<i32>} : memref<256xf32, #tpu.memory_space<vmem>>, vector<16xf32>,
        }
        %scan3A_929 = arith.constant 16 : i32
        %mul3A_930 = arith.constant 524288 : i32
        %mul3A_931 = arith.muli %add3A_689, %mul3A_930 : i32
        %mul3A_932 = arith.constant 32768 : i32
        %mul3A_933 = arith.muli %arg1, %mul3A_932 : i32
        %add3A_934 = arith.addi %mul3A_931, %mul3A_933 : i32
        %mul3A_935 = arith.constant 256 : i32
        %mul3A_936 = arith.muli %mul3A_894, %mul3A_935 : i32
        %add3A_937 = arith.addi %add3A_934, %mul3A_936 : i32
        %dma_start3A_938 = tpu.memref_slice %arg9[%add3A_937] : memref<16777216xf32, #tpu.memory_space<hbm>> -> memref<256xf32, #tpu.memory_space<hbm>>
        %dma_start3A_939 = tpu.memref_slice %arg9[%add3A_937] : memref<16777216xf32, #tpu.memory_space<hbm>> -> memref<256xf32, #tpu.memory_space<hbm>>
        tpu.enqueue_dma source(%arg28 : memref<256xf32, #tpu.memory_space<vmem>>) target(%dma_start3A_939 : memref<256xf32, #tpu.memory_space<hbm>>) target_semaphore(%arg43 : memref<!tpu.dma_semaphore, #tpu.memory_space<semaphore_mem>>)
        %dma_start3A_940 = tpu.memref_slice %arg10[%add3A_937] : memref<16777216xf32, #tpu.memory_space<hbm>> -> memref<256xf32, #tpu.memory_space<hbm>>
        %dma_start3A_941 = tpu.memref_slice %arg10[%add3A_937] : memref<16777216xf32, #tpu.memory_space<hbm>> -> memref<256xf32, #tpu.memory_space<hbm>>
        tpu.enqueue_dma source(%arg29 : memref<256xf32, #tpu.memory_space<vmem>>) target(%dma_start3A_941 : memref<256xf32, #tpu.memory_space<hbm>>) target_semaphore(%arg43 : memref<!tpu.dma_semaphore, #tpu.memory_space<semaphore_mem>>)
        %add3A_942 = arith.constant 2 : i32
        %add3A_943 = arith.addi %mul3A_894, %add3A_942 : i32
        %mul3A_944 = arith.constant 524288 : i32
        %mul3A_945 = arith.muli %add3A_689, %mul3A_944 : i32
        %mul3A_946 = arith.constant 32768 : i32
        %mul3A_947 = arith.muli %arg1, %mul3A_946 : i32
        %add3A_948 = arith.addi %mul3A_945, %mul3A_947 : i32
        %mul3A_949 = arith.constant 256 : i32
        %mul3A_950 = arith.muli %add3A_943, %mul3A_949 : i32
        %add3A_951 = arith.addi %add3A_948, %mul3A_950 : i32
        %dma_start3A_952 = tpu.memref_slice %arg7[%add3A_951] : memref<16777216xf32, #tpu.memory_space<hbm>> -> memref<256xf32, #tpu.memory_space<hbm>>
        %dma_start3A_953 = tpu.memref_slice %arg7[%add3A_951] : memref<16777216xf32, #tpu.memory_space<hbm>> -> memref<256xf32, #tpu.memory_space<hbm>>
        tpu.enqueue_dma source(%dma_start3A_953 : memref<256xf32, #tpu.memory_space<hbm>>) target(%arg26 : memref<256xf32, #tpu.memory_space<vmem>>) target_semaphore(%arg41 : memref<!tpu.dma_semaphore, #tpu.memory_space<semaphore_mem>>)
        %dma_start3A_954 = tpu.memref_slice %arg8[%add3A_951] : memref<16777216xf32, #tpu.memory_space<hbm>> -> memref<256xf32, #tpu.memory_space<hbm>>
        %dma_start3A_955 = tpu.memref_slice %arg8[%add3A_951] : memref<16777216xf32, #tpu.memory_space<hbm>> -> memref<256xf32, #tpu.memory_space<hbm>>
        tpu.enqueue_dma source(%dma_start3A_955 : memref<256xf32, #tpu.memory_space<hbm>>) target(%arg27 : memref<256xf32, #tpu.memory_space<vmem>>) target_semaphore(%arg41 : memref<!tpu.dma_semaphore, #tpu.memory_space<semaphore_mem>>)
        %mul3A_956 = arith.constant 32768 : i32
        %mul3A_957 = arith.muli %arg1, %mul3A_956 : i32
        %mul3A_958 = arith.constant 256 : i32
        %mul3A_959 = arith.muli %add3A_898, %mul3A_958 : i32
        %add3A_960 = arith.addi %mul3A_957, %mul3A_959 : i32
        %mul3A_961 = arith.constant 524288 : i32
        %mul3A_962 = arith.muli %add3A_689, %mul3A_961 : i32
        %add3A_963 = arith.addi %mul3A_962, %add3A_960 : i32
        %dma_wait3A_964 = tpu.memref_slice %arg7[%add3A_963] : memref<16777216xf32, #tpu.memory_space<hbm>> -> memref<256xf32, #tpu.memory_space<hbm>>
        %dma_wait3A_965 = tpu.memref_slice %arg7[%add3A_963] : memref<16777216xf32, #tpu.memory_space<hbm>> -> memref<256xf32, #tpu.memory_space<hbm>>
        tpu.wait_dma2 semaphore(%arg42 : memref<!tpu.dma_semaphore, #tpu.memory_space<semaphore_mem>>) src(%dma_wait3A_965 : memref<256xf32, #tpu.memory_space<hbm>>) dst(%arg32 : memref<256xf32, #tpu.memory_space<vmem>>)
        %dma_wait3A_966 = tpu.memref_slice %arg8[%add3A_963] : memref<16777216xf32, #tpu.memory_space<hbm>> -> memref<256xf32, #tpu.memory_space<hbm>>
        %dma_wait3A_967 = tpu.memref_slice %arg8[%add3A_963] : memref<16777216xf32, #tpu.memory_space<hbm>> -> memref<256xf32, #tpu.memory_space<hbm>>
        tpu.wait_dma2 semaphore(%arg42 : memref<!tpu.dma_semaphore, #tpu.memory_space<semaphore_mem>>) src(%dma_wait3A_967 : memref<256xf32, #tpu.memory_space<hbm>>) dst(%arg33 : memref<256xf32, #tpu.memory_space<vmem>>)
        "tpu.region"() ({
          %run_scoped3A = tpu.sem_alloc : memref<!tpu.dma_semaphore, #tpu.memory_space<semaphore_mem>>
          %dma_start3A_1013 = tpu.memref_slice %arg45[%add3A_960] : memref<524800xf32, #tpu.memory_space<vmem_shared>> -> memref<256xf32, #tpu.memory_space<vmem_shared>>
          %dma_start3A_1014 = tpu.memref_slice %arg45[%add3A_960] : memref<524800xf32, #tpu.memory_space<vmem_shared>> -> memref<256xf32, #tpu.memory_space<vmem_shared>>
          tpu.enqueue_dma source(%dma_start3A_1014 : memref<256xf32, #tpu.memory_space<vmem_shared>>) target(%arg30 : memref<256xf32, #tpu.memory_space<vmem>>) target_semaphore(%run_scoped3A : memref<!tpu.dma_semaphore, #tpu.memory_space<semaphore_mem>>)
          %dma_wait3A_1015 = tpu.memref_slice %arg45[%add3A_960] : memref<524800xf32, #tpu.memory_space<vmem_shared>> -> memref<256xf32, #tpu.memory_space<vmem_shared>>
          %dma_wait3A_1016 = tpu.memref_slice %arg45[%add3A_960] : memref<524800xf32, #tpu.memory_space<vmem_shared>> -> memref<256xf32, #tpu.memory_space<vmem_shared>>
          tpu.wait_dma2 semaphore(%run_scoped3A : memref<!tpu.dma_semaphore, #tpu.memory_space<semaphore_mem>>) src(%dma_wait3A_1016 : memref<256xf32, #tpu.memory_space<vmem_shared>>) dst(%arg30 : memref<256xf32, #tpu.memory_space<vmem>>)
          tpu.yield
        }) : () -> ()
        "tpu.region"() ({
          %run_scoped3A = tpu.sem_alloc : memref<!tpu.dma_semaphore, #tpu.memory_space<semaphore_mem>>
          %dma_start3A_1013 = tpu.memref_slice %arg46[%add3A_960] : memref<524800xf32, #tpu.memory_space<vmem_shared>> -> memref<256xf32, #tpu.memory_space<vmem_shared>>
          %dma_start3A_1014 = tpu.memref_slice %arg46[%add3A_960] : memref<524800xf32, #tpu.memory_space<vmem_shared>> -> memref<256xf32, #tpu.memory_space<vmem_shared>>
          tpu.enqueue_dma source(%dma_start3A_1014 : memref<256xf32, #tpu.memory_space<vmem_shared>>) target(%arg31 : memref<256xf32, #tpu.memory_space<vmem>>) target_semaphore(%run_scoped3A : memref<!tpu.dma_semaphore, #tpu.memory_space<semaphore_mem>>)
          %dma_wait3A_1015 = tpu.memref_slice %arg46[%add3A_960] : memref<524800xf32, #tpu.memory_space<vmem_shared>> -> memref<256xf32, #tpu.memory_space<vmem_shared>>
          %dma_wait3A_1016 = tpu.memref_slice %arg46[%add3A_960] : memref<524800xf32, #tpu.memory_space<vmem_shared>> -> memref<256xf32, #tpu.memory_space<vmem_shared>>
          tpu.wait_dma2 semaphore(%run_scoped3A : memref<!tpu.dma_semaphore, #tpu.memory_space<semaphore_mem>>) src(%dma_wait3A_1016 : memref<256xf32, #tpu.memory_space<vmem_shared>>) dst(%arg31 : memref<256xf32, #tpu.memory_space<vmem>>)
          tpu.yield
        }) : () -> ()
        %sub3A_968 = arith.constant 2 : i32
        %sub3A_969 = arith.subi %add3A_898, %sub3A_968 : i32
        %mul3A_970 = arith.constant 524288 : i32
        %mul3A_971 = arith.muli %add3A_689, %mul3A_970 : i32
        %mul3A_972 = arith.constant 32768 : i32
        %mul3A_973 = arith.muli %arg1, %mul3A_972 : i32
        %add3A_974 = arith.addi %mul3A_971, %mul3A_973 : i32
        %mul3A_975 = arith.constant 256 : i32
        %mul3A_976 = arith.muli %sub3A_969, %mul3A_975 : i32
        %add3A_977 = arith.addi %add3A_974, %mul3A_976 : i32
        %dma_wait3A_978 = tpu.memref_slice %arg9[%add3A_977] : memref<16777216xf32, #tpu.memory_space<hbm>> -> memref<256xf32, #tpu.memory_space<hbm>>
        %dma_wait3A_979 = tpu.memref_slice %arg9[%add3A_977] : memref<16777216xf32, #tpu.memory_space<hbm>> -> memref<256xf32, #tpu.memory_space<hbm>>
        tpu.wait_dma2 semaphore(%arg44 : memref<!tpu.dma_semaphore, #tpu.memory_space<semaphore_mem>>) src(%arg34 : memref<256xf32, #tpu.memory_space<vmem>>) dst(%dma_wait3A_979 : memref<256xf32, #tpu.memory_space<hbm>>)
        %dma_wait3A_980 = tpu.memref_slice %arg10[%add3A_977] : memref<16777216xf32, #tpu.memory_space<hbm>> -> memref<256xf32, #tpu.memory_space<hbm>>
        %dma_wait3A_981 = tpu.memref_slice %arg10[%add3A_977] : memref<16777216xf32, #tpu.memory_space<hbm>> -> memref<256xf32, #tpu.memory_space<hbm>>
        tpu.wait_dma2 semaphore(%arg44 : memref<!tpu.dma_semaphore, #tpu.memory_space<semaphore_mem>>) src(%arg35 : memref<256xf32, #tpu.memory_space<vmem>>) dst(%dma_wait3A_981 : memref<256xf32, #tpu.memory_space<hbm>>)
        %scan3A_982 = arith.constant 0 : i32
        %scan3A_983 = arith.constant 16 : i32
        %scan3A_984 = arith.addi %scan3A_982, %scan3A_983 : i32
        %scan3A_985 = arith.constant 1 : i32
        scf.for %scan3A_1013 = %scan3A_982 to %scan3A_984 step %scan3A_985  : i32 {
          %mul3A_1014 = arith.constant 16 : i32
          %mul3A_1015 = arith.muli %scan3A_1013, %mul3A_1014 : i32
          %get3A_1016 = arith.index_cast %mul3A_1015 : i32 to index
          %get3A_1017 = tpu.vector_load %arg30[%get3A_1016] {strides = array<i32>} : memref<256xf32, #tpu.memory_space<vmem>>, vector<16xf32>,
          %mul3A_1018 = arith.constant 16 : i32
          %mul3A_1019 = arith.muli %scan3A_1013, %mul3A_1018 : i32
          %get3A_1020 = arith.index_cast %mul3A_1019 : i32 to index
          %get3A_1021 = tpu.vector_load %arg31[%get3A_1020] {strides = array<i32>} : memref<256xf32, #tpu.memory_space<vmem>>, vector<16xf32>,
          %mul3A_1022 = arith.constant 16 : i32
          %mul3A_1023 = arith.muli %scan3A_1013, %mul3A_1022 : i32
          %get3A_1024 = arith.index_cast %mul3A_1023 : i32 to index
          %get3A_1025 = tpu.vector_load %arg32[%get3A_1024] {strides = array<i32>} : memref<256xf32, #tpu.memory_space<vmem>>, vector<16xf32>,
          %mul3A_1026 = arith.constant 16 : i32
          %mul3A_1027 = arith.muli %scan3A_1013, %mul3A_1026 : i32
          %get3A_1028 = arith.index_cast %mul3A_1027 : i32 to index
          %get3A_1029 = tpu.vector_load %arg33[%get3A_1028] {strides = array<i32>} : memref<256xf32, #tpu.memory_space<vmem>>, vector<16xf32>,
          %add3A_1030 = arith.addf %get3A_1029, %get3A_1017 : vector<16xf32>
          %mul3A_1031 = arith.mulf %get3A_1029, %get3A_1025 : vector<16xf32>
          %add3A_1032 = arith.addf %mul3A_1031, %get3A_1021 : vector<16xf32>
          %gt3A = arith.constant 0.000000e+00 : f32
          %gt3A_1033 = vector.broadcast %gt3A : f32 to vector<16xf32>
          %gt3A_1034 = arith.cmpf ogt, %add3A_1030, %gt3A_1033 : vector<16xf32>
          %div3A = arith.divf %add3A_1032, %add3A_1030 : vector<16xf32>
          %select_n3A = arith.select %gt3A_1034, %div3A, %get3A_1025 : vector<16xi1>, vector<16xf32>
          %mul3A_1035 = arith.constant 16 : i32
          %mul3A_1036 = arith.muli %scan3A_1013, %mul3A_1035 : i32
          %swap3A_1037 = arith.index_cast %mul3A_1036 : i32 to index
          %swap3A_1038 = tpu.vector_load %arg34[%swap3A_1037] {strides = array<i32>} : memref<256xf32, #tpu.memory_space<vmem>>, vector<16xf32>,
          tpu.vector_store %arg34[%swap3A_1037], %select_n3A {strides = array<i32>} : memref<256xf32, #tpu.memory_space<vmem>>, vector<16xf32>,
          %mul3A_1039 = arith.constant 16 : i32
          %mul3A_1040 = arith.muli %scan3A_1013, %mul3A_1039 : i32
          %swap3A_1041 = arith.index_cast %mul3A_1040 : i32 to index
          %swap3A_1042 = tpu.vector_load %arg35[%swap3A_1041] {strides = array<i32>} : memref<256xf32, #tpu.memory_space<vmem>>, vector<16xf32>,
          tpu.vector_store %arg35[%swap3A_1041], %add3A_1030 {strides = array<i32>} : memref<256xf32, #tpu.memory_space<vmem>>, vector<16xf32>,
        }
        %scan3A_986 = arith.constant 16 : i32
        %mul3A_987 = arith.constant 524288 : i32
        %mul3A_988 = arith.muli %add3A_689, %mul3A_987 : i32
        %mul3A_989 = arith.constant 32768 : i32
        %mul3A_990 = arith.muli %arg1, %mul3A_989 : i32
        %add3A_991 = arith.addi %mul3A_988, %mul3A_990 : i32
        %mul3A_992 = arith.constant 256 : i32
        %mul3A_993 = arith.muli %add3A_898, %mul3A_992 : i32
        %add3A_994 = arith.addi %add3A_991, %mul3A_993 : i32
        %dma_start3A_995 = tpu.memref_slice %arg9[%add3A_994] : memref<16777216xf32, #tpu.memory_space<hbm>> -> memref<256xf32, #tpu.memory_space<hbm>>
        %dma_start3A_996 = tpu.memref_slice %arg9[%add3A_994] : memref<16777216xf32, #tpu.memory_space<hbm>> -> memref<256xf32, #tpu.memory_space<hbm>>
        tpu.enqueue_dma source(%arg34 : memref<256xf32, #tpu.memory_space<vmem>>) target(%dma_start3A_996 : memref<256xf32, #tpu.memory_space<hbm>>) target_semaphore(%arg44 : memref<!tpu.dma_semaphore, #tpu.memory_space<semaphore_mem>>)
        %dma_start3A_997 = tpu.memref_slice %arg10[%add3A_994] : memref<16777216xf32, #tpu.memory_space<hbm>> -> memref<256xf32, #tpu.memory_space<hbm>>
        %dma_start3A_998 = tpu.memref_slice %arg10[%add3A_994] : memref<16777216xf32, #tpu.memory_space<hbm>> -> memref<256xf32, #tpu.memory_space<hbm>>
        tpu.enqueue_dma source(%arg35 : memref<256xf32, #tpu.memory_space<vmem>>) target(%dma_start3A_998 : memref<256xf32, #tpu.memory_space<hbm>>) target_semaphore(%arg44 : memref<!tpu.dma_semaphore, #tpu.memory_space<semaphore_mem>>)
        %add3A_999 = arith.constant 2 : i32
        %add3A_1000 = arith.addi %add3A_898, %add3A_999 : i32
        %mul3A_1001 = arith.constant 524288 : i32
        %mul3A_1002 = arith.muli %add3A_689, %mul3A_1001 : i32
        %mul3A_1003 = arith.constant 32768 : i32
        %mul3A_1004 = arith.muli %arg1, %mul3A_1003 : i32
        %add3A_1005 = arith.addi %mul3A_1002, %mul3A_1004 : i32
        %mul3A_1006 = arith.constant 256 : i32
        %mul3A_1007 = arith.muli %add3A_1000, %mul3A_1006 : i32
        %add3A_1008 = arith.addi %add3A_1005, %mul3A_1007 : i32
        %dma_start3A_1009 = tpu.memref_slice %arg7[%add3A_1008] : memref<16777216xf32, #tpu.memory_space<hbm>> -> memref<256xf32, #tpu.memory_space<hbm>>
        %dma_start3A_1010 = tpu.memref_slice %arg7[%add3A_1008] : memref<16777216xf32, #tpu.memory_space<hbm>> -> memref<256xf32, #tpu.memory_space<hbm>>
        tpu.enqueue_dma source(%dma_start3A_1010 : memref<256xf32, #tpu.memory_space<hbm>>) target(%arg32 : memref<256xf32, #tpu.memory_space<vmem>>) target_semaphore(%arg42 : memref<!tpu.dma_semaphore, #tpu.memory_space<semaphore_mem>>)
        %dma_start3A_1011 = tpu.memref_slice %arg8[%add3A_1008] : memref<16777216xf32, #tpu.memory_space<hbm>> -> memref<256xf32, #tpu.memory_space<hbm>>
        %dma_start3A_1012 = tpu.memref_slice %arg8[%add3A_1008] : memref<16777216xf32, #tpu.memory_space<hbm>> -> memref<256xf32, #tpu.memory_space<hbm>>
        tpu.enqueue_dma source(%dma_start3A_1012 : memref<256xf32, #tpu.memory_space<hbm>>) target(%arg33 : memref<256xf32, #tpu.memory_space<vmem>>) target_semaphore(%arg42 : memref<!tpu.dma_semaphore, #tpu.memory_space<semaphore_mem>>)
      }
      %scan3A_792 = arith.constant 62 : i32
      %mul3A_793 = arith.constant 32768 : i32
      %mul3A_794 = arith.muli %arg1, %mul3A_793 : i32
      %add3A_795 = arith.constant 32256 : i32
      %add3A_796 = arith.addi %mul3A_794, %add3A_795 : i32
      %mul3A_797 = arith.constant 524288 : i32
      %mul3A_798 = arith.muli %add3A_689, %mul3A_797 : i32
      %add3A_799 = arith.addi %mul3A_798, %add3A_796 : i32
      %dma_wait3A_800 = tpu.memref_slice %arg7[%add3A_799] : memref<16777216xf32, #tpu.memory_space<hbm>> -> memref<256xf32, #tpu.memory_space<hbm>>
      %dma_wait3A_801 = tpu.memref_slice %arg7[%add3A_799] : memref<16777216xf32, #tpu.memory_space<hbm>> -> memref<256xf32, #tpu.memory_space<hbm>>
      tpu.wait_dma2 semaphore(%arg41 : memref<!tpu.dma_semaphore, #tpu.memory_space<semaphore_mem>>) src(%dma_wait3A_801 : memref<256xf32, #tpu.memory_space<hbm>>) dst(%arg26 : memref<256xf32, #tpu.memory_space<vmem>>)
      %dma_wait3A_802 = tpu.memref_slice %arg8[%add3A_799] : memref<16777216xf32, #tpu.memory_space<hbm>> -> memref<256xf32, #tpu.memory_space<hbm>>
      %dma_wait3A_803 = tpu.memref_slice %arg8[%add3A_799] : memref<16777216xf32, #tpu.memory_space<hbm>> -> memref<256xf32, #tpu.memory_space<hbm>>
      tpu.wait_dma2 semaphore(%arg41 : memref<!tpu.dma_semaphore, #tpu.memory_space<semaphore_mem>>) src(%dma_wait3A_803 : memref<256xf32, #tpu.memory_space<hbm>>) dst(%arg27 : memref<256xf32, #tpu.memory_space<vmem>>)
      "tpu.region"() ({
        %run_scoped3A = tpu.sem_alloc : memref<!tpu.dma_semaphore, #tpu.memory_space<semaphore_mem>>
        %dma_start3A_892 = tpu.memref_slice %arg45[%add3A_796] : memref<524800xf32, #tpu.memory_space<vmem_shared>> -> memref<256xf32, #tpu.memory_space<vmem_shared>>
        %dma_start3A_893 = tpu.memref_slice %arg45[%add3A_796] : memref<524800xf32, #tpu.memory_space<vmem_shared>> -> memref<256xf32, #tpu.memory_space<vmem_shared>>
        tpu.enqueue_dma source(%dma_start3A_893 : memref<256xf32, #tpu.memory_space<vmem_shared>>) target(%arg24 : memref<256xf32, #tpu.memory_space<vmem>>) target_semaphore(%run_scoped3A : memref<!tpu.dma_semaphore, #tpu.memory_space<semaphore_mem>>)
        %dma_wait3A_894 = tpu.memref_slice %arg45[%add3A_796] : memref<524800xf32, #tpu.memory_space<vmem_shared>> -> memref<256xf32, #tpu.memory_space<vmem_shared>>
        %dma_wait3A_895 = tpu.memref_slice %arg45[%add3A_796] : memref<524800xf32, #tpu.memory_space<vmem_shared>> -> memref<256xf32, #tpu.memory_space<vmem_shared>>
        tpu.wait_dma2 semaphore(%run_scoped3A : memref<!tpu.dma_semaphore, #tpu.memory_space<semaphore_mem>>) src(%dma_wait3A_895 : memref<256xf32, #tpu.memory_space<vmem_shared>>) dst(%arg24 : memref<256xf32, #tpu.memory_space<vmem>>)
        tpu.yield
      }) : () -> ()
      "tpu.region"() ({
        %run_scoped3A = tpu.sem_alloc : memref<!tpu.dma_semaphore, #tpu.memory_space<semaphore_mem>>
        %dma_start3A_892 = tpu.memref_slice %arg46[%add3A_796] : memref<524800xf32, #tpu.memory_space<vmem_shared>> -> memref<256xf32, #tpu.memory_space<vmem_shared>>
        %dma_start3A_893 = tpu.memref_slice %arg46[%add3A_796] : memref<524800xf32, #tpu.memory_space<vmem_shared>> -> memref<256xf32, #tpu.memory_space<vmem_shared>>
        tpu.enqueue_dma source(%dma_start3A_893 : memref<256xf32, #tpu.memory_space<vmem_shared>>) target(%arg25 : memref<256xf32, #tpu.memory_space<vmem>>) target_semaphore(%run_scoped3A : memref<!tpu.dma_semaphore, #tpu.memory_space<semaphore_mem>>)
        %dma_wait3A_894 = tpu.memref_slice %arg46[%add3A_796] : memref<524800xf32, #tpu.memory_space<vmem_shared>> -> memref<256xf32, #tpu.memory_space<vmem_shared>>
        %dma_wait3A_895 = tpu.memref_slice %arg46[%add3A_796] : memref<524800xf32, #tpu.memory_space<vmem_shared>> -> memref<256xf32, #tpu.memory_space<vmem_shared>>
        tpu.wait_dma2 semaphore(%run_scoped3A : memref<!tpu.dma_semaphore, #tpu.memory_space<semaphore_mem>>) src(%dma_wait3A_895 : memref<256xf32, #tpu.memory_space<vmem_shared>>) dst(%arg25 : memref<256xf32, #tpu.memory_space<vmem>>)
        tpu.yield
      }) : () -> ()
      %mul3A_804 = arith.constant 524288 : i32
      %mul3A_805 = arith.muli %add3A_689, %mul3A_804 : i32
      %mul3A_806 = arith.constant 32768 : i32
      %mul3A_807 = arith.muli %arg1, %mul3A_806 : i32
      %add3A_808 = arith.addi %mul3A_805, %mul3A_807 : i32
      %add3A_809 = arith.constant 31744 : i32
      %add3A_810 = arith.addi %add3A_808, %add3A_809 : i32
      %dma_wait3A_811 = tpu.memref_slice %arg9[%add3A_810] : memref<16777216xf32, #tpu.memory_space<hbm>> -> memref<256xf32, #tpu.memory_space<hbm>>
      %dma_wait3A_812 = tpu.memref_slice %arg9[%add3A_810] : memref<16777216xf32, #tpu.memory_space<hbm>> -> memref<256xf32, #tpu.memory_space<hbm>>
      tpu.wait_dma2 semaphore(%arg43 : memref<!tpu.dma_semaphore, #tpu.memory_space<semaphore_mem>>) src(%arg28 : memref<256xf32, #tpu.memory_space<vmem>>) dst(%dma_wait3A_812 : memref<256xf32, #tpu.memory_space<hbm>>)
      %dma_wait3A_813 = tpu.memref_slice %arg10[%add3A_810] : memref<16777216xf32, #tpu.memory_space<hbm>> -> memref<256xf32, #tpu.memory_space<hbm>>
      %dma_wait3A_814 = tpu.memref_slice %arg10[%add3A_810] : memref<16777216xf32, #tpu.memory_space<hbm>> -> memref<256xf32, #tpu.memory_space<hbm>>
      tpu.wait_dma2 semaphore(%arg43 : memref<!tpu.dma_semaphore, #tpu.memory_space<semaphore_mem>>) src(%arg29 : memref<256xf32, #tpu.memory_space<vmem>>) dst(%dma_wait3A_814 : memref<256xf32, #tpu.memory_space<hbm>>)
      %scan3A_815 = arith.constant 0 : i32
      %scan3A_816 = arith.constant 16 : i32
      %scan3A_817 = arith.addi %scan3A_815, %scan3A_816 : i32
      %scan3A_818 = arith.constant 1 : i32
      scf.for %scan3A_892 = %scan3A_815 to %scan3A_817 step %scan3A_818  : i32 {
        %mul3A_893 = arith.constant 16 : i32
        %mul3A_894 = arith.muli %scan3A_892, %mul3A_893 : i32
        %get3A_895 = arith.index_cast %mul3A_894 : i32 to index
        %get3A_896 = tpu.vector_load %arg24[%get3A_895] {strides = array<i32>} : memref<256xf32, #tpu.memory_space<vmem>>, vector<16xf32>,
        %mul3A_897 = arith.constant 16 : i32
        %mul3A_898 = arith.muli %scan3A_892, %mul3A_897 : i32
        %get3A_899 = arith.index_cast %mul3A_898 : i32 to index
        %get3A_900 = tpu.vector_load %arg25[%get3A_899] {strides = array<i32>} : memref<256xf32, #tpu.memory_space<vmem>>, vector<16xf32>,
        %mul3A_901 = arith.constant 16 : i32
        %mul3A_902 = arith.muli %scan3A_892, %mul3A_901 : i32
        %get3A_903 = arith.index_cast %mul3A_902 : i32 to index
        %get3A_904 = tpu.vector_load %arg26[%get3A_903] {strides = array<i32>} : memref<256xf32, #tpu.memory_space<vmem>>, vector<16xf32>,
        %mul3A_905 = arith.constant 16 : i32
        %mul3A_906 = arith.muli %scan3A_892, %mul3A_905 : i32
        %get3A_907 = arith.index_cast %mul3A_906 : i32 to index
        %get3A_908 = tpu.vector_load %arg27[%get3A_907] {strides = array<i32>} : memref<256xf32, #tpu.memory_space<vmem>>, vector<16xf32>,
        %add3A_909 = arith.addf %get3A_908, %get3A_896 : vector<16xf32>
        %mul3A_910 = arith.mulf %get3A_908, %get3A_904 : vector<16xf32>
        %add3A_911 = arith.addf %mul3A_910, %get3A_900 : vector<16xf32>
        %gt3A = arith.constant 0.000000e+00 : f32
        %gt3A_912 = vector.broadcast %gt3A : f32 to vector<16xf32>
        %gt3A_913 = arith.cmpf ogt, %add3A_909, %gt3A_912 : vector<16xf32>
        %div3A = arith.divf %add3A_911, %add3A_909 : vector<16xf32>
        %select_n3A = arith.select %gt3A_913, %div3A, %get3A_904 : vector<16xi1>, vector<16xf32>
        %mul3A_914 = arith.constant 16 : i32
        %mul3A_915 = arith.muli %scan3A_892, %mul3A_914 : i32
        %swap3A_916 = arith.index_cast %mul3A_915 : i32 to index
        %swap3A_917 = tpu.vector_load %arg28[%swap3A_916] {strides = array<i32>} : memref<256xf32, #tpu.memory_space<vmem>>, vector<16xf32>,
        tpu.vector_store %arg28[%swap3A_916], %select_n3A {strides = array<i32>} : memref<256xf32, #tpu.memory_space<vmem>>, vector<16xf32>,
        %mul3A_918 = arith.constant 16 : i32
        %mul3A_919 = arith.muli %scan3A_892, %mul3A_918 : i32
        %swap3A_920 = arith.index_cast %mul3A_919 : i32 to index
        %swap3A_921 = tpu.vector_load %arg29[%swap3A_920] {strides = array<i32>} : memref<256xf32, #tpu.memory_space<vmem>>, vector<16xf32>,
        tpu.vector_store %arg29[%swap3A_920], %add3A_909 {strides = array<i32>} : memref<256xf32, #tpu.memory_space<vmem>>, vector<16xf32>,
      }
      %scan3A_819 = arith.constant 16 : i32
      %mul3A_820 = arith.constant 524288 : i32
      %mul3A_821 = arith.muli %add3A_689, %mul3A_820 : i32
      %mul3A_822 = arith.constant 32768 : i32
      %mul3A_823 = arith.muli %arg1, %mul3A_822 : i32
      %add3A_824 = arith.addi %mul3A_821, %mul3A_823 : i32
      %add3A_825 = arith.constant 32256 : i32
      %add3A_826 = arith.addi %add3A_824, %add3A_825 : i32
      %dma_start3A_827 = tpu.memref_slice %arg9[%add3A_826] : memref<16777216xf32, #tpu.memory_space<hbm>> -> memref<256xf32, #tpu.memory_space<hbm>>
      %dma_start3A_828 = tpu.memref_slice %arg9[%add3A_826] : memref<16777216xf32, #tpu.memory_space<hbm>> -> memref<256xf32, #tpu.memory_space<hbm>>
      tpu.enqueue_dma source(%arg28 : memref<256xf32, #tpu.memory_space<vmem>>) target(%dma_start3A_828 : memref<256xf32, #tpu.memory_space<hbm>>) target_semaphore(%arg43 : memref<!tpu.dma_semaphore, #tpu.memory_space<semaphore_mem>>)
      %dma_start3A_829 = tpu.memref_slice %arg10[%add3A_826] : memref<16777216xf32, #tpu.memory_space<hbm>> -> memref<256xf32, #tpu.memory_space<hbm>>
      %dma_start3A_830 = tpu.memref_slice %arg10[%add3A_826] : memref<16777216xf32, #tpu.memory_space<hbm>> -> memref<256xf32, #tpu.memory_space<hbm>>
      tpu.enqueue_dma source(%arg29 : memref<256xf32, #tpu.memory_space<vmem>>) target(%dma_start3A_830 : memref<256xf32, #tpu.memory_space<hbm>>) target_semaphore(%arg43 : memref<!tpu.dma_semaphore, #tpu.memory_space<semaphore_mem>>)
      %mul3A_831 = arith.constant 32768 : i32
      %mul3A_832 = arith.muli %arg1, %mul3A_831 : i32
      %add3A_833 = arith.constant 32512 : i32
      %add3A_834 = arith.addi %mul3A_832, %add3A_833 : i32
      %mul3A_835 = arith.constant 524288 : i32
      %mul3A_836 = arith.muli %add3A_689, %mul3A_835 : i32
      %add3A_837 = arith.addi %mul3A_836, %add3A_834 : i32
      %dma_wait3A_838 = tpu.memref_slice %arg7[%add3A_837] : memref<16777216xf32, #tpu.memory_space<hbm>> -> memref<256xf32, #tpu.memory_space<hbm>>
      %dma_wait3A_839 = tpu.memref_slice %arg7[%add3A_837] : memref<16777216xf32, #tpu.memory_space<hbm>> -> memref<256xf32, #tpu.memory_space<hbm>>
      tpu.wait_dma2 semaphore(%arg42 : memref<!tpu.dma_semaphore, #tpu.memory_space<semaphore_mem>>) src(%dma_wait3A_839 : memref<256xf32, #tpu.memory_space<hbm>>) dst(%arg32 : memref<256xf32, #tpu.memory_space<vmem>>)
      %dma_wait3A_840 = tpu.memref_slice %arg8[%add3A_837] : memref<16777216xf32, #tpu.memory_space<hbm>> -> memref<256xf32, #tpu.memory_space<hbm>>
      %dma_wait3A_841 = tpu.memref_slice %arg8[%add3A_837] : memref<16777216xf32, #tpu.memory_space<hbm>> -> memref<256xf32, #tpu.memory_space<hbm>>
      tpu.wait_dma2 semaphore(%arg42 : memref<!tpu.dma_semaphore, #tpu.memory_space<semaphore_mem>>) src(%dma_wait3A_841 : memref<256xf32, #tpu.memory_space<hbm>>) dst(%arg33 : memref<256xf32, #tpu.memory_space<vmem>>)
      "tpu.region"() ({
        %run_scoped3A = tpu.sem_alloc : memref<!tpu.dma_semaphore, #tpu.memory_space<semaphore_mem>>
        %dma_start3A_892 = tpu.memref_slice %arg45[%add3A_834] : memref<524800xf32, #tpu.memory_space<vmem_shared>> -> memref<256xf32, #tpu.memory_space<vmem_shared>>
        %dma_start3A_893 = tpu.memref_slice %arg45[%add3A_834] : memref<524800xf32, #tpu.memory_space<vmem_shared>> -> memref<256xf32, #tpu.memory_space<vmem_shared>>
        tpu.enqueue_dma source(%dma_start3A_893 : memref<256xf32, #tpu.memory_space<vmem_shared>>) target(%arg30 : memref<256xf32, #tpu.memory_space<vmem>>) target_semaphore(%run_scoped3A : memref<!tpu.dma_semaphore, #tpu.memory_space<semaphore_mem>>)
        %dma_wait3A_894 = tpu.memref_slice %arg45[%add3A_834] : memref<524800xf32, #tpu.memory_space<vmem_shared>> -> memref<256xf32, #tpu.memory_space<vmem_shared>>
        %dma_wait3A_895 = tpu.memref_slice %arg45[%add3A_834] : memref<524800xf32, #tpu.memory_space<vmem_shared>> -> memref<256xf32, #tpu.memory_space<vmem_shared>>
        tpu.wait_dma2 semaphore(%run_scoped3A : memref<!tpu.dma_semaphore, #tpu.memory_space<semaphore_mem>>) src(%dma_wait3A_895 : memref<256xf32, #tpu.memory_space<vmem_shared>>) dst(%arg30 : memref<256xf32, #tpu.memory_space<vmem>>)
        tpu.yield
      }) : () -> ()
      "tpu.region"() ({
        %run_scoped3A = tpu.sem_alloc : memref<!tpu.dma_semaphore, #tpu.memory_space<semaphore_mem>>
        %dma_start3A_892 = tpu.memref_slice %arg46[%add3A_834] : memref<524800xf32, #tpu.memory_space<vmem_shared>> -> memref<256xf32, #tpu.memory_space<vmem_shared>>
        %dma_start3A_893 = tpu.memref_slice %arg46[%add3A_834] : memref<524800xf32, #tpu.memory_space<vmem_shared>> -> memref<256xf32, #tpu.memory_space<vmem_shared>>
        tpu.enqueue_dma source(%dma_start3A_893 : memref<256xf32, #tpu.memory_space<vmem_shared>>) target(%arg31 : memref<256xf32, #tpu.memory_space<vmem>>) target_semaphore(%run_scoped3A : memref<!tpu.dma_semaphore, #tpu.memory_space<semaphore_mem>>)
        %dma_wait3A_894 = tpu.memref_slice %arg46[%add3A_834] : memref<524800xf32, #tpu.memory_space<vmem_shared>> -> memref<256xf32, #tpu.memory_space<vmem_shared>>
        %dma_wait3A_895 = tpu.memref_slice %arg46[%add3A_834] : memref<524800xf32, #tpu.memory_space<vmem_shared>> -> memref<256xf32, #tpu.memory_space<vmem_shared>>
        tpu.wait_dma2 semaphore(%run_scoped3A : memref<!tpu.dma_semaphore, #tpu.memory_space<semaphore_mem>>) src(%dma_wait3A_895 : memref<256xf32, #tpu.memory_space<vmem_shared>>) dst(%arg31 : memref<256xf32, #tpu.memory_space<vmem>>)
        tpu.yield
      }) : () -> ()
      %mul3A_842 = arith.constant 524288 : i32
      %mul3A_843 = arith.muli %add3A_689, %mul3A_842 : i32
      %mul3A_844 = arith.constant 32768 : i32
      %mul3A_845 = arith.muli %arg1, %mul3A_844 : i32
      %add3A_846 = arith.addi %mul3A_843, %mul3A_845 : i32
      %add3A_847 = arith.constant 32000 : i32
      %add3A_848 = arith.addi %add3A_846, %add3A_847 : i32
      %dma_wait3A_849 = tpu.memref_slice %arg9[%add3A_848] : memref<16777216xf32, #tpu.memory_space<hbm>> -> memref<256xf32, #tpu.memory_space<hbm>>
      %dma_wait3A_850 = tpu.memref_slice %arg9[%add3A_848] : memref<16777216xf32, #tpu.memory_space<hbm>> -> memref<256xf32, #tpu.memory_space<hbm>>
      tpu.wait_dma2 semaphore(%arg44 : memref<!tpu.dma_semaphore, #tpu.memory_space<semaphore_mem>>) src(%arg34 : memref<256xf32, #tpu.memory_space<vmem>>) dst(%dma_wait3A_850 : memref<256xf32, #tpu.memory_space<hbm>>)
      %dma_wait3A_851 = tpu.memref_slice %arg10[%add3A_848] : memref<16777216xf32, #tpu.memory_space<hbm>> -> memref<256xf32, #tpu.memory_space<hbm>>
      %dma_wait3A_852 = tpu.memref_slice %arg10[%add3A_848] : memref<16777216xf32, #tpu.memory_space<hbm>> -> memref<256xf32, #tpu.memory_space<hbm>>
      tpu.wait_dma2 semaphore(%arg44 : memref<!tpu.dma_semaphore, #tpu.memory_space<semaphore_mem>>) src(%arg35 : memref<256xf32, #tpu.memory_space<vmem>>) dst(%dma_wait3A_852 : memref<256xf32, #tpu.memory_space<hbm>>)
      %scan3A_853 = arith.constant 0 : i32
      %scan3A_854 = arith.constant 16 : i32
      %scan3A_855 = arith.addi %scan3A_853, %scan3A_854 : i32
      %scan3A_856 = arith.constant 1 : i32
      scf.for %scan3A_892 = %scan3A_853 to %scan3A_855 step %scan3A_856  : i32 {
        %mul3A_893 = arith.constant 16 : i32
        %mul3A_894 = arith.muli %scan3A_892, %mul3A_893 : i32
        %get3A_895 = arith.index_cast %mul3A_894 : i32 to index
        %get3A_896 = tpu.vector_load %arg30[%get3A_895] {strides = array<i32>} : memref<256xf32, #tpu.memory_space<vmem>>, vector<16xf32>,
        %mul3A_897 = arith.constant 16 : i32
        %mul3A_898 = arith.muli %scan3A_892, %mul3A_897 : i32
        %get3A_899 = arith.index_cast %mul3A_898 : i32 to index
        %get3A_900 = tpu.vector_load %arg31[%get3A_899] {strides = array<i32>} : memref<256xf32, #tpu.memory_space<vmem>>, vector<16xf32>,
        %mul3A_901 = arith.constant 16 : i32
        %mul3A_902 = arith.muli %scan3A_892, %mul3A_901 : i32
        %get3A_903 = arith.index_cast %mul3A_902 : i32 to index
        %get3A_904 = tpu.vector_load %arg32[%get3A_903] {strides = array<i32>} : memref<256xf32, #tpu.memory_space<vmem>>, vector<16xf32>,
        %mul3A_905 = arith.constant 16 : i32
        %mul3A_906 = arith.muli %scan3A_892, %mul3A_905 : i32
        %get3A_907 = arith.index_cast %mul3A_906 : i32 to index
        %get3A_908 = tpu.vector_load %arg33[%get3A_907] {strides = array<i32>} : memref<256xf32, #tpu.memory_space<vmem>>, vector<16xf32>,
        %add3A_909 = arith.addf %get3A_908, %get3A_896 : vector<16xf32>
        %mul3A_910 = arith.mulf %get3A_908, %get3A_904 : vector<16xf32>
        %add3A_911 = arith.addf %mul3A_910, %get3A_900 : vector<16xf32>
        %gt3A = arith.constant 0.000000e+00 : f32
        %gt3A_912 = vector.broadcast %gt3A : f32 to vector<16xf32>
        %gt3A_913 = arith.cmpf ogt, %add3A_909, %gt3A_912 : vector<16xf32>
        %div3A = arith.divf %add3A_911, %add3A_909 : vector<16xf32>
        %select_n3A = arith.select %gt3A_913, %div3A, %get3A_904 : vector<16xi1>, vector<16xf32>
        %mul3A_914 = arith.constant 16 : i32
        %mul3A_915 = arith.muli %scan3A_892, %mul3A_914 : i32
        %swap3A_916 = arith.index_cast %mul3A_915 : i32 to index
        %swap3A_917 = tpu.vector_load %arg34[%swap3A_916] {strides = array<i32>} : memref<256xf32, #tpu.memory_space<vmem>>, vector<16xf32>,
        tpu.vector_store %arg34[%swap3A_916], %select_n3A {strides = array<i32>} : memref<256xf32, #tpu.memory_space<vmem>>, vector<16xf32>,
        %mul3A_918 = arith.constant 16 : i32
        %mul3A_919 = arith.muli %scan3A_892, %mul3A_918 : i32
        %swap3A_920 = arith.index_cast %mul3A_919 : i32 to index
        %swap3A_921 = tpu.vector_load %arg35[%swap3A_920] {strides = array<i32>} : memref<256xf32, #tpu.memory_space<vmem>>, vector<16xf32>,
        tpu.vector_store %arg35[%swap3A_920], %add3A_909 {strides = array<i32>} : memref<256xf32, #tpu.memory_space<vmem>>, vector<16xf32>,
      }
      %scan3A_857 = arith.constant 16 : i32
      %mul3A_858 = arith.constant 524288 : i32
      %mul3A_859 = arith.muli %add3A_689, %mul3A_858 : i32
      %mul3A_860 = arith.constant 32768 : i32
      %mul3A_861 = arith.muli %arg1, %mul3A_860 : i32
      %add3A_862 = arith.addi %mul3A_859, %mul3A_861 : i32
      %add3A_863 = arith.constant 32512 : i32
      %add3A_864 = arith.addi %add3A_862, %add3A_863 : i32
      %dma_start3A_865 = tpu.memref_slice %arg9[%add3A_864] : memref<16777216xf32, #tpu.memory_space<hbm>> -> memref<256xf32, #tpu.memory_space<hbm>>
      %dma_start3A_866 = tpu.memref_slice %arg9[%add3A_864] : memref<16777216xf32, #tpu.memory_space<hbm>> -> memref<256xf32, #tpu.memory_space<hbm>>
      tpu.enqueue_dma source(%arg34 : memref<256xf32, #tpu.memory_space<vmem>>) target(%dma_start3A_866 : memref<256xf32, #tpu.memory_space<hbm>>) target_semaphore(%arg44 : memref<!tpu.dma_semaphore, #tpu.memory_space<semaphore_mem>>)
      %dma_start3A_867 = tpu.memref_slice %arg10[%add3A_864] : memref<16777216xf32, #tpu.memory_space<hbm>> -> memref<256xf32, #tpu.memory_space<hbm>>
      %dma_start3A_868 = tpu.memref_slice %arg10[%add3A_864] : memref<16777216xf32, #tpu.memory_space<hbm>> -> memref<256xf32, #tpu.memory_space<hbm>>
      tpu.enqueue_dma source(%arg35 : memref<256xf32, #tpu.memory_space<vmem>>) target(%dma_start3A_868 : memref<256xf32, #tpu.memory_space<hbm>>) target_semaphore(%arg44 : memref<!tpu.dma_semaphore, #tpu.memory_space<semaphore_mem>>)
      %mul3A_869 = arith.constant 524288 : i32
      %mul3A_870 = arith.muli %add3A_689, %mul3A_869 : i32
      %mul3A_871 = arith.constant 32768 : i32
      %mul3A_872 = arith.muli %arg1, %mul3A_871 : i32
      %add3A_873 = arith.addi %mul3A_870, %mul3A_872 : i32
      %add3A_874 = arith.constant 32256 : i32
      %add3A_875 = arith.addi %add3A_873, %add3A_874 : i32
      %dma_wait3A_876 = tpu.memref_slice %arg9[%add3A_875] : memref<16777216xf32, #tpu.memory_space<hbm>> -> memref<256xf32, #tpu.memory_space<hbm>>
      %dma_wait3A_877 = tpu.memref_slice %arg9[%add3A_875] : memref<16777216xf32, #tpu.memory_space<hbm>> -> memref<256xf32, #tpu.memory_space<hbm>>
      tpu.wait_dma2 semaphore(%arg43 : memref<!tpu.dma_semaphore, #tpu.memory_space<semaphore_mem>>) src(%arg28 : memref<256xf32, #tpu.memory_space<vmem>>) dst(%dma_wait3A_877 : memref<256xf32, #tpu.memory_space<hbm>>)
      %dma_wait3A_878 = tpu.memref_slice %arg10[%add3A_875] : memref<16777216xf32, #tpu.memory_space<hbm>> -> memref<256xf32, #tpu.memory_space<hbm>>
      %dma_wait3A_879 = tpu.memref_slice %arg10[%add3A_875] : memref<16777216xf32, #tpu.memory_space<hbm>> -> memref<256xf32, #tpu.memory_space<hbm>>
      tpu.wait_dma2 semaphore(%arg43 : memref<!tpu.dma_semaphore, #tpu.memory_space<semaphore_mem>>) src(%arg29 : memref<256xf32, #tpu.memory_space<vmem>>) dst(%dma_wait3A_879 : memref<256xf32, #tpu.memory_space<hbm>>)
      %mul3A_880 = arith.constant 524288 : i32
      %mul3A_881 = arith.muli %add3A_689, %mul3A_880 : i32
      %mul3A_882 = arith.constant 32768 : i32
      %mul3A_883 = arith.muli %arg1, %mul3A_882 : i32
      %add3A_884 = arith.addi %mul3A_881, %mul3A_883 : i32
      %add3A_885 = arith.constant 32512 : i32
      %add3A_886 = arith.addi %add3A_884, %add3A_885 : i32
      %dma_wait3A_887 = tpu.memref_slice %arg9[%add3A_886] : memref<16777216xf32, #tpu.memory_space<hbm>> -> memref<256xf32, #tpu.memory_space<hbm>>
      %dma_wait3A_888 = tpu.memref_slice %arg9[%add3A_886] : memref<16777216xf32, #tpu.memory_space<hbm>> -> memref<256xf32, #tpu.memory_space<hbm>>
      tpu.wait_dma2 semaphore(%arg44 : memref<!tpu.dma_semaphore, #tpu.memory_space<semaphore_mem>>) src(%arg34 : memref<256xf32, #tpu.memory_space<vmem>>) dst(%dma_wait3A_888 : memref<256xf32, #tpu.memory_space<hbm>>)
      %dma_wait3A_889 = tpu.memref_slice %arg10[%add3A_886] : memref<16777216xf32, #tpu.memory_space<hbm>> -> memref<256xf32, #tpu.memory_space<hbm>>
      %dma_wait3A_890 = tpu.memref_slice %arg10[%add3A_886] : memref<16777216xf32, #tpu.memory_space<hbm>> -> memref<256xf32, #tpu.memory_space<hbm>>
      tpu.wait_dma2 semaphore(%arg44 : memref<!tpu.dma_semaphore, #tpu.memory_space<semaphore_mem>>) src(%arg35 : memref<256xf32, #tpu.memory_space<vmem>>) dst(%dma_wait3A_890 : memref<256xf32, #tpu.memory_space<hbm>>)
      %barrier3A_891 = arith.constant 0 : index
      tpu.barrier barrier_id(%barrier3A_891)
    }
    %scan3A_667 = arith.constant 16 : i32
    return
  }
}

</mosaic_0001>

<sc_bundles>
// kernel: _integrate_sc.3.cloned.1.call-start
scs
__scs_entry_jumppad:
0x0: {  	(pc) =	sbr.rel $0x88, $3  }
0x1: {  	(tag) =	ssettag $0x0;
	lr =	simm.s32 $0x1  }
0x2: {  	[smem:$0x3F9A] =	sst lr;
	_ =	strace $0xD0000000  }
0x3: {  	_ = 	snop  }
0x4: {  	_ = 	snop  }
0x5: {  	_ = 	snop  }
0x6: {  	_ = 	snop  }
0x7: {  	_ = 	snop  }
__scs_overlays_trampoline_lowered:
0x8: {  	[smem:$0x3FA9] =	sst s0  }
0x9: {  	[smem:$0x3FAA] =	sst s1  }
0xa: {  	[smem:$0x3FAB] =	sst s2  }
0xb: {  	[smem:$0x3FAC] =	sst s3  }
0xc: {  	[smem:$0x3FAD] =	sst s4  }
0xd: {  	[smem:$0x3FAE] =	sst s5  }
0xe: {  	[smem:$0x3FAF] =	sst s6  }
0xf: {  	[smem:$0x3FB0] =	sst s7  }
0x10: {  	[smem:$0x3FB1] =	sst s8  }
0x11: {  	[smem:$0x3FB2] =	sst s9;
	s0 =	simm.s32 @!p0 $0x0  }
0x12: {  	s1 =	sld [smem:$0x3F98];
	s0 =	simm.s32 @p0 $0x1  }
0x13: {  	[smem:$0x3FB3] =	sst s0;
	s0 =	simm.s32 @!p1 $0x0  }
0x14: {  	s2 =	sld [smem:$0x3F97];
	s0 =	simm.s32 @p1 $0x1  }
0x15: {  	[smem:$0x3FB4] =	sst s0;
	s0 =	simm.s32 @!p2 $0x0  }
0x16: {  	s3 =	sld [smem:$0x3FDB];
	s0 =	simm.s32 @p2 $0x1  }
0x17: {  	s4 =	simm.s32 $0x1BF5;
	[smem:$0x3FB6] =	sst s0  }
0x18: {  	s0 =	sld [smem:$0x3F99];
	_ =	swait.ge [sflag:s4], $0x0  }
0x19: {  	s7 =	sld [smem:$0x3F9A]  }
0x1a: {  	s8 =	sadd.s32 $0xFFFFE003, lr  }
0x1b: {  	s9 =	sadd.s32 $0xFFFFFEF7, lr;
	s5 =	simm.s32 $0xFFFFFFFF;
	p2 =	slt.u32 s8, $0xFFFFF086  }
0x1c: {  	p1 =	slt.u32 s9, $0xF7A;
	s5 =	simm.s32 @!p2 $0x0  }
0x1d: {  	s5 =	simm.s32 @p1 $0x1;
	p0 =	seq.s32 s7, s2  }
0x1e: {  	s7 =	smul.u32 @!p0 $0xF7A, s2;
	p2 =	seq.s32 @!p0 s5, $0x0  }
0x1f: {  	s9 =	smul.u32 $0xF7A, s1;
	s8 =	simm.s32 @!p0 $0x1BF5;
	p2 =	por !p2, p0  }
0x20: {  	[sflag:s8] =	ssyncset.s32 @!p0 $0xFFFFF086;
	s6 =	sadd.s32 @!p0 s3, s7;
	s7 =	simm.s32 @!p0 $0x108  }
0x21: {  	s3 =	sadd.s32 s3, s9;
	s6 =	sadd.s32 @!p0 $0x88, s6;
	s7 =	simm.s32 @p2 $0x1082  }
0x22: {  	[simem:s7], [sflag:s8] =	dma.local @!p0 [hbm:s6], $0xF7A  }
0x23: {  	s9 =	sor.u32 $0xD0000000, s2;
	s6 =	simm.s32 $0x108;
	_ =	swait.ge @!p0 [sflag:s8], $0x0  }
0x24: {  	s3 =	sadd.s32 $0x88, s3;
	s6 =	simm.s32 @!p1 $0x1082;
	[sflag:s4] =	ssyncset.s32 $0xFFFFF086  }
0x25: {  	[simem:s6], [sflag:s4] =	dma.local [hbm:s3], $0xF7A  }
0x26: {  	[smem:$0x3F9A] =	sst s1;
	(tag) =	ssettag s2;
	_ =	strace s9  }
0x27: {  	s1 =	sld [smem:$0x3FAA]  }
0x28: {  	s2 =	sld [smem:$0x3FAB]  }
0x29: {  	s4 =	sld [smem:$0x3FAD]  }
0x2a: {  	p0 =	seq.s32 s5, $0x0;
	s5 =	sld [smem:$0x3FAE]  }
0x2b: {  	s6 =	sld [smem:$0x3FAF]  }
0x2c: {  	s7 =	sld [smem:$0x3FB0]  }
0x2d: {  	s3 =	simm.s32 $0x108;
	s8 =	sld [smem:$0x3FB1]  }
0x2e: {  	s3 =	simm.s32 @!p0 $0x1082;
	s9 =	sld [smem:$0x3FB2]  }
0x2f: {  	lr =	sadd.s32 s0, s3;
	s0 =	sld [smem:$0x3FA9]  }
0x30: {  	s3 =	sld [smem:$0x3FAC]  }
0x31: {  	[smem:$0x3FB5] =	sst s10  }
0x32: {  	s10 =	sld [smem:$0x3FB3];
	_ =	sdelay $0x3  }
0x33: {  	p0 =	seq.s32 s10, $0x1;
	s10 =	sld [smem:$0x3FB5];
	_ =	sdelay $0x3  }
0x34: {  	[smem:$0x3FB5] =	sst s10  }
0x35: {  	s10 =	sld [smem:$0x3FB4];
	_ =	sdelay $0x3  }
0x36: {  	p1 =	seq.s32 s10, $0x1;
	s10 =	sld [smem:$0x3FB5];
	_ =	sdelay $0x3  }
0x37: {  	[smem:$0x3FB5] =	sst s10  }
0x38: {  	s10 =	sld [smem:$0x3FB6]  }
0x39: {  	_ = 	snop;
	(pc) =	sbr.ind lr, $3  }
0x3a: {  	_ = 	snop  }
0x3b: {  	_ = 	snop  }
0x3c: {  	p2 =	seq.s32 s10, $0x1;
	s10 =	sld [smem:$0x3FB5]  }
0x3d: {  	_ =	shalt  }
0x3e: {  	_ =	shalt  }
0x3f: {  	_ =	shalt  }
0x40: {  	_ =	shalt  }
0x41: {  	_ =	shalt  }
0x42: {  	_ =	shalt  }
0x43: {  	_ =	shalt  }
0x44: {  	_ =	shalt  }
0x45: {  	_ =	shalt  }
0x46: {  	_ =	shalt  }
0x47: {  	_ =	shalt  }
0x48: {  	_ =	shalt  }
0x49: {  	_ =	shalt  }
0x4a: {  	_ =	shalt  }
0x4b: {  	_ =	shalt  }
0x4c: {  	_ =	shalt  }
0x4d: {  	_ =	shalt  }
0x4e: {  	_ =	shalt  }
0x4f: {  	_ =	shalt  }
0x50: {  	_ =	shalt  }
0x51: {  	_ =	shalt  }
0x52: {  	_ =	shalt  }
0x53: {  	_ =	shalt  }
0x54: {  	_ =	shalt  }
0x55: {  	_ =	shalt  }
0x56: {  	_ =	shalt  }
0x57: {  	_ =	shalt  }
0x58: {  	_ =	shalt  }
0x59: {  	_ =	shalt  }
0x5a: {  	_ =	shalt  }
0x5b: {  	_ =	shalt  }
0x5c: {  	_ =	shalt  }
0x5d: {  	_ =	shalt  }
0x5e: {  	_ =	shalt  }
0x5f: {  	_ =	shalt  }
0x60: {  	_ =	shalt  }
0x61: {  	_ =	shalt  }
0x62: {  	_ =	shalt  }
0x63: {  	_ =	shalt  }
0x64: {  	_ =	shalt  }
0x65: {  	_ =	shalt  }
0x66: {  	_ =	shalt  }
0x67: {  	_ =	shalt  }
0x68: {  	_ =	shalt  }
0x69: {  	_ =	shalt  }
0x6a: {  	_ =	shalt  }
0x6b: {  	_ =	shalt  }
0x6c: {  	_ =	shalt  }
0x6d: {  	_ =	shalt  }
0x6e: {  	_ =	shalt  }
0x6f: {  	_ =	shalt  }
0x70: {  	_ =	shalt  }
0x71: {  	_ =	shalt  }
0x72: {  	_ =	shalt  }
0x73: {  	_ =	shalt  }
0x74: {  	_ =	shalt  }
0x75: {  	_ =	shalt  }
0x76: {  	_ =	shalt  }
0x77: {  	_ =	shalt  }
0x78: {  	_ =	shalt  }
0x79: {  	_ =	shalt  }
0x7a: {  	_ =	shalt  }
0x7b: {  	_ =	shalt  }
0x7c: {  	_ =	shalt  }
0x7d: {  	_ =	shalt  }
0x7e: {  	_ =	shalt  }
0x7f: {  	_ =	shalt  }
0x80: {  	_ =	shalt  }
0x81: {  	_ =	shalt  }
0x82: {  	_ =	shalt  }
0x83: {  	_ =	shalt  }
0x84: {  	_ =	shalt  }
0x85: {  	_ =	shalt  }
0x86: {  	_ =	shalt  }
0x87: {  	_ =	shalt  }
.Lfunc_end0:
.L_simem_size_0:
called_computation_lowered:
.L_overlay_start_0:
0x88: {  	s2 =	sld [smem:$0x3FD9]  }
0x89: {  	s3 =	sld [smem:$0x3FFE];
	_ =	sdelay $0x1  }
0x8a: {  	s1 =	srdreg.scid  }
0x8b: {  	s0 =	sand.u32 $0x1, s1  }
0x8c: {  	s15 =	sshll.u32 s0, $0xA;
	s2 =	sadd.s32 s3, s2  }
0x8d: {  	s2 =	sadd.s32 s2, s15  }
0x8e: {  	[smem:$0x3FC1] =	sst s2  }
0x8f: {  	_ = 	snop  }
0x90: {  	s2 =	sld [smem:$0x3FC9]  }
0x91: {  	s16 =	sld [smem:$0x3FC8]  }
0x92: {  	s4 =	sld [smem:$0x3FC7]  }
0x93: {  	s5 =	sld [smem:$0x3FC6]  }
0x94: {  	s6 =	sld [smem:$0x3FD0]  }
0x95: {  	s7 =	sld [smem:$0x3FC5]  }
0x96: {  	s8 =	sld [smem:$0x3FC4]  }
0x97: {  	s10 =	simm.s32 $0xA;
	s11 =	simm.s32 $0x10;
	s9 =	sld [smem:$0x3FC3]  }
0x98: {  	[smem:s11], [sflag:s10] =	dma.local [hbm:s6], $0x1  }
0x99: {  	_ =	swait.eq [sflag:s10], $0x1  }
0x9a: {  	[sflag:s10] =	ssyncset.done $0x0  }
0x9b: {  	s17 =	sld [smem:$0x10];
	[sflag:s10] =	ssyncadd.s32 $0xFFFFFFFF  }
0x9c: {  	s18 =	sld [smem:$0x11];
	(tm) =	ssettm $0x1  }
0x9d: {  	s19 =	sld [smem:$0x3FFB];
	_ =	sdelay $0x3  }
0x9e: {  	_ =	strace s19  }
0x9f: {  	s11 =	sld [smem:$0x3FFC];
	_ =	sdelay $0x3  }
0xa0: {  	_ =	strace s11  }
0xa1: {  	s11 =	sld [smem:$0x3FFD];
	_ =	sdelay $0x3  }
0xa2: {  	_ =	strace s11  }
0xa3: {  	_ =	strace $0x8FFFFFFF  }
0xa4: {  	s20 =	sld [smem:$0x3FDB];
	_ =	sdelay $0x1  }
0xa5: {  	s12 =	simm.s32 $_scs_section_size  }
0xa6: {  	s13 =	simm.s32 $_size__tile_overlayer_lowered;
	s14 =	simm.s32 $_tile_overlayer_lowered  }
0xa7: {  	s23 =	simm.s32 $0x1BFF;
	s22 =	sshll.u32 s14, $0x1;
	s11 =	sadd.s32 s12, s20  }
0xa8: {  	s21 =	sshll.u32 s13, $0x1;
	s15 =	simm.s32 $0x0;
	s13 =	sadd.s32 s22, s11  }
0xa9: {  	[timem:s15], [sflag:s23] =	dma.local [hbm:s13], s21  }
0xaa: {  	_ =	swait.ge [sflag:s23], s21  }
0xab: {  	s12 =	ssub.s32 $0x0, s21;
	[sflag:s23] =	ssyncset.done $0x0  }
0xac: {  	[sflag:s23] =	ssyncadd.s32 s12;
	_ =	sdelay $0x1  }
0xad: {  	s24 =	simm.s32 $0x1B8B  }
0xae: {  	_ =	swait.ge [sflag:s24], $0x1  }
0xaf: {  	[sflag:s24] =	ssyncset.done $0x0  }
0xb0: {  	s25 =	simm.s32 $0x1B8E;
	[sflag:s24] =	ssyncadd.s32 $0xFFFFFFFF  }
0xb1: {  	s26 =	simm.s32 $execute0_lowered;
	[smem:$0x3FD2] =	sst s25  }
0xb2: {  	s12 =	sshll.u32 s26, $0x1;
	_ =	strace $0x80000046;
	[dreg:$0x1] =	wrdreg $0xFFFFFFFF  }
0xb3: {  	s28 =	simm.s32 $_size_execute0_lowered;
	s11 =	sadd.s32 s11, s12;
	[dreg:$0x0] =	wrdreg $0x0  }
0xb4: {  	s12 =	sshll.u32 s28, $0x1;
	[dreg:$0x2] =	wrdreg s11  }
0xb5: {  	[dreg:$0x3] =	wrdreg s12  }
0xb6: {  	[dreg:$0x4] =	wrdreg $0xC0  }
0xb7: {  	_ =	task [dreg:s15], $0x5FFFF  }
0xb8: {  	[dreg:$0x1] =	wrdreg $0xFFFFFFFF  }
0xb9: {  	[dreg:$0x0] =	wrdreg $0x60  }
0xba: {  	[dreg:$0x2] =	wrdreg s2  }
0xbb: {  	[dreg:$0x3] =	wrdreg s16  }
0xbc: {  	[dreg:$0x4] =	wrdreg s4  }
0xbd: {  	[dreg:$0x5] =	wrdreg s5  }
0xbe: {  	[dreg:$0x6] =	wrdreg s7  }
0xbf: {  	[dreg:$0x7] =	wrdreg s8  }
0xc0: {  	[dreg:$0x8] =	wrdreg s9  }
0xc1: {  	[dreg:$0x9] =	wrdreg s17  }
0xc2: {  	[dreg:$0xa] =	wrdreg s18  }
0xc3: {  	[dreg:$0xb] =	wrdreg $0xFE000  }
0xc4: {  	[dreg:$0xc] =	wrdreg $0x17E200  }
0xc5: {  	[dreg:$0xd] =	wrdreg $0x9  }
0xc6: {  	_ =	task.clear_ibuf [dreg:s15], $0xEFFFF;
	_ =	strace $0x90000046  }
0xc7: {  	s29 =	simm.s32 $0x9;
	_ =	strace $0x80000048  }
0xc8: {  	_ =	swait.ge [sflag:s29], $0x1  }
0xc9: {  	[sflag:s29] =	ssyncadd.s32 $0xFFFFFFFF  }
0xca: {  	_ =	strace $0x90000048  }
0xcb: {  	_ =	sfence  }
0xcc: {  	s30 =	sld [smem:$0x0];
	_ =	sdelay $0x2  }
0xcd: {  	s31 =	sshll.u32 s1, $0xD;
	s1 =	sshrl.u32 s1, $0x2  }
0xce: {  	s3 =	sand.u32 $0x4000, s31;
	s1 =	sadd.s32 s1, s30  }
0xcf: {  	s0 =	sor.u32 s3, s0;
	s1 =	sshll.u32 s1, $0x11  }
0xd0: {  	s0 =	sor.u32 s1, s0  }
0xd1: {  	s0 =	sadd.s32 $0x8F2B, s0  }
0xd2: {  	[sflag:s0] =	ssyncadd.remote.s32 $0x1  }
0xd3: {  	_ =	sfence.sel $0xFFFF  }
0xd4: {  	[dreg:$0x0] =	wrdreg $0xFFFFFFFF;
	(pc) =	sbr.abs _section_cstart, $3  }
0xd5: {  	[dreg:$0x1] =	wrdreg $0xFFFFFFFF  }
0xd6: {  	_ =	task.clear_ibuf [dreg:s15], $0x2FFFF;
	_ =	strace $0x9FFFFFFF  }
0xd7: {  	(tm) =	ssettm $0x7FFFFFFF  }
tec
execute0_lowered:
.L_overlay_start_1:
0x0: {  	(tag) =	ssettag $0x1  }
0x1: {  	s5 =	rddreg [dreg:$0x0]  }
0x2: {  	s17 =	rddreg [dreg:$0x1]  }
0x3: {  	s18 =	rddreg [dreg:$0x2]  }
0x4: {  	s6 =	rddreg [dreg:$0x3]  }
0x5: {  	s12 =	rddreg [dreg:$0x4]  }
0x6: {  	s7 =	rddreg [dreg:$0x6]  }
0x7: {  	s8 =	rddreg [dreg:$0x7]  }
0x8: {  	s9 =	rddreg [dreg:$0x8]  }
0x9: {  	s10 =	rddreg [dreg:$0x9]  }
0xa: {  	s11 =	rddreg [dreg:$0xa];
	s0 =	srdreg.scid  }
0xb: {  	s13 =	simm.s32 $0x0;
	s3 =	stileid.u32;
	s28 =	simm.s32 $0x9800  }
0xc: {  	s29 =	simm.s32 $0xFA00;
	s30 =	simm.s32 $0x5;
	s20 =	sshll.u32 s3, $0xC  }
0xd: {  	s31 =	simm.s32 $0x80;
	[smem:$0x7FF] =	sst s13;
	s4 =	sadd.s32 s5, s20  }
0xe: {  	_ =	strace $0x80000047;
	s21 =	sadd.s32 s17, s20;
	[dreg:$0xc] =	wrdreg s4  }
0xf: {  	s14 =	sshll.u32 s3, $0xF;
	s15 =	sadd.s32 s18, s20;
	[dreg:$0xd] =	wrdreg s21  }
0x10: {  	s3 =	sor.u32 $0x100, s14;
	s25 =	sadd.s32 s6, s20;
	[dreg:$0xe] =	wrdreg s15  }
0x11: {  	s0 =	sand.u32 $0x1, s0;
	[dreg:$0x11] =	wrdreg s25;
	s19 =	sadd.s32 s3, s10  }
0x12: {  	s22 =	sshrl.u32 s3, $0x3;
	s3 =	sadd.s32 s3, s11;
	[dreg:$0x17] =	wrdreg s19  }
0x13: {  	s1 =	ssub.s32 $0x2, s0;
	s25 =	sor.u32 $0x200, s14;
	[dreg:$0x18] =	wrdreg s3  }
0x14: {  	s16 =	sshll.u32 s0, $0x17;
	s23 =	sadd.s32 s5, s22;
	[dreg:$0x1e] =	wrdreg s25  }
0x15: {  	s2 =	sshrl.u32 s1, $0x1;
	s24 =	sadd.s32 s17, s22;
	[dreg:$0xf] =	wrdreg s23  }
0x16: {  	s1 =	ssub.s32 s1, s2;
	s2 =	sadd.s32 s12, s20;
	[dreg:$0x10] =	wrdreg s24  }
0x17: {  	s4 =	simm.s32 $0x2;
	s26 =	sadd.s32 s18, s22;
	[dreg:$0x12] =	wrdreg s2  }
0x18: {  	s6 =	sadd.s32 s6, s22;
	s15 =	sadd.s32 s12, s22;
	[dreg:$0x13] =	wrdreg s26  }
0x19: {  	s20 =	sor.u32 $0x7E00, s14;
	s22 =	sor.u32 $0x7F00, s14;
	[dreg:$0x14] =	wrdreg s6  }
0x1a: {  	s19 =	simm.s32 $0xE400;
	[dreg:$0x15] =	wrdreg s15;
	s2 =	sor.u32 s14, s16  }
0x1b: {  	s3 =	simm.s32 $0xFC00;
	s21 =	sadd.s32 s20, s10;
	[dreg:$0x16] =	wrdreg s2  }
0x1c: {  	s25 =	simm.s32 $0xFD00;
	s23 =	sadd.s32 s22, s10;
	[dreg:$0x19] =	wrdreg s21  }
0x1d: {  	s12 =	simm.s32 $0x4;
	s24 =	sadd.s32 s22, s11;
	[dreg:$0x1b] =	wrdreg s23  }
0x1e: {  	s1 =	smax.u32 s1, $0x1;
	s26 =	sor.u32 $0x300, s14;
	[dreg:$0x1c] =	wrdreg s24  }
0x1f: {  	s22 =	simm.s32 $0x1;
	s6 =	simm.s32 $0x3;
	[dreg:$0x1d] =	wrdreg s1  }
0x20: {  	s2 =	sadd.s32 s20, s11;
	[dreg:$0x1f] =	wrdreg s26;
	s23 =	sadd.s32 s14, s10  }
0x21: {  	v1 =	vimm.s32 $0x0;
	v2 =	vimm.f32 $0.0e+00;
	s24 =	sadd.s32 s14, s11;
	s20 =	simm.s32 $0xE500;
	s21 =	simm.s32 $0xE600  }
0x22: {  	v3 =	vlaneseq.u32;
	v4 =	vimm.s32 $0x1;
	v0 =	vmov s0;
	s26 =	simm.s32 $0x4C00;
	s1 =	simm.s32 $0x0;
	[dreg:$0x1a] =	wrdreg s2  }
.LBB2_1:
0x23: {  	[tilespmem:$0xFC00] =	vst v1  }
0x24: {  	[tilespmem:$0xFC10] =	vst v1  }
0x25: {  	[tilespmem:$0xFC20] =	vst v1  }
0x26: {  	[tilespmem:$0xFC30] =	vst v1  }
0x27: {  	[tilespmem:$0xFC40] =	vst v1  }
0x28: {  	[tilespmem:$0xFC50] =	vst v1  }
0x29: {  	[tilespmem:$0xFC60] =	vst v1  }
0x2a: {  	[tilespmem:$0xFC70] =	vst v1  }
0x2b: {  	[tilespmem:$0xFC80] =	vst v1  }
0x2c: {  	[tilespmem:$0xFC90] =	vst v1  }
0x2d: {  	[tilespmem:$0xFCA0] =	vst v1  }
0x2e: {  	[tilespmem:$0xFCB0] =	vst v1  }
0x2f: {  	[tilespmem:$0xFCC0] =	vst v1  }
0x30: {  	[tilespmem:$0xFCD0] =	vst v1  }
0x31: {  	[tilespmem:$0xFCE0] =	vst v1  }
0x32: {  	[tilespmem:$0xFCF0] =	vst v1  }
0x33: {  	[tilespmem:$0xFA00] =	vst v2  }
0x34: {  	[tilespmem:$0xFA10] =	vst v2  }
0x35: {  	[tilespmem:$0xFA20] =	vst v2  }
0x36: {  	[tilespmem:$0xFA30] =	vst v2  }
0x37: {  	[tilespmem:$0xFA40] =	vst v2  }
0x38: {  	[tilespmem:$0xFA50] =	vst v2  }
0x39: {  	[tilespmem:$0xFA60] =	vst v2  }
0x3a: {  	[tilespmem:$0xFA70] =	vst v2  }
0x3b: {  	[tilespmem:$0xFA80] =	vst v2  }
0x3c: {  	[tilespmem:$0xFA90] =	vst v2  }
0x3d: {  	[tilespmem:$0xFAA0] =	vst v2  }
0x3e: {  	[tilespmem:$0xFAB0] =	vst v2  }
0x3f: {  	[tilespmem:$0xFAC0] =	vst v2  }
0x40: {  	[tilespmem:$0xFAD0] =	vst v2  }
0x41: {  	[tilespmem:$0xFAE0] =	vst v2  }
0x42: {  	[tilespmem:$0xFAF0] =	vst v2  }
0x43: {  	[tilespmem:$0xFB00] =	vst v2  }
0x44: {  	[tilespmem:$0xFB10] =	vst v2  }
0x45: {  	[tilespmem:$0xFB20] =	vst v2  }
0x46: {  	[tilespmem:$0xFB30] =	vst v2  }
0x47: {  	[tilespmem:$0xFB40] =	vst v2  }
0x48: {  	[tilespmem:$0xFB50] =	vst v2  }
0x49: {  	[tilespmem:$0xFB60] =	vst v2  }
0x4a: {  	[tilespmem:$0xFB70] =	vst v2  }
0x4b: {  	[tilespmem:$0xFB80] =	vst v2  }
0x4c: {  	[tilespmem:$0xFB90] =	vst v2  }
0x4d: {  	[tilespmem:$0xFBA0] =	vst v2  }
0x4e: {  	[tilespmem:$0xFBB0] =	vst v2  }
0x4f: {  	[tilespmem:$0xFBC0] =	vst v2  }
0x50: {  	[tilespmem:$0xFBD0] =	vst v2  }
0x51: {  	[smem:$0x7FD] =	sst s1;
	[tilespmem:$0xFBE0] =	vst v2  }
0x52: {  	[tilespmem:$0xFBF0] =	vst v2;
	s0 =	rddreg [dreg:$0xc]  }
0x53: {  	[tilespmem:s19], [sflag:$0x1] =	stream.linear.gather [hbm4b:s0+s13], $0x100, $0x38;
	[tilespmem:$0x1FE40] =	vst v63  }
0x54: {  	s1 =	rddreg [dreg:$0xd]  }
0x55: {  	[tilespmem:s20], [sflag:$0x1] =	stream.linear.gather [hbm4b:s1+s13], $0x100, $0x38;
	[tilespmem:$0x1FE40] =	vst v63  }
0x56: {  	s2 =	rddreg [dreg:$0xe]  }
0x57: {  	[tilespmem:s21], [sflag:$0x1] =	stream.linear.gather [hbm4b:s2+s13], $0x100, $0x38;
	[tilespmem:$0x1FE40] =	vst v63  }
0x58: {  	s15 =	rddreg [dreg:$0xf];
	s16 =	simm.s32 $0xE900  }
0x59: {  	[tilespmem:s16], [sflag:$0x2] =	stream.linear.gather [hbm4b:s15+s13], $0x100, $0x38;
	[tilespmem:$0x1FE40] =	vst v63  }
0x5a: {  	s1 =	rddreg [dreg:$0x10];
	s2 =	simm.s32 $0xEA00  }
0x5b: {  	[tilespmem:s2], [sflag:$0x2] =	stream.linear.gather [hbm4b:s1+s13], $0x100, $0x38;
	[tilespmem:$0x1FE40] =	vst v63  }
0x5c: {  	s0 =	simm.s32 $0x0;
	s15 =	rddreg [dreg:$0x13];
	s16 =	simm.s32 $0xEB00  }
0x5d: {  	[tilespmem:s16], [sflag:$0x2] =	stream.linear.gather [hbm4b:s15+s13], $0x100, $0x38;
	[tilespmem:$0x1FE40] =	vst v63  }
.LBB2_2:
0x5e: {  	_ =	swait.ge [sflag:s22], $0x100  }
0x5f: {  	[sflag:s22] =	ssyncset.done $0x0  }
0x60: {  	[sflag:s22] =	ssyncadd.s32 $0xFFFFFF00  }
0x61: {  	_ =	swait.ge [sflag:s22], $0x100  }
0x62: {  	[sflag:s22] =	ssyncset.done $0x0  }
0x63: {  	[sflag:s22] =	ssyncadd.s32 $0xFFFFFF00  }
0x64: {  	_ =	swait.ge [sflag:s22], $0x100  }
0x65: {  	[sflag:s22] =	ssyncset.done $0x0  }
0x66: {  	s2 =	simm.s32 $0x0;
	[sflag:s22] =	ssyncadd.s32 $0xFFFFFF00  }
0x67: {  	s1 =	simm.s32 $0x40;
	v5 =	vld [tilespmem:s2+$0xE500]  }
.LBB2_3:
0x68: {  	p0 =	sne.s32 s1, $0x3C0;
	v6 =	vld [tilespmem:s2+$0xE400];
	_ =	sdelay $0x1  }
0x69: {  	v7 =	vld [tilespmem:s2+$0xE600];
	_ =	sdelay $0x2  }
0x6a: {  	v9 =	vshll.u32 v5, $0x8;
	v8 =	vshll.u32 v6, $0x10  }
0x6b: {  	v8 =	vadd.s32 v8, v9  }
0x6c: {  	v5 =	vor.u32 v6, v5;
	v6 =	vadd.s32 v7, v8  }
0x6d: {  	v5 =	vor.u32 v7, v5;
	v7 =	vshrl.u32 v6, $0x17  }
0x6e: {  	vm0 =	vlt.u32 v5, $0x100;
	v5 =	vshrl.u32 v6, $0xF;
	vm1 =	veq.s32 v7, v0  }
0x6f: {  	v5 =	vand.u32 $0xF0, v5;
	vm0 =	vmand vm0, vm1  }
0x70: {  	v5 =	vor.u32 v3, v5;
	_ =	sdelay $0x1  }
.Ltmp0:
0x71: {  	(pc) =	sbr.rel @p0 .LBB2_3-.Ltmp0, $3  }
0x72: {  	_ =	sdelay $0x1  }
0x73: {  	s2 =	sshra.s32 s1, $0x2;
	[tilespmem:v5+s3+$0x0] =	vst.idx.add.s32.msk vm0, v4  }
0x74: {  	s1 =	sadd.s32 $0x40, s1;
	v5 =	vld [tilespmem:s2+$0xE500]  }
0x75: {  	v6 =	vld [tilespmem:s2+$0xE400];
	_ =	sdelay $0x1  }
0x76: {  	v7 =	vld [tilespmem:s2+$0xE600];
	_ =	sdelay $0x2  }
0x77: {  	v9 =	vshll.u32 v5, $0x8;
	v8 =	vshll.u32 v6, $0x10  }
0x78: {  	v8 =	vadd.s32 v8, v9  }
0x79: {  	v5 =	vor.u32 v6, v5;
	v6 =	vadd.s32 v7, v8  }
0x7a: {  	v5 =	vor.u32 v7, v5;
	v7 =	vshrl.u32 v6, $0x17  }
0x7b: {  	vm0 =	vlt.u32 v5, $0x100;
	v5 =	vshrl.u32 v6, $0xF;
	vm1 =	veq.s32 v7, v0  }
0x7c: {  	v5 =	vand.u32 $0xF0, v5;
	vm0 =	vmand vm0, vm1  }
0x7d: {  	v5 =	vor.u32 v3, v5;
	_ =	sdelay $0x1  }
0x7e: {  	s1 =	sshll.u32 s0, $0x9;
	s16 =	rddreg [dreg:$0x1e]  }
0x7f: {  	s2 =	sadd.s32 s1, s16  }
0x80: {  	s2 =	sshrl.u32 s2, $0x3  }
0x81: {  	s16 =	simm.s32 $0x0;
	s15 =	sadd.s32 s5, s2;
	[tilespmem:v5+s3+$0x0] =	vst.idx.add.s32.msk vm0, v4  }
0x82: {  	[tilespmem:s19], [sflag:$0x1] =	stream.linear.gather [hbm4b:s15+s16], $0x100, $0x38;
	[tilespmem:$0x1FE40] =	vst v63  }
0x83: {  	s15 =	sadd.s32 s17, s2  }
0x84: {  	[tilespmem:s20], [sflag:$0x1] =	stream.linear.gather [hbm4b:s15+s16], $0x100, $0x38;
	[tilespmem:$0x1FE40] =	vst v63  }
0x85: {  	s2 =	sadd.s32 s18, s2  }
0x86: {  	[tilespmem:s21], [sflag:$0x1] =	stream.linear.gather [hbm4b:s2+s16], $0x100, $0x38;
	[tilespmem:$0x1FE40] =	vst v63  }
0x87: {  	_ =	swait.ge [sflag:s4], $0x100  }
0x88: {  	[sflag:s4] =	ssyncset.done $0x0  }
0x89: {  	[sflag:s4] =	ssyncadd.s32 $0xFFFFFF00  }
0x8a: {  	_ =	swait.ge [sflag:s4], $0x100  }
0x8b: {  	[sflag:s4] =	ssyncset.done $0x0  }
0x8c: {  	[sflag:s4] =	ssyncadd.s32 $0xFFFFFF00  }
0x8d: {  	_ =	swait.ge [sflag:s4], $0x100  }
0x8e: {  	[sflag:s4] =	ssyncset.done $0x0  }
0x8f: {  	s15 =	simm.s32 $0x0;
	[sflag:s4] =	ssyncadd.s32 $0xFFFFFF00  }
0x90: {  	s2 =	simm.s32 $0x40;
	v5 =	vld [tilespmem:s15+$0xEA00]  }
.LBB2_5:
0x91: {  	p0 =	sne.s32 s2, $0x3C0;
	v6 =	vld [tilespmem:s15+$0xE900];
	_ =	sdelay $0x1  }
0x92: {  	v7 =	vld [tilespmem:s15+$0xEB00];
	_ =	sdelay $0x2  }
0x93: {  	v9 =	vshll.u32 v5, $0x8;
	v8 =	vshll.u32 v6, $0x10  }
0x94: {  	v8 =	vadd.s32 v8, v9  }
0x95: {  	v5 =	vor.u32 v6, v5;
	v6 =	vadd.s32 v7, v8  }
0x96: {  	v5 =	vor.u32 v7, v5;
	v7 =	vshrl.u32 v6, $0x17  }
0x97: {  	vm0 =	vlt.u32 v5, $0x100;
	v5 =	vshrl.u32 v6, $0xF;
	vm1 =	veq.s32 v7, v0  }
0x98: {  	v5 =	vand.u32 $0xF0, v5;
	vm0 =	vmand vm0, vm1  }
0x99: {  	v5 =	vor.u32 v3, v5;
	_ =	sdelay $0x1  }
.Ltmp1:
0x9a: {  	(pc) =	sbr.rel @p0 .LBB2_5-.Ltmp1, $3  }
0x9b: {  	_ =	sdelay $0x1  }
0x9c: {  	s15 =	sshra.s32 s2, $0x2;
	[tilespmem:v5+s3+$0x0] =	vst.idx.add.s32.msk vm0, v4  }
0x9d: {  	s2 =	sadd.s32 $0x40, s2;
	v5 =	vld [tilespmem:s15+$0xEA00]  }
0x9e: {  	v6 =	vld [tilespmem:s15+$0xE900];
	_ =	sdelay $0x1  }
0x9f: {  	v7 =	vld [tilespmem:s15+$0xEB00];
	_ =	sdelay $0x2  }
0xa0: {  	v9 =	vshll.u32 v5, $0x8;
	v8 =	vshll.u32 v6, $0x10  }
0xa1: {  	v8 =	vadd.s32 v8, v9  }
0xa2: {  	v5 =	vor.u32 v6, v5;
	v6 =	vadd.s32 v7, v8  }
0xa3: {  	v5 =	vor.u32 v7, v5;
	v7 =	vshrl.u32 v6, $0x17  }
0xa4: {  	vm0 =	vlt.u32 v5, $0x100;
	v5 =	vshrl.u32 v6, $0xF;
	vm1 =	veq.s32 v7, v0  }
0xa5: {  	v5 =	vand.u32 $0xF0, v5;
	vm0 =	vmand vm0, vm1  }
0xa6: {  	v5 =	vor.u32 v3, v5;
	_ =	sdelay $0x1  }
0xa7: {  	s2 =	rddreg [dreg:$0x1f]  }
0xa8: {  	s1 =	sadd.s32 s1, s2  }
0xa9: {  	s0 =	sadd.s32 $0x1, s0;
	s1 =	sshrl.u32 s1, $0x3  }
0xaa: {  	s16 =	simm.s32 $0xE900;
	p0 =	sne.s32 s0, $0x3F;
	s15 =	sadd.s32 s5, s1;
	[tilespmem:v5+s3+$0x0] =	vst.idx.add.s32.msk vm0, v4  }
0xab: {  	[tilespmem:s16], [sflag:$0x2] =	stream.linear.gather [hbm4b:s15+s13], $0x100, $0x38;
	[tilespmem:$0x1FE40] =	vst v63  }
.Ltmp2:
0xac: {  	_ = 	snop;
	(pc) =	sbr.rel @p0 .LBB2_2-.Ltmp2, $4  }
0xad: {  	s15 =	sadd.s32 s17, s1;
	s16 =	simm.s32 $0xEA00  }
0xae: {  	[tilespmem:s16], [sflag:$0x2] =	stream.linear.gather [hbm4b:s15+s13], $0x100, $0x38;
	[tilespmem:$0x1FE40] =	vst v63  }
0xaf: {  	s1 =	sadd.s32 s18, s1;
	s16 =	simm.s32 $0xEB00  }
0xb0: {  	[tilespmem:s16], [sflag:$0x2] =	stream.linear.gather [hbm4b:s1+s13], $0x100, $0x38;
	[tilespmem:$0x1FE40] =	vst v63  }
0xb1: {  	_ =	swait.ge [sflag:s22], $0x100  }
0xb2: {  	[sflag:s22] =	ssyncset.done $0x0  }
0xb3: {  	[sflag:s22] =	ssyncadd.s32 $0xFFFFFF00  }
0xb4: {  	_ =	swait.ge [sflag:s22], $0x100  }
0xb5: {  	[sflag:s22] =	ssyncset.done $0x0  }
0xb6: {  	[sflag:s22] =	ssyncadd.s32 $0xFFFFFF00  }
0xb7: {  	_ =	swait.ge [sflag:s22], $0x100  }
0xb8: {  	[sflag:s22] =	ssyncset.done $0x0  }
0xb9: {  	s1 =	simm.s32 $0x0;
	[sflag:s22] =	ssyncadd.s32 $0xFFFFFF00  }
0xba: {  	s0 =	simm.s32 $0x40;
	v5 =	vld [tilespmem:s1+$0xE500]  }
.LBB2_8:
0xbb: {  	p0 =	sne.s32 s0, $0x3C0;
	v6 =	vld [tilespmem:s1+$0xE400];
	_ =	sdelay $0x1  }
0xbc: {  	v7 =	vld [tilespmem:s1+$0xE600];
	_ =	sdelay $0x2  }
0xbd: {  	v9 =	vshll.u32 v5, $0x8;
	v8 =	vshll.u32 v6, $0x10  }
0xbe: {  	v8 =	vadd.s32 v8, v9  }
0xbf: {  	v5 =	vor.u32 v6, v5;
	v6 =	vadd.s32 v7, v8  }
0xc0: {  	v5 =	vor.u32 v7, v5;
	v7 =	vshrl.u32 v6, $0x17  }
0xc1: {  	vm0 =	vlt.u32 v5, $0x100;
	v5 =	vshrl.u32 v6, $0xF;
	vm1 =	veq.s32 v7, v0  }
0xc2: {  	v5 =	vand.u32 $0xF0, v5;
	vm0 =	vmand vm0, vm1  }
0xc3: {  	v5 =	vor.u32 v3, v5;
	_ =	sdelay $0x1  }
.Ltmp3:
0xc4: {  	(pc) =	sbr.rel @p0 .LBB2_8-.Ltmp3, $3  }
0xc5: {  	_ =	sdelay $0x1  }
0xc6: {  	s1 =	sshra.s32 s0, $0x2;
	[tilespmem:v5+s3+$0x0] =	vst.idx.add.s32.msk vm0, v4  }
0xc7: {  	s0 =	sadd.s32 $0x40, s0;
	v5 =	vld [tilespmem:s1+$0xE500]  }
0xc8: {  	v6 =	vld [tilespmem:s1+$0xE400];
	_ =	sdelay $0x1  }
0xc9: {  	v7 =	vld [tilespmem:s1+$0xE600];
	_ =	sdelay $0x2  }
0xca: {  	v9 =	vshll.u32 v5, $0x8;
	v8 =	vshll.u32 v6, $0x10  }
0xcb: {  	v8 =	vadd.s32 v8, v9  }
0xcc: {  	v5 =	vor.u32 v6, v5;
	v6 =	vadd.s32 v7, v8  }
0xcd: {  	v5 =	vor.u32 v7, v5;
	v7 =	vshrl.u32 v6, $0x17  }
0xce: {  	vm0 =	vlt.u32 v5, $0x100;
	v5 =	vshrl.u32 v6, $0xF;
	vm1 =	veq.s32 v7, v0  }
0xcf: {  	v5 =	vand.u32 $0xF0, v5;
	vm0 =	vmand vm0, vm1  }
0xd0: {  	v5 =	vor.u32 v3, v5;
	_ =	sdelay $0x4  }
0xd1: {  	[tilespmem:v5+s3+$0x0] =	vst.idx.add.s32.msk vm0, v4  }
0xd2: {  	_ =	swait.ge [sflag:s4], $0x100  }
0xd3: {  	[sflag:s4] =	ssyncset.done $0x0  }
0xd4: {  	[sflag:s4] =	ssyncadd.s32 $0xFFFFFF00  }
0xd5: {  	_ =	swait.ge [sflag:s4], $0x100  }
0xd6: {  	[sflag:s4] =	ssyncset.done $0x0  }
0xd7: {  	[sflag:s4] =	ssyncadd.s32 $0xFFFFFF00  }
0xd8: {  	_ =	swait.ge [sflag:s4], $0x100  }
0xd9: {  	[sflag:s4] =	ssyncset.done $0x0  }
0xda: {  	s1 =	simm.s32 $0x0;
	[sflag:s4] =	ssyncadd.s32 $0xFFFFFF00  }
0xdb: {  	s0 =	simm.s32 $0x40;
	v5 =	vld [tilespmem:s1+$0xEA00]  }
.LBB2_10:
0xdc: {  	p0 =	sne.s32 s0, $0x3C0;
	v6 =	vld [tilespmem:s1+$0xE900];
	_ =	sdelay $0x1  }
0xdd: {  	v7 =	vld [tilespmem:s1+$0xEB00];
	_ =	sdelay $0x2  }
0xde: {  	v9 =	vshll.u32 v5, $0x8;
	v8 =	vshll.u32 v6, $0x10  }
0xdf: {  	v8 =	vadd.s32 v8, v9  }
0xe0: {  	v5 =	vor.u32 v6, v5;
	v6 =	vadd.s32 v7, v8  }
0xe1: {  	v5 =	vor.u32 v7, v5;
	v7 =	vshrl.u32 v6, $0x17  }
0xe2: {  	vm0 =	vlt.u32 v5, $0x100;
	v5 =	vshrl.u32 v6, $0xF;
	vm1 =	veq.s32 v7, v0  }
0xe3: {  	v5 =	vand.u32 $0xF0, v5;
	vm0 =	vmand vm0, vm1  }
0xe4: {  	v5 =	vor.u32 v3, v5;
	_ =	sdelay $0x1  }
.Ltmp4:
0xe5: {  	(pc) =	sbr.rel @p0 .LBB2_10-.Ltmp4, $3  }
0xe6: {  	_ =	sdelay $0x1  }
0xe7: {  	s1 =	sshra.s32 s0, $0x2;
	[tilespmem:v5+s3+$0x0] =	vst.idx.add.s32.msk vm0, v4  }
0xe8: {  	s0 =	sadd.s32 $0x40, s0;
	v5 =	vld [tilespmem:s1+$0xEA00]  }
0xe9: {  	v6 =	vld [tilespmem:s1+$0xE900];
	_ =	sdelay $0x1  }
0xea: {  	v7 =	vld [tilespmem:s1+$0xEB00];
	_ =	sdelay $0x2  }
0xeb: {  	v9 =	vshll.u32 v5, $0x8;
	v8 =	vshll.u32 v6, $0x10  }
0xec: {  	v8 =	vadd.s32 v8, v9  }
0xed: {  	v5 =	vor.u32 v6, v5;
	v6 =	vadd.s32 v7, v8  }
0xee: {  	v5 =	vor.u32 v7, v5;
	v7 =	vshrl.u32 v6, $0x17  }
0xef: {  	vm0 =	vlt.u32 v5, $0x100;
	v5 =	vshrl.u32 v6, $0xF;
	vm1 =	veq.s32 v7, v0  }
0xf0: {  	v5 =	vand.u32 $0xF0, v5;
	vm0 =	vmand vm0, vm1  }
0xf1: {  	v5 =	vor.u32 v3, v5;
	_ =	sdelay $0x4  }
0xf2: {  	[tilespmem:v5+s3+$0x0] =	vst.idx.add.s32.msk vm0, v4  }
0xf3: {  	v22 =	vld [tilespmem:$0xFC00]  }
0xf4: {  	v23 =	vld [tilespmem:$0xFC10]  }
0xf5: {  	v18 =	vld [tilespmem:$0xFC20]  }
0xf6: {  	v14 =	vld [tilespmem:$0xFC30]  }
0xf7: {  	v13 =	vld [tilespmem:$0xFC40]  }
0xf8: {  	(xrf0) =	vadd.scan.msk.s32 $0xffff, v22  }
0xf9: {  	v8 =	vld [tilespmem:$0xFC50];
	(xrf0) =	vadd.scan.msk.s32 $0xffff, v23  }
0xfa: {  	v5 =	vld [tilespmem:$0xFC60];
	(xrf0) =	vadd.scan.msk.s32 $0xffff, v18  }
0xfb: {  	(xrf0) =	vadd.scan.msk.s32 $0xffff, v14  }
0xfc: {  	(xrf0) =	vadd.scan.msk.s32 $0xffff, v13;
	_ =	sdelay $0x1  }
0xfd: {  	(xrf0) =	vadd.scan.msk.s32 $0xffff, v8;
	v28, _, _ =	vpop (xrf0)  }
0xfe: {  	(xrf0) =	vadd.scan.msk.s32 $0xffff, v5;
	v29, _, _ =	vpop (xrf0);
	(v2sf) =	vpush v28, $0xF  }
0xff: {  	v63 =	vld [tilespmem:$0xFC70];
	v27, _, _ =	vpop (xrf0);
	(v2sf) =	vpush v29, $0xF  }
0x100: {  	v26, _, _ =	vpop (xrf0);
	(v2sf) =	vpush v27, $0xF  }
0x101: {  	(v2sf) =	vpush v26, $0xF;
	v25, _, _ =	vpop (xrf0)  }
0x102: {  	(v2sf) =	vpush v25, $0xF  }
0x103: {  	v11 =	vld [tilespmem:$0xFC80];
	v24, _, _ =	vpop (xrf0)  }
0x104: {  	v7 =	vld [tilespmem:$0xFC90];
	(v2sf) =	vpush v24, $0xF;
	v20, _, _ =	vpop (xrf0);
	(xrf0) =	vadd.scan.msk.s32 $0xffff, v63  }
0x105: {  	v6 =	vld [tilespmem:$0xFCA0]  }
0x106: {  	(v2sf) =	vpush v20, $0xF;
	_ =	sdelay $0x1  }
0x107: {  	(xrf0) =	vadd.scan.msk.s32 $0xffff, v11  }
0x108: {  	(xrf0) =	vadd.scan.msk.s32 $0xffff, v7  }
0x109: {  	v21, _, _ =	vpop (xrf0);
	(xrf0) =	vadd.scan.msk.s32 $0xffff, v6;
	_ =	sdelay $0x1  }
0x10a: {  	(v2sf) =	vpush v21, $0xF  }
0x10b: {  	s0 =	spop (v2sf)  }
0x10c: {  	[smem:$0x0] =	sst s13;
	v19, _, _ =	vpop (xrf0);
	s1 =	spop (v2sf);
	s0 =	sadd.s32 $0x7F, s0  }
0x10d: {  	v10 =	vld [tilespmem:$0xFCB0];
	v16, _, _ =	vpop (xrf0);
	(v2sf) =	vpush v19, $0xF;
	s2 =	spop (v2sf);
	[smem:$0x7F4] =	sst s0;
	s16 =	sshrl.u32 s0, $0x7  }
0x10e: {  	(v2sf) =	vpush v16, $0xF;
	v17, _, _ =	vpop (xrf0);
	s1 =	sadd.s32 $0x7F, s1;
	s15 =	spop (v2sf);
	s19 =	ssub.s32 $0x98, s16  }
0x10f: {  	(v2sf) =	vpush v17, $0xF;
	s20 =	smin.u32 s16, $0x98;
	s1 =	sshrl.u32 s1, $0x7;
	s17 =	spop (v2sf)  }
0x110: {  	v12 =	vld [tilespmem:$0xFCC0];
	p0 =	sgt.s32 s19, $0x0;
	[smem:$0x80] =	sst s20;
	s0 =	sadd.s32 s16, s1  }
0x111: {  	s18 =	spop (v2sf);
	s19 =	simm.s32 @!p0 $0x0;
	[smem:$0x1] =	sst s20  }
0x112: {  	(xrf0) =	vadd.scan.msk.s32 $0xffff, v10;
	[smem:$0x7F5] =	sst s0;
	s16 =	smin.u32 s0, $0x98;
	s20 =	sadd.s32 $0x7F, s15  }
0x113: {  	v15 =	vld [tilespmem:$0xFCD0];
	s17 =	sadd.s32 $0x7F, s17;
	s21 =	spop (v2sf);
	s19 =	smin.u32 s1, s19  }
0x114: {  	[smem:$0x81] =	sst s19;
	s19 =	sadd.s32 $0x7F, s2;
	s2 =	ssub.s32 $0x98, s0  }
0x115: {  	(xrf0) =	vadd.scan.msk.s32 $0xffff, v12;
	s15 =	sshrl.u32 s20, $0x7;
	s1 =	sshrl.u32 s19, $0x7;
	p0 =	sgt.s32 s2, $0x0  }
0x116: {  	[smem:$0x2] =	sst s16;
	s2 =	simm.s32 @!p0 $0x0;
	s16 =	sadd.s32 s0, s1  }
0x117: {  	s1 =	smin.u32 s1, s2;
	[smem:$0x7F6] =	sst s16;
	s2 =	ssub.s32 $0x98, s16  }
0x118: {  	v30, _, _ =	vpop (xrf0);
	(xrf0) =	vadd.scan.msk.s32 $0xffff, v15;
	s0 =	smin.u32 s16, $0x98;
	s16 =	sadd.s32 s16, s15;
	[smem:$0x82] =	sst s1  }
0x119: {  	p0 =	sgt.s32 s2, $0x0;
	[smem:$0x7F8] =	sst s16;
	s19 =	spop (v2sf)  }
0x11a: {  	(v2sf) =	vpush v30, $0xF;
	s2 =	simm.s32 @!p0 $0x0;
	[smem:$0x3] =	sst s0;
	s0 =	ssub.s32 $0x98, s16  }
0x11b: {  	v31, _, _ =	vpop (xrf0);
	s2 =	smin.u32 s15, s2;
	s15 =	smin.u32 s16, $0x98;
	p0 =	sgt.s32 s0, $0x0  }
0x11c: {  	[smem:$0x83] =	sst s2;
	s2 =	sshrl.u32 s17, $0x7;
	s20 =	spop (v2sf);
	(v2sf) =	vpush v31, $0xF  }
0x11d: {  	[smem:$0x4] =	sst s15;
	s15 =	sadd.s32 s16, s2;
	s1 =	spop (v2sf)  }
0x11e: {  	v33, _, _ =	vpop (xrf0);
	s0 =	simm.s32 @!p0 $0x0;
	[smem:$0x7F9] =	sst s15;
	s17 =	spop (v2sf)  }
0x11f: {  	v32 =	vld [tilespmem:$0xFCE0];
	s0 =	smin.u32 s2, s0;
	(v2sf) =	vpush v33, $0xF;
	[smem:$0x7F3] =	sst s17  }
0x120: {  	s17 =	sadd.s32 $0x7F, s18;
	s18 =	smov.u32 s15;
	s15 =	ssub.s32 $0x98, s15  }
0x121: {  	[smem:$0x84] =	sst s0;
	s0 =	sshrl.u32 s17, $0x7;
	p0 =	sgt.s32 s15, $0x0  }
0x122: {  	s17 =	smin.u32 s18, $0x98;
	s15 =	simm.s32 @!p0 $0x0;
	s18 =	sadd.s32 s18, s0  }
0x123: {  	[smem:$0x5] =	sst s17;
	s0 =	smin.u32 s0, s15;
	s2 =	ssub.s32 $0x98, s18  }
0x124: {  	(xrf0) =	vadd.scan.msk.s32 $0xffff, v32;
	s15 =	sadd.s32 $0x7F, s21;
	s16 =	smin.u32 s18, $0x98;
	p0 =	sgt.s32 s2, $0x0  }
0x125: {  	[smem:$0x85] =	sst s0;
	s0 =	sshrl.u32 s15, $0x7;
	s2 =	simm.s32 @!p0 $0x0  }
0x126: {  	[smem:$0x6] =	sst s16;
	s21 =	sadd.s32 s18, s0;
	s2 =	smin.u32 s0, s2  }
0x127: {  	s19 =	sadd.s32 $0x7F, s19;
	[smem:$0x86] =	sst s2;
	s2 =	ssub.s32 $0x98, s21  }
0x128: {  	s19 =	sshrl.u32 s19, $0x7;
	[smem:$0x7FA] =	sst s18;
	p0 =	sgt.s32 s2, $0x0  }
0x129: {  	s15 =	spop (v2sf);
	s0 =	smin.u32 s21, $0x98;
	s2 =	simm.s32 @!p0 $0x0  }
0x12a: {  	v34, _, _ =	vpop (xrf0);
	[smem:$0x7] =	sst s0;
	s17 =	smin.u32 s19, s2;
	s19 =	sadd.s32 s21, s19  }
0x12b: {  	s2 =	sadd.s32 $0x7F, s20;
	s18 =	spop (v2sf);
	(v2sf) =	vpush v34, $0xF;
	[smem:$0x87] =	sst s17  }
0x12c: {  	s20 =	ssub.s32 $0x98, s19;
	s16 =	smin.u32 s19, $0x98;
	[smem:$0x7F7] =	sst s18  }
0x12d: {  	s0 =	sshrl.u32 s2, $0x7;
	p0 =	sgt.s32 s20, $0x0;
	[smem:$0x8] =	sst s16  }
0x12e: {  	s18 =	sadd.s32 s19, s0;
	s17 =	spop (v2sf);
	s20 =	simm.s32 @!p0 $0x0  }
0x12f: {  	s16 =	sadd.s32 $0x7F, s1;
	s0 =	smin.u32 s0, s20;
	s20 =	ssub.s32 $0x98, s18  }
0x130: {  	[smem:$0x7FB] =	sst s17;
	s17 =	smin.u32 s18, $0x98;
	p0 =	sgt.s32 s20, $0x0  }
0x131: {  	[smem:$0x88] =	sst s0;
	s0 =	sshrl.u32 s16, $0x7;
	s20 =	simm.s32 @!p0 $0x0  }
0x132: {  	[smem:$0x9] =	sst s17;
	s20 =	smin.u32 s0, s20  }
0x133: {  	[smem:$0x89] =	sst s20  }
0x134: {  	s20 =	sld [smem:$0x7F3]  }
0x135: {  	s16 =	sadd.s32 s18, s0;
	s17 =	sld [smem:$0x7F4]  }
0x136: {  	s0 =	ssub.s32 $0x98, s16;
	s2 =	smin.u32 s16, $0x98  }
0x137: {  	p0 =	sgt.s32 s0, $0x0;
	[smem:$0xA] =	sst s2;
	s1 =	sadd.s32 $0x7F, s20  }
0x138: {  	v35 =	vld [tilespmem:$0xFCF0];
	v23 =	vsub.s32 v29, v23;
	s0 =	simm.s32 @!p0 $0x0;
	s17 =	sand.u32 $0xFFFFFF80, s17;
	s1 =	sshrl.u32 s1, $0x7  }
0x139: {  	s2 =	sadd.s32 $0x7F, s15;
	v23 =	vadd.s32 s17, v23;
	s17 =	sld [smem:$0x7F6];
	s0 =	smin.u32 s1, s0  }
0x13a: {  	[smem:$0x8A] =	sst s0;
	s0 =	sshrl.u32 s2, $0x7;
	s2 =	spop (v2sf)  }
0x13b: {  	[smem:$0x7FC] =	sst s2  }
0x13c: {  	s2 =	sld [smem:$0x7F5]  }
0x13d: {  	(xrf0) =	vadd.scan.msk.s32 $0xffff, v35  }
0x13e: {  	v14 =	vsub.s32 v26, v14;
	s20 =	sadd.s32 s16, s1;
	s17 =	sshll.u32 s17, $0x7  }
0x13f: {  	v18 =	vsub.s32 v27, v18;
	s1 =	ssub.s32 $0x98, s20;
	v14 =	vadd.s32 s17, v14;
	s17 =	sld [smem:$0x7F9];
	s2 =	sshll.u32 s2, $0x7  }
0x140: {  	s15 =	smin.u32 s20, $0x98;
	p0 =	sgt.s32 s1, $0x0;
	v18 =	vadd.s32 s2, v18;
	s2 =	sld [smem:$0x7F8]  }
0x141: {  	[smem:$0xB] =	sst s15;
	s1 =	simm.s32 @!p0 $0x0  }
0x142: {  	s15 =	sadd.s32 s20, s0;
	s1 =	smin.u32 s0, s1;
	s0 =	sld [smem:$0x7F7]  }
0x143: {  	v22 =	vsub.s32 v28, v22;
	v13 =	vsub.s32 v25, v13;
	v36, _, _ =	vpop (xrf0);
	s20 =	sshll.u32 s20, $0x7;
	[smem:$0x8B] =	sst s1;
	s2 =	sshll.u32 s2, $0x7  }
0x144: {  	v8 =	vsub.s32 v24, v8;
	(v2sf) =	vpush v36, $0xF;
	s17 =	sshll.u32 s17, $0x7;
	s1 =	smin.u32 s15, $0x98;
	v13 =	vadd.s32 s2, v13;
	s2 =	sld [smem:$0x7FA]  }
0x145: {  	[tilespmem:$0xFD00] =	vst v22;
	v8 =	vadd.s32 s17, v8;
	s17 =	sshll.u32 s21, $0x7;
	[smem:$0xC] =	sst s1;
	s1 =	ssub.s32 $0x98, s15  }
0x146: {  	[tilespmem:$0xFD10] =	vst v23;
	s21 =	sld [smem:$0x7FB];
	s0 =	sadd.s32 $0x7F, s0;
	p0 =	sgt.s32 s1, $0x0  }
0x147: {  	v5 =	vsub.s32 v20, v5;
	[tilespmem:$0xFD50] =	vst v8;
	v8 =	vsub.s32 v21, v63;
	s0 =	sshrl.u32 s0, $0x7;
	s1 =	simm.s32 @!p0 $0x0;
	s2 =	sshll.u32 s2, $0x7  }
0x148: {  	[tilespmem:$0xFD30] =	vst v14;
	v8 =	vadd.s32 s17, v8;
	s17 =	sshll.u32 s18, $0x7;
	s1 =	smin.u32 s0, s1;
	s0 =	sadd.s32 s15, s0;
	v5 =	vadd.s32 s2, v5  }
0x149: {  	[smem:$0x8C] =	sst s1;
	s1 =	smin.u32 s0, $0x98;
	s2 =	sshll.u32 s19, $0x7;
	[tilespmem:$0xFD60] =	vst v5;
	v5 =	vsub.s32 v19, v11  }
0x14a: {  	[tilespmem:$0xFD70] =	vst v8;
	[smem:$0xD] =	sst s1;
	s1 =	ssub.s32 $0x98, s0;
	s19 =	sadd.s32 $0x7F, s21;
	v5 =	vadd.s32 s2, v5  }
0x14b: {  	v7 =	vsub.s32 v16, v7;
	p0 =	sgt.s32 s1, $0x0;
	s21 =	sshrl.u32 s19, $0x7;
	s19 =	sshll.u32 s16, $0x7;
	[tilespmem:$0xFD80] =	vst v5;
	v5 =	vsub.s32 v17, v6  }
0x14c: {  	s18 =	sshll.u32 s15, $0x7;
	v7 =	vadd.s32 s17, v7;
	[tilespmem:$0xFD20] =	vst v18;
	s1 =	simm.s32 @!p0 $0x0;
	v5 =	vadd.s32 s19, v5;
	s19 =	sld [smem:$0x7FC]  }
0x14d: {  	s17 =	simm.s32 $0x60;
	[tilespmem:$0xFD90] =	vst v7;
	s1 =	smin.u32 s21, s1;
	s16 =	sadd.s32 s0, s21  }
0x14e: {  	[tilespmem:$0xFD40] =	vst v13;
	s0 =	sshll.u32 s0, $0x7;
	[smem:$0x8D] =	sst s1;
	v6 =	vsub.s32 v30, v10;
	s1 =	ssub.s32 $0x98, s16  }
0x14f: {  	s21 =	smin.u32 s16, $0x98;
	v6 =	vadd.s32 s20, v6;
	p0 =	sgt.s32 s1, $0x0;
	[tilespmem:$0xFDA0] =	vst v5;
	v5 =	vsub.s32 v31, v12;
	s15 =	sadd.s32 $0x7F, s19  }
0x150: {  	[smem:$0xE] =	sst s21;
	[tilespmem:$0xFDB0] =	vst v6;
	v6 =	vsub.s32 v33, v15;
	s1 =	simm.s32 @!p0 $0x0;
	v5 =	vadd.s32 s18, v5;
	s15 =	sshrl.u32 s15, $0x7  }
0x151: {  	s20 =	sshll.u32 s16, $0x7;
	[tilespmem:$0xFDC0] =	vst v5;
	v5 =	vadd.s32 s0, v6;
	v6 =	vsub.s32 v34, v32;
	s21 =	smin.u32 s15, s1;
	s1 =	sadd.s32 s16, s15  }
0x152: {  	v7 =	vor.u32 s17, v3;
	s19 =	simm.s32 $0x0;
	[tilespmem:$0xFDD0] =	vst v5;
	v5 =	vadd.s32 s20, v6;
	v6 =	vsub.s32 v36, v35;
	s16 =	sshll.u32 s1, $0x7  }
0x153: {  	s17 =	simm.s32 $0x30;
	v7 =	vand.u32 $0x1EF, v7;
	s18 =	spop (v2sf);
	s20 =	simm.s32 $0x10;
	[tilespmem:$0xFDE0] =	vst v5;
	v5 =	vadd.s32 s16, v6;
	v6 =	vor.u32 s19, v3  }
0x154: {  	v7 =	vor.u32 $0x80000, v7;
	s0 =	simm.s32 $0x40;
	[smem:$0x8E] =	sst s21;
	s21 =	simm.s32 $0x20;
	[tilespmem:$0xFDF0] =	vst v5;
	v5 =	vand.u32 $0x18F, v6;
	v6 =	vor.u32 s20, v3  }
0x155: {  	s2 =	sadd.s32 $0x7F, s18;
	s18 =	simm.s32 $0x40;
	s16 =	ssub.s32 $0x98, s1;
	v8 =	vor.u32 s21, v3;
	v5 =	vor.u32 $0x80000, v5;
	v6 =	vand.u32 $0x19F, v6;
	[tilespmem:s0+$0x20] =	vst v7  }
0x156: {  	s2 =	sshrl.u32 s2, $0x7;
	s15 =	simm.s32 $0xE0;
	p0 =	sgt.s32 s16, $0x0;
	v7 =	vor.u32 s17, v3;
	[tilespmem:s0+$0xFFFFFFC0] =	vst v5;
	v5 =	vor.u32 $0x80000, v6;
	v6 =	vand.u32 $0x1AF, v8  }
0x157: {  	s1 =	smin.u32 s1, $0x98;
	s20 =	simm.s32 $0x50;
	s16 =	simm.s32 @!p0 $0x0;
	[tilespmem:s0+$0xFFFFFFD0] =	vst v5;
	v5 =	vor.u32 $0x80000, v6;
	v6 =	vand.u32 $0x1BF, v7;
	v7 =	vor.u32 s18, v3  }
0x158: {  	s21 =	simm.s32 $0x70;
	[smem:$0xF] =	sst s1;
	s19 =	smin.u32 s2, s16;
	[tilespmem:s0+$0xFFFFFFE0] =	vst v5;
	v5 =	vor.u32 $0x80000, v6;
	v6 =	vand.u32 $0x1CF, v7;
	v7 =	vor.u32 s20, v3  }
0x159: {  	s1 =	simm.s32 $0xF0;
	s2 =	simm.s32 $0x170;
	[smem:$0x8F] =	sst s19;
	[tilespmem:s0+$0xFFFFFFF0] =	vst v5;
	v5 =	vor.u32 $0x80000, v6;
	v6 =	vand.u32 $0x1DF, v7;
	v7 =	vor.u32 s21, v3  }
.LBB2_12:
0x15a: {  	p0 =	sne.s32 s2, $0x4BF0;
	s16 =	sadd.s32 $0xFFFFFF90, s1;
	v8 =	vor.u32 s15, v3;
	[tilespmem:s0+$0x0] =	vst v5;
	v5 =	vor.u32 $0x80000, v6;
	v6 =	vand.u32 $0x1FF, v7  }
0x15b: {  	s15 =	sadd.s32 $0xFFFFFFA0, s1;
	v7 =	vor.u32 s16, v3;
	v8 =	vand.u32 $0x1EF, v8;
	[tilespmem:s0+$0x10] =	vst v5;
	v5 =	vor.u32 $0x80000, v6  }
0x15c: {  	v6 =	vand.u32 $0x18F, v7;
	v7 =	vor.u32 s15, v3;
	s15 =	sadd.s32 $0xFFFFFFB0, s1;
	v8 =	vor.u32 $0x80000, v8;
	[tilespmem:s0+$0x30] =	vst v5;
	s0 =	sadd.s32 $0x80, s0  }
.Ltmp5:
0x15d: {  	v5 =	vor.u32 $0x80000, v6;
	v6 =	vand.u32 $0x19F, v7;
	v7 =	vor.u32 s15, v3;
	s15 =	sadd.s32 $0xFFFFFFC0, s1;
	[tilespmem:s0+$0x20] =	vst v8;
	(pc) =	sbr.rel @p0 .LBB2_12-.Ltmp5, $4  }
0x15e: {  	[tilespmem:s0+$0xFFFFFFC0] =	vst v5;
	v5 =	vor.u32 $0x80000, v6;
	v6 =	vand.u32 $0x1AF, v7;
	v7 =	vor.u32 s15, v3;
	s15 =	sadd.s32 $0xFFFFFFD0, s1  }
0x15f: {  	[tilespmem:s0+$0xFFFFFFD0] =	vst v5;
	v5 =	vor.u32 $0x80000, v6;
	v6 =	vand.u32 $0x1BF, v7;
	v7 =	vor.u32 s15, v3;
	s15 =	sadd.s32 $0xFFFFFFE0, s1  }
0x160: {  	[tilespmem:s0+$0xFFFFFFE0] =	vst v5;
	v5 =	vor.u32 $0x80000, v6;
	v6 =	vand.u32 $0x1CF, v7;
	v7 =	vor.u32 s15, v3  }
0x161: {  	s15 =	sadd.s32 $0xFFFFFFF0, s2;
	[tilespmem:s0+$0xFFFFFFF0] =	vst v5;
	v5 =	vor.u32 $0x80000, v6;
	v6 =	vand.u32 $0x1DF, v7;
	v7 =	vor.u32 s1, v3;
	s1 =	smov.u32 s2;
	s2 =	sadd.s32 $0x80, s2  }
0x162: {  	s2 =	sadd.s32 $0xFFFFFF90, s1;
	v8 =	vor.u32 s15, v3;
	[tilespmem:s0+$0x0] =	vst v5;
	v5 =	vor.u32 $0x80000, v6;
	v6 =	vand.u32 $0x1FF, v7  }
0x163: {  	s16 =	sadd.s32 $0xFFFFFFA0, s1;
	v7 =	vor.u32 s2, v3;
	v8 =	vand.u32 $0x1EF, v8;
	[tilespmem:s0+$0x10] =	vst v5;
	v5 =	vor.u32 $0x80000, v6  }
0x164: {  	s17 =	sadd.s32 $0xFFFFFFB0, s1;
	s18 =	sadd.s32 $0x80, s0;
	v6 =	vand.u32 $0x18F, v7;
	v7 =	vor.u32 s16, v3;
	v8 =	vor.u32 $0x80000, v8;
	[tilespmem:s0+$0x30] =	vst v5  }
0x165: {  	s19 =	sadd.s32 $0xFFFFFFC0, s1;
	v5 =	vor.u32 $0x80000, v6;
	v6 =	vand.u32 $0x19F, v7;
	v7 =	vor.u32 s17, v3;
	[tilespmem:s18+$0x20] =	vst v8  }
0x166: {  	s20 =	sadd.s32 $0xFFFFFFD0, s1;
	[tilespmem:s18+$0xFFFFFFC0] =	vst v5;
	v5 =	vor.u32 $0x80000, v6;
	v6 =	vand.u32 $0x1AF, v7;
	v7 =	vor.u32 s19, v3  }
0x167: {  	s21 =	sadd.s32 $0xFFFFFFE0, s1;
	[tilespmem:s18+$0xFFFFFFD0] =	vst v5;
	v5 =	vor.u32 $0x80000, v6;
	v6 =	vand.u32 $0x1BF, v7;
	v7 =	vor.u32 s20, v3  }
0x168: {  	[tilespmem:s18+$0xFFFFFFE0] =	vst v5;
	v5 =	vor.u32 $0x80000, v6;
	v6 =	vand.u32 $0x1CF, v7;
	v7 =	vor.u32 s21, v3  }
0x169: {  	[tilespmem:s18+$0xFFFFFFF0] =	vst v5;
	v5 =	vor.u32 $0x80000, v6;
	v6 =	vand.u32 $0x1DF, v7;
	v7 =	vor.u32 s1, v3  }
0x16a: {  	[tilespmem:s18+$0x0] =	vst v5;
	v5 =	vor.u32 $0x80000, v6;
	v6 =	vand.u32 $0x1FF, v7  }
0x16b: {  	s2 =	rddreg [dreg:$0xc];
	[tilespmem:s18+$0x10] =	vst v5;
	v5 =	vor.u32 $0x80000, v6  }
0x16c: {  	s15 =	simm.s32 $0xE400;
	s0 =	simm.s32 $0x0;
	s16 =	rddreg [dreg:$0xd];
	[tilespmem:s18+$0x30] =	vst v5  }
0x16d: {  	[tilespmem:s15], [sflag:$0x1] =	stream.linear.gather [hbm4b:s2+s0], $0x100, $0x38;
	[tilespmem:$0x1FE40] =	vst v63  }
0x16e: {  	s17 =	rddreg [dreg:$0xe];
	s20 =	simm.s32 $0xE500  }
0x16f: {  	[tilespmem:s20], [sflag:$0x1] =	stream.linear.gather [hbm4b:s16+s0], $0x100, $0x38;
	[tilespmem:$0x1FE40] =	vst v63  }
0x170: {  	s21 =	simm.s32 $0xE600;
	s18 =	rddreg [dreg:$0x11]  }
0x171: {  	[tilespmem:s21], [sflag:$0x1] =	stream.linear.gather [hbm4b:s17+s0], $0x100, $0x38;
	[tilespmem:$0x1FE40] =	vst v63  }
0x172: {  	s19 =	simm.s32 $0xE700;
	s2 =	rddreg [dreg:$0x12]  }
0x173: {  	[tilespmem:s19], [sflag:$0x1] =	stream.linear.gather [hbm4b:s18+s0], $0x100, $0x38;
	[tilespmem:$0x1FE40] =	vst v63  }
0x174: {  	s15 =	simm.s32 $0xE800;
	s16 =	rddreg [dreg:$0xf]  }
0x175: {  	[tilespmem:s15], [sflag:$0x1] =	stream.linear.gather [hbm4b:s2+s0], $0x100, $0x38;
	[tilespmem:$0x1FE40] =	vst v63  }
0x176: {  	s17 =	simm.s32 $0xE900;
	s18 =	rddreg [dreg:$0x10]  }
0x177: {  	[tilespmem:s17], [sflag:$0x2] =	stream.linear.gather [hbm4b:s16+s0], $0x100, $0x38;
	[tilespmem:$0x1FE40] =	vst v63  }
0x178: {  	s19 =	simm.s32 $0xEA00;
	s2 =	rddreg [dreg:$0x13]  }
0x179: {  	[tilespmem:s19], [sflag:$0x2] =	stream.linear.gather [hbm4b:s18+s0], $0x100, $0x38;
	[tilespmem:$0x1FE40] =	vst v63  }
0x17a: {  	s15 =	simm.s32 $0xEB00;
	s16 =	rddreg [dreg:$0x14]  }
0x17b: {  	[tilespmem:s15], [sflag:$0x2] =	stream.linear.gather [hbm4b:s2+s0], $0x100, $0x38;
	[tilespmem:$0x1FE40] =	vst v63  }
0x17c: {  	s17 =	simm.s32 $0xEC00;
	s18 =	rddreg [dreg:$0x15]  }
0x17d: {  	[tilespmem:s17], [sflag:$0x2] =	stream.linear.gather [hbm4b:s16+s0], $0x100, $0x38;
	[tilespmem:$0x1FE40] =	vst v63  }
0x17e: {  	s19 =	simm.s32 $0xED00;
	s17 =	rddreg [dreg:$0x1]  }
0x17f: {  	[tilespmem:s19], [sflag:$0x2] =	stream.linear.gather [hbm4b:s18+s0], $0x100, $0x38;
	[tilespmem:$0x1FE40] =	vst v63  }
0x180: {  	s18 =	rddreg [dreg:$0x2]  }
.LBB2_14:
0x181: {  	_ =	swait.ge [sflag:s22], $0x100  }
0x182: {  	[sflag:s22] =	ssyncset.done $0x0  }
0x183: {  	[sflag:s22] =	ssyncadd.s32 $0xFFFFFF00  }
0x184: {  	_ =	swait.ge [sflag:s22], $0x100  }
0x185: {  	[sflag:s22] =	ssyncset.done $0x0  }
0x186: {  	[sflag:s22] =	ssyncadd.s32 $0xFFFFFF00  }
0x187: {  	_ =	swait.ge [sflag:s22], $0x100  }
0x188: {  	[sflag:s22] =	ssyncset.done $0x0  }
0x189: {  	[sflag:s22] =	ssyncadd.s32 $0xFFFFFF00  }
0x18a: {  	_ =	swait.ge [sflag:s22], $0x100  }
0x18b: {  	[sflag:s22] =	ssyncset.done $0x0  }
0x18c: {  	[sflag:s22] =	ssyncadd.s32 $0xFFFFFF00  }
0x18d: {  	_ =	swait.ge [sflag:s22], $0x100  }
0x18e: {  	[sflag:s22] =	ssyncset.done $0x0  }
0x18f: {  	s1 =	simm.s32 $0x0;
	[sflag:s22] =	ssyncadd.s32 $0xFFFFFF00  }
.LBB2_15:
0x190: {  	s2 =	sshra.s32 s1, $0x2  }
0x191: {  	v5 =	vld [tilespmem:s2+$0xE400]  }
0x192: {  	v6 =	vld [tilespmem:s2+$0xE500];
	_ =	sdelay $0x1  }
0x193: {  	v7 =	vld [tilespmem:s2+$0xE600];
	_ =	sdelay $0x2  }
0x194: {  	v8 =	vshll.u32 v5, $0x10;
	v9 =	vshll.u32 v6, $0x8  }
0x195: {  	v8 =	vadd.s32 v8, v9  }
0x196: {  	v5 =	vor.u32 v5, v6;
	v6 =	vadd.s32 v7, v8  }
0x197: {  	v5 =	vor.u32 v7, v5;
	v7 =	vshrl.u32 v6, $0x17  }
0x198: {  	vm0 =	vlt.u32 v5, $0x100;
	v5 =	vshrl.u32 v6, $0xF;
	vm1 =	veq.s32 v7, v0  }
0x199: {  	v5 =	vand.u32 $0xF0, v5;
	vm0 =	vmand vm0, vm1  }
0x19a: {  	v5 =	vor.u32 v3, v5;
	_ =	sdelay $0x4  }
0x19b: {  	v7 =	vld.idx.msk [tilespmem:v5+s25+$0x0], vm0;
	_ =	sdelay $0x4  }
0x19c: {  	vm15 =	vlt.s32 v7, $0x4C00  }
0x19d: {  	v62 =	vld [tilespmem:s2+$0xE700];
	vm0 =	vmand vm15, vm0  }
0x19e: {  	v63 =	vld [tilespmem:s2+$0xE800];
	_ =	sdelay $0x2  }
0x19f: {  	p0 =	sne.s32 s1, $0x3C0  }
.Ltmp6:
0x1a0: {  	v6 =	vand.u32 $0x7FFFF, v6;
	(pc) =	sbr.rel @p0 .LBB2_15-.Ltmp6, $4  }
0x1a1: {  	[tilespmem:v7+s13+$0x0] =	vst.idx.msk vm0, v6;
	v6 =	vmul.f32 v63, v62  }
0x1a2: {  	[tilespmem:v7+s26+$0x0] =	vst.idx.msk vm0, v63  }
0x1a3: {  	[tilespmem:v7+s28+$0x0] =	vst.idx.msk vm0, v6;
	v6 =	vadd.s32 $0x1, v7  }
0x1a4: {  	s1 =	sadd.s32 $0x40, s1;
	[tilespmem:v5+s25+$0x0] =	vst.idx.msk vm0, v6  }
0x1a5: {  	s1 =	sshll.u32 s0, $0x9;
	s2 =	rddreg [dreg:$0x1e]  }
0x1a6: {  	s2 =	sadd.s32 s1, s2  }
0x1a7: {  	s15 =	sshrl.u32 s2, $0x3  }
0x1a8: {  	s19 =	simm.s32 $0xE400;
	s2 =	simm.s32 $0x0;
	s16 =	sadd.s32 s5, s15  }
0x1a9: {  	[tilespmem:s19], [sflag:$0x1] =	stream.linear.gather [hbm4b:s16+s2], $0x100, $0x38;
	[tilespmem:$0x1FE40] =	vst v63  }
0x1aa: {  	s19 =	sadd.s32 s17, s15  }
0x1ab: {  	[tilespmem:s20], [sflag:$0x1] =	stream.linear.gather [hbm4b:s19+s2], $0x100, $0x38;
	[tilespmem:$0x1FE40] =	vst v63  }
0x1ac: {  	s19 =	sadd.s32 s18, s15  }
0x1ad: {  	[tilespmem:s21], [sflag:$0x1] =	stream.linear.gather [hbm4b:s19+s2], $0x100, $0x38;
	[tilespmem:$0x1FE40] =	vst v63  }
0x1ae: {  	s19 =	rddreg [dreg:$0x3]  }
0x1af: {  	s16 =	sadd.s32 s19, s15;
	s19 =	simm.s32 $0xE700  }
0x1b0: {  	[tilespmem:s19], [sflag:$0x1] =	stream.linear.gather [hbm4b:s16+s2], $0x100, $0x38;
	[tilespmem:$0x1FE40] =	vst v63  }
0x1b1: {  	s19 =	rddreg [dreg:$0x4]  }
0x1b2: {  	s15 =	sadd.s32 s19, s15;
	s19 =	simm.s32 $0xE800  }
0x1b3: {  	[tilespmem:s19], [sflag:$0x1] =	stream.linear.gather [hbm4b:s15+s2], $0x100, $0x38;
	[tilespmem:$0x1FE40] =	vst v63  }
0x1b4: {  	_ =	swait.ge [sflag:s4], $0x100  }
0x1b5: {  	[sflag:s4] =	ssyncset.done $0x0  }
0x1b6: {  	[sflag:s4] =	ssyncadd.s32 $0xFFFFFF00  }
0x1b7: {  	_ =	swait.ge [sflag:s4], $0x100  }
0x1b8: {  	[sflag:s4] =	ssyncset.done $0x0  }
0x1b9: {  	[sflag:s4] =	ssyncadd.s32 $0xFFFFFF00  }
0x1ba: {  	_ =	swait.ge [sflag:s4], $0x100  }
0x1bb: {  	[sflag:s4] =	ssyncset.done $0x0  }
0x1bc: {  	[sflag:s4] =	ssyncadd.s32 $0xFFFFFF00  }
0x1bd: {  	_ =	swait.ge [sflag:s4], $0x100  }
0x1be: {  	[sflag:s4] =	ssyncset.done $0x0  }
0x1bf: {  	[sflag:s4] =	ssyncadd.s32 $0xFFFFFF00  }
0x1c0: {  	_ =	swait.ge [sflag:s4], $0x100  }
0x1c1: {  	[sflag:s4] =	ssyncset.done $0x0  }
0x1c2: {  	[sflag:s4] =	ssyncadd.s32 $0xFFFFFF00  }
.LBB2_17:
0x1c3: {  	s15 =	sshra.s32 s2, $0x2  }
0x1c4: {  	v5 =	vld [tilespmem:s15+$0xE900]  }
0x1c5: {  	v6 =	vld [tilespmem:s15+$0xEA00];
	_ =	sdelay $0x1  }
0x1c6: {  	v7 =	vld [tilespmem:s15+$0xEB00];
	_ =	sdelay $0x2  }
0x1c7: {  	v8 =	vshll.u32 v5, $0x10;
	v9 =	vshll.u32 v6, $0x8  }
0x1c8: {  	v8 =	vadd.s32 v8, v9  }
0x1c9: {  	v5 =	vor.u32 v5, v6;
	v6 =	vadd.s32 v7, v8  }
0x1ca: {  	v5 =	vor.u32 v7, v5;
	v7 =	vshrl.u32 v6, $0x17  }
0x1cb: {  	vm0 =	vlt.u32 v5, $0x100;
	v5 =	vshrl.u32 v6, $0xF;
	vm1 =	veq.s32 v7, v0  }
0x1cc: {  	v5 =	vand.u32 $0xF0, v5;
	vm0 =	vmand vm0, vm1  }
0x1cd: {  	v5 =	vor.u32 v3, v5;
	_ =	sdelay $0x4  }
0x1ce: {  	v7 =	vld.idx.msk [tilespmem:v5+s25+$0x0], vm0;
	_ =	sdelay $0x4  }
0x1cf: {  	vm15 =	vlt.s32 v7, $0x4C00  }
0x1d0: {  	v62 =	vld [tilespmem:s15+$0xEC00];
	vm0 =	vmand vm15, vm0  }
0x1d1: {  	v63 =	vld [tilespmem:s15+$0xED00];
	_ =	sdelay $0x2  }
0x1d2: {  	p0 =	sne.s32 s2, $0x3C0  }
.Ltmp7:
0x1d3: {  	v6 =	vand.u32 $0x7FFFF, v6;
	(pc) =	sbr.rel @p0 .LBB2_17-.Ltmp7, $4  }
0x1d4: {  	[tilespmem:v7+s13+$0x0] =	vst.idx.msk vm0, v6;
	v6 =	vmul.f32 v63, v62  }
0x1d5: {  	[tilespmem:v7+s26+$0x0] =	vst.idx.msk vm0, v63  }
0x1d6: {  	[tilespmem:v7+s28+$0x0] =	vst.idx.msk vm0, v6;
	v6 =	vadd.s32 $0x1, v7  }
0x1d7: {  	s2 =	sadd.s32 $0x40, s2;
	[tilespmem:v5+s25+$0x0] =	vst.idx.msk vm0, v6  }
0x1d8: {  	s2 =	rddreg [dreg:$0x1f]  }
0x1d9: {  	s1 =	sadd.s32 s1, s2  }
0x1da: {  	s1 =	sshrl.u32 s1, $0x3  }
0x1db: {  	s15 =	simm.s32 $0xE900;
	s19 =	sadd.s32 s5, s1  }
0x1dc: {  	[tilespmem:s15], [sflag:$0x2] =	stream.linear.gather [hbm4b:s19+s13], $0x100, $0x38;
	[tilespmem:$0x1FE40] =	vst v63  }
0x1dd: {  	s0 =	sadd.s32 $0x1, s0;
	s16 =	sadd.s32 s17, s1;
	s19 =	simm.s32 $0xEA00  }
0x1de: {  	[tilespmem:s19], [sflag:$0x2] =	stream.linear.gather [hbm4b:s16+s13], $0x100, $0x38;
	[tilespmem:$0x1FE40] =	vst v63  }
0x1df: {  	p0 =	sne.s32 s0, $0x3F;
	s16 =	sadd.s32 s18, s1;
	s19 =	simm.s32 $0xEB00  }
0x1e0: {  	[tilespmem:s19], [sflag:$0x2] =	stream.linear.gather [hbm4b:s16+s13], $0x100, $0x38;
	[tilespmem:$0x1FE40] =	vst v63  }
.Ltmp8:
0x1e1: {  	s16 =	rddreg [dreg:$0x3];
	(pc) =	sbr.rel @p0 .LBB2_14-.Ltmp8, $4  }
0x1e2: {  	s19 =	simm.s32 $0xEC00;
	s2 =	sadd.s32 s16, s1;
	s16 =	rddreg [dreg:$0x4]  }
0x1e3: {  	[tilespmem:s19], [sflag:$0x2] =	stream.linear.gather [hbm4b:s2+s13], $0x100, $0x38;
	[tilespmem:$0x1FE40] =	vst v63  }
0x1e4: {  	s1 =	sadd.s32 s16, s1;
	s19 =	simm.s32 $0xED00  }
0x1e5: {  	[tilespmem:s19], [sflag:$0x2] =	stream.linear.gather [hbm4b:s1+s13], $0x100, $0x38;
	[tilespmem:$0x1FE40] =	vst v63  }
0x1e6: {  	_ =	swait.ge [sflag:s22], $0x100  }
0x1e7: {  	[sflag:s22] =	ssyncset.done $0x0  }
0x1e8: {  	[sflag:s22] =	ssyncadd.s32 $0xFFFFFF00  }
0x1e9: {  	_ =	swait.ge [sflag:s22], $0x100  }
0x1ea: {  	[sflag:s22] =	ssyncset.done $0x0  }
0x1eb: {  	[sflag:s22] =	ssyncadd.s32 $0xFFFFFF00  }
0x1ec: {  	_ =	swait.ge [sflag:s22], $0x100  }
0x1ed: {  	[sflag:s22] =	ssyncset.done $0x0  }
0x1ee: {  	[sflag:s22] =	ssyncadd.s32 $0xFFFFFF00  }
0x1ef: {  	_ =	swait.ge [sflag:s22], $0x100  }
0x1f0: {  	[sflag:s22] =	ssyncset.done $0x0  }
0x1f1: {  	[sflag:s22] =	ssyncadd.s32 $0xFFFFFF00  }
0x1f2: {  	_ =	swait.ge [sflag:s22], $0x100  }
0x1f3: {  	[sflag:s22] =	ssyncset.done $0x0  }
0x1f4: {  	s0 =	simm.s32 $0x0;
	[sflag:s22] =	ssyncadd.s32 $0xFFFFFF00  }
.LBB2_20:
0x1f5: {  	s1 =	sshra.s32 s0, $0x2  }
0x1f6: {  	v5 =	vld [tilespmem:s1+$0xE400]  }
0x1f7: {  	v6 =	vld [tilespmem:s1+$0xE500];
	_ =	sdelay $0x1  }
0x1f8: {  	v7 =	vld [tilespmem:s1+$0xE600];
	_ =	sdelay $0x2  }
0x1f9: {  	v8 =	vshll.u32 v5, $0x10;
	v9 =	vshll.u32 v6, $0x8  }
0x1fa: {  	v8 =	vadd.s32 v8, v9  }
0x1fb: {  	v5 =	vor.u32 v5, v6;
	v6 =	vadd.s32 v7, v8  }
0x1fc: {  	v5 =	vor.u32 v7, v5;
	v7 =	vshrl.u32 v6, $0x17  }
0x1fd: {  	vm0 =	vlt.u32 v5, $0x100;
	v5 =	vshrl.u32 v6, $0xF;
	vm1 =	veq.s32 v7, v0  }
0x1fe: {  	v5 =	vand.u32 $0xF0, v5;
	vm0 =	vmand vm0, vm1  }
0x1ff: {  	v5 =	vor.u32 v3, v5;
	_ =	sdelay $0x4  }
0x200: {  	v7 =	vld.idx.msk [tilespmem:v5+s25+$0x0], vm0;
	_ =	sdelay $0x4  }
0x201: {  	vm15 =	vlt.s32 v7, $0x4C00  }
0x202: {  	v62 =	vld [tilespmem:s1+$0xE700];
	vm0 =	vmand vm15, vm0  }
0x203: {  	v63 =	vld [tilespmem:s1+$0xE800];
	_ =	sdelay $0x2  }
0x204: {  	p0 =	sne.s32 s0, $0x3C0  }
.Ltmp9:
0x205: {  	v6 =	vand.u32 $0x7FFFF, v6;
	(pc) =	sbr.rel @p0 .LBB2_20-.Ltmp9, $4  }
0x206: {  	[tilespmem:v7+s13+$0x0] =	vst.idx.msk vm0, v6;
	v6 =	vmul.f32 v63, v62  }
0x207: {  	[tilespmem:v7+s26+$0x0] =	vst.idx.msk vm0, v63  }
0x208: {  	[tilespmem:v7+s28+$0x0] =	vst.idx.msk vm0, v6;
	v6 =	vadd.s32 $0x1, v7  }
0x209: {  	s0 =	sadd.s32 $0x40, s0;
	[tilespmem:v5+s25+$0x0] =	vst.idx.msk vm0, v6  }
0x20a: {  	_ =	swait.ge [sflag:s4], $0x100  }
0x20b: {  	[sflag:s4] =	ssyncset.done $0x0  }
0x20c: {  	[sflag:s4] =	ssyncadd.s32 $0xFFFFFF00  }
0x20d: {  	_ =	swait.ge [sflag:s4], $0x100  }
0x20e: {  	[sflag:s4] =	ssyncset.done $0x0  }
0x20f: {  	[sflag:s4] =	ssyncadd.s32 $0xFFFFFF00  }
0x210: {  	_ =	swait.ge [sflag:s4], $0x100  }
0x211: {  	[sflag:s4] =	ssyncset.done $0x0  }
0x212: {  	[sflag:s4] =	ssyncadd.s32 $0xFFFFFF00  }
0x213: {  	_ =	swait.ge [sflag:s4], $0x100  }
0x214: {  	[sflag:s4] =	ssyncset.done $0x0  }
0x215: {  	[sflag:s4] =	ssyncadd.s32 $0xFFFFFF00  }
0x216: {  	_ =	swait.ge [sflag:s4], $0x100  }
0x217: {  	[sflag:s4] =	ssyncset.done $0x0  }
0x218: {  	s0 =	simm.s32 $0x0;
	[sflag:s4] =	ssyncadd.s32 $0xFFFFFF00  }
.LBB2_22:
0x219: {  	s1 =	sshra.s32 s0, $0x2  }
0x21a: {  	v5 =	vld [tilespmem:s1+$0xE900]  }
0x21b: {  	v6 =	vld [tilespmem:s1+$0xEA00];
	_ =	sdelay $0x1  }
0x21c: {  	v7 =	vld [tilespmem:s1+$0xEB00];
	_ =	sdelay $0x2  }
0x21d: {  	v8 =	vshll.u32 v5, $0x10;
	v9 =	vshll.u32 v6, $0x8  }
0x21e: {  	v8 =	vadd.s32 v8, v9  }
0x21f: {  	v5 =	vor.u32 v5, v6;
	v6 =	vadd.s32 v7, v8  }
0x220: {  	v5 =	vor.u32 v7, v5;
	v7 =	vshrl.u32 v6, $0x17  }
0x221: {  	vm0 =	vlt.u32 v5, $0x100;
	v5 =	vshrl.u32 v6, $0xF;
	vm1 =	veq.s32 v7, v0  }
0x222: {  	v5 =	vand.u32 $0xF0, v5;
	vm0 =	vmand vm0, vm1  }
0x223: {  	v5 =	vor.u32 v3, v5;
	_ =	sdelay $0x4  }
0x224: {  	v7 =	vld.idx.msk [tilespmem:v5+s25+$0x0], vm0;
	_ =	sdelay $0x4  }
0x225: {  	vm15 =	vlt.s32 v7, $0x4C00  }
0x226: {  	v62 =	vld [tilespmem:s1+$0xEC00];
	vm0 =	vmand vm15, vm0  }
0x227: {  	v63 =	vld [tilespmem:s1+$0xED00];
	_ =	sdelay $0x2  }
0x228: {  	p0 =	seq.s32 s0, $0x3C0  }
.Ltmp10:
0x229: {  	v6 =	vand.u32 $0x7FFFF, v6;
	(pc) =	sbr.rel @!p0 .LBB2_22-.Ltmp10, $4  }
0x22a: {  	[tilespmem:v7+s13+$0x0] =	vst.idx.msk vm0, v6;
	v6 =	vmul.f32 v63, v62  }
0x22b: {  	[tilespmem:v7+s26+$0x0] =	vst.idx.msk vm0, v63  }
0x22c: {  	[tilespmem:v7+s28+$0x0] =	vst.idx.msk vm0, v6;
	v6 =	vadd.s32 $0x1, v7  }
0x22d: {  	s0 =	sadd.s32 $0x40, s0;
	[tilespmem:v5+s25+$0x0] =	vst.idx.msk vm0, v6  }
0x22e: {  	s16 =	simm.s32 $0x0  }
.LBB2_24:
0x22f: {  	[smem:$0x7F2] =	sst s16;
	s0 =	sadd.s32 $0x0, s23  }
0x230: {  	[spmem:s0] =	stream.linear.scatter [tilespmem:s29], [sflag:$0x5], $0x200, $0x38;
	[tilespmem:$0x1FE40] =	vst v63  }
0x231: {  	_ =	swait.ge [sflag:s30], $0x200  }
0x232: {  	[sflag:s30] =	ssyncset.done $0x0  }
0x233: {  	s21 =	sadd.s32 $0x0, s24;
	[sflag:s30] =	ssyncadd.s32 $0xFFFFFE00  }
0x234: {  	[spmem:s21] =	stream.linear.scatter [tilespmem:s29], [sflag:$0x5], $0x200, $0x38;
	[tilespmem:$0x1FE40] =	vst v63  }
0x235: {  	_ =	swait.ge [sflag:s30], $0x200  }
0x236: {  	s1 =	simm.s32 $0x1000;
	s0 =	simm.s32 $0x200;
	[sflag:s30] =	ssyncset.done $0x0  }
.LBB2_25:
0x237: {  	s2 =	sadd.s32 s0, s23  }
0x238: {  	[sflag:s30] =	ssyncadd.s32 $0xFFFFFE00;
	s15 =	smov.u32 s1;
	s16 =	sadd.s32 $0x800, s1  }
0x239: {  	[spmem:s2] =	stream.linear.scatter [tilespmem:s29], [sflag:$0x5], $0x200, $0x38;
	[tilespmem:$0x1FE40] =	vst v63  }
0x23a: {  	p0 =	sne.s32 s1, $0x1F800;
	_ =	swait.ge [sflag:s30], $0x200  }
.Ltmp11:
0x23b: {  	[sflag:s30] =	ssyncset.done $0x0;
	(pc) =	sbr.rel @p0 .LBB2_25-.Ltmp11, $4  }
0x23c: {  	s0 =	sadd.s32 s0, s24;
	[sflag:s30] =	ssyncadd.s32 $0xFFFFFE00  }
0x23d: {  	[spmem:s0] =	stream.linear.scatter [tilespmem:s29], [sflag:$0x5], $0x200, $0x38;
	[tilespmem:$0x1FE40] =	vst v63  }
0x23e: {  	_ =	swait.ge [sflag:s30], $0x200  }
0x23f: {  	s1 =	smov.u32 s16;
	s0 =	sshra.s32 s15, $0x2;
	[sflag:s30] =	ssyncset.done $0x0  }
0x240: {  	s1 =	sadd.s32 s0, s23;
	[sflag:s30] =	ssyncadd.s32 $0xFFFFFE00  }
0x241: {  	[spmem:s1] =	stream.linear.scatter [tilespmem:s29], [sflag:$0x5], $0x200, $0x38;
	[tilespmem:$0x1FE40] =	vst v63  }
0x242: {  	_ =	swait.ge [sflag:s30], $0x200  }
0x243: {  	[sflag:s30] =	ssyncset.done $0x0  }
0x244: {  	s21 =	sadd.s32 s0, s24;
	[sflag:s30] =	ssyncadd.s32 $0xFFFFFE00  }
0x245: {  	[spmem:s21] =	stream.linear.scatter [tilespmem:s29], [sflag:$0x5], $0x200, $0x38;
	[tilespmem:$0x1FE40] =	vst v63  }
0x246: {  	_ =	swait.ge [sflag:s30], $0x200  }
0x247: {  	[sflag:s30] =	ssyncset.done $0x0  }
0x248: {  	[sflag:s30] =	ssyncadd.s32 $0xFFFFFE00  }
0x249: {  	[bflag:$0x0] =	sbarrier.arrive $0xFFFF  }
0x24a: {  	s16 =	sld [smem:$0x7F2];
	_ =	sdelay $0x2  }
0x24b: {  	s2 =	sld [smem:s16+$0x80];
	_ =	sdelay $0x2  }
0x24c: {  	p0 =	slt.s32 s2, $0x1  }
.Ltmp12:
0x24d: {  	_ = 	snop;
	(pc) =	sbr.rel @p0 .LBB2_30-.Ltmp12, $2  }
0x24e: {  	_ =	sdelay $0x2  }
0x24f: {  	s5 =	rddreg [dreg:$0x5]  }
0x250: {  	s0 =	sld [smem:s16+$0x0];
	_ =	sdelay $0x2  }
0x251: {  	s0 =	sshll.u32 s0, $0x9  }
0x252: {  	s0 =	sshra.s32 s0, $0x2  }
0x253: {  	s1 =	sadd.s32 $0x4C00, s0  }
0x254: {  	[spmem:s10] =	stream.indirect.scatter.add.f32 [tilespmem:s1], [sflag:$0x5], $0x1, s0, s31, $0xb8;
	[tilespmem:$0x1FE40] =	vst v63  }
0x255: {  	p0 =	sne.s32 s2, $0x1;
	_ =	swait.ge [sflag:s30], $0x80  }
.Ltmp13:
0x256: {  	[sflag:s30] =	ssyncset.done $0x0;
	(pc) =	sbr.rel @!p0 .LBB2_29-.Ltmp13, $4  }
0x257: {  	s15 =	sadd.s32 $0x9800, s0;
	[sflag:s30] =	ssyncadd.s32 $0xFFFFFF80  }
0x258: {  	[spmem:s11] =	stream.indirect.scatter.add.f32 [tilespmem:s15], [sflag:$0x5], $0x1, s0, s31, $0xb8;
	[tilespmem:$0x1FE40] =	vst v63  }
0x259: {  	_ =	swait.ge [sflag:s30], $0x80  }
0x25a: {  	s2 =	sadd.s32 $0xFFFFFFFF, s2;
	s15 =	sadd.s32 $0x80, s15;
	[sflag:s30] =	ssyncset.done $0x0  }
.LBB2_28:
0x25b: {  	[sflag:s30] =	ssyncadd.s32 $0xFFFFFF80;
	s1 =	sadd.s32 $0x80, s1;
	s0 =	sadd.s32 $0x80, s0  }
0x25c: {  	[spmem:s10] =	stream.indirect.scatter.add.f32 [tilespmem:s1], [sflag:$0x5], $0x1, s0, s31, $0xb8;
	[tilespmem:$0x1FE40] =	vst v63  }
0x25d: {  	p0 =	sne.s32 s2, $0x1;
	s2 =	sadd.s32 $0xFFFFFFFF, s2;
	_ =	swait.ge [sflag:s30], $0x80  }
.Ltmp14:
0x25e: {  	[sflag:s30] =	ssyncset.done $0x0;
	(pc) =	sbr.rel @p0 .LBB2_28-.Ltmp14, $4  }
0x25f: {  	[sflag:s30] =	ssyncadd.s32 $0xFFFFFF80  }
0x260: {  	[spmem:s11] =	stream.indirect.scatter.add.f32 [tilespmem:s15], [sflag:$0x5], $0x1, s0, s31, $0xb8;
	[tilespmem:$0x1FE40] =	vst v63  }
0x261: {  	_ =	swait.ge [sflag:s30], $0x80  }
0x262: {  	s15 =	sadd.s32 $0x80, s15;
	[sflag:s30] =	ssyncset.done $0x0  }
.LBB2_29:
0x263: {  	[sflag:s30] =	ssyncadd.s32 $0xFFFFFF80  }
.LBB2_30:
0x264: {  	s0 =	sshll.u32 s16, $0x13;
	s1 =	rddreg [dreg:$0x16]  }
0x265: {  	s17 =	sadd.s32 s1, s0  }
0x266: {  	[bflag:$0x0] =	sbarrier.arrive $0xFFFF;
	s19 =	sshrl.u32 s17, $0x3  }
0x267: {  	s2 =	simm.s32 $0xF000;
	s1 =	simm.s32 $0x0;
	s16 =	sadd.s32 s5, s19  }
0x268: {  	[tilespmem:s2], [sflag:$0x1] =	stream.linear.gather [hbm4b:s16+s1], $0x100, $0x38;
	[tilespmem:$0x1FE40] =	vst v63  }
0x269: {  	s20 =	simm.s32 $0xF100;
	s18 =	sadd.s32 s7, s19;
	s0 =	sor.u32 $0x20, s19  }
0x26a: {  	[tilespmem:s20], [sflag:$0x1] =	stream.linear.gather [hbm4b:s18+s1], $0x100, $0x38;
	[tilespmem:$0x1FE40] =	vst v63  }
0x26b: {  	s15 =	simm.s32 $0xF600;
	s21 =	sadd.s32 s5, s0  }
0x26c: {  	[tilespmem:s15], [sflag:$0x2] =	stream.linear.gather [hbm4b:s21+s1], $0x100, $0x38;
	[tilespmem:$0x1FE40] =	vst v63  }
0x26d: {  	s16 =	sadd.s32 s7, s0;
	s18 =	simm.s32 $0xF700  }
0x26e: {  	[tilespmem:s18], [sflag:$0x2] =	stream.linear.gather [hbm4b:s16+s1], $0x100, $0x38;
	[tilespmem:$0x1FE40] =	vst v63  }
0x26f: {  	_ =	swait.ge [sflag:s22], $0x100  }
0x270: {  	[sflag:s22] =	ssyncset.done $0x0  }
0x271: {  	[sflag:s22] =	ssyncadd.s32 $0xFFFFFF00  }
0x272: {  	_ =	swait.ge [sflag:s22], $0x100  }
0x273: {  	[sflag:s22] =	ssyncset.done $0x0  }
0x274: {  	s20 =	simm.s32 $0xEE00;
	[sflag:s22] =	ssyncadd.s32 $0xFFFFFF00  }
0x275: {  	[tilespmem:s20], [sflag:$0x5] =	stream.linear.gather [spmem:s23], $0x100, $0x38;
	[tilespmem:$0x1FE40] =	vst v63  }
0x276: {  	_ =	swait.ge [sflag:s30], $0x100  }
0x277: {  	[sflag:s30] =	ssyncset.done $0x0  }
0x278: {  	s21 =	simm.s32 $0xEF00;
	[sflag:s30] =	ssyncadd.s32 $0xFFFFFF00  }
0x279: {  	[tilespmem:s21], [sflag:$0x5] =	stream.linear.gather [spmem:s24], $0x100, $0x38;
	[tilespmem:$0x1FE40] =	vst v63  }
0x27a: {  	_ =	swait.ge [sflag:s30], $0x100  }
0x27b: {  	[sflag:s30] =	ssyncset.done $0x0  }
0x27c: {  	s18 =	simm.s32 $0x0;
	[sflag:s30] =	ssyncadd.s32 $0xFFFFFF00  }
0x27d: {  	v5 =	vld [tilespmem:s18+$0xEE00]  }
0x27e: {  	v7 =	vld [tilespmem:s18+$0xF100];
	_ =	sdelay $0x2  }
0x27f: {  	s1 =	simm.s32 $0x10  }
0x280: {  	v9 =	vld [tilespmem:s1+$0xEE00]  }
0x281: {  	v6 =	vld [tilespmem:s1+$0xF100];
	v8 =	vadd.f32 v7, v5;
	_ =	sdelay $0x1  }
0x282: {  	(erf) = vrcp.f32 v8  }
0x283: {  	v10 =	vld [tilespmem:s18+$0xF000];
	_ =	sdelay $0x1  }
0x284: {  	s2 =	simm.s32 $0x20;
	v12 =	vld [tilespmem:s18+$0xEF00];
	v5 =	vadd.f32 v6, v9;
	[tilespmem:s18+$0xF300] =	vst v8  }
0x285: {  	v11 =	vld [tilespmem:s2+$0xEE00]  }
0x286: {  	v9 =	vld [tilespmem:s2+$0xF100];
	(erf) = vrcp.f32 v5  }
0x287: {  	v13 =	vmul.f32 v7, v10  }
0x288: {  	v7 =	vld [tilespmem:s1+$0xF000]  }
0x289: {  	s15 =	simm.s32 $0xC0;
	v12 =	vadd.f32 v13, v12;
	[tilespmem:s1+$0xF300] =	vst v5  }
.LBB2_31:
0x28a: {  	s16 =	sshra.s32 s15, $0x2;
	v13 =	vld [tilespmem:s1+$0xEF00];
	v14 =	vpop (erf);
	p0 =	sne.s32 s15, $0x3C0  }
.Ltmp15:
0x28b: {  	s15 =	sadd.s32 $0x40, s15;
	v15 =	vadd.f32 v9, v11;
	v11 =	vld [tilespmem:s16+$0xEE00];
	v12 =	vmul.f32 v14, v12;
	v14 =	vmov v9;
	(pc) =	sbr.rel @p0 .LBB2_31-.Ltmp15, $4  }
0x28c: {  	vm0 =	vgt.f32 v8, $0.0e+00;
	v8 =	vmov v5;
	v9 =	vld [tilespmem:s16+$0xF100]  }
0x28d: {  	[tilespmem:s2+$0xF300] =	vst v15;
	(erf) = vrcp.f32 v15;
	v16 =	vmul.f32 v6, v7;
	v12 =	vsel vm0, v12, v10;
	v5 =	vmovc v15  }
0x28e: {  	v6 =	vmov v14;
	v10 =	vmov v7;
	[tilespmem:s18+$0xF200] =	vst v12;
	v7 =	vld [tilespmem:s2+$0xF000];
	s18 =	smov.u32 s1;
	s1 =	smov.u32 s2;
	s2 =	smov.u32 s16  }
0x28f: {  	v12 =	vadd.f32 v16, v13  }
0x290: {  	v13 =	vpop (erf)  }
0x291: {  	v11 =	vadd.f32 v9, v11;
	v12 =	vmul.f32 v13, v12  }
0x292: {  	vm0 =	vgt.f32 v8, $0.0e+00  }
0x293: {  	(erf) = vrcp.f32 v11;
	v8 =	vsel vm0, v12, v10;
	v10 =	vld [tilespmem:s2+$0xF000]  }
0x294: {  	v14 =	vld [tilespmem:s1+$0xEF00];
	[tilespmem:s2+$0xF300] =	vst v11  }
0x295: {  	[tilespmem:s18+$0xF200] =	vst v8  }
0x296: {  	v8 =	vld [tilespmem:s2+$0xEF00];
	_ =	sdelay $0x1  }
0x297: {  	v6 =	vmul.f32 v6, v7;
	v9 =	vmul.f32 v9, v10;
	_ =	sdelay $0x1  }
0x298: {  	v6 =	vadd.f32 v6, v14  }
0x299: {  	v12 =	vpop (erf);
	v8 =	vadd.f32 v9, v8  }
0x29a: {  	v6 =	vmul.f32 v12, v6;
	v9 =	vpop (erf)  }
0x29b: {  	vm14 =	vgt.f32 v5, $0.0e+00;
	v5 =	vmul.f32 v9, v8  }
0x29c: {  	vm15 =	vgt.f32 v11, $0.0e+00;
	v6 =	vsel vm14, v6, v7  }
0x29d: {  	[tilespmem:s1+$0xF200] =	vst v6;
	v5 =	vsel vm15, v5, v10  }
0x29e: {  	s21 =	sadd.s32 s8, s19;
	s15 =	simm.s32 $0xF200;
	[tilespmem:s2+$0xF200] =	vst v5;
	s2 =	simm.s32 $0x0  }
0x29f: {  	[hbm4b:s21+s2] =	stream.linear.scatter [tilespmem:s15], [sflag:$0x3], $0x100, $0x38;
	[tilespmem:$0x1FE40] =	vst v63  }
0x2a0: {  	s16 =	simm.s32 $0xF300;
	s18 =	sor.u32 $0x40, s19;
	s15 =	sadd.s32 s9, s19  }
0x2a1: {  	[hbm4b:s15+s2] =	stream.linear.scatter [tilespmem:s16], [sflag:$0x3], $0x100, $0x38;
	[tilespmem:$0x1FE40] =	vst v63  }
0x2a2: {  	s20 =	sadd.s32 s5, s18;
	s16 =	simm.s32 $0xF000  }
0x2a3: {  	[tilespmem:s16], [sflag:$0x1] =	stream.linear.gather [hbm4b:s20+s2], $0x100, $0x38;
	[tilespmem:$0x1FE40] =	vst v63  }
0x2a4: {  	s1 =	sadd.s32 s7, s18;
	s21 =	simm.s32 $0xF100  }
0x2a5: {  	[tilespmem:s21], [sflag:$0x1] =	stream.linear.gather [hbm4b:s1+s2], $0x100, $0x38;
	[tilespmem:$0x1FE40] =	vst v63  }
0x2a6: {  	_ =	swait.ge [sflag:s4], $0x100  }
0x2a7: {  	[sflag:s4] =	ssyncset.done $0x0  }
0x2a8: {  	[sflag:s4] =	ssyncadd.s32 $0xFFFFFF00  }
0x2a9: {  	_ =	swait.ge [sflag:s4], $0x100  }
0x2aa: {  	[sflag:s4] =	ssyncset.done $0x0  }
0x2ab: {  	s18 =	simm.s32 $0xF400;
	s16 =	rddreg [dreg:$0x17];
	[sflag:s4] =	ssyncadd.s32 $0xFFFFFF00  }
0x2ac: {  	[tilespmem:s18], [sflag:$0x5] =	stream.linear.gather [spmem:s16], $0x100, $0x38;
	[tilespmem:$0x1FE40] =	vst v63  }
0x2ad: {  	_ =	swait.ge [sflag:s30], $0x100  }
0x2ae: {  	[sflag:s30] =	ssyncset.done $0x0  }
0x2af: {  	s21 =	simm.s32 $0xF500;
	s20 =	rddreg [dreg:$0x18];
	[sflag:s30] =	ssyncadd.s32 $0xFFFFFF00  }
0x2b0: {  	[tilespmem:s21], [sflag:$0x5] =	stream.linear.gather [spmem:s20], $0x100, $0x38;
	[tilespmem:$0x1FE40] =	vst v63  }
0x2b1: {  	_ =	swait.ge [sflag:s30], $0x100  }
0x2b2: {  	[sflag:s30] =	ssyncset.done $0x0  }
0x2b3: {  	s18 =	simm.s32 $0x0;
	[sflag:s30] =	ssyncadd.s32 $0xFFFFFF00  }
0x2b4: {  	v5 =	vld [tilespmem:s18+$0xF400]  }
0x2b5: {  	v7 =	vld [tilespmem:s18+$0xF700];
	_ =	sdelay $0x2  }
0x2b6: {  	s1 =	simm.s32 $0x10  }
0x2b7: {  	v9 =	vld [tilespmem:s1+$0xF400]  }
0x2b8: {  	v6 =	vld [tilespmem:s1+$0xF700];
	v8 =	vadd.f32 v7, v5;
	_ =	sdelay $0x1  }
0x2b9: {  	(erf) = vrcp.f32 v8  }
0x2ba: {  	v10 =	vld [tilespmem:s18+$0xF600];
	_ =	sdelay $0x1  }
0x2bb: {  	s2 =	simm.s32 $0x20;
	v12 =	vld [tilespmem:s18+$0xF500];
	v5 =	vadd.f32 v6, v9;
	[tilespmem:s18+$0xF900] =	vst v8  }
0x2bc: {  	v11 =	vld [tilespmem:s2+$0xF400]  }
0x2bd: {  	v9 =	vld [tilespmem:s2+$0xF700];
	(erf) = vrcp.f32 v5  }
0x2be: {  	v13 =	vmul.f32 v7, v10  }
0x2bf: {  	v7 =	vld [tilespmem:s1+$0xF600]  }
0x2c0: {  	s15 =	simm.s32 $0xC0;
	v12 =	vadd.f32 v13, v12;
	[tilespmem:s1+$0xF900] =	vst v5  }
.LBB2_33:
0x2c1: {  	s16 =	sshra.s32 s15, $0x2;
	v13 =	vld [tilespmem:s1+$0xF500];
	v14 =	vpop (erf);
	p0 =	sne.s32 s15, $0x3C0  }
.Ltmp16:
0x2c2: {  	s15 =	sadd.s32 $0x40, s15;
	v15 =	vadd.f32 v9, v11;
	v11 =	vld [tilespmem:s16+$0xF400];
	v12 =	vmul.f32 v14, v12;
	v14 =	vmov v9;
	(pc) =	sbr.rel @p0 .LBB2_33-.Ltmp16, $4  }
0x2c3: {  	vm0 =	vgt.f32 v8, $0.0e+00;
	v8 =	vmov v5;
	v9 =	vld [tilespmem:s16+$0xF700]  }
0x2c4: {  	[tilespmem:s2+$0xF900] =	vst v15;
	(erf) = vrcp.f32 v15;
	v16 =	vmul.f32 v6, v7;
	v12 =	vsel vm0, v12, v10;
	v5 =	vmovc v15  }
0x2c5: {  	v6 =	vmov v14;
	v10 =	vmov v7;
	[tilespmem:s18+$0xF800] =	vst v12;
	v7 =	vld [tilespmem:s2+$0xF600];
	s18 =	smov.u32 s1;
	s1 =	smov.u32 s2;
	s2 =	smov.u32 s16  }
0x2c6: {  	v12 =	vadd.f32 v16, v13  }
0x2c7: {  	_ = 	snop  }
0x2c8: {  	v13 =	vpop (erf);
	v11 =	vadd.f32 v9, v11  }
0x2c9: {  	v12 =	vmul.f32 v13, v12  }
0x2ca: {  	v14 =	vld [tilespmem:s1+$0xF500];
	vm0 =	vgt.f32 v8, $0.0e+00;
	(erf) = vrcp.f32 v11  }
0x2cb: {  	v60 =	vld [tilespmem:s2+$0xF600];
	[tilespmem:s2+$0xF900] =	vst v11;
	v8 =	vsel vm0, v12, v10  }
0x2cc: {  	[tilespmem:s18+$0xF800] =	vst v8  }
0x2cd: {  	v8 =	vld [tilespmem:s2+$0xF500];
	_ =	sdelay $0x1  }
0x2ce: {  	v6 =	vmul.f32 v6, v7  }
0x2cf: {  	v61 =	vmul.f32 v9, v60  }
0x2d0: {  	v6 =	vadd.f32 v6, v14  }
0x2d1: {  	v62 =	vpop (erf);
	v8 =	vadd.f32 v61, v8  }
0x2d2: {  	v6 =	vmul.f32 v62, v6;
	v63 =	vpop (erf)  }
0x2d3: {  	vm14 =	vgt.f32 v5, $0.0e+00;
	v5 =	vmul.f32 v63, v8  }
0x2d4: {  	vm15 =	vgt.f32 v11, $0.0e+00;
	v6 =	vsel vm14, v6, v7  }
0x2d5: {  	[tilespmem:s1+$0xF800] =	vst v6;
	v5 =	vsel vm15, v5, v60  }
0x2d6: {  	s20 =	sadd.s32 s8, s0;
	s21 =	simm.s32 $0xF800;
	[tilespmem:s2+$0xF800] =	vst v5  }
0x2d7: {  	[hbm4b:s20+s13] =	stream.linear.scatter [tilespmem:s21], [sflag:$0x4], $0x100, $0x38;
	[tilespmem:$0x1FE40] =	vst v63  }
0x2d8: {  	s15 =	sadd.s32 s9, s0;
	s16 =	simm.s32 $0xF900;
	s18 =	sor.u32 $0x60, s19  }
0x2d9: {  	[hbm4b:s15+s13] =	stream.linear.scatter [tilespmem:s16], [sflag:$0x4], $0x100, $0x38;
	[tilespmem:$0x1FE40] =	vst v63  }
0x2da: {  	[smem:$0x7F1] =	sst s19;
	s19 =	sadd.s32 s5, s18;
	s20 =	simm.s32 $0xF600  }
0x2db: {  	[tilespmem:s20], [sflag:$0x2] =	stream.linear.gather [hbm4b:s19+s13], $0x100, $0x38;
	[tilespmem:$0x1FE40] =	vst v63  }
0x2dc: {  	s0 =	sadd.s32 s7, s18;
	s21 =	simm.s32 $0xF700  }
0x2dd: {  	[tilespmem:s21], [sflag:$0x2] =	stream.linear.gather [hbm4b:s0+s13], $0x100, $0x38;
	[tilespmem:$0x1FE40] =	vst v63  }
0x2de: {  	s18 =	sor.u32 $0x200, s17;
	s19 =	sor.u32 $0x300, s17;
	s0 =	simm.s32 $0x1  }
.LBB2_35:
0x2df: {  	_ =	swait.ge [sflag:s22], $0x100  }
0x2e0: {  	[sflag:s22] =	ssyncset.done $0x0  }
0x2e1: {  	[sflag:s22] =	ssyncadd.s32 $0xFFFFFF00  }
0x2e2: {  	s1 =	sshll.u32 s0, $0x9;
	_ =	swait.ge [sflag:s22], $0x100  }
0x2e3: {  	s2 =	sor.u32 s14, s1;
	[sflag:s22] =	ssyncset.done $0x0  }
0x2e4: {  	s16 =	simm.s32 $0xEE00;
	s15 =	sadd.s32 s2, s10;
	[sflag:s22] =	ssyncadd.s32 $0xFFFFFF00  }
0x2e5: {  	[tilespmem:s16], [sflag:$0x5] =	stream.linear.gather [spmem:s15], $0x100, $0x38;
	[tilespmem:$0x1FE40] =	vst v63  }
0x2e6: {  	_ =	swait.ge [sflag:s30], $0x100  }
0x2e7: {  	[sflag:s30] =	ssyncset.done $0x0  }
0x2e8: {  	s21 =	simm.s32 $0xEF00;
	s2 =	sadd.s32 s2, s11;
	[sflag:s30] =	ssyncadd.s32 $0xFFFFFF00  }
0x2e9: {  	[tilespmem:s21], [sflag:$0x5] =	stream.linear.gather [spmem:s2], $0x100, $0x38;
	[tilespmem:$0x1FE40] =	vst v63  }
0x2ea: {  	_ =	swait.ge [sflag:s30], $0x100  }
0x2eb: {  	[sflag:s30] =	ssyncset.done $0x0  }
0x2ec: {  	[sflag:s30] =	ssyncadd.s32 $0xFFFFFF00  }
0x2ed: {  	_ =	swait.ge [sflag:s6], $0x100  }
0x2ee: {  	[sflag:s6] =	ssyncset.done $0x0  }
0x2ef: {  	[sflag:s6] =	ssyncadd.s32 $0xFFFFFF00  }
0x2f0: {  	_ =	swait.ge [sflag:s6], $0x100  }
0x2f1: {  	[sflag:s6] =	ssyncset.done $0x0  }
0x2f2: {  	s21 =	simm.s32 $0x0;
	[sflag:s6] =	ssyncadd.s32 $0xFFFFFF00  }
0x2f3: {  	v5 =	vld [tilespmem:s21+$0xEE00]  }
0x2f4: {  	v7 =	vld [tilespmem:s21+$0xF100];
	_ =	sdelay $0x2  }
0x2f5: {  	s2 =	simm.s32 $0x10  }
0x2f6: {  	v9 =	vld [tilespmem:s2+$0xEE00]  }
0x2f7: {  	v6 =	vld [tilespmem:s2+$0xF100];
	v8 =	vadd.f32 v7, v5;
	_ =	sdelay $0x1  }
0x2f8: {  	(erf) = vrcp.f32 v8  }
0x2f9: {  	v10 =	vld [tilespmem:s21+$0xF000];
	_ =	sdelay $0x1  }
0x2fa: {  	s20 =	simm.s32 $0x20;
	v12 =	vld [tilespmem:s21+$0xEF00];
	v5 =	vadd.f32 v6, v9;
	[tilespmem:s21+$0xF300] =	vst v8  }
0x2fb: {  	v11 =	vld [tilespmem:s20+$0xEE00]  }
0x2fc: {  	v9 =	vld [tilespmem:s20+$0xF100];
	(erf) = vrcp.f32 v5  }
0x2fd: {  	v13 =	vmul.f32 v7, v10  }
0x2fe: {  	v7 =	vld [tilespmem:s2+$0xF000]  }
0x2ff: {  	s15 =	simm.s32 $0xC0;
	v12 =	vadd.f32 v13, v12;
	[tilespmem:s2+$0xF300] =	vst v5  }
.LBB2_36:
0x300: {  	s16 =	sshra.s32 s15, $0x2;
	v13 =	vld [tilespmem:s2+$0xEF00];
	v14 =	vpop (erf);
	p0 =	sne.s32 s15, $0x3C0  }
.Ltmp17:
0x301: {  	s15 =	sadd.s32 $0x40, s15;
	v15 =	vadd.f32 v9, v11;
	v11 =	vld [tilespmem:s16+$0xEE00];
	v12 =	vmul.f32 v14, v12;
	v14 =	vmov v9;
	(pc) =	sbr.rel @p0 .LBB2_36-.Ltmp17, $4  }
0x302: {  	vm0 =	vgt.f32 v8, $0.0e+00;
	v8 =	vmov v5;
	v9 =	vld [tilespmem:s16+$0xF100]  }
0x303: {  	[tilespmem:s20+$0xF300] =	vst v15;
	(erf) = vrcp.f32 v15;
	v16 =	vmul.f32 v6, v7;
	v12 =	vsel vm0, v12, v10;
	v5 =	vmovc v15  }
0x304: {  	v6 =	vmov v14;
	v10 =	vmov v7;
	[tilespmem:s21+$0xF200] =	vst v12;
	v7 =	vld [tilespmem:s20+$0xF000];
	s21 =	smov.u32 s2;
	s2 =	smov.u32 s20;
	s20 =	smov.u32 s16  }
0x305: {  	v12 =	vadd.f32 v16, v13  }
0x306: {  	v13 =	vpop (erf)  }
0x307: {  	v11 =	vadd.f32 v9, v11;
	v12 =	vmul.f32 v13, v12  }
0x308: {  	vm0 =	vgt.f32 v8, $0.0e+00  }
0x309: {  	(erf) = vrcp.f32 v11;
	v8 =	vsel vm0, v12, v10;
	v10 =	vld [tilespmem:s20+$0xF000]  }
0x30a: {  	v14 =	vld [tilespmem:s2+$0xEF00];
	[tilespmem:s20+$0xF300] =	vst v11  }
0x30b: {  	[tilespmem:s21+$0xF200] =	vst v8  }
0x30c: {  	v8 =	vld [tilespmem:s20+$0xEF00];
	_ =	sdelay $0x1  }
0x30d: {  	v6 =	vmul.f32 v6, v7;
	v9 =	vmul.f32 v9, v10;
	_ =	sdelay $0x1  }
0x30e: {  	v6 =	vadd.f32 v6, v14  }
0x30f: {  	v12 =	vpop (erf);
	v8 =	vadd.f32 v9, v8  }
0x310: {  	v6 =	vmul.f32 v12, v6;
	v9 =	vpop (erf)  }
0x311: {  	vm14 =	vgt.f32 v5, $0.0e+00;
	v5 =	vmul.f32 v9, v8  }
0x312: {  	s15 =	sor.u32 s17, s1;
	vm15 =	vgt.f32 v11, $0.0e+00;
	v6 =	vsel vm14, v6, v7  }
0x313: {  	[tilespmem:s2+$0xF200] =	vst v6;
	s2 =	sshrl.u32 s15, $0x3;
	v5 =	vsel vm15, v5, v10  }
0x314: {  	s16 =	simm.s32 $0x0;
	s21 =	simm.s32 $0xF200;
	s15 =	sadd.s32 s8, s2;
	[tilespmem:s20+$0xF200] =	vst v5  }
0x315: {  	[hbm4b:s15+s16] =	stream.linear.scatter [tilespmem:s21], [sflag:$0x3], $0x100, $0x38;
	[tilespmem:$0x1FE40] =	vst v63  }
0x316: {  	s2 =	sadd.s32 s9, s2;
	s21 =	simm.s32 $0xF300;
	s15 =	sadd.s32 s1, s18  }
0x317: {  	[hbm4b:s2+s16] =	stream.linear.scatter [tilespmem:s21], [sflag:$0x3], $0x100, $0x38;
	[tilespmem:$0x1FE40] =	vst v63  }
0x318: {  	s2 =	sshrl.u32 s15, $0x3  }
0x319: {  	s21 =	simm.s32 $0xF000;
	s20 =	sadd.s32 s5, s2  }
0x31a: {  	[tilespmem:s21], [sflag:$0x1] =	stream.linear.gather [hbm4b:s20+s16], $0x100, $0x38;
	[tilespmem:$0x1FE40] =	vst v63  }
0x31b: {  	s2 =	sadd.s32 s7, s2;
	s20 =	simm.s32 $0xF100  }
0x31c: {  	[tilespmem:s20], [sflag:$0x1] =	stream.linear.gather [hbm4b:s2+s16], $0x100, $0x38;
	[tilespmem:$0x1FE40] =	vst v63  }
0x31d: {  	_ =	swait.ge [sflag:s4], $0x100  }
0x31e: {  	[sflag:s4] =	ssyncset.done $0x0  }
0x31f: {  	[sflag:s4] =	ssyncadd.s32 $0xFFFFFF00  }
0x320: {  	s2 =	sor.u32 $0x100, s1;
	_ =	swait.ge [sflag:s4], $0x100  }
0x321: {  	s21 =	sor.u32 s14, s2;
	[sflag:s4] =	ssyncset.done $0x0  }
0x322: {  	s20 =	simm.s32 $0xF400;
	s5 =	sadd.s32 s21, s10;
	[sflag:s4] =	ssyncadd.s32 $0xFFFFFF00  }
0x323: {  	[tilespmem:s20], [sflag:$0x5] =	stream.linear.gather [spmem:s5], $0x100, $0x38;
	[tilespmem:$0x1FE40] =	vst v63  }
0x324: {  	_ =	swait.ge [sflag:s30], $0x100  }
0x325: {  	[sflag:s30] =	ssyncset.done $0x0  }
0x326: {  	s15 =	sadd.s32 s21, s11;
	s21 =	simm.s32 $0xF500;
	[sflag:s30] =	ssyncadd.s32 $0xFFFFFF00  }
0x327: {  	[tilespmem:s21], [sflag:$0x5] =	stream.linear.gather [spmem:s15], $0x100, $0x38;
	[tilespmem:$0x1FE40] =	vst v63  }
0x328: {  	_ =	swait.ge [sflag:s30], $0x100  }
0x329: {  	[sflag:s30] =	ssyncset.done $0x0  }
0x32a: {  	[sflag:s30] =	ssyncadd.s32 $0xFFFFFF00  }
0x32b: {  	_ =	swait.ge [sflag:s12], $0x100  }
0x32c: {  	[sflag:s12] =	ssyncset.done $0x0  }
0x32d: {  	[sflag:s12] =	ssyncadd.s32 $0xFFFFFF00  }
0x32e: {  	_ =	swait.ge [sflag:s12], $0x100  }
0x32f: {  	[sflag:s12] =	ssyncset.done $0x0  }
0x330: {  	s15 =	simm.s32 $0x0;
	[sflag:s12] =	ssyncadd.s32 $0xFFFFFF00  }
0x331: {  	v5 =	vld [tilespmem:s15+$0xF400]  }
0x332: {  	v7 =	vld [tilespmem:s15+$0xF700];
	_ =	sdelay $0x2  }
0x333: {  	s20 =	simm.s32 $0x10  }
0x334: {  	v9 =	vld [tilespmem:s20+$0xF400]  }
0x335: {  	v6 =	vld [tilespmem:s20+$0xF700];
	v8 =	vadd.f32 v7, v5;
	_ =	sdelay $0x1  }
0x336: {  	(erf) = vrcp.f32 v8  }
0x337: {  	v10 =	vld [tilespmem:s15+$0xF600];
	_ =	sdelay $0x1  }
0x338: {  	s21 =	simm.s32 $0x20;
	v12 =	vld [tilespmem:s15+$0xF500];
	v5 =	vadd.f32 v6, v9;
	[tilespmem:s15+$0xF900] =	vst v8  }
0x339: {  	v11 =	vld [tilespmem:s21+$0xF400]  }
0x33a: {  	v9 =	vld [tilespmem:s21+$0xF700];
	(erf) = vrcp.f32 v5  }
0x33b: {  	v13 =	vmul.f32 v7, v10  }
0x33c: {  	v7 =	vld [tilespmem:s20+$0xF600]  }
0x33d: {  	s16 =	simm.s32 $0xC0;
	v12 =	vadd.f32 v13, v12;
	[tilespmem:s20+$0xF900] =	vst v5  }
.LBB2_38:
0x33e: {  	s5 =	sshra.s32 s16, $0x2;
	v13 =	vld [tilespmem:s20+$0xF500];
	v14 =	vpop (erf);
	p0 =	sne.s32 s16, $0x3C0  }
.Ltmp18:
0x33f: {  	s16 =	sadd.s32 $0x40, s16;
	v15 =	vadd.f32 v9, v11;
	v11 =	vld [tilespmem:s5+$0xF400];
	v12 =	vmul.f32 v14, v12;
	v14 =	vmov v9;
	(pc) =	sbr.rel @p0 .LBB2_38-.Ltmp18, $4  }
0x340: {  	vm0 =	vgt.f32 v8, $0.0e+00;
	v8 =	vmov v5;
	v9 =	vld [tilespmem:s5+$0xF700]  }
0x341: {  	[tilespmem:s21+$0xF900] =	vst v15;
	(erf) = vrcp.f32 v15;
	v16 =	vmul.f32 v6, v7;
	v12 =	vsel vm0, v12, v10;
	v5 =	vmovc v15  }
0x342: {  	v6 =	vmov v14;
	v10 =	vmov v7;
	[tilespmem:s15+$0xF800] =	vst v12;
	v7 =	vld [tilespmem:s21+$0xF600];
	s15 =	smov.u32 s20;
	s20 =	smov.u32 s21;
	s21 =	smov.u32 s5  }
0x343: {  	v12 =	vadd.f32 v16, v13  }
0x344: {  	_ = 	snop  }
0x345: {  	v13 =	vpop (erf);
	v11 =	vadd.f32 v9, v11  }
0x346: {  	v12 =	vmul.f32 v13, v12  }
0x347: {  	v14 =	vld [tilespmem:s20+$0xF500];
	vm0 =	vgt.f32 v8, $0.0e+00;
	(erf) = vrcp.f32 v11  }
0x348: {  	v60 =	vld [tilespmem:s21+$0xF600];
	[tilespmem:s21+$0xF900] =	vst v11;
	v8 =	vsel vm0, v12, v10  }
0x349: {  	[tilespmem:s15+$0xF800] =	vst v8  }
0x34a: {  	v8 =	vld [tilespmem:s21+$0xF500];
	_ =	sdelay $0x1  }
0x34b: {  	v6 =	vmul.f32 v6, v7  }
0x34c: {  	v61 =	vmul.f32 v9, v60  }
0x34d: {  	v6 =	vadd.f32 v6, v14  }
0x34e: {  	v62 =	vpop (erf);
	v8 =	vadd.f32 v61, v8  }
0x34f: {  	v6 =	vmul.f32 v62, v6;
	v63 =	vpop (erf)  }
0x350: {  	vm14 =	vgt.f32 v5, $0.0e+00;
	v5 =	vmul.f32 v63, v8  }
0x351: {  	s2 =	sor.u32 s17, s2;
	vm15 =	vgt.f32 v11, $0.0e+00;
	v6 =	vsel vm14, v6, v7  }
0x352: {  	s1 =	sadd.s32 s1, s19;
	s2 =	sshrl.u32 s2, $0x3;
	[tilespmem:s20+$0xF800] =	vst v6;
	v5 =	vsel vm15, v5, v60  }
0x353: {  	s0 =	sadd.s32 $0x1, s0;
	s5 =	sadd.s32 s8, s2;
	[tilespmem:s21+$0xF800] =	vst v5;
	s21 =	simm.s32 $0xF800  }
0x354: {  	[hbm4b:s5+s13] =	stream.linear.scatter [tilespmem:s21], [sflag:$0x4], $0x100, $0x38;
	[tilespmem:$0x1FE40] =	vst v63  }
0x355: {  	p0 =	sne.s32 s0, $0x3F;
	s2 =	sadd.s32 s9, s2;
	s15 =	simm.s32 $0xF900  }
0x356: {  	[hbm4b:s2+s13] =	stream.linear.scatter [tilespmem:s15], [sflag:$0x4], $0x100, $0x38;
	[tilespmem:$0x1FE40] =	vst v63  }
.Ltmp19:
0x357: {  	s1 =	sshrl.u32 s1, $0x3;
	s5 =	rddreg [dreg:$0x5];
	(pc) =	sbr.rel @p0 .LBB2_35-.Ltmp19, $4  }
0x358: {  	s20 =	simm.s32 $0xF600;
	s16 =	sadd.s32 s5, s1  }
0x359: {  	[tilespmem:s20], [sflag:$0x2] =	stream.linear.gather [hbm4b:s16+s13], $0x100, $0x38;
	[tilespmem:$0x1FE40] =	vst v63  }
0x35a: {  	s21 =	simm.s32 $0xF700;
	s1 =	sadd.s32 s7, s1  }
0x35b: {  	[tilespmem:s21], [sflag:$0x2] =	stream.linear.gather [hbm4b:s1+s13], $0x100, $0x38;
	[tilespmem:$0x1FE40] =	vst v63  }
0x35c: {  	_ =	swait.ge [sflag:s22], $0x100  }
0x35d: {  	[sflag:s22] =	ssyncset.done $0x0  }
0x35e: {  	[sflag:s22] =	ssyncadd.s32 $0xFFFFFF00  }
0x35f: {  	_ =	swait.ge [sflag:s22], $0x100  }
0x360: {  	[sflag:s22] =	ssyncset.done $0x0  }
0x361: {  	s1 =	simm.s32 $0xEE00;
	s0 =	rddreg [dreg:$0x19];
	[sflag:s22] =	ssyncadd.s32 $0xFFFFFF00  }
0x362: {  	[tilespmem:s1], [sflag:$0x5] =	stream.linear.gather [spmem:s0], $0x100, $0x38;
	[tilespmem:$0x1FE40] =	vst v63  }
0x363: {  	_ =	swait.ge [sflag:s30], $0x100  }
0x364: {  	[sflag:s30] =	ssyncset.done $0x0  }
0x365: {  	s21 =	simm.s32 $0xEF00;
	s20 =	rddreg [dreg:$0x1a];
	[sflag:s30] =	ssyncadd.s32 $0xFFFFFF00  }
0x366: {  	[tilespmem:s21], [sflag:$0x5] =	stream.linear.gather [spmem:s20], $0x100, $0x38;
	[tilespmem:$0x1FE40] =	vst v63  }
0x367: {  	_ =	swait.ge [sflag:s30], $0x100  }
0x368: {  	[sflag:s30] =	ssyncset.done $0x0  }
0x369: {  	[sflag:s30] =	ssyncadd.s32 $0xFFFFFF00  }
0x36a: {  	_ =	swait.ge [sflag:s6], $0x100  }
0x36b: {  	[sflag:s6] =	ssyncset.done $0x0  }
0x36c: {  	[sflag:s6] =	ssyncadd.s32 $0xFFFFFF00  }
0x36d: {  	_ =	swait.ge [sflag:s6], $0x100  }
0x36e: {  	[sflag:s6] =	ssyncset.done $0x0  }
0x36f: {  	s2 =	simm.s32 $0x0;
	[sflag:s6] =	ssyncadd.s32 $0xFFFFFF00  }
0x370: {  	v5 =	vld [tilespmem:s2+$0xEE00]  }
0x371: {  	v7 =	vld [tilespmem:s2+$0xF100];
	_ =	sdelay $0x2  }
0x372: {  	s0 =	simm.s32 $0x10  }
0x373: {  	v9 =	vld [tilespmem:s0+$0xEE00]  }
0x374: {  	v6 =	vld [tilespmem:s0+$0xF100];
	v8 =	vadd.f32 v7, v5;
	_ =	sdelay $0x1  }
0x375: {  	(erf) = vrcp.f32 v8  }
0x376: {  	v10 =	vld [tilespmem:s2+$0xF000];
	_ =	sdelay $0x1  }
0x377: {  	s1 =	simm.s32 $0x20;
	v12 =	vld [tilespmem:s2+$0xEF00];
	v5 =	vadd.f32 v6, v9;
	[tilespmem:s2+$0xF300] =	vst v8  }
0x378: {  	v11 =	vld [tilespmem:s1+$0xEE00]  }
0x379: {  	v9 =	vld [tilespmem:s1+$0xF100];
	(erf) = vrcp.f32 v5  }
0x37a: {  	v13 =	vmul.f32 v7, v10  }
0x37b: {  	v7 =	vld [tilespmem:s0+$0xF000]  }
0x37c: {  	s15 =	simm.s32 $0xC0;
	v12 =	vadd.f32 v13, v12;
	[tilespmem:s0+$0xF300] =	vst v5  }
.LBB2_41:
0x37d: {  	s5 =	sshra.s32 s15, $0x2;
	v13 =	vld [tilespmem:s0+$0xEF00];
	v14 =	vpop (erf);
	p0 =	sne.s32 s15, $0x3C0  }
.Ltmp20:
0x37e: {  	s15 =	sadd.s32 $0x40, s15;
	v15 =	vadd.f32 v9, v11;
	v11 =	vld [tilespmem:s5+$0xEE00];
	v12 =	vmul.f32 v14, v12;
	v14 =	vmov v9;
	(pc) =	sbr.rel @p0 .LBB2_41-.Ltmp20, $4  }
0x37f: {  	vm0 =	vgt.f32 v8, $0.0e+00;
	v8 =	vmov v5;
	v9 =	vld [tilespmem:s5+$0xF100]  }
0x380: {  	[tilespmem:s1+$0xF300] =	vst v15;
	(erf) = vrcp.f32 v15;
	v16 =	vmul.f32 v6, v7;
	v12 =	vsel vm0, v12, v10;
	v5 =	vmovc v15  }
0x381: {  	v6 =	vmov v14;
	v10 =	vmov v7;
	[tilespmem:s2+$0xF200] =	vst v12;
	v7 =	vld [tilespmem:s1+$0xF000];
	s2 =	smov.u32 s0;
	s0 =	smov.u32 s1;
	s1 =	smov.u32 s5  }
0x382: {  	v12 =	vadd.f32 v16, v13  }
0x383: {  	v13 =	vpop (erf)  }
0x384: {  	v11 =	vadd.f32 v9, v11;
	v12 =	vmul.f32 v13, v12  }
0x385: {  	vm0 =	vgt.f32 v8, $0.0e+00  }
0x386: {  	(erf) = vrcp.f32 v11;
	v8 =	vsel vm0, v12, v10;
	v10 =	vld [tilespmem:s1+$0xF000]  }
0x387: {  	v14 =	vld [tilespmem:s0+$0xEF00];
	[tilespmem:s1+$0xF300] =	vst v11  }
0x388: {  	[tilespmem:s2+$0xF200] =	vst v8  }
0x389: {  	v8 =	vld [tilespmem:s1+$0xEF00];
	_ =	sdelay $0x1  }
0x38a: {  	v6 =	vmul.f32 v6, v7;
	v9 =	vmul.f32 v9, v10;
	_ =	sdelay $0x1  }
0x38b: {  	v6 =	vadd.f32 v6, v14  }
0x38c: {  	v12 =	vpop (erf);
	v8 =	vadd.f32 v9, v8  }
0x38d: {  	s5 =	sld [smem:$0x7F1];
	v6 =	vmul.f32 v12, v6;
	v9 =	vpop (erf)  }
0x38e: {  	vm14 =	vgt.f32 v5, $0.0e+00;
	v5 =	vmul.f32 v9, v8  }
0x38f: {  	vm15 =	vgt.f32 v11, $0.0e+00;
	v6 =	vsel vm14, v6, v7  }
0x390: {  	[tilespmem:s0+$0xF200] =	vst v6;
	s0 =	sor.u32 $0xFC0, s5;
	v5 =	vsel vm15, v5, v10  }
0x391: {  	s16 =	simm.s32 $0x0;
	s5 =	simm.s32 $0xF200;
	s15 =	sadd.s32 s8, s0;
	[tilespmem:s1+$0xF200] =	vst v5  }
0x392: {  	[hbm4b:s15+s16] =	stream.linear.scatter [tilespmem:s5], [sflag:$0x3], $0x100, $0x38;
	[tilespmem:$0x1FE40] =	vst v63  }
0x393: {  	s17 =	simm.s32 $0xF300;
	s0 =	sadd.s32 s9, s0  }
0x394: {  	[hbm4b:s0+s16] =	stream.linear.scatter [tilespmem:s17], [sflag:$0x3], $0x100, $0x38;
	[tilespmem:$0x1FE40] =	vst v63  }
0x395: {  	_ =	swait.ge [sflag:s4], $0x100  }
0x396: {  	[sflag:s4] =	ssyncset.done $0x0  }
0x397: {  	[sflag:s4] =	ssyncadd.s32 $0xFFFFFF00  }
0x398: {  	_ =	swait.ge [sflag:s4], $0x100  }
0x399: {  	[sflag:s4] =	ssyncset.done $0x0  }
0x39a: {  	s19 =	simm.s32 $0xF400;
	s18 =	rddreg [dreg:$0x1b];
	[sflag:s4] =	ssyncadd.s32 $0xFFFFFF00  }
0x39b: {  	[tilespmem:s19], [sflag:$0x5] =	stream.linear.gather [spmem:s18], $0x100, $0x38;
	[tilespmem:$0x1FE40] =	vst v63  }
0x39c: {  	_ =	swait.ge [sflag:s30], $0x100  }
0x39d: {  	[sflag:s30] =	ssyncset.done $0x0  }
0x39e: {  	s21 =	simm.s32 $0xF500;
	s20 =	rddreg [dreg:$0x1c];
	[sflag:s30] =	ssyncadd.s32 $0xFFFFFF00  }
0x39f: {  	[tilespmem:s21], [sflag:$0x5] =	stream.linear.gather [spmem:s20], $0x100, $0x38;
	[tilespmem:$0x1FE40] =	vst v63  }
0x3a0: {  	_ =	swait.ge [sflag:s30], $0x100  }
0x3a1: {  	[sflag:s30] =	ssyncset.done $0x0  }
0x3a2: {  	[sflag:s30] =	ssyncadd.s32 $0xFFFFFF00  }
0x3a3: {  	_ =	swait.ge [sflag:s12], $0x100  }
0x3a4: {  	[sflag:s12] =	ssyncset.done $0x0  }
0x3a5: {  	[sflag:s12] =	ssyncadd.s32 $0xFFFFFF00  }
0x3a6: {  	_ =	swait.ge [sflag:s12], $0x100  }
0x3a7: {  	[sflag:s12] =	ssyncset.done $0x0  }
0x3a8: {  	s2 =	simm.s32 $0x0;
	[sflag:s12] =	ssyncadd.s32 $0xFFFFFF00  }
0x3a9: {  	v5 =	vld [tilespmem:s2+$0xF400]  }
0x3aa: {  	v7 =	vld [tilespmem:s2+$0xF700];
	_ =	sdelay $0x2  }
0x3ab: {  	s0 =	simm.s32 $0x10  }
0x3ac: {  	v9 =	vld [tilespmem:s0+$0xF400]  }
0x3ad: {  	v6 =	vld [tilespmem:s0+$0xF700];
	v8 =	vadd.f32 v7, v5;
	_ =	sdelay $0x1  }
0x3ae: {  	(erf) = vrcp.f32 v8  }
0x3af: {  	v10 =	vld [tilespmem:s2+$0xF600];
	_ =	sdelay $0x1  }
0x3b0: {  	s1 =	simm.s32 $0x20;
	v12 =	vld [tilespmem:s2+$0xF500];
	v5 =	vadd.f32 v6, v9;
	[tilespmem:s2+$0xF900] =	vst v8  }
0x3b1: {  	v11 =	vld [tilespmem:s1+$0xF400]  }
0x3b2: {  	v9 =	vld [tilespmem:s1+$0xF700];
	(erf) = vrcp.f32 v5  }
0x3b3: {  	s16 =	sld [smem:$0x7F2];
	v13 =	vmul.f32 v7, v10  }
0x3b4: {  	s15 =	simm.s32 $0xC0;
	s19 =	simm.s32 $0xE400;
	s17 =	rddreg [dreg:$0x1];
	v7 =	vld [tilespmem:s0+$0xF600]  }
0x3b5: {  	s20 =	simm.s32 $0xE500;
	s21 =	simm.s32 $0xE600;
	s18 =	rddreg [dreg:$0x2];
	v12 =	vadd.f32 v13, v12;
	[tilespmem:s0+$0xF900] =	vst v5  }
.LBB2_43:
0x3b6: {  	s5 =	sshra.s32 s15, $0x2;
	v13 =	vld [tilespmem:s0+$0xF500];
	v14 =	vpop (erf);
	p0 =	sne.s32 s15, $0x3C0  }
.Ltmp21:
0x3b7: {  	s15 =	sadd.s32 $0x40, s15;
	v15 =	vadd.f32 v9, v11;
	v11 =	vld [tilespmem:s5+$0xF400];
	v12 =	vmul.f32 v14, v12;
	v14 =	vmov v9;
	(pc) =	sbr.rel @p0 .LBB2_43-.Ltmp21, $4  }
0x3b8: {  	vm0 =	vgt.f32 v8, $0.0e+00;
	v8 =	vmov v5;
	v9 =	vld [tilespmem:s5+$0xF700]  }
0x3b9: {  	[tilespmem:s1+$0xF900] =	vst v15;
	(erf) = vrcp.f32 v15;
	v16 =	vmul.f32 v6, v7;
	v12 =	vsel vm0, v12, v10;
	v5 =	vmovc v15  }
0x3ba: {  	v6 =	vmov v14;
	v10 =	vmov v7;
	[tilespmem:s2+$0xF800] =	vst v12;
	v7 =	vld [tilespmem:s1+$0xF600];
	s2 =	smov.u32 s0;
	s0 =	smov.u32 s1;
	s1 =	smov.u32 s5  }
0x3bb: {  	v12 =	vadd.f32 v16, v13  }
0x3bc: {  	_ = 	snop  }
0x3bd: {  	v13 =	vpop (erf);
	v11 =	vadd.f32 v9, v11  }
0x3be: {  	v12 =	vmul.f32 v13, v12  }
0x3bf: {  	v14 =	vld [tilespmem:s0+$0xF500];
	vm0 =	vgt.f32 v8, $0.0e+00;
	(erf) = vrcp.f32 v11  }
0x3c0: {  	v60 =	vld [tilespmem:s1+$0xF600];
	[tilespmem:s1+$0xF900] =	vst v11;
	v8 =	vsel vm0, v12, v10  }
0x3c1: {  	[tilespmem:s2+$0xF800] =	vst v8  }
0x3c2: {  	v8 =	vld [tilespmem:s1+$0xF500];
	_ =	sdelay $0x1  }
0x3c3: {  	v6 =	vmul.f32 v6, v7  }
0x3c4: {  	v61 =	vmul.f32 v9, v60  }
0x3c5: {  	v6 =	vadd.f32 v6, v14  }
0x3c6: {  	v62 =	vpop (erf);
	v8 =	vadd.f32 v61, v8  }
0x3c7: {  	s15 =	sld [smem:$0x7F1];
	v6 =	vmul.f32 v62, v6;
	v63 =	vpop (erf)  }
0x3c8: {  	vm14 =	vgt.f32 v5, $0.0e+00;
	v5 =	vmul.f32 v63, v8  }
0x3c9: {  	vm15 =	vgt.f32 v11, $0.0e+00;
	v6 =	vsel vm14, v6, v7  }
0x3ca: {  	[tilespmem:s0+$0xF800] =	vst v6;
	s0 =	sor.u32 $0xFE0, s15;
	v5 =	vsel vm15, v5, v60  }
0x3cb: {  	s5 =	simm.s32 $0xF800;
	s2 =	sadd.s32 s8, s0;
	[tilespmem:s1+$0xF800] =	vst v5  }
0x3cc: {  	[hbm4b:s2+s13] =	stream.linear.scatter [tilespmem:s5], [sflag:$0x4], $0x100, $0x38;
	[tilespmem:$0x1FE40] =	vst v63  }
0x3cd: {  	s15 =	simm.s32 $0xF900;
	s0 =	sadd.s32 s9, s0  }
0x3ce: {  	[hbm4b:s0+s13] =	stream.linear.scatter [tilespmem:s15], [sflag:$0x4], $0x100, $0x38;
	[tilespmem:$0x1FE40] =	vst v63  }
0x3cf: {  	_ =	swait.ge [sflag:s6], $0x100  }
0x3d0: {  	[sflag:s6] =	ssyncset.done $0x0  }
0x3d1: {  	[sflag:s6] =	ssyncadd.s32 $0xFFFFFF00  }
0x3d2: {  	_ =	swait.ge [sflag:s6], $0x100  }
0x3d3: {  	[sflag:s6] =	ssyncset.done $0x0  }
0x3d4: {  	[sflag:s6] =	ssyncadd.s32 $0xFFFFFF00  }
0x3d5: {  	_ =	swait.ge [sflag:s12], $0x100  }
0x3d6: {  	s16 =	sadd.s32 $0x1, s16;
	[sflag:s12] =	ssyncset.done $0x0  }
0x3d7: {  	p0 =	sne.s32 s16, $0x10;
	[sflag:s12] =	ssyncadd.s32 $0xFFFFFF00  }
.Ltmp22:
0x3d8: {  	_ =	swait.ge [sflag:s12], $0x100;
	(pc) =	sbr.rel @p0 .LBB2_24-.Ltmp22, $4  }
0x3d9: {  	[sflag:s12] =	ssyncset.done $0x0  }
0x3da: {  	[sflag:s12] =	ssyncadd.s32 $0xFFFFFF00  }
0x3db: {  	[bflag:$0x0] =	sbarrier.arrive $0xFFFF  }
0x3dc: {  	s5 =	rddreg [dreg:$0x0]  }
0x3dd: {  	s1 =	sld [smem:$0x7FD];
	_ =	sdelay $0x2  }
0x3de: {  	s0 =	rddreg [dreg:$0x1d];
	s1 =	sadd.s32 $0x1, s1  }
0x3df: {  	p0 =	sne.s32 s1, s0  }
.Ltmp23:
0x3e0: {  	_ = 	snop;
	(pc) =	sbr.rel @p0 .LBB2_1-.Ltmp23, $1  }
0x3e1: {  	_ =	sdelay $0x3  }
0x3e2: {  	_ =	sfence.sel $0x180000  }
0x3e3: {  	[bflag:$0x0] =	sbarrier.arrive $0xFFFF  }
0x3e4: {  	_ =	strace $0x90000047  }
0x3e5: {  	s0 =	stileid.u32;
	[bflag:$0x2] =	sbarrier.arrive $0xFFFF  }
0x3e6: {  	p0 =	sne.s32 s0, $0x0;
	s0 =	rddreg [dreg:$0xb]  }
0x3e7: {  	s0 =	sadd.s32 @!p0 $0x100000, s0  }
0x3e8: {  	[sflag:s0] =	ssyncadd.tile.s32 @!p0 $0x1;
	_ =	shalt  }
.Lfunc_end2:
_tile_overlayer_lowered:
.L_overlay_start_2:
0x3e9: {  	(tag) =	ssettag $0x2  }
0x3ea: {  	s0 =	rddreg [dreg:$0x0];
	s2 =	stileid.u32  }
0x3eb: {  	s1 =	rddreg [dreg:$0x1];
	p0 =	sne.s32 s2, $0x0  }
0x3ec: {  	s3 =	rddreg [dreg:$0x2];
	[bflag:$0x3] =	sbarrier.arrive $0xFFFF;
	s2 =	simm.s32 @!p0 $0x1C05  }
0x3ed: {  	[timem:s3], [sflag:s2] =	dma.local @!p0 [hbm:s0], s1  }
0x3ee: {  	s0 =	simm.s32 @!p0 $0x5  }
0x3ef: {  	_ =	swait.ge @!p0 [sflag:s0], s1  }
0x3f0: {  	s1 =	ssub.s32 @!p0 $0x0, s1;
	[sflag:s0] =	ssyncset.done @!p0 $0x0  }
0x3f1: {  	[sflag:s0] =	ssyncadd.s32 @!p0 s1  }
0x3f2: {  	[bflag:$0x3] =	sbarrier.arrive $0xFFFF  }
0x3f3: {  	_ =	shalt  }

</sc_bundles>
